<compile_context>
chip_gen: v7x
topology: tpu7x:2x2x1
jax: 0.10.2.dev20260603
libtpu: 0.0.44.dev20260713+nightly
codegen_flags: <defaults>
</compile_context>

<pallas_src>
import functools

import jax
import jax.numpy as jnp
from jax import lax
from jax.experimental import pallas as pl
from jax.experimental.pallas import tpu as pltpu
from jax.experimental.pallas import tpu_sc as plsc

_BINS = 8
_DREF = 5
_DVAL = 16
_G = _BINS ** _DREF
_NCORN = 1 << _DREF
_STRIDES = [_BINS ** (_DREF - 1 - d) for d in range(_DREF)]

_NB = 2048

_NTILES = 32
_CP = 64
_SUB = _CP * _NCORN // 128

_SC_PARAMS = pltpu.CompilerParams(needs_layout_passes=False,
                                  use_tc_tiling_on_sc=False)


def _corners_body(ref_ref, idx_ref, w_ref):
    r = ref_ref[...]
    scaled = r * (_BINS - 1)
    lo = jnp.floor(scaled)
    frac = scaled - lo
    lo_i = lo.astype(jnp.int32)
    cid = lax.broadcasted_iota(jnp.int32, (_NCORN, _NB), 0)
    w = jnp.ones((_NCORN, _NB), jnp.float32)
    idx = jnp.zeros((_NCORN, _NB), jnp.int32)
    for d in range(_DREF):
        bit = (cid >> d) & 1
        fb = jnp.broadcast_to(frac[d:d + 1, :], (_NCORN, _NB))
        lb = jnp.broadcast_to(lo_i[d:d + 1, :], (_NCORN, _NB))
        w = w * jnp.where(bit == 1, fb, 1.0 - fb)
        idx = idx + jnp.clip(lb + bit, 0, _BINS - 1) * _STRIDES[d]
    idx_ref[...] = idx
    w_ref[...] = w


def _corners(refT):
    n = refT.shape[1]
    return pl.pallas_call(
        _corners_body,
        grid=(n // _NB,),
        in_specs=[pl.BlockSpec((_DREF, _NB), lambda i: (0, i))],
        out_specs=[pl.BlockSpec((_NCORN, _NB), lambda i: (0, i)),
                   pl.BlockSpec((_NCORN, _NB), lambda i: (0, i))],
        out_shape=[jax.ShapeDtypeStruct((_NCORN, n), jnp.int32),
                   jax.ShapeDtypeStruct((_NCORN, n), jnp.float32)],
    )(refT)


def _blur_body(g_ref, out_ref):
    g = g_ref[0:_DVAL, :] + g_ref[_DVAL:2 * _DVAL, :]
    lane = lax.broadcasted_iota(jnp.int32, (_DVAL, _G), 1)
    for d in range(_DREF):
        s = _STRIDES[d]
        coord = (lane // s) % _BINS
        zs = jnp.zeros((_DVAL, s), jnp.float32)
        gl = jnp.concatenate([zs, g[:, : _G - s]], axis=1)
        gr = jnp.concatenate([g[:, s:], zs], axis=1)
        g = 0.5 * g + 0.25 * (jnp.where(coord > 0, gl, 0.0) +
                              jnp.where(coord < _BINS - 1, gr, 0.0))
    out_ref[...] = g


def _blur(gt):
    return pl.pallas_call(
        _blur_body,
        out_shape=jax.ShapeDtypeStruct((_DVAL, _G), jnp.float32),
    )(gt)


def _bcast_lane(vec, c):
    return jnp.take_along_axis(vec, jnp.full((16,), c, jnp.int32), axis=0)


def _load_point_chunk(u_hbm, w_hbm, off, ub, wb):
    pltpu.sync_copy(u_hbm.at[pl.ds(off, _CP)], ub)
    pltpu.sync_copy(w_hbm.at[pl.ds(pl.multiple_of(off * _NCORN, 2048),
                                   _CP * _NCORN)], wb)


def _load_idx_chunk(idx_hbm, off, idxb):
    pltpu.sync_copy(idx_hbm.at[pl.ds(pl.multiple_of(off * _NCORN // 128, 16),
                                     _SUB)], idxb)


def _splat(U, idx2, wflat, zg):
    n = U.shape[0]
    ppt = n // _NTILES
    nchunk = ppt // _CP
    mesh = plsc.VectorSubcoreMesh(core_axis_name="c", subcore_axis_name="s")

    @functools.partial(
        pl.kernel,
        mesh=mesh,
        compiler_params=_SC_PARAMS,
        out_type=jax.ShapeDtypeStruct((2, _G, _DVAL), jnp.float32),
        scratch_types=[
            pltpu.VMEM((_SUB, 128), jnp.int32),
            pltpu.VMEM((_SUB, 128), jnp.int32),
            pltpu.VMEM((_CP * _NCORN,), jnp.float32),
            pltpu.VMEM((_CP, _DVAL), jnp.float32),
            pltpu.VMEM((_CP * _NCORN, _DVAL), jnp.float32),
            pltpu.VMEM((_CP * _NCORN, _DVAL), jnp.float32),
            pltpu.VMEM_SHARED((_G, _DVAL), jnp.float32),
            pltpu.SemaphoreType.DMA,
            pltpu.SemaphoreType.DMA,
        ],
    )
    def k(u_hbm, idx_hbm, w_hbm, z_hbm, out_hbm,
          idxA, idxB, wb, ub, rowsA, rowsB, sgrid, semA, semB):
        cid = lax.axis_index("c")
        sid = lax.axis_index("s")
        wid = sid * 2 + cid
        rpt = _G // 16
        pltpu.sync_copy(z_hbm.at[pl.ds(sid * rpt, rpt)],
                        sgrid.at[pl.ds(sid * rpt, rpt)])
        plsc.subcore_barrier()
        base = wid * ppt

        def compute(off, rows):
            _load_point_chunk(u_hbm, w_hbm, off, ub, wb)

            def point(p, c2):
                u = ub[p, :]
                pb = pl.multiple_of(p * _NCORN, _NCORN)
                wv0 = wb[pl.ds(pb, 16)]
                wv1 = wb[pl.ds(pb + 16, 16)]
                for c in range(_NCORN):
                    wl = _bcast_lane(wv0 if c < 16 else wv1, c % 16)
                    rows[pb + c, :] = wl * u
                return c2
            lax.fori_loop(0, _CP, point, 0)

        def fire(rows, idxb, sem):
            for b in range(_SUB):
                pltpu.async_copy(rows.at[pl.ds(b * 128, 128)],
                                 sgrid.at[idxb.at[b]], sem, add=True)

        def drain(rows, sem):
            pltpu.make_async_copy(u_hbm.at[pl.ds(0, _CP * _NCORN)],
                                  rows, sem).wait()

        def pair(i, carry):
            off0 = pl.multiple_of(base + (2 * i) * _CP, _CP)
            off1 = pl.multiple_of(base + (2 * i + 1) * _CP, _CP)
            _load_idx_chunk(idx_hbm, off0, idxA)
            compute(off0, rowsA)

            @pl.when(i > 0)
            def _():
                drain(rowsB, semB)
            fire(rowsA, idxA, semA)

            _load_idx_chunk(idx_hbm, off1, idxB)
            compute(off1, rowsB)
            drain(rowsA, semA)
            fire(rowsB, idxB, semB)
            return carry

        lax.fori_loop(0, nchunk // 2, pair, 0)
        drain(rowsB, semB)
        plsc.subcore_barrier()
        pltpu.sync_copy(sgrid.at[pl.ds(sid * rpt, rpt)],
                        out_hbm.at[cid, pl.ds(sid * rpt, rpt)])

    return k(U, idx2, wflat, zg)


def _slice(U, idx2, wflat, gb):
    n = U.shape[0]
    ppt = n // _NTILES
    nchunk = ppt // _CP
    mesh = plsc.VectorSubcoreMesh(core_axis_name="c", subcore_axis_name="s")

    @functools.partial(
        pl.kernel,
        mesh=mesh,
        compiler_params=_SC_PARAMS,
        out_type=jax.ShapeDtypeStruct((n, _DVAL), jnp.float32),
        scratch_types=[
            pltpu.VMEM((_SUB, 128), jnp.int32),
            pltpu.VMEM((_SUB, 128), jnp.int32),
            pltpu.VMEM((_CP * _NCORN,), jnp.float32),
            pltpu.VMEM((_CP, _DVAL), jnp.float32),
            pltpu.VMEM((_CP * _NCORN, _DVAL), jnp.float32),
            pltpu.VMEM((_CP * _NCORN, _DVAL), jnp.float32),
            pltpu.VMEM((_CP, _DVAL), jnp.float32),
            pltpu.SemaphoreType.DMA,
            pltpu.SemaphoreType.DMA,
        ],
    )
    def k(u_hbm, idx_hbm, w_hbm, g_hbm, out_hbm,
          idxA, idxB, wb, ub, rowsA, rowsB, outb, semA, semB):
        cid = lax.axis_index("c")
        sid = lax.axis_index("s")
        wid = sid * 2 + cid
        base = wid * ppt

        def fire(off, idxb, rows, sem):
            _load_idx_chunk(idx_hbm, off, idxb)
            for b in range(_SUB):
                pltpu.async_copy(g_hbm.at[idxb.at[b]],
                                 rows.at[pl.ds(b * 128, 128)], sem)

        def drain(rows, sem):
            pltpu.make_async_copy(g_hbm.at[pl.ds(0, _CP * _NCORN)],
                                  rows, sem).wait()

        def compute(off, rows):
            _load_point_chunk(u_hbm, w_hbm, off, ub, wb)

            def point(p, c2):
                pb = pl.multiple_of(p * _NCORN, _NCORN)
                wv0 = wb[pl.ds(pb, 16)]
                wv1 = wb[pl.ds(pb + 16, 16)]
                acc = [-ub[p, :], jnp.zeros((16,), jnp.float32),
                       jnp.zeros((16,), jnp.float32), jnp.zeros((16,), jnp.float32)]
                for c in range(_NCORN):
                    wl = _bcast_lane(wv0 if c < 16 else wv1, c % 16)
                    acc[c % 4] = acc[c % 4] + wl * rows[pb + c, :]
                outb[p, :] = (acc[0] + acc[1]) + (acc[2] + acc[3])
                return c2
            lax.fori_loop(0, _CP, point, 0)
            pltpu.sync_copy(outb, out_hbm.at[pl.ds(off, _CP)])

        fire(base, idxA, rowsA, semA)

        def pair(i, carry):
            off0 = pl.multiple_of(base + (2 * i) * _CP, _CP)
            off1 = pl.multiple_of(base + (2 * i + 1) * _CP, _CP)
            off2 = pl.multiple_of(base + (2 * i + 2) * _CP, _CP)
            fire(off1, idxB, rowsB, semB)
            drain(rowsA, semA)
            compute(off0, rowsA)

            @pl.when(i < nchunk // 2 - 1)
            def _():
                fire(off2, idxA, rowsA, semA)
            drain(rowsB, semB)
            compute(off1, rowsB)
            return carry

        lax.fori_loop(0, nchunk // 2, pair, 0)

    return k(U, idx2, wflat, gb)


def kernel(U, ref):
    n = U.shape[0]
    refT = ref.T
    idxT, wT = _corners(refT)
    idx_flat = jnp.transpose(idxT).reshape(n * _NCORN)
    w_flat = jnp.transpose(wT).reshape(n * _NCORN)
    idx2 = idx_flat.reshape(n * _NCORN // 128, 128)
    zg = jnp.zeros((_G, _DVAL), jnp.float32)
    pg = _splat(U, idx2, w_flat, zg)
    gt = jnp.transpose(pg, (0, 2, 1)).reshape(2 * _DVAL, _G)
    gbT = _blur(gt)
    gb = jnp.transpose(gbT)
    return _slice(U, idx2, w_flat, gb)

# --- scband reference (transcript-rebuilt; emitter-appended) ---
"""Pipeline reference for scband-lattice-gaussian-62723702391546 (READ-ONLY COPY).

The authoritative reference and input builder live on the scoring server;
editing this copy changes nothing except your own understanding.
"""

import jax, jax.numpy as jnp
import numpy as np
import itertools

BINS = 8

def _blur_axis(g, axis):
    pad = [(0, 0)] * g.ndim
    pad[axis] = (1, 1)
    p = jnp.pad(g, pad)
    n = g.shape[axis]
    def take(start):
        idx = [slice(None)] * g.ndim
        idx[axis] = slice(start, start + n)
        return p[tuple(idx)]
    return 0.25 * take(0) + 0.5 * take(1) + 0.25 * take(2)

def _lattice_filter(U, ref):
    # splat -> blur -> slice approximation of the Gaussian lattice filter
    N, d_ref = ref.shape
    d_val = U.shape[1]
    scaled = ref * (BINS - 1)
    lo = jnp.floor(scaled)
    frac = scaled - lo
    lo_i = lo.astype(jnp.int32)
    strides = jnp.array([BINS ** (d_ref - 1 - i) for i in range(d_ref)], dtype=jnp.int32)
    grid = jnp.zeros((BINS ** d_ref, d_val), dtype=U.dtype)
    corners = list(itertools.product([0, 1], repeat=d_ref))
    flats = []
    weights = []
    for off in corners:
        off_a = jnp.array(off, dtype=jnp.int32)
        corner = jnp.clip(lo_i + off_a[None, :], 0, BINS - 1)
        flat = corner @ strides
        mask = np.array(off, dtype=bool)
        w = jnp.prod(jnp.where(jnp.asarray(mask)[None, :], frac, 1.0 - frac), axis=1)
        grid = grid.at[flat].add(w[:, None] * U)
        flats.append(flat)
        weights.append(w)
    g = grid.reshape((BINS,) * d_ref + (d_val,))
    for ax in range(d_ref):
        g = _blur_axis(g, ax)
    gflat = g.reshape(BINS ** d_ref, d_val)
    out = jnp.zeros_like(U)
    for flat, w in zip(flats, weights):
        out = out + w[:, None] * gflat[flat]
    return out

def setup_inputs(seed: int = 0):
    key = jax.random.key(seed)
    k1, k2 = jax.random.split(key)
    N, d_ref, d_val = 65536, 5, 16
    U = jax.random.normal(k1, (N, d_val), dtype=jnp.float32)
    ref = jax.random.uniform(k2, (N, d_ref), dtype=jnp.float32)
    return {"U": U, "ref": ref}

def reference(U, ref):
    # LatticeGaussian.forward: latticefilter(U, ref) - U
    return _lattice_filter(U, ref) - U

if __name__ == "__main__":
    import jax
    _d = setup_inputs()
    print(jax.jit(kernel)(*tuple(_d.values())))

</pallas_src>

<mosaic_0001>
#map = affine_map<(d0, d1) -> (0, 0)>
#map1 = affine_map<(d0, d1) -> (0)>
#map2 = affine_map<(d0, d1) -> (0, 0, 0)>
module attributes {stable_mosaic.version = 14 : i64} {
  func.func @k(%arg0: i32, %arg1: i32, %arg2: memref<65536x16xf32, #tpu.memory_space<hbm>>, %arg3: memref<16384x128xi32, #tpu.memory_space<hbm>>, %arg4: memref<2097152xf32, #tpu.memory_space<hbm>>, %arg5: memref<32768x16xf32, #tpu.memory_space<hbm>>, %arg6: memref<2x32768x16xf32, #tpu.memory_space<hbm>>, %arg7: memref<16x128xi32, #tpu.memory_space<vmem>>, %arg8: memref<16x128xi32, #tpu.memory_space<vmem>>, %arg9: memref<2048xf32, #tpu.memory_space<vmem>>, %arg10: memref<64x16xf32, #tpu.memory_space<vmem>>, %arg11: memref<2048x16xf32, #tpu.memory_space<vmem>>, %arg12: memref<2048x16xf32, #tpu.memory_space<vmem>>, %arg13: memref<32768x16xf32, #tpu.memory_space<vmem_shared>>, %arg14: memref<!tpu.dma_semaphore, #tpu.memory_space<semaphore_mem>>, %arg15: memref<!tpu.dma_semaphore, #tpu.memory_space<semaphore_mem>>) attributes {dimension_semantics = [#tpu.dimension_semantics<core_parallel>, #tpu.dimension_semantics<subcore_parallel>], iteration_bounds = array<i64: 2, 16>, scalar_prefetch = 0 : i64, scratch_operands = 9 : i64, tpu.core_type = #tpu.core_type<sc_vector_subcore>, window_params = [{transform_indices = #map}, {transform_indices = #map}, {transform_indices = #map1}, {transform_indices = #map}, {transform_indices = #map2}]} {
    %mul3A = arith.constant 2 : i32
    %mul3A_0 = arith.muli %arg1, %mul3A : i32
    %add3A = arith.addi %mul3A_0, %arg0 : i32
    %mul3A_1 = arith.constant 2048 : i32
    %mul3A_2 = arith.muli %arg1, %mul3A_1 : i32
    %mul3A_3 = arith.constant 2048 : i32
    %mul3A_4 = arith.muli %arg1, %mul3A_3 : i32
    "tpu.region"() ({
      %run_scoped3A = tpu.sem_alloc : memref<!tpu.dma_semaphore, #tpu.memory_space<semaphore_mem>>
      %dma_start3A = arith.constant 0 : i32
      %dma_start3A_22 = tpu.memref_slice %arg13[%mul3A_4, %dma_start3A] : memref<32768x16xf32, #tpu.memory_space<vmem_shared>> -> memref<2048x16xf32, #tpu.memory_space<vmem_shared>>
      %dma_start3A_23 = arith.constant 0 : i32
      %dma_start3A_24 = tpu.memref_slice %arg5[%mul3A_2, %dma_start3A_23] : memref<32768x16xf32, #tpu.memory_space<hbm>> -> memref<2048x16xf32, #tpu.memory_space<hbm>>
      tpu.enqueue_dma source(%dma_start3A_24 : memref<2048x16xf32, #tpu.memory_space<hbm>>) target(%dma_start3A_22 : memref<2048x16xf32, #tpu.memory_space<vmem_shared>>) target_semaphore(%run_scoped3A : memref<!tpu.dma_semaphore, #tpu.memory_space<semaphore_mem>>)
      %dma_wait3A_25 = arith.constant 0 : i32
      %dma_wait3A_26 = tpu.memref_slice %arg13[%mul3A_4, %dma_wait3A_25] : memref<32768x16xf32, #tpu.memory_space<vmem_shared>> -> memref<2048x16xf32, #tpu.memory_space<vmem_shared>>
      %dma_wait3A_27 = arith.constant 0 : i32
      %dma_wait3A_28 = tpu.memref_slice %arg5[%mul3A_2, %dma_wait3A_27] : memref<32768x16xf32, #tpu.memory_space<hbm>> -> memref<2048x16xf32, #tpu.memory_space<hbm>>
      tpu.wait_dma2 semaphore(%run_scoped3A : memref<!tpu.dma_semaphore, #tpu.memory_space<semaphore_mem>>) src(%dma_wait3A_28 : memref<2048x16xf32, #tpu.memory_space<hbm>>) dst(%dma_wait3A_26 : memref<2048x16xf32, #tpu.memory_space<vmem_shared>>)
      tpu.yield
    }) : () -> ()
    %barrier3A = arith.constant 0 : index
    tpu.barrier barrier_id(%barrier3A)
    %mul3A_5 = arith.constant 2048 : i32
    %mul3A_6 = arith.muli %add3A, %mul3A_5 : i32
    %scan3A = arith.constant 0 : i32
    %scan3A_7 = arith.constant 0 : i32
    %scan3A_8 = arith.constant 16 : i32
    %scan3A_9 = arith.addi %scan3A_7, %scan3A_8 : i32
    %scan3A_10 = arith.constant 1 : i32
    scf.for %scan3A_22 = %scan3A_7 to %scan3A_9 step %scan3A_10  : i32 {
      %mul3A_23 = arith.constant 2 : i32
      %mul3A_24 = arith.muli %mul3A_23, %scan3A_22 : i32
      %mul3A_25 = arith.constant 64 : i32
      %mul3A_26 = arith.muli %mul3A_24, %mul3A_25 : i32
      %add3A_27 = arith.addi %mul3A_6, %mul3A_26 : i32
      %multiple_of3A = tpu.assume_multiple %add3A_27, 64 : i32
      %mul3A_28 = arith.constant 2 : i32
      %mul3A_29 = arith.muli %mul3A_28, %scan3A_22 : i32
      %add3A_30 = arith.constant 1 : i32
      %add3A_31 = arith.addi %mul3A_29, %add3A_30 : i32
      %mul3A_32 = arith.constant 64 : i32
      %mul3A_33 = arith.muli %add3A_31, %mul3A_32 : i32
      %add3A_34 = arith.addi %mul3A_6, %mul3A_33 : i32
      %multiple_of3A_35 = tpu.assume_multiple %add3A_34, 64 : i32
      %mul3A_36 = arith.constant 32 : i32
      %mul3A_37 = arith.muli %multiple_of3A, %mul3A_36 : i32
      %jit3A = arith.constant 128 : i32
      %div3A = arith.divsi %mul3A_37, %jit3A : i32
      %sign3A = arith.constant 0 : i32
      %sign3A_38 = arith.cmpi sgt, %mul3A_37, %sign3A : i32
      %sign3A_39 = arith.extui %sign3A_38 : i1 to i32
      %sign3A_40 = arith.constant 0 : i32
      %sign3A_41 = arith.cmpi slt, %mul3A_37, %sign3A_40 : i32
      %sign3A_42 = arith.extui %sign3A_41 : i1 to i32
      %sign3A_43 = arith.subi %sign3A_39, %sign3A_42 : i32
      %sign3A_44 = arith.constant 0 : i32
      %sign3A_45 = arith.cmpi sgt, %jit3A, %sign3A_44 : i32
      %sign3A_46 = arith.extui %sign3A_45 : i1 to i32
      %sign3A_47 = arith.constant 0 : i32
      %sign3A_48 = arith.cmpi slt, %jit3A, %sign3A_47 : i32
      %sign3A_49 = arith.extui %sign3A_48 : i1 to i32
      %sign3A_50 = arith.subi %sign3A_46, %sign3A_49 : i32
      %ne3A = arith.cmpi ne, %sign3A_43, %sign3A_50 : i32
      %rem3A = arith.remsi %mul3A_37, %jit3A : i32
      %ne3A_51 = arith.constant 0 : i32
      %ne3A_52 = arith.cmpi ne, %rem3A, %ne3A_51 : i32
      %and3A = arith.andi %ne3A, %ne3A_52 : i1
      %sub3A = arith.constant 1 : i32
      %sub3A_53 = arith.subi %div3A, %sub3A : i32
      %select_n3A = arith.select %and3A, %sub3A_53, %div3A : i32
      %multiple_of3A_54 = tpu.assume_multiple %select_n3A, 16 : i32
      "tpu.region"() ({
        %run_scoped3A = tpu.sem_alloc : memref<!tpu.dma_semaphore, #tpu.memory_space<semaphore_mem>>
        %dma_start3A_427 = arith.constant 0 : i32
        %dma_start3A_428 = tpu.memref_slice %arg3[%multiple_of3A_54, %dma_start3A_427] : memref<16384x128xi32, #tpu.memory_space<hbm>> -> memref<16x128xi32, #tpu.memory_space<hbm>>
        %dma_start3A_429 = arith.constant 0 : i32
        %dma_start3A_430 = tpu.memref_slice %arg3[%multiple_of3A_54, %dma_start3A_429] : memref<16384x128xi32, #tpu.memory_space<hbm>> -> memref<16x128xi32, #tpu.memory_space<hbm>>
        tpu.enqueue_dma source(%dma_start3A_430 : memref<16x128xi32, #tpu.memory_space<hbm>>) target(%arg7 : memref<16x128xi32, #tpu.memory_space<vmem>>) target_semaphore(%run_scoped3A : memref<!tpu.dma_semaphore, #tpu.memory_space<semaphore_mem>>)
        %dma_wait3A_431 = arith.constant 0 : i32
        %dma_wait3A_432 = tpu.memref_slice %arg3[%multiple_of3A_54, %dma_wait3A_431] : memref<16384x128xi32, #tpu.memory_space<hbm>> -> memref<16x128xi32, #tpu.memory_space<hbm>>
        %dma_wait3A_433 = arith.constant 0 : i32
        %dma_wait3A_434 = tpu.memref_slice %arg3[%multiple_of3A_54, %dma_wait3A_433] : memref<16384x128xi32, #tpu.memory_space<hbm>> -> memref<16x128xi32, #tpu.memory_space<hbm>>
        tpu.wait_dma2 semaphore(%run_scoped3A : memref<!tpu.dma_semaphore, #tpu.memory_space<semaphore_mem>>) src(%dma_wait3A_434 : memref<16x128xi32, #tpu.memory_space<hbm>>) dst(%arg7 : memref<16x128xi32, #tpu.memory_space<vmem>>)
        tpu.yield
      }) : () -> ()
      "tpu.region"() ({
        %run_scoped3A = tpu.sem_alloc : memref<!tpu.dma_semaphore, #tpu.memory_space<semaphore_mem>>
        %dma_start3A_427 = arith.constant 0 : i32
        %dma_start3A_428 = tpu.memref_slice %arg2[%multiple_of3A, %dma_start3A_427] : memref<65536x16xf32, #tpu.memory_space<hbm>> -> memref<64x16xf32, #tpu.memory_space<hbm>>
        %dma_start3A_429 = arith.constant 0 : i32
        %dma_start3A_430 = tpu.memref_slice %arg2[%multiple_of3A, %dma_start3A_429] : memref<65536x16xf32, #tpu.memory_space<hbm>> -> memref<64x16xf32, #tpu.memory_space<hbm>>
        tpu.enqueue_dma source(%dma_start3A_430 : memref<64x16xf32, #tpu.memory_space<hbm>>) target(%arg10 : memref<64x16xf32, #tpu.memory_space<vmem>>) target_semaphore(%run_scoped3A : memref<!tpu.dma_semaphore, #tpu.memory_space<semaphore_mem>>)
        %dma_wait3A_431 = arith.constant 0 : i32
        %dma_wait3A_432 = tpu.memref_slice %arg2[%multiple_of3A, %dma_wait3A_431] : memref<65536x16xf32, #tpu.memory_space<hbm>> -> memref<64x16xf32, #tpu.memory_space<hbm>>
        %dma_wait3A_433 = arith.constant 0 : i32
        %dma_wait3A_434 = tpu.memref_slice %arg2[%multiple_of3A, %dma_wait3A_433] : memref<65536x16xf32, #tpu.memory_space<hbm>> -> memref<64x16xf32, #tpu.memory_space<hbm>>
        tpu.wait_dma2 semaphore(%run_scoped3A : memref<!tpu.dma_semaphore, #tpu.memory_space<semaphore_mem>>) src(%dma_wait3A_434 : memref<64x16xf32, #tpu.memory_space<hbm>>) dst(%arg10 : memref<64x16xf32, #tpu.memory_space<vmem>>)
        tpu.yield
      }) : () -> ()
      %mul3A_55 = arith.constant 32 : i32
      %mul3A_56 = arith.muli %multiple_of3A, %mul3A_55 : i32
      %multiple_of3A_57 = tpu.assume_multiple %mul3A_56, 2048 : i32
      "tpu.region"() ({
        %run_scoped3A = tpu.sem_alloc : memref<!tpu.dma_semaphore, #tpu.memory_space<semaphore_mem>>
        %dma_start3A_427 = tpu.memref_slice %arg4[%multiple_of3A_57] : memref<2097152xf32, #tpu.memory_space<hbm>> -> memref<2048xf32, #tpu.memory_space<hbm>>
        %dma_start3A_428 = tpu.memref_slice %arg4[%multiple_of3A_57] : memref<2097152xf32, #tpu.memory_space<hbm>> -> memref<2048xf32, #tpu.memory_space<hbm>>
        tpu.enqueue_dma source(%dma_start3A_428 : memref<2048xf32, #tpu.memory_space<hbm>>) target(%arg9 : memref<2048xf32, #tpu.memory_space<vmem>>) target_semaphore(%run_scoped3A : memref<!tpu.dma_semaphore, #tpu.memory_space<semaphore_mem>>)
        %dma_wait3A_429 = tpu.memref_slice %arg4[%multiple_of3A_57] : memref<2097152xf32, #tpu.memory_space<hbm>> -> memref<2048xf32, #tpu.memory_space<hbm>>
        %dma_wait3A_430 = tpu.memref_slice %arg4[%multiple_of3A_57] : memref<2097152xf32, #tpu.memory_space<hbm>> -> memref<2048xf32, #tpu.memory_space<hbm>>
        tpu.wait_dma2 semaphore(%run_scoped3A : memref<!tpu.dma_semaphore, #tpu.memory_space<semaphore_mem>>) src(%dma_wait3A_430 : memref<2048xf32, #tpu.memory_space<hbm>>) dst(%arg9 : memref<2048xf32, #tpu.memory_space<vmem>>)
        tpu.yield
      }) : () -> ()
      %scan3A_58 = arith.constant 0 : i32
      %scan3A_59 = arith.constant 0 : i32
      %scan3A_60 = arith.constant 64 : i32
      %scan3A_61 = arith.addi %scan3A_59, %scan3A_60 : i32
      %scan3A_62 = arith.constant 1 : i32
      scf.for %scan3A_427 = %scan3A_59 to %scan3A_61 step %scan3A_62  : i32 {
        %get3A = arith.index_cast %scan3A_427 : i32 to index
        %get3A_428 = arith.constant 0 : index
        %get3A_429 = tpu.vector_load %arg10[%get3A, %get3A_428] {strides = array<i32>} : memref<64x16xf32, #tpu.memory_space<vmem>>, vector<16xf32>,
        %mul3A_430 = arith.constant 32 : i32
        %mul3A_431 = arith.muli %scan3A_427, %mul3A_430 : i32
        %multiple_of3A_432 = tpu.assume_multiple %mul3A_431, 32 : i32
        %get3A_433 = arith.index_cast %multiple_of3A_432 : i32 to index
        %get3A_434 = tpu.vector_load %arg9[%get3A_433] {strides = array<i32>} : memref<2048xf32, #tpu.memory_space<vmem>>, vector<16xf32>,
        %add3A_435 = arith.constant 16 : i32
        %add3A_436 = arith.addi %multiple_of3A_432, %add3A_435 : i32
        %get3A_437 = arith.index_cast %add3A_436 : i32 to index
        %get3A_438 = tpu.vector_load %arg9[%get3A_437] {strides = array<i32>} : memref<2048xf32, #tpu.memory_space<vmem>>, vector<16xf32>,
        %broadcast_in_dim3A = arith.constant 0 : i32
        %broadcast_in_dim3A_439 = vector.broadcast %broadcast_in_dim3A : i32 to vector<16xi32>
        %lt3A = arith.constant 0 : i32
        %lt3A_440 = vector.broadcast %lt3A : i32 to vector<16xi32>
        %lt3A_441 = arith.cmpi slt, %broadcast_in_dim3A_439, %lt3A_440 : vector<16xi32>
        %add3A_442 = arith.constant 16 : i32
        %add3A_443 = vector.broadcast %add3A_442 : i32 to vector<16xi32>
        %add3A_444 = arith.addi %broadcast_in_dim3A_439, %add3A_443 : vector<16xi32>
        %select_n3A_445 = arith.select %lt3A_441, %add3A_444, %broadcast_in_dim3A_439 : vector<16xi1>, vector<16xi32>
        %reshape3A = vector.shape_cast %select_n3A_445 : vector<16xi32> to vector<16x1xi32>
        %gather3A = vector.shape_cast %reshape3A : vector<16x1xi32> to vector<16xi32>
        %gather3A_446 = tpu.dynamic_gather %get3A_434[%gather3A] in [0] : vector<16xf32>, vector<16xi32> -> vector<16xf32>
        %mul3A_447 = arith.mulf %gather3A_446, %get3A_429 : vector<16xf32>
        %add3A_448 = arith.constant 0 : i32
        %add3A_449 = arith.addi %multiple_of3A_432, %add3A_448 : i32
        %swap3A = arith.index_cast %add3A_449 : i32 to index
        %swap3A_450 = arith.constant 0 : index
        %swap3A_451 = tpu.vector_load %arg11[%swap3A, %swap3A_450] {strides = array<i32>} : memref<2048x16xf32, #tpu.memory_space<vmem>>, vector<16xf32>,
        tpu.vector_store %arg11[%swap3A, %swap3A_450], %mul3A_447 {strides = array<i32>} : memref<2048x16xf32, #tpu.memory_space<vmem>>, vector<16xf32>,
        %broadcast_in_dim3A_452 = arith.constant 1 : i32
        %broadcast_in_dim3A_453 = vector.broadcast %broadcast_in_dim3A_452 : i32 to vector<16xi32>
        %lt3A_454 = arith.constant 0 : i32
        %lt3A_455 = vector.broadcast %lt3A_454 : i32 to vector<16xi32>
        %lt3A_456 = arith.cmpi slt, %broadcast_in_dim3A_453, %lt3A_455 : vector<16xi32>
        %add3A_457 = arith.constant 16 : i32
        %add3A_458 = vector.broadcast %add3A_457 : i32 to vector<16xi32>
        %add3A_459 = arith.addi %broadcast_in_dim3A_453, %add3A_458 : vector<16xi32>
        %select_n3A_460 = arith.select %lt3A_456, %add3A_459, %broadcast_in_dim3A_453 : vector<16xi1>, vector<16xi32>
        %reshape3A_461 = vector.shape_cast %select_n3A_460 : vector<16xi32> to vector<16x1xi32>
        %gather3A_462 = vector.shape_cast %reshape3A_461 : vector<16x1xi32> to vector<16xi32>
        %gather3A_463 = tpu.dynamic_gather %get3A_434[%gather3A_462] in [0] : vector<16xf32>, vector<16xi32> -> vector<16xf32>
        %mul3A_464 = arith.mulf %gather3A_463, %get3A_429 : vector<16xf32>
        %add3A_465 = arith.constant 1 : i32
        %add3A_466 = arith.addi %multiple_of3A_432, %add3A_465 : i32
        %swap3A_467 = arith.index_cast %add3A_466 : i32 to index
        %swap3A_468 = arith.constant 0 : index
        %swap3A_469 = tpu.vector_load %arg11[%swap3A_467, %swap3A_468] {strides = array<i32>} : memref<2048x16xf32, #tpu.memory_space<vmem>>, vector<16xf32>,
        tpu.vector_store %arg11[%swap3A_467, %swap3A_468], %mul3A_464 {strides = array<i32>} : memref<2048x16xf32, #tpu.memory_space<vmem>>, vector<16xf32>,
        %broadcast_in_dim3A_470 = arith.constant 2 : i32
        %broadcast_in_dim3A_471 = vector.broadcast %broadcast_in_dim3A_470 : i32 to vector<16xi32>
        %lt3A_472 = arith.constant 0 : i32
        %lt3A_473 = vector.broadcast %lt3A_472 : i32 to vector<16xi32>
        %lt3A_474 = arith.cmpi slt, %broadcast_in_dim3A_471, %lt3A_473 : vector<16xi32>
        %add3A_475 = arith.constant 16 : i32
        %add3A_476 = vector.broadcast %add3A_475 : i32 to vector<16xi32>
        %add3A_477 = arith.addi %broadcast_in_dim3A_471, %add3A_476 : vector<16xi32>
        %select_n3A_478 = arith.select %lt3A_474, %add3A_477, %broadcast_in_dim3A_471 : vector<16xi1>, vector<16xi32>
        %reshape3A_479 = vector.shape_cast %select_n3A_478 : vector<16xi32> to vector<16x1xi32>
        %gather3A_480 = vector.shape_cast %reshape3A_479 : vector<16x1xi32> to vector<16xi32>
        %gather3A_481 = tpu.dynamic_gather %get3A_434[%gather3A_480] in [0] : vector<16xf32>, vector<16xi32> -> vector<16xf32>
        %mul3A_482 = arith.mulf %gather3A_481, %get3A_429 : vector<16xf32>
        %add3A_483 = arith.constant 2 : i32
        %add3A_484 = arith.addi %multiple_of3A_432, %add3A_483 : i32
        %swap3A_485 = arith.index_cast %add3A_484 : i32 to index
        %swap3A_486 = arith.constant 0 : index
        %swap3A_487 = tpu.vector_load %arg11[%swap3A_485, %swap3A_486] {strides = array<i32>} : memref<2048x16xf32, #tpu.memory_space<vmem>>, vector<16xf32>,
        tpu.vector_store %arg11[%swap3A_485, %swap3A_486], %mul3A_482 {strides = array<i32>} : memref<2048x16xf32, #tpu.memory_space<vmem>>, vector<16xf32>,
        %broadcast_in_dim3A_488 = arith.constant 3 : i32
        %broadcast_in_dim3A_489 = vector.broadcast %broadcast_in_dim3A_488 : i32 to vector<16xi32>
        %lt3A_490 = arith.constant 0 : i32
        %lt3A_491 = vector.broadcast %lt3A_490 : i32 to vector<16xi32>
        %lt3A_492 = arith.cmpi slt, %broadcast_in_dim3A_489, %lt3A_491 : vector<16xi32>
        %add3A_493 = arith.constant 16 : i32
        %add3A_494 = vector.broadcast %add3A_493 : i32 to vector<16xi32>
        %add3A_495 = arith.addi %broadcast_in_dim3A_489, %add3A_494 : vector<16xi32>
        %select_n3A_496 = arith.select %lt3A_492, %add3A_495, %broadcast_in_dim3A_489 : vector<16xi1>, vector<16xi32>
        %reshape3A_497 = vector.shape_cast %select_n3A_496 : vector<16xi32> to vector<16x1xi32>
        %gather3A_498 = vector.shape_cast %reshape3A_497 : vector<16x1xi32> to vector<16xi32>
        %gather3A_499 = tpu.dynamic_gather %get3A_434[%gather3A_498] in [0] : vector<16xf32>, vector<16xi32> -> vector<16xf32>
        %mul3A_500 = arith.mulf %gather3A_499, %get3A_429 : vector<16xf32>
        %add3A_501 = arith.constant 3 : i32
        %add3A_502 = arith.addi %multiple_of3A_432, %add3A_501 : i32
        %swap3A_503 = arith.index_cast %add3A_502 : i32 to index
        %swap3A_504 = arith.constant 0 : index
        %swap3A_505 = tpu.vector_load %arg11[%swap3A_503, %swap3A_504] {strides = array<i32>} : memref<2048x16xf32, #tpu.memory_space<vmem>>, vector<16xf32>,
        tpu.vector_store %arg11[%swap3A_503, %swap3A_504], %mul3A_500 {strides = array<i32>} : memref<2048x16xf32, #tpu.memory_space<vmem>>, vector<16xf32>,
        %broadcast_in_dim3A_506 = arith.constant 4 : i32
        %broadcast_in_dim3A_507 = vector.broadcast %broadcast_in_dim3A_506 : i32 to vector<16xi32>
        %lt3A_508 = arith.constant 0 : i32
        %lt3A_509 = vector.broadcast %lt3A_508 : i32 to vector<16xi32>
        %lt3A_510 = arith.cmpi slt, %broadcast_in_dim3A_507, %lt3A_509 : vector<16xi32>
        %add3A_511 = arith.constant 16 : i32
        %add3A_512 = vector.broadcast %add3A_511 : i32 to vector<16xi32>
        %add3A_513 = arith.addi %broadcast_in_dim3A_507, %add3A_512 : vector<16xi32>
        %select_n3A_514 = arith.select %lt3A_510, %add3A_513, %broadcast_in_dim3A_507 : vector<16xi1>, vector<16xi32>
        %reshape3A_515 = vector.shape_cast %select_n3A_514 : vector<16xi32> to vector<16x1xi32>
        %gather3A_516 = vector.shape_cast %reshape3A_515 : vector<16x1xi32> to vector<16xi32>
        %gather3A_517 = tpu.dynamic_gather %get3A_434[%gather3A_516] in [0] : vector<16xf32>, vector<16xi32> -> vector<16xf32>
        %mul3A_518 = arith.mulf %gather3A_517, %get3A_429 : vector<16xf32>
        %add3A_519 = arith.constant 4 : i32
        %add3A_520 = arith.addi %multiple_of3A_432, %add3A_519 : i32
        %swap3A_521 = arith.index_cast %add3A_520 : i32 to index
        %swap3A_522 = arith.constant 0 : index
        %swap3A_523 = tpu.vector_load %arg11[%swap3A_521, %swap3A_522] {strides = array<i32>} : memref<2048x16xf32, #tpu.memory_space<vmem>>, vector<16xf32>,
        tpu.vector_store %arg11[%swap3A_521, %swap3A_522], %mul3A_518 {strides = array<i32>} : memref<2048x16xf32, #tpu.memory_space<vmem>>, vector<16xf32>,
        %broadcast_in_dim3A_524 = arith.constant 5 : i32
        %broadcast_in_dim3A_525 = vector.broadcast %broadcast_in_dim3A_524 : i32 to vector<16xi32>
        %lt3A_526 = arith.constant 0 : i32
        %lt3A_527 = vector.broadcast %lt3A_526 : i32 to vector<16xi32>
        %lt3A_528 = arith.cmpi slt, %broadcast_in_dim3A_525, %lt3A_527 : vector<16xi32>
        %add3A_529 = arith.constant 16 : i32
        %add3A_530 = vector.broadcast %add3A_529 : i32 to vector<16xi32>
        %add3A_531 = arith.addi %broadcast_in_dim3A_525, %add3A_530 : vector<16xi32>
        %select_n3A_532 = arith.select %lt3A_528, %add3A_531, %broadcast_in_dim3A_525 : vector<16xi1>, vector<16xi32>
        %reshape3A_533 = vector.shape_cast %select_n3A_532 : vector<16xi32> to vector<16x1xi32>
        %gather3A_534 = vector.shape_cast %reshape3A_533 : vector<16x1xi32> to vector<16xi32>
        %gather3A_535 = tpu.dynamic_gather %get3A_434[%gather3A_534] in [0] : vector<16xf32>, vector<16xi32> -> vector<16xf32>
        %mul3A_536 = arith.mulf %gather3A_535, %get3A_429 : vector<16xf32>
        %add3A_537 = arith.constant 5 : i32
        %add3A_538 = arith.addi %multiple_of3A_432, %add3A_537 : i32
        %swap3A_539 = arith.index_cast %add3A_538 : i32 to index
        %swap3A_540 = arith.constant 0 : index
        %swap3A_541 = tpu.vector_load %arg11[%swap3A_539, %swap3A_540] {strides = array<i32>} : memref<2048x16xf32, #tpu.memory_space<vmem>>, vector<16xf32>,
        tpu.vector_store %arg11[%swap3A_539, %swap3A_540], %mul3A_536 {strides = array<i32>} : memref<2048x16xf32, #tpu.memory_space<vmem>>, vector<16xf32>,
        %broadcast_in_dim3A_542 = arith.constant 6 : i32
        %broadcast_in_dim3A_543 = vector.broadcast %broadcast_in_dim3A_542 : i32 to vector<16xi32>
        %lt3A_544 = arith.constant 0 : i32
        %lt3A_545 = vector.broadcast %lt3A_544 : i32 to vector<16xi32>
        %lt3A_546 = arith.cmpi slt, %broadcast_in_dim3A_543, %lt3A_545 : vector<16xi32>
        %add3A_547 = arith.constant 16 : i32
        %add3A_548 = vector.broadcast %add3A_547 : i32 to vector<16xi32>
        %add3A_549 = arith.addi %broadcast_in_dim3A_543, %add3A_548 : vector<16xi32>
        %select_n3A_550 = arith.select %lt3A_546, %add3A_549, %broadcast_in_dim3A_543 : vector<16xi1>, vector<16xi32>
        %reshape3A_551 = vector.shape_cast %select_n3A_550 : vector<16xi32> to vector<16x1xi32>
        %gather3A_552 = vector.shape_cast %reshape3A_551 : vector<16x1xi32> to vector<16xi32>
        %gather3A_553 = tpu.dynamic_gather %get3A_434[%gather3A_552] in [0] : vector<16xf32>, vector<16xi32> -> vector<16xf32>
        %mul3A_554 = arith.mulf %gather3A_553, %get3A_429 : vector<16xf32>
        %add3A_555 = arith.constant 6 : i32
        %add3A_556 = arith.addi %multiple_of3A_432, %add3A_555 : i32
        %swap3A_557 = arith.index_cast %add3A_556 : i32 to index
        %swap3A_558 = arith.constant 0 : index
        %swap3A_559 = tpu.vector_load %arg11[%swap3A_557, %swap3A_558] {strides = array<i32>} : memref<2048x16xf32, #tpu.memory_space<vmem>>, vector<16xf32>,
        tpu.vector_store %arg11[%swap3A_557, %swap3A_558], %mul3A_554 {strides = array<i32>} : memref<2048x16xf32, #tpu.memory_space<vmem>>, vector<16xf32>,
        %broadcast_in_dim3A_560 = arith.constant 7 : i32
        %broadcast_in_dim3A_561 = vector.broadcast %broadcast_in_dim3A_560 : i32 to vector<16xi32>
        %lt3A_562 = arith.constant 0 : i32
        %lt3A_563 = vector.broadcast %lt3A_562 : i32 to vector<16xi32>
        %lt3A_564 = arith.cmpi slt, %broadcast_in_dim3A_561, %lt3A_563 : vector<16xi32>
        %add3A_565 = arith.constant 16 : i32
        %add3A_566 = vector.broadcast %add3A_565 : i32 to vector<16xi32>
        %add3A_567 = arith.addi %broadcast_in_dim3A_561, %add3A_566 : vector<16xi32>
        %select_n3A_568 = arith.select %lt3A_564, %add3A_567, %broadcast_in_dim3A_561 : vector<16xi1>, vector<16xi32>
        %reshape3A_569 = vector.shape_cast %select_n3A_568 : vector<16xi32> to vector<16x1xi32>
        %gather3A_570 = vector.shape_cast %reshape3A_569 : vector<16x1xi32> to vector<16xi32>
        %gather3A_571 = tpu.dynamic_gather %get3A_434[%gather3A_570] in [0] : vector<16xf32>, vector<16xi32> -> vector<16xf32>
        %mul3A_572 = arith.mulf %gather3A_571, %get3A_429 : vector<16xf32>
        %add3A_573 = arith.constant 7 : i32
        %add3A_574 = arith.addi %multiple_of3A_432, %add3A_573 : i32
        %swap3A_575 = arith.index_cast %add3A_574 : i32 to index
        %swap3A_576 = arith.constant 0 : index
        %swap3A_577 = tpu.vector_load %arg11[%swap3A_575, %swap3A_576] {strides = array<i32>} : memref<2048x16xf32, #tpu.memory_space<vmem>>, vector<16xf32>,
        tpu.vector_store %arg11[%swap3A_575, %swap3A_576], %mul3A_572 {strides = array<i32>} : memref<2048x16xf32, #tpu.memory_space<vmem>>, vector<16xf32>,
        %broadcast_in_dim3A_578 = arith.constant 8 : i32
        %broadcast_in_dim3A_579 = vector.broadcast %broadcast_in_dim3A_578 : i32 to vector<16xi32>
        %lt3A_580 = arith.constant 0 : i32
        %lt3A_581 = vector.broadcast %lt3A_580 : i32 to vector<16xi32>
        %lt3A_582 = arith.cmpi slt, %broadcast_in_dim3A_579, %lt3A_581 : vector<16xi32>
        %add3A_583 = arith.constant 16 : i32
        %add3A_584 = vector.broadcast %add3A_583 : i32 to vector<16xi32>
        %add3A_585 = arith.addi %broadcast_in_dim3A_579, %add3A_584 : vector<16xi32>
        %select_n3A_586 = arith.select %lt3A_582, %add3A_585, %broadcast_in_dim3A_579 : vector<16xi1>, vector<16xi32>
        %reshape3A_587 = vector.shape_cast %select_n3A_586 : vector<16xi32> to vector<16x1xi32>
        %gather3A_588 = vector.shape_cast %reshape3A_587 : vector<16x1xi32> to vector<16xi32>
        %gather3A_589 = tpu.dynamic_gather %get3A_434[%gather3A_588] in [0] : vector<16xf32>, vector<16xi32> -> vector<16xf32>
        %mul3A_590 = arith.mulf %gather3A_589, %get3A_429 : vector<16xf32>
        %add3A_591 = arith.constant 8 : i32
        %add3A_592 = arith.addi %multiple_of3A_432, %add3A_591 : i32
        %swap3A_593 = arith.index_cast %add3A_592 : i32 to index
        %swap3A_594 = arith.constant 0 : index
        %swap3A_595 = tpu.vector_load %arg11[%swap3A_593, %swap3A_594] {strides = array<i32>} : memref<2048x16xf32, #tpu.memory_space<vmem>>, vector<16xf32>,
        tpu.vector_store %arg11[%swap3A_593, %swap3A_594], %mul3A_590 {strides = array<i32>} : memref<2048x16xf32, #tpu.memory_space<vmem>>, vector<16xf32>,
        %broadcast_in_dim3A_596 = arith.constant 9 : i32
        %broadcast_in_dim3A_597 = vector.broadcast %broadcast_in_dim3A_596 : i32 to vector<16xi32>
        %lt3A_598 = arith.constant 0 : i32
        %lt3A_599 = vector.broadcast %lt3A_598 : i32 to vector<16xi32>
        %lt3A_600 = arith.cmpi slt, %broadcast_in_dim3A_597, %lt3A_599 : vector<16xi32>
        %add3A_601 = arith.constant 16 : i32
        %add3A_602 = vector.broadcast %add3A_601 : i32 to vector<16xi32>
        %add3A_603 = arith.addi %broadcast_in_dim3A_597, %add3A_602 : vector<16xi32>
        %select_n3A_604 = arith.select %lt3A_600, %add3A_603, %broadcast_in_dim3A_597 : vector<16xi1>, vector<16xi32>
        %reshape3A_605 = vector.shape_cast %select_n3A_604 : vector<16xi32> to vector<16x1xi32>
        %gather3A_606 = vector.shape_cast %reshape3A_605 : vector<16x1xi32> to vector<16xi32>
        %gather3A_607 = tpu.dynamic_gather %get3A_434[%gather3A_606] in [0] : vector<16xf32>, vector<16xi32> -> vector<16xf32>
        %mul3A_608 = arith.mulf %gather3A_607, %get3A_429 : vector<16xf32>
        %add3A_609 = arith.constant 9 : i32
        %add3A_610 = arith.addi %multiple_of3A_432, %add3A_609 : i32
        %swap3A_611 = arith.index_cast %add3A_610 : i32 to index
        %swap3A_612 = arith.constant 0 : index
        %swap3A_613 = tpu.vector_load %arg11[%swap3A_611, %swap3A_612] {strides = array<i32>} : memref<2048x16xf32, #tpu.memory_space<vmem>>, vector<16xf32>,
        tpu.vector_store %arg11[%swap3A_611, %swap3A_612], %mul3A_608 {strides = array<i32>} : memref<2048x16xf32, #tpu.memory_space<vmem>>, vector<16xf32>,
        %broadcast_in_dim3A_614 = arith.constant 10 : i32
        %broadcast_in_dim3A_615 = vector.broadcast %broadcast_in_dim3A_614 : i32 to vector<16xi32>
        %lt3A_616 = arith.constant 0 : i32
        %lt3A_617 = vector.broadcast %lt3A_616 : i32 to vector<16xi32>
        %lt3A_618 = arith.cmpi slt, %broadcast_in_dim3A_615, %lt3A_617 : vector<16xi32>
        %add3A_619 = arith.constant 16 : i32
        %add3A_620 = vector.broadcast %add3A_619 : i32 to vector<16xi32>
        %add3A_621 = arith.addi %broadcast_in_dim3A_615, %add3A_620 : vector<16xi32>
        %select_n3A_622 = arith.select %lt3A_618, %add3A_621, %broadcast_in_dim3A_615 : vector<16xi1>, vector<16xi32>
        %reshape3A_623 = vector.shape_cast %select_n3A_622 : vector<16xi32> to vector<16x1xi32>
        %gather3A_624 = vector.shape_cast %reshape3A_623 : vector<16x1xi32> to vector<16xi32>
        %gather3A_625 = tpu.dynamic_gather %get3A_434[%gather3A_624] in [0] : vector<16xf32>, vector<16xi32> -> vector<16xf32>
        %mul3A_626 = arith.mulf %gather3A_625, %get3A_429 : vector<16xf32>
        %add3A_627 = arith.constant 10 : i32
        %add3A_628 = arith.addi %multiple_of3A_432, %add3A_627 : i32
        %swap3A_629 = arith.index_cast %add3A_628 : i32 to index
        %swap3A_630 = arith.constant 0 : index
        %swap3A_631 = tpu.vector_load %arg11[%swap3A_629, %swap3A_630] {strides = array<i32>} : memref<2048x16xf32, #tpu.memory_space<vmem>>, vector<16xf32>,
        tpu.vector_store %arg11[%swap3A_629, %swap3A_630], %mul3A_626 {strides = array<i32>} : memref<2048x16xf32, #tpu.memory_space<vmem>>, vector<16xf32>,
        %broadcast_in_dim3A_632 = arith.constant 11 : i32
        %broadcast_in_dim3A_633 = vector.broadcast %broadcast_in_dim3A_632 : i32 to vector<16xi32>
        %lt3A_634 = arith.constant 0 : i32
        %lt3A_635 = vector.broadcast %lt3A_634 : i32 to vector<16xi32>
        %lt3A_636 = arith.cmpi slt, %broadcast_in_dim3A_633, %lt3A_635 : vector<16xi32>
        %add3A_637 = arith.constant 16 : i32
        %add3A_638 = vector.broadcast %add3A_637 : i32 to vector<16xi32>
        %add3A_639 = arith.addi %broadcast_in_dim3A_633, %add3A_638 : vector<16xi32>
        %select_n3A_640 = arith.select %lt3A_636, %add3A_639, %broadcast_in_dim3A_633 : vector<16xi1>, vector<16xi32>
        %reshape3A_641 = vector.shape_cast %select_n3A_640 : vector<16xi32> to vector<16x1xi32>
        %gather3A_642 = vector.shape_cast %reshape3A_641 : vector<16x1xi32> to vector<16xi32>
        %gather3A_643 = tpu.dynamic_gather %get3A_434[%gather3A_642] in [0] : vector<16xf32>, vector<16xi32> -> vector<16xf32>
        %mul3A_644 = arith.mulf %gather3A_643, %get3A_429 : vector<16xf32>
        %add3A_645 = arith.constant 11 : i32
        %add3A_646 = arith.addi %multiple_of3A_432, %add3A_645 : i32
        %swap3A_647 = arith.index_cast %add3A_646 : i32 to index
        %swap3A_648 = arith.constant 0 : index
        %swap3A_649 = tpu.vector_load %arg11[%swap3A_647, %swap3A_648] {strides = array<i32>} : memref<2048x16xf32, #tpu.memory_space<vmem>>, vector<16xf32>,
        tpu.vector_store %arg11[%swap3A_647, %swap3A_648], %mul3A_644 {strides = array<i32>} : memref<2048x16xf32, #tpu.memory_space<vmem>>, vector<16xf32>,
        %broadcast_in_dim3A_650 = arith.constant 12 : i32
        %broadcast_in_dim3A_651 = vector.broadcast %broadcast_in_dim3A_650 : i32 to vector<16xi32>
        %lt3A_652 = arith.constant 0 : i32
        %lt3A_653 = vector.broadcast %lt3A_652 : i32 to vector<16xi32>
        %lt3A_654 = arith.cmpi slt, %broadcast_in_dim3A_651, %lt3A_653 : vector<16xi32>
        %add3A_655 = arith.constant 16 : i32
        %add3A_656 = vector.broadcast %add3A_655 : i32 to vector<16xi32>
        %add3A_657 = arith.addi %broadcast_in_dim3A_651, %add3A_656 : vector<16xi32>
        %select_n3A_658 = arith.select %lt3A_654, %add3A_657, %broadcast_in_dim3A_651 : vector<16xi1>, vector<16xi32>
        %reshape3A_659 = vector.shape_cast %select_n3A_658 : vector<16xi32> to vector<16x1xi32>
        %gather3A_660 = vector.shape_cast %reshape3A_659 : vector<16x1xi32> to vector<16xi32>
        %gather3A_661 = tpu.dynamic_gather %get3A_434[%gather3A_660] in [0] : vector<16xf32>, vector<16xi32> -> vector<16xf32>
        %mul3A_662 = arith.mulf %gather3A_661, %get3A_429 : vector<16xf32>
        %add3A_663 = arith.constant 12 : i32
        %add3A_664 = arith.addi %multiple_of3A_432, %add3A_663 : i32
        %swap3A_665 = arith.index_cast %add3A_664 : i32 to index
        %swap3A_666 = arith.constant 0 : index
        %swap3A_667 = tpu.vector_load %arg11[%swap3A_665, %swap3A_666] {strides = array<i32>} : memref<2048x16xf32, #tpu.memory_space<vmem>>, vector<16xf32>,
        tpu.vector_store %arg11[%swap3A_665, %swap3A_666], %mul3A_662 {strides = array<i32>} : memref<2048x16xf32, #tpu.memory_space<vmem>>, vector<16xf32>,
        %broadcast_in_dim3A_668 = arith.constant 13 : i32
        %broadcast_in_dim3A_669 = vector.broadcast %broadcast_in_dim3A_668 : i32 to vector<16xi32>
        %lt3A_670 = arith.constant 0 : i32
        %lt3A_671 = vector.broadcast %lt3A_670 : i32 to vector<16xi32>
        %lt3A_672 = arith.cmpi slt, %broadcast_in_dim3A_669, %lt3A_671 : vector<16xi32>
        %add3A_673 = arith.constant 16 : i32
        %add3A_674 = vector.broadcast %add3A_673 : i32 to vector<16xi32>
        %add3A_675 = arith.addi %broadcast_in_dim3A_669, %add3A_674 : vector<16xi32>
        %select_n3A_676 = arith.select %lt3A_672, %add3A_675, %broadcast_in_dim3A_669 : vector<16xi1>, vector<16xi32>
        %reshape3A_677 = vector.shape_cast %select_n3A_676 : vector<16xi32> to vector<16x1xi32>
        %gather3A_678 = vector.shape_cast %reshape3A_677 : vector<16x1xi32> to vector<16xi32>
        %gather3A_679 = tpu.dynamic_gather %get3A_434[%gather3A_678] in [0] : vector<16xf32>, vector<16xi32> -> vector<16xf32>
        %mul3A_680 = arith.mulf %gather3A_679, %get3A_429 : vector<16xf32>
        %add3A_681 = arith.constant 13 : i32
        %add3A_682 = arith.addi %multiple_of3A_432, %add3A_681 : i32
        %swap3A_683 = arith.index_cast %add3A_682 : i32 to index
        %swap3A_684 = arith.constant 0 : index
        %swap3A_685 = tpu.vector_load %arg11[%swap3A_683, %swap3A_684] {strides = array<i32>} : memref<2048x16xf32, #tpu.memory_space<vmem>>, vector<16xf32>,
        tpu.vector_store %arg11[%swap3A_683, %swap3A_684], %mul3A_680 {strides = array<i32>} : memref<2048x16xf32, #tpu.memory_space<vmem>>, vector<16xf32>,
        %broadcast_in_dim3A_686 = arith.constant 14 : i32
        %broadcast_in_dim3A_687 = vector.broadcast %broadcast_in_dim3A_686 : i32 to vector<16xi32>
        %lt3A_688 = arith.constant 0 : i32
        %lt3A_689 = vector.broadcast %lt3A_688 : i32 to vector<16xi32>
        %lt3A_690 = arith.cmpi slt, %broadcast_in_dim3A_687, %lt3A_689 : vector<16xi32>
        %add3A_691 = arith.constant 16 : i32
        %add3A_692 = vector.broadcast %add3A_691 : i32 to vector<16xi32>
        %add3A_693 = arith.addi %broadcast_in_dim3A_687, %add3A_692 : vector<16xi32>
        %select_n3A_694 = arith.select %lt3A_690, %add3A_693, %broadcast_in_dim3A_687 : vector<16xi1>, vector<16xi32>
        %reshape3A_695 = vector.shape_cast %select_n3A_694 : vector<16xi32> to vector<16x1xi32>
        %gather3A_696 = vector.shape_cast %reshape3A_695 : vector<16x1xi32> to vector<16xi32>
        %gather3A_697 = tpu.dynamic_gather %get3A_434[%gather3A_696] in [0] : vector<16xf32>, vector<16xi32> -> vector<16xf32>
        %mul3A_698 = arith.mulf %gather3A_697, %get3A_429 : vector<16xf32>
        %add3A_699 = arith.constant 14 : i32
        %add3A_700 = arith.addi %multiple_of3A_432, %add3A_699 : i32
        %swap3A_701 = arith.index_cast %add3A_700 : i32 to index
        %swap3A_702 = arith.constant 0 : index
        %swap3A_703 = tpu.vector_load %arg11[%swap3A_701, %swap3A_702] {strides = array<i32>} : memref<2048x16xf32, #tpu.memory_space<vmem>>, vector<16xf32>,
        tpu.vector_store %arg11[%swap3A_701, %swap3A_702], %mul3A_698 {strides = array<i32>} : memref<2048x16xf32, #tpu.memory_space<vmem>>, vector<16xf32>,
        %broadcast_in_dim3A_704 = arith.constant 15 : i32
        %broadcast_in_dim3A_705 = vector.broadcast %broadcast_in_dim3A_704 : i32 to vector<16xi32>
        %lt3A_706 = arith.constant 0 : i32
        %lt3A_707 = vector.broadcast %lt3A_706 : i32 to vector<16xi32>
        %lt3A_708 = arith.cmpi slt, %broadcast_in_dim3A_705, %lt3A_707 : vector<16xi32>
        %add3A_709 = arith.constant 16 : i32
        %add3A_710 = vector.broadcast %add3A_709 : i32 to vector<16xi32>
        %add3A_711 = arith.addi %broadcast_in_dim3A_705, %add3A_710 : vector<16xi32>
        %select_n3A_712 = arith.select %lt3A_708, %add3A_711, %broadcast_in_dim3A_705 : vector<16xi1>, vector<16xi32>
        %reshape3A_713 = vector.shape_cast %select_n3A_712 : vector<16xi32> to vector<16x1xi32>
        %gather3A_714 = vector.shape_cast %reshape3A_713 : vector<16x1xi32> to vector<16xi32>
        %gather3A_715 = tpu.dynamic_gather %get3A_434[%gather3A_714] in [0] : vector<16xf32>, vector<16xi32> -> vector<16xf32>
        %mul3A_716 = arith.mulf %gather3A_715, %get3A_429 : vector<16xf32>
        %add3A_717 = arith.constant 15 : i32
        %add3A_718 = arith.addi %multiple_of3A_432, %add3A_717 : i32
        %swap3A_719 = arith.index_cast %add3A_718 : i32 to index
        %swap3A_720 = arith.constant 0 : index
        %swap3A_721 = tpu.vector_load %arg11[%swap3A_719, %swap3A_720] {strides = array<i32>} : memref<2048x16xf32, #tpu.memory_space<vmem>>, vector<16xf32>,
        tpu.vector_store %arg11[%swap3A_719, %swap3A_720], %mul3A_716 {strides = array<i32>} : memref<2048x16xf32, #tpu.memory_space<vmem>>, vector<16xf32>,
        %broadcast_in_dim3A_722 = arith.constant 0 : i32
        %broadcast_in_dim3A_723 = vector.broadcast %broadcast_in_dim3A_722 : i32 to vector<16xi32>
        %lt3A_724 = arith.constant 0 : i32
        %lt3A_725 = vector.broadcast %lt3A_724 : i32 to vector<16xi32>
        %lt3A_726 = arith.cmpi slt, %broadcast_in_dim3A_723, %lt3A_725 : vector<16xi32>
        %add3A_727 = arith.constant 16 : i32
        %add3A_728 = vector.broadcast %add3A_727 : i32 to vector<16xi32>
        %add3A_729 = arith.addi %broadcast_in_dim3A_723, %add3A_728 : vector<16xi32>
        %select_n3A_730 = arith.select %lt3A_726, %add3A_729, %broadcast_in_dim3A_723 : vector<16xi1>, vector<16xi32>
        %reshape3A_731 = vector.shape_cast %select_n3A_730 : vector<16xi32> to vector<16x1xi32>
        %gather3A_732 = vector.shape_cast %reshape3A_731 : vector<16x1xi32> to vector<16xi32>
        %gather3A_733 = tpu.dynamic_gather %get3A_438[%gather3A_732] in [0] : vector<16xf32>, vector<16xi32> -> vector<16xf32>
        %mul3A_734 = arith.mulf %gather3A_733, %get3A_429 : vector<16xf32>
        %add3A_735 = arith.constant 16 : i32
        %add3A_736 = arith.addi %multiple_of3A_432, %add3A_735 : i32
        %swap3A_737 = arith.index_cast %add3A_736 : i32 to index
        %swap3A_738 = arith.constant 0 : index
        %swap3A_739 = tpu.vector_load %arg11[%swap3A_737, %swap3A_738] {strides = array<i32>} : memref<2048x16xf32, #tpu.memory_space<vmem>>, vector<16xf32>,
        tpu.vector_store %arg11[%swap3A_737, %swap3A_738], %mul3A_734 {strides = array<i32>} : memref<2048x16xf32, #tpu.memory_space<vmem>>, vector<16xf32>,
        %broadcast_in_dim3A_740 = arith.constant 1 : i32
        %broadcast_in_dim3A_741 = vector.broadcast %broadcast_in_dim3A_740 : i32 to vector<16xi32>
        %lt3A_742 = arith.constant 0 : i32
        %lt3A_743 = vector.broadcast %lt3A_742 : i32 to vector<16xi32>
        %lt3A_744 = arith.cmpi slt, %broadcast_in_dim3A_741, %lt3A_743 : vector<16xi32>
        %add3A_745 = arith.constant 16 : i32
        %add3A_746 = vector.broadcast %add3A_745 : i32 to vector<16xi32>
        %add3A_747 = arith.addi %broadcast_in_dim3A_741, %add3A_746 : vector<16xi32>
        %select_n3A_748 = arith.select %lt3A_744, %add3A_747, %broadcast_in_dim3A_741 : vector<16xi1>, vector<16xi32>
        %reshape3A_749 = vector.shape_cast %select_n3A_748 : vector<16xi32> to vector<16x1xi32>
        %gather3A_750 = vector.shape_cast %reshape3A_749 : vector<16x1xi32> to vector<16xi32>
        %gather3A_751 = tpu.dynamic_gather %get3A_438[%gather3A_750] in [0] : vector<16xf32>, vector<16xi32> -> vector<16xf32>
        %mul3A_752 = arith.mulf %gather3A_751, %get3A_429 : vector<16xf32>
        %add3A_753 = arith.constant 17 : i32
        %add3A_754 = arith.addi %multiple_of3A_432, %add3A_753 : i32
        %swap3A_755 = arith.index_cast %add3A_754 : i32 to index
        %swap3A_756 = arith.constant 0 : index
        %swap3A_757 = tpu.vector_load %arg11[%swap3A_755, %swap3A_756] {strides = array<i32>} : memref<2048x16xf32, #tpu.memory_space<vmem>>, vector<16xf32>,
        tpu.vector_store %arg11[%swap3A_755, %swap3A_756], %mul3A_752 {strides = array<i32>} : memref<2048x16xf32, #tpu.memory_space<vmem>>, vector<16xf32>,
        %broadcast_in_dim3A_758 = arith.constant 2 : i32
        %broadcast_in_dim3A_759 = vector.broadcast %broadcast_in_dim3A_758 : i32 to vector<16xi32>
        %lt3A_760 = arith.constant 0 : i32
        %lt3A_761 = vector.broadcast %lt3A_760 : i32 to vector<16xi32>
        %lt3A_762 = arith.cmpi slt, %broadcast_in_dim3A_759, %lt3A_761 : vector<16xi32>
        %add3A_763 = arith.constant 16 : i32
        %add3A_764 = vector.broadcast %add3A_763 : i32 to vector<16xi32>
        %add3A_765 = arith.addi %broadcast_in_dim3A_759, %add3A_764 : vector<16xi32>
        %select_n3A_766 = arith.select %lt3A_762, %add3A_765, %broadcast_in_dim3A_759 : vector<16xi1>, vector<16xi32>
        %reshape3A_767 = vector.shape_cast %select_n3A_766 : vector<16xi32> to vector<16x1xi32>
        %gather3A_768 = vector.shape_cast %reshape3A_767 : vector<16x1xi32> to vector<16xi32>
        %gather3A_769 = tpu.dynamic_gather %get3A_438[%gather3A_768] in [0] : vector<16xf32>, vector<16xi32> -> vector<16xf32>
        %mul3A_770 = arith.mulf %gather3A_769, %get3A_429 : vector<16xf32>
        %add3A_771 = arith.constant 18 : i32
        %add3A_772 = arith.addi %multiple_of3A_432, %add3A_771 : i32
        %swap3A_773 = arith.index_cast %add3A_772 : i32 to index
        %swap3A_774 = arith.constant 0 : index
        %swap3A_775 = tpu.vector_load %arg11[%swap3A_773, %swap3A_774] {strides = array<i32>} : memref<2048x16xf32, #tpu.memory_space<vmem>>, vector<16xf32>,
        tpu.vector_store %arg11[%swap3A_773, %swap3A_774], %mul3A_770 {strides = array<i32>} : memref<2048x16xf32, #tpu.memory_space<vmem>>, vector<16xf32>,
        %broadcast_in_dim3A_776 = arith.constant 3 : i32
        %broadcast_in_dim3A_777 = vector.broadcast %broadcast_in_dim3A_776 : i32 to vector<16xi32>
        %lt3A_778 = arith.constant 0 : i32
        %lt3A_779 = vector.broadcast %lt3A_778 : i32 to vector<16xi32>
        %lt3A_780 = arith.cmpi slt, %broadcast_in_dim3A_777, %lt3A_779 : vector<16xi32>
        %add3A_781 = arith.constant 16 : i32
        %add3A_782 = vector.broadcast %add3A_781 : i32 to vector<16xi32>
        %add3A_783 = arith.addi %broadcast_in_dim3A_777, %add3A_782 : vector<16xi32>
        %select_n3A_784 = arith.select %lt3A_780, %add3A_783, %broadcast_in_dim3A_777 : vector<16xi1>, vector<16xi32>
        %reshape3A_785 = vector.shape_cast %select_n3A_784 : vector<16xi32> to vector<16x1xi32>
        %gather3A_786 = vector.shape_cast %reshape3A_785 : vector<16x1xi32> to vector<16xi32>
        %gather3A_787 = tpu.dynamic_gather %get3A_438[%gather3A_786] in [0] : vector<16xf32>, vector<16xi32> -> vector<16xf32>
        %mul3A_788 = arith.mulf %gather3A_787, %get3A_429 : vector<16xf32>
        %add3A_789 = arith.constant 19 : i32
        %add3A_790 = arith.addi %multiple_of3A_432, %add3A_789 : i32
        %swap3A_791 = arith.index_cast %add3A_790 : i32 to index
        %swap3A_792 = arith.constant 0 : index
        %swap3A_793 = tpu.vector_load %arg11[%swap3A_791, %swap3A_792] {strides = array<i32>} : memref<2048x16xf32, #tpu.memory_space<vmem>>, vector<16xf32>,
        tpu.vector_store %arg11[%swap3A_791, %swap3A_792], %mul3A_788 {strides = array<i32>} : memref<2048x16xf32, #tpu.memory_space<vmem>>, vector<16xf32>,
        %broadcast_in_dim3A_794 = arith.constant 4 : i32
        %broadcast_in_dim3A_795 = vector.broadcast %broadcast_in_dim3A_794 : i32 to vector<16xi32>
        %lt3A_796 = arith.constant 0 : i32
        %lt3A_797 = vector.broadcast %lt3A_796 : i32 to vector<16xi32>
        %lt3A_798 = arith.cmpi slt, %broadcast_in_dim3A_795, %lt3A_797 : vector<16xi32>
        %add3A_799 = arith.constant 16 : i32
        %add3A_800 = vector.broadcast %add3A_799 : i32 to vector<16xi32>
        %add3A_801 = arith.addi %broadcast_in_dim3A_795, %add3A_800 : vector<16xi32>
        %select_n3A_802 = arith.select %lt3A_798, %add3A_801, %broadcast_in_dim3A_795 : vector<16xi1>, vector<16xi32>
        %reshape3A_803 = vector.shape_cast %select_n3A_802 : vector<16xi32> to vector<16x1xi32>
        %gather3A_804 = vector.shape_cast %reshape3A_803 : vector<16x1xi32> to vector<16xi32>
        %gather3A_805 = tpu.dynamic_gather %get3A_438[%gather3A_804] in [0] : vector<16xf32>, vector<16xi32> -> vector<16xf32>
        %mul3A_806 = arith.mulf %gather3A_805, %get3A_429 : vector<16xf32>
        %add3A_807 = arith.constant 20 : i32
        %add3A_808 = arith.addi %multiple_of3A_432, %add3A_807 : i32
        %swap3A_809 = arith.index_cast %add3A_808 : i32 to index
        %swap3A_810 = arith.constant 0 : index
        %swap3A_811 = tpu.vector_load %arg11[%swap3A_809, %swap3A_810] {strides = array<i32>} : memref<2048x16xf32, #tpu.memory_space<vmem>>, vector<16xf32>,
        tpu.vector_store %arg11[%swap3A_809, %swap3A_810], %mul3A_806 {strides = array<i32>} : memref<2048x16xf32, #tpu.memory_space<vmem>>, vector<16xf32>,
        %broadcast_in_dim3A_812 = arith.constant 5 : i32
        %broadcast_in_dim3A_813 = vector.broadcast %broadcast_in_dim3A_812 : i32 to vector<16xi32>
        %lt3A_814 = arith.constant 0 : i32
        %lt3A_815 = vector.broadcast %lt3A_814 : i32 to vector<16xi32>
        %lt3A_816 = arith.cmpi slt, %broadcast_in_dim3A_813, %lt3A_815 : vector<16xi32>
        %add3A_817 = arith.constant 16 : i32
        %add3A_818 = vector.broadcast %add3A_817 : i32 to vector<16xi32>
        %add3A_819 = arith.addi %broadcast_in_dim3A_813, %add3A_818 : vector<16xi32>
        %select_n3A_820 = arith.select %lt3A_816, %add3A_819, %broadcast_in_dim3A_813 : vector<16xi1>, vector<16xi32>
        %reshape3A_821 = vector.shape_cast %select_n3A_820 : vector<16xi32> to vector<16x1xi32>
        %gather3A_822 = vector.shape_cast %reshape3A_821 : vector<16x1xi32> to vector<16xi32>
        %gather3A_823 = tpu.dynamic_gather %get3A_438[%gather3A_822] in [0] : vector<16xf32>, vector<16xi32> -> vector<16xf32>
        %mul3A_824 = arith.mulf %gather3A_823, %get3A_429 : vector<16xf32>
        %add3A_825 = arith.constant 21 : i32
        %add3A_826 = arith.addi %multiple_of3A_432, %add3A_825 : i32
        %swap3A_827 = arith.index_cast %add3A_826 : i32 to index
        %swap3A_828 = arith.constant 0 : index
        %swap3A_829 = tpu.vector_load %arg11[%swap3A_827, %swap3A_828] {strides = array<i32>} : memref<2048x16xf32, #tpu.memory_space<vmem>>, vector<16xf32>,
        tpu.vector_store %arg11[%swap3A_827, %swap3A_828], %mul3A_824 {strides = array<i32>} : memref<2048x16xf32, #tpu.memory_space<vmem>>, vector<16xf32>,
        %broadcast_in_dim3A_830 = arith.constant 6 : i32
        %broadcast_in_dim3A_831 = vector.broadcast %broadcast_in_dim3A_830 : i32 to vector<16xi32>
        %lt3A_832 = arith.constant 0 : i32
        %lt3A_833 = vector.broadcast %lt3A_832 : i32 to vector<16xi32>
        %lt3A_834 = arith.cmpi slt, %broadcast_in_dim3A_831, %lt3A_833 : vector<16xi32>
        %add3A_835 = arith.constant 16 : i32
        %add3A_836 = vector.broadcast %add3A_835 : i32 to vector<16xi32>
        %add3A_837 = arith.addi %broadcast_in_dim3A_831, %add3A_836 : vector<16xi32>
        %select_n3A_838 = arith.select %lt3A_834, %add3A_837, %broadcast_in_dim3A_831 : vector<16xi1>, vector<16xi32>
        %reshape3A_839 = vector.shape_cast %select_n3A_838 : vector<16xi32> to vector<16x1xi32>
        %gather3A_840 = vector.shape_cast %reshape3A_839 : vector<16x1xi32> to vector<16xi32>
        %gather3A_841 = tpu.dynamic_gather %get3A_438[%gather3A_840] in [0] : vector<16xf32>, vector<16xi32> -> vector<16xf32>
        %mul3A_842 = arith.mulf %gather3A_841, %get3A_429 : vector<16xf32>
        %add3A_843 = arith.constant 22 : i32
        %add3A_844 = arith.addi %multiple_of3A_432, %add3A_843 : i32
        %swap3A_845 = arith.index_cast %add3A_844 : i32 to index
        %swap3A_846 = arith.constant 0 : index
        %swap3A_847 = tpu.vector_load %arg11[%swap3A_845, %swap3A_846] {strides = array<i32>} : memref<2048x16xf32, #tpu.memory_space<vmem>>, vector<16xf32>,
        tpu.vector_store %arg11[%swap3A_845, %swap3A_846], %mul3A_842 {strides = array<i32>} : memref<2048x16xf32, #tpu.memory_space<vmem>>, vector<16xf32>,
        %broadcast_in_dim3A_848 = arith.constant 7 : i32
        %broadcast_in_dim3A_849 = vector.broadcast %broadcast_in_dim3A_848 : i32 to vector<16xi32>
        %lt3A_850 = arith.constant 0 : i32
        %lt3A_851 = vector.broadcast %lt3A_850 : i32 to vector<16xi32>
        %lt3A_852 = arith.cmpi slt, %broadcast_in_dim3A_849, %lt3A_851 : vector<16xi32>
        %add3A_853 = arith.constant 16 : i32
        %add3A_854 = vector.broadcast %add3A_853 : i32 to vector<16xi32>
        %add3A_855 = arith.addi %broadcast_in_dim3A_849, %add3A_854 : vector<16xi32>
        %select_n3A_856 = arith.select %lt3A_852, %add3A_855, %broadcast_in_dim3A_849 : vector<16xi1>, vector<16xi32>
        %reshape3A_857 = vector.shape_cast %select_n3A_856 : vector<16xi32> to vector<16x1xi32>
        %gather3A_858 = vector.shape_cast %reshape3A_857 : vector<16x1xi32> to vector<16xi32>
        %gather3A_859 = tpu.dynamic_gather %get3A_438[%gather3A_858] in [0] : vector<16xf32>, vector<16xi32> -> vector<16xf32>
        %mul3A_860 = arith.mulf %gather3A_859, %get3A_429 : vector<16xf32>
        %add3A_861 = arith.constant 23 : i32
        %add3A_862 = arith.addi %multiple_of3A_432, %add3A_861 : i32
        %swap3A_863 = arith.index_cast %add3A_862 : i32 to index
        %swap3A_864 = arith.constant 0 : index
        %swap3A_865 = tpu.vector_load %arg11[%swap3A_863, %swap3A_864] {strides = array<i32>} : memref<2048x16xf32, #tpu.memory_space<vmem>>, vector<16xf32>,
        tpu.vector_store %arg11[%swap3A_863, %swap3A_864], %mul3A_860 {strides = array<i32>} : memref<2048x16xf32, #tpu.memory_space<vmem>>, vector<16xf32>,
        %broadcast_in_dim3A_866 = arith.constant 8 : i32
        %broadcast_in_dim3A_867 = vector.broadcast %broadcast_in_dim3A_866 : i32 to vector<16xi32>
        %lt3A_868 = arith.constant 0 : i32
        %lt3A_869 = vector.broadcast %lt3A_868 : i32 to vector<16xi32>
        %lt3A_870 = arith.cmpi slt, %broadcast_in_dim3A_867, %lt3A_869 : vector<16xi32>
        %add3A_871 = arith.constant 16 : i32
        %add3A_872 = vector.broadcast %add3A_871 : i32 to vector<16xi32>
        %add3A_873 = arith.addi %broadcast_in_dim3A_867, %add3A_872 : vector<16xi32>
        %select_n3A_874 = arith.select %lt3A_870, %add3A_873, %broadcast_in_dim3A_867 : vector<16xi1>, vector<16xi32>
        %reshape3A_875 = vector.shape_cast %select_n3A_874 : vector<16xi32> to vector<16x1xi32>
        %gather3A_876 = vector.shape_cast %reshape3A_875 : vector<16x1xi32> to vector<16xi32>
        %gather3A_877 = tpu.dynamic_gather %get3A_438[%gather3A_876] in [0] : vector<16xf32>, vector<16xi32> -> vector<16xf32>
        %mul3A_878 = arith.mulf %gather3A_877, %get3A_429 : vector<16xf32>
        %add3A_879 = arith.constant 24 : i32
        %add3A_880 = arith.addi %multiple_of3A_432, %add3A_879 : i32
        %swap3A_881 = arith.index_cast %add3A_880 : i32 to index
        %swap3A_882 = arith.constant 0 : index
        %swap3A_883 = tpu.vector_load %arg11[%swap3A_881, %swap3A_882] {strides = array<i32>} : memref<2048x16xf32, #tpu.memory_space<vmem>>, vector<16xf32>,
        tpu.vector_store %arg11[%swap3A_881, %swap3A_882], %mul3A_878 {strides = array<i32>} : memref<2048x16xf32, #tpu.memory_space<vmem>>, vector<16xf32>,
        %broadcast_in_dim3A_884 = arith.constant 9 : i32
        %broadcast_in_dim3A_885 = vector.broadcast %broadcast_in_dim3A_884 : i32 to vector<16xi32>
        %lt3A_886 = arith.constant 0 : i32
        %lt3A_887 = vector.broadcast %lt3A_886 : i32 to vector<16xi32>
        %lt3A_888 = arith.cmpi slt, %broadcast_in_dim3A_885, %lt3A_887 : vector<16xi32>
        %add3A_889 = arith.constant 16 : i32
        %add3A_890 = vector.broadcast %add3A_889 : i32 to vector<16xi32>
        %add3A_891 = arith.addi %broadcast_in_dim3A_885, %add3A_890 : vector<16xi32>
        %select_n3A_892 = arith.select %lt3A_888, %add3A_891, %broadcast_in_dim3A_885 : vector<16xi1>, vector<16xi32>
        %reshape3A_893 = vector.shape_cast %select_n3A_892 : vector<16xi32> to vector<16x1xi32>
        %gather3A_894 = vector.shape_cast %reshape3A_893 : vector<16x1xi32> to vector<16xi32>
        %gather3A_895 = tpu.dynamic_gather %get3A_438[%gather3A_894] in [0] : vector<16xf32>, vector<16xi32> -> vector<16xf32>
        %mul3A_896 = arith.mulf %gather3A_895, %get3A_429 : vector<16xf32>
        %add3A_897 = arith.constant 25 : i32
        %add3A_898 = arith.addi %multiple_of3A_432, %add3A_897 : i32
        %swap3A_899 = arith.index_cast %add3A_898 : i32 to index
        %swap3A_900 = arith.constant 0 : index
        %swap3A_901 = tpu.vector_load %arg11[%swap3A_899, %swap3A_900] {strides = array<i32>} : memref<2048x16xf32, #tpu.memory_space<vmem>>, vector<16xf32>,
        tpu.vector_store %arg11[%swap3A_899, %swap3A_900], %mul3A_896 {strides = array<i32>} : memref<2048x16xf32, #tpu.memory_space<vmem>>, vector<16xf32>,
        %broadcast_in_dim3A_902 = arith.constant 10 : i32
        %broadcast_in_dim3A_903 = vector.broadcast %broadcast_in_dim3A_902 : i32 to vector<16xi32>
        %lt3A_904 = arith.constant 0 : i32
        %lt3A_905 = vector.broadcast %lt3A_904 : i32 to vector<16xi32>
        %lt3A_906 = arith.cmpi slt, %broadcast_in_dim3A_903, %lt3A_905 : vector<16xi32>
        %add3A_907 = arith.constant 16 : i32
        %add3A_908 = vector.broadcast %add3A_907 : i32 to vector<16xi32>
        %add3A_909 = arith.addi %broadcast_in_dim3A_903, %add3A_908 : vector<16xi32>
        %select_n3A_910 = arith.select %lt3A_906, %add3A_909, %broadcast_in_dim3A_903 : vector<16xi1>, vector<16xi32>
        %reshape3A_911 = vector.shape_cast %select_n3A_910 : vector<16xi32> to vector<16x1xi32>
        %gather3A_912 = vector.shape_cast %reshape3A_911 : vector<16x1xi32> to vector<16xi32>
        %gather3A_913 = tpu.dynamic_gather %get3A_438[%gather3A_912] in [0] : vector<16xf32>, vector<16xi32> -> vector<16xf32>
        %mul3A_914 = arith.mulf %gather3A_913, %get3A_429 : vector<16xf32>
        %add3A_915 = arith.constant 26 : i32
        %add3A_916 = arith.addi %multiple_of3A_432, %add3A_915 : i32
        %swap3A_917 = arith.index_cast %add3A_916 : i32 to index
        %swap3A_918 = arith.constant 0 : index
        %swap3A_919 = tpu.vector_load %arg11[%swap3A_917, %swap3A_918] {strides = array<i32>} : memref<2048x16xf32, #tpu.memory_space<vmem>>, vector<16xf32>,
        tpu.vector_store %arg11[%swap3A_917, %swap3A_918], %mul3A_914 {strides = array<i32>} : memref<2048x16xf32, #tpu.memory_space<vmem>>, vector<16xf32>,
        %broadcast_in_dim3A_920 = arith.constant 11 : i32
        %broadcast_in_dim3A_921 = vector.broadcast %broadcast_in_dim3A_920 : i32 to vector<16xi32>
        %lt3A_922 = arith.constant 0 : i32
        %lt3A_923 = vector.broadcast %lt3A_922 : i32 to vector<16xi32>
        %lt3A_924 = arith.cmpi slt, %broadcast_in_dim3A_921, %lt3A_923 : vector<16xi32>
        %add3A_925 = arith.constant 16 : i32
        %add3A_926 = vector.broadcast %add3A_925 : i32 to vector<16xi32>
        %add3A_927 = arith.addi %broadcast_in_dim3A_921, %add3A_926 : vector<16xi32>
        %select_n3A_928 = arith.select %lt3A_924, %add3A_927, %broadcast_in_dim3A_921 : vector<16xi1>, vector<16xi32>
        %reshape3A_929 = vector.shape_cast %select_n3A_928 : vector<16xi32> to vector<16x1xi32>
        %gather3A_930 = vector.shape_cast %reshape3A_929 : vector<16x1xi32> to vector<16xi32>
        %gather3A_931 = tpu.dynamic_gather %get3A_438[%gather3A_930] in [0] : vector<16xf32>, vector<16xi32> -> vector<16xf32>
        %mul3A_932 = arith.mulf %gather3A_931, %get3A_429 : vector<16xf32>
        %add3A_933 = arith.constant 27 : i32
        %add3A_934 = arith.addi %multiple_of3A_432, %add3A_933 : i32
        %swap3A_935 = arith.index_cast %add3A_934 : i32 to index
        %swap3A_936 = arith.constant 0 : index
        %swap3A_937 = tpu.vector_load %arg11[%swap3A_935, %swap3A_936] {strides = array<i32>} : memref<2048x16xf32, #tpu.memory_space<vmem>>, vector<16xf32>,
        tpu.vector_store %arg11[%swap3A_935, %swap3A_936], %mul3A_932 {strides = array<i32>} : memref<2048x16xf32, #tpu.memory_space<vmem>>, vector<16xf32>,
        %broadcast_in_dim3A_938 = arith.constant 12 : i32
        %broadcast_in_dim3A_939 = vector.broadcast %broadcast_in_dim3A_938 : i32 to vector<16xi32>
        %lt3A_940 = arith.constant 0 : i32
        %lt3A_941 = vector.broadcast %lt3A_940 : i32 to vector<16xi32>
        %lt3A_942 = arith.cmpi slt, %broadcast_in_dim3A_939, %lt3A_941 : vector<16xi32>
        %add3A_943 = arith.constant 16 : i32
        %add3A_944 = vector.broadcast %add3A_943 : i32 to vector<16xi32>
        %add3A_945 = arith.addi %broadcast_in_dim3A_939, %add3A_944 : vector<16xi32>
        %select_n3A_946 = arith.select %lt3A_942, %add3A_945, %broadcast_in_dim3A_939 : vector<16xi1>, vector<16xi32>
        %reshape3A_947 = vector.shape_cast %select_n3A_946 : vector<16xi32> to vector<16x1xi32>
        %gather3A_948 = vector.shape_cast %reshape3A_947 : vector<16x1xi32> to vector<16xi32>
        %gather3A_949 = tpu.dynamic_gather %get3A_438[%gather3A_948] in [0] : vector<16xf32>, vector<16xi32> -> vector<16xf32>
        %mul3A_950 = arith.mulf %gather3A_949, %get3A_429 : vector<16xf32>
        %add3A_951 = arith.constant 28 : i32
        %add3A_952 = arith.addi %multiple_of3A_432, %add3A_951 : i32
        %swap3A_953 = arith.index_cast %add3A_952 : i32 to index
        %swap3A_954 = arith.constant 0 : index
        %swap3A_955 = tpu.vector_load %arg11[%swap3A_953, %swap3A_954] {strides = array<i32>} : memref<2048x16xf32, #tpu.memory_space<vmem>>, vector<16xf32>,
        tpu.vector_store %arg11[%swap3A_953, %swap3A_954], %mul3A_950 {strides = array<i32>} : memref<2048x16xf32, #tpu.memory_space<vmem>>, vector<16xf32>,
        %broadcast_in_dim3A_956 = arith.constant 13 : i32
        %broadcast_in_dim3A_957 = vector.broadcast %broadcast_in_dim3A_956 : i32 to vector<16xi32>
        %lt3A_958 = arith.constant 0 : i32
        %lt3A_959 = vector.broadcast %lt3A_958 : i32 to vector<16xi32>
        %lt3A_960 = arith.cmpi slt, %broadcast_in_dim3A_957, %lt3A_959 : vector<16xi32>
        %add3A_961 = arith.constant 16 : i32
        %add3A_962 = vector.broadcast %add3A_961 : i32 to vector<16xi32>
        %add3A_963 = arith.addi %broadcast_in_dim3A_957, %add3A_962 : vector<16xi32>
        %select_n3A_964 = arith.select %lt3A_960, %add3A_963, %broadcast_in_dim3A_957 : vector<16xi1>, vector<16xi32>
        %reshape3A_965 = vector.shape_cast %select_n3A_964 : vector<16xi32> to vector<16x1xi32>
        %gather3A_966 = vector.shape_cast %reshape3A_965 : vector<16x1xi32> to vector<16xi32>
        %gather3A_967 = tpu.dynamic_gather %get3A_438[%gather3A_966] in [0] : vector<16xf32>, vector<16xi32> -> vector<16xf32>
        %mul3A_968 = arith.mulf %gather3A_967, %get3A_429 : vector<16xf32>
        %add3A_969 = arith.constant 29 : i32
        %add3A_970 = arith.addi %multiple_of3A_432, %add3A_969 : i32
        %swap3A_971 = arith.index_cast %add3A_970 : i32 to index
        %swap3A_972 = arith.constant 0 : index
        %swap3A_973 = tpu.vector_load %arg11[%swap3A_971, %swap3A_972] {strides = array<i32>} : memref<2048x16xf32, #tpu.memory_space<vmem>>, vector<16xf32>,
        tpu.vector_store %arg11[%swap3A_971, %swap3A_972], %mul3A_968 {strides = array<i32>} : memref<2048x16xf32, #tpu.memory_space<vmem>>, vector<16xf32>,
        %broadcast_in_dim3A_974 = arith.constant 14 : i32
        %broadcast_in_dim3A_975 = vector.broadcast %broadcast_in_dim3A_974 : i32 to vector<16xi32>
        %lt3A_976 = arith.constant 0 : i32
        %lt3A_977 = vector.broadcast %lt3A_976 : i32 to vector<16xi32>
        %lt3A_978 = arith.cmpi slt, %broadcast_in_dim3A_975, %lt3A_977 : vector<16xi32>
        %add3A_979 = arith.constant 16 : i32
        %add3A_980 = vector.broadcast %add3A_979 : i32 to vector<16xi32>
        %add3A_981 = arith.addi %broadcast_in_dim3A_975, %add3A_980 : vector<16xi32>
        %select_n3A_982 = arith.select %lt3A_978, %add3A_981, %broadcast_in_dim3A_975 : vector<16xi1>, vector<16xi32>
        %reshape3A_983 = vector.shape_cast %select_n3A_982 : vector<16xi32> to vector<16x1xi32>
        %gather3A_984 = vector.shape_cast %reshape3A_983 : vector<16x1xi32> to vector<16xi32>
        %gather3A_985 = tpu.dynamic_gather %get3A_438[%gather3A_984] in [0] : vector<16xf32>, vector<16xi32> -> vector<16xf32>
        %mul3A_986 = arith.mulf %gather3A_985, %get3A_429 : vector<16xf32>
        %add3A_987 = arith.constant 30 : i32
        %add3A_988 = arith.addi %multiple_of3A_432, %add3A_987 : i32
        %swap3A_989 = arith.index_cast %add3A_988 : i32 to index
        %swap3A_990 = arith.constant 0 : index
        %swap3A_991 = tpu.vector_load %arg11[%swap3A_989, %swap3A_990] {strides = array<i32>} : memref<2048x16xf32, #tpu.memory_space<vmem>>, vector<16xf32>,
        tpu.vector_store %arg11[%swap3A_989, %swap3A_990], %mul3A_986 {strides = array<i32>} : memref<2048x16xf32, #tpu.memory_space<vmem>>, vector<16xf32>,
        %broadcast_in_dim3A_992 = arith.constant 15 : i32
        %broadcast_in_dim3A_993 = vector.broadcast %broadcast_in_dim3A_992 : i32 to vector<16xi32>
        %lt3A_994 = arith.constant 0 : i32
        %lt3A_995 = vector.broadcast %lt3A_994 : i32 to vector<16xi32>
        %lt3A_996 = arith.cmpi slt, %broadcast_in_dim3A_993, %lt3A_995 : vector<16xi32>
        %add3A_997 = arith.constant 16 : i32
        %add3A_998 = vector.broadcast %add3A_997 : i32 to vector<16xi32>
        %add3A_999 = arith.addi %broadcast_in_dim3A_993, %add3A_998 : vector<16xi32>
        %select_n3A_1000 = arith.select %lt3A_996, %add3A_999, %broadcast_in_dim3A_993 : vector<16xi1>, vector<16xi32>
        %reshape3A_1001 = vector.shape_cast %select_n3A_1000 : vector<16xi32> to vector<16x1xi32>
        %gather3A_1002 = vector.shape_cast %reshape3A_1001 : vector<16x1xi32> to vector<16xi32>
        %gather3A_1003 = tpu.dynamic_gather %get3A_438[%gather3A_1002] in [0] : vector<16xf32>, vector<16xi32> -> vector<16xf32>
        %mul3A_1004 = arith.mulf %gather3A_1003, %get3A_429 : vector<16xf32>
        %add3A_1005 = arith.constant 31 : i32
        %add3A_1006 = arith.addi %multiple_of3A_432, %add3A_1005 : i32
        %swap3A_1007 = arith.index_cast %add3A_1006 : i32 to index
        %swap3A_1008 = arith.constant 0 : index
        %swap3A_1009 = tpu.vector_load %arg11[%swap3A_1007, %swap3A_1008] {strides = array<i32>} : memref<2048x16xf32, #tpu.memory_space<vmem>>, vector<16xf32>,
        tpu.vector_store %arg11[%swap3A_1007, %swap3A_1008], %mul3A_1004 {strides = array<i32>} : memref<2048x16xf32, #tpu.memory_space<vmem>>, vector<16xf32>,
      }
      %scan3A_63 = arith.constant 64 : i32
      %gt3A = arith.constant 0 : i32
      %gt3A_64 = arith.cmpi sgt, %scan3A_22, %gt3A : i32
      %convert_element_type3A = arith.extui %gt3A_64 : i1 to i32
      %cond3A = arith.constant 0 : i32
      %cond3A_65 = arith.cmpi ne, %convert_element_type3A, %cond3A : i32
      scf.if %cond3A_65 {
        %dma_wait3A_427 = arith.constant 0 : i32
        %dma_wait3A_428 = arith.constant 0 : i32
        %dma_wait3A_429 = tpu.memref_slice %arg2[%dma_wait3A_427, %dma_wait3A_428] : memref<65536x16xf32, #tpu.memory_space<hbm>> -> memref<2048x16xf32, #tpu.memory_space<hbm>>
        %dma_wait3A_430 = arith.constant 0 : i32
        %dma_wait3A_431 = arith.constant 0 : i32
        %dma_wait3A_432 = tpu.memref_slice %arg2[%dma_wait3A_430, %dma_wait3A_431] : memref<65536x16xf32, #tpu.memory_space<hbm>> -> memref<2048x16xf32, #tpu.memory_space<hbm>>
        tpu.wait_dma2 semaphore(%arg15 : memref<!tpu.dma_semaphore, #tpu.memory_space<semaphore_mem>>) src(%dma_wait3A_432 : memref<2048x16xf32, #tpu.memory_space<hbm>>) dst(%arg12 : memref<2048x16xf32, #tpu.memory_space<vmem>>)
      } else {
      }
      %dma_start3A = arith.constant 0 : i32
      %dma_start3A_66 = arith.constant 0 : i32
      %dma_start3A_67 = arith.constant 0 : i32
      %dma_start3A_68 = tpu.memref_slice %arg11[%dma_start3A_66, %dma_start3A_67] : memref<2048x16xf32, #tpu.memory_space<vmem>> -> memref<128x16xf32, #tpu.memory_space<vmem>>
      %dma_start3A_69 = arith.constant 0 : i32
      %dma_start3A_70 = tpu.memref_slice %arg7[%dma_start3A, %dma_start3A_69] : memref<16x128xi32, #tpu.memory_space<vmem>> -> memref<1x128xi32, #tpu.memory_space<vmem>>
      %dma_start3A_71 = tpu.memref_squeeze %dma_start3A_70 : memref<1x128xi32, #tpu.memory_space<vmem>> -> memref<128xi32, #tpu.memory_space<vmem>>
      %dma_start3A_72 = arith.constant 0 : i32
      %dma_start3A_73 = arith.constant 0 : i32
      %dma_start3A_74 = tpu.memref_slice %arg13[%dma_start3A_72, %dma_start3A_73] : memref<32768x16xf32, #tpu.memory_space<vmem_shared>> -> memref<32768x16xf32, #tpu.memory_space<vmem_shared>>
      tpu.enqueue_indirect_dma source(%dma_start3A_68 : memref<128x16xf32, #tpu.memory_space<vmem>>) target(%dma_start3A_74 : memref<32768x16xf32, #tpu.memory_space<vmem_shared>>) offsets(%dma_start3A_71 : memref<128xi32, #tpu.memory_space<vmem>>) semaphore(%arg14 : memref<!tpu.dma_semaphore, #tpu.memory_space<semaphore_mem>>) {add = true}
      %dma_start3A_75 = arith.constant 1 : i32
      %dma_start3A_76 = arith.constant 128 : i32
      %dma_start3A_77 = arith.constant 0 : i32
      %dma_start3A_78 = tpu.memref_slice %arg11[%dma_start3A_76, %dma_start3A_77] : memref<2048x16xf32, #tpu.memory_space<vmem>> -> memref<128x16xf32, #tpu.memory_space<vmem>>
      %dma_start3A_79 = arith.constant 0 : i32
      %dma_start3A_80 = tpu.memref_slice %arg7[%dma_start3A_75, %dma_start3A_79] : memref<16x128xi32, #tpu.memory_space<vmem>> -> memref<1x128xi32, #tpu.memory_space<vmem>>
      %dma_start3A_81 = tpu.memref_squeeze %dma_start3A_80 : memref<1x128xi32, #tpu.memory_space<vmem>> -> memref<128xi32, #tpu.memory_space<vmem>>
      %dma_start3A_82 = arith.constant 0 : i32
      %dma_start3A_83 = arith.constant 0 : i32
      %dma_start3A_84 = tpu.memref_slice %arg13[%dma_start3A_82, %dma_start3A_83] : memref<32768x16xf32, #tpu.memory_space<vmem_shared>> -> memref<32768x16xf32, #tpu.memory_space<vmem_shared>>
      tpu.enqueue_indirect_dma source(%dma_start3A_78 : memref<128x16xf32, #tpu.memory_space<vmem>>) target(%dma_start3A_84 : memref<32768x16xf32, #tpu.memory_space<vmem_shared>>) offsets(%dma_start3A_81 : memref<128xi32, #tpu.memory_space<vmem>>) semaphore(%arg14 : memref<!tpu.dma_semaphore, #tpu.memory_space<semaphore_mem>>) {add = true}
      %dma_start3A_85 = arith.constant 2 : i32
      %dma_start3A_86 = arith.constant 256 : i32
      %dma_start3A_87 = arith.constant 0 : i32
      %dma_start3A_88 = tpu.memref_slice %arg11[%dma_start3A_86, %dma_start3A_87] : memref<2048x16xf32, #tpu.memory_space<vmem>> -> memref<128x16xf32, #tpu.memory_space<vmem>>
      %dma_start3A_89 = arith.constant 0 : i32
      %dma_start3A_90 = tpu.memref_slice %arg7[%dma_start3A_85, %dma_start3A_89] : memref<16x128xi32, #tpu.memory_space<vmem>> -> memref<1x128xi32, #tpu.memory_space<vmem>>
      %dma_start3A_91 = tpu.memref_squeeze %dma_start3A_90 : memref<1x128xi32, #tpu.memory_space<vmem>> -> memref<128xi32, #tpu.memory_space<vmem>>
      %dma_start3A_92 = arith.constant 0 : i32
      %dma_start3A_93 = arith.constant 0 : i32
      %dma_start3A_94 = tpu.memref_slice %arg13[%dma_start3A_92, %dma_start3A_93] : memref<32768x16xf32, #tpu.memory_space<vmem_shared>> -> memref<32768x16xf32, #tpu.memory_space<vmem_shared>>
      tpu.enqueue_indirect_dma source(%dma_start3A_88 : memref<128x16xf32, #tpu.memory_space<vmem>>) target(%dma_start3A_94 : memref<32768x16xf32, #tpu.memory_space<vmem_shared>>) offsets(%dma_start3A_91 : memref<128xi32, #tpu.memory_space<vmem>>) semaphore(%arg14 : memref<!tpu.dma_semaphore, #tpu.memory_space<semaphore_mem>>) {add = true}
      %dma_start3A_95 = arith.constant 3 : i32
      %dma_start3A_96 = arith.constant 384 : i32
      %dma_start3A_97 = arith.constant 0 : i32
      %dma_start3A_98 = tpu.memref_slice %arg11[%dma_start3A_96, %dma_start3A_97] : memref<2048x16xf32, #tpu.memory_space<vmem>> -> memref<128x16xf32, #tpu.memory_space<vmem>>
      %dma_start3A_99 = arith.constant 0 : i32
      %dma_start3A_100 = tpu.memref_slice %arg7[%dma_start3A_95, %dma_start3A_99] : memref<16x128xi32, #tpu.memory_space<vmem>> -> memref<1x128xi32, #tpu.memory_space<vmem>>
      %dma_start3A_101 = tpu.memref_squeeze %dma_start3A_100 : memref<1x128xi32, #tpu.memory_space<vmem>> -> memref<128xi32, #tpu.memory_space<vmem>>
      %dma_start3A_102 = arith.constant 0 : i32
      %dma_start3A_103 = arith.constant 0 : i32
      %dma_start3A_104 = tpu.memref_slice %arg13[%dma_start3A_102, %dma_start3A_103] : memref<32768x16xf32, #tpu.memory_space<vmem_shared>> -> memref<32768x16xf32, #tpu.memory_space<vmem_shared>>
      tpu.enqueue_indirect_dma source(%dma_start3A_98 : memref<128x16xf32, #tpu.memory_space<vmem>>) target(%dma_start3A_104 : memref<32768x16xf32, #tpu.memory_space<vmem_shared>>) offsets(%dma_start3A_101 : memref<128xi32, #tpu.memory_space<vmem>>) semaphore(%arg14 : memref<!tpu.dma_semaphore, #tpu.memory_space<semaphore_mem>>) {add = true}
      %dma_start3A_105 = arith.constant 4 : i32
      %dma_start3A_106 = arith.constant 512 : i32
      %dma_start3A_107 = arith.constant 0 : i32
      %dma_start3A_108 = tpu.memref_slice %arg11[%dma_start3A_106, %dma_start3A_107] : memref<2048x16xf32, #tpu.memory_space<vmem>> -> memref<128x16xf32, #tpu.memory_space<vmem>>
      %dma_start3A_109 = arith.constant 0 : i32
      %dma_start3A_110 = tpu.memref_slice %arg7[%dma_start3A_105, %dma_start3A_109] : memref<16x128xi32, #tpu.memory_space<vmem>> -> memref<1x128xi32, #tpu.memory_space<vmem>>
      %dma_start3A_111 = tpu.memref_squeeze %dma_start3A_110 : memref<1x128xi32, #tpu.memory_space<vmem>> -> memref<128xi32, #tpu.memory_space<vmem>>
      %dma_start3A_112 = arith.constant 0 : i32
      %dma_start3A_113 = arith.constant 0 : i32
      %dma_start3A_114 = tpu.memref_slice %arg13[%dma_start3A_112, %dma_start3A_113] : memref<32768x16xf32, #tpu.memory_space<vmem_shared>> -> memref<32768x16xf32, #tpu.memory_space<vmem_shared>>
      tpu.enqueue_indirect_dma source(%dma_start3A_108 : memref<128x16xf32, #tpu.memory_space<vmem>>) target(%dma_start3A_114 : memref<32768x16xf32, #tpu.memory_space<vmem_shared>>) offsets(%dma_start3A_111 : memref<128xi32, #tpu.memory_space<vmem>>) semaphore(%arg14 : memref<!tpu.dma_semaphore, #tpu.memory_space<semaphore_mem>>) {add = true}
      %dma_start3A_115 = arith.constant 5 : i32
      %dma_start3A_116 = arith.constant 640 : i32
      %dma_start3A_117 = arith.constant 0 : i32
      %dma_start3A_118 = tpu.memref_slice %arg11[%dma_start3A_116, %dma_start3A_117] : memref<2048x16xf32, #tpu.memory_space<vmem>> -> memref<128x16xf32, #tpu.memory_space<vmem>>
      %dma_start3A_119 = arith.constant 0 : i32
      %dma_start3A_120 = tpu.memref_slice %arg7[%dma_start3A_115, %dma_start3A_119] : memref<16x128xi32, #tpu.memory_space<vmem>> -> memref<1x128xi32, #tpu.memory_space<vmem>>
      %dma_start3A_121 = tpu.memref_squeeze %dma_start3A_120 : memref<1x128xi32, #tpu.memory_space<vmem>> -> memref<128xi32, #tpu.memory_space<vmem>>
      %dma_start3A_122 = arith.constant 0 : i32
      %dma_start3A_123 = arith.constant 0 : i32
      %dma_start3A_124 = tpu.memref_slice %arg13[%dma_start3A_122, %dma_start3A_123] : memref<32768x16xf32, #tpu.memory_space<vmem_shared>> -> memref<32768x16xf32, #tpu.memory_space<vmem_shared>>
      tpu.enqueue_indirect_dma source(%dma_start3A_118 : memref<128x16xf32, #tpu.memory_space<vmem>>) target(%dma_start3A_124 : memref<32768x16xf32, #tpu.memory_space<vmem_shared>>) offsets(%dma_start3A_121 : memref<128xi32, #tpu.memory_space<vmem>>) semaphore(%arg14 : memref<!tpu.dma_semaphore, #tpu.memory_space<semaphore_mem>>) {add = true}
      %dma_start3A_125 = arith.constant 6 : i32
      %dma_start3A_126 = arith.constant 768 : i32
      %dma_start3A_127 = arith.constant 0 : i32
      %dma_start3A_128 = tpu.memref_slice %arg11[%dma_start3A_126, %dma_start3A_127] : memref<2048x16xf32, #tpu.memory_space<vmem>> -> memref<128x16xf32, #tpu.memory_space<vmem>>
      %dma_start3A_129 = arith.constant 0 : i32
      %dma_start3A_130 = tpu.memref_slice %arg7[%dma_start3A_125, %dma_start3A_129] : memref<16x128xi32, #tpu.memory_space<vmem>> -> memref<1x128xi32, #tpu.memory_space<vmem>>
      %dma_start3A_131 = tpu.memref_squeeze %dma_start3A_130 : memref<1x128xi32, #tpu.memory_space<vmem>> -> memref<128xi32, #tpu.memory_space<vmem>>
      %dma_start3A_132 = arith.constant 0 : i32
      %dma_start3A_133 = arith.constant 0 : i32
      %dma_start3A_134 = tpu.memref_slice %arg13[%dma_start3A_132, %dma_start3A_133] : memref<32768x16xf32, #tpu.memory_space<vmem_shared>> -> memref<32768x16xf32, #tpu.memory_space<vmem_shared>>
      tpu.enqueue_indirect_dma source(%dma_start3A_128 : memref<128x16xf32, #tpu.memory_space<vmem>>) target(%dma_start3A_134 : memref<32768x16xf32, #tpu.memory_space<vmem_shared>>) offsets(%dma_start3A_131 : memref<128xi32, #tpu.memory_space<vmem>>) semaphore(%arg14 : memref<!tpu.dma_semaphore, #tpu.memory_space<semaphore_mem>>) {add = true}
      %dma_start3A_135 = arith.constant 7 : i32
      %dma_start3A_136 = arith.constant 896 : i32
      %dma_start3A_137 = arith.constant 0 : i32
      %dma_start3A_138 = tpu.memref_slice %arg11[%dma_start3A_136, %dma_start3A_137] : memref<2048x16xf32, #tpu.memory_space<vmem>> -> memref<128x16xf32, #tpu.memory_space<vmem>>
      %dma_start3A_139 = arith.constant 0 : i32
      %dma_start3A_140 = tpu.memref_slice %arg7[%dma_start3A_135, %dma_start3A_139] : memref<16x128xi32, #tpu.memory_space<vmem>> -> memref<1x128xi32, #tpu.memory_space<vmem>>
      %dma_start3A_141 = tpu.memref_squeeze %dma_start3A_140 : memref<1x128xi32, #tpu.memory_space<vmem>> -> memref<128xi32, #tpu.memory_space<vmem>>
      %dma_start3A_142 = arith.constant 0 : i32
      %dma_start3A_143 = arith.constant 0 : i32
      %dma_start3A_144 = tpu.memref_slice %arg13[%dma_start3A_142, %dma_start3A_143] : memref<32768x16xf32, #tpu.memory_space<vmem_shared>> -> memref<32768x16xf32, #tpu.memory_space<vmem_shared>>
      tpu.enqueue_indirect_dma source(%dma_start3A_138 : memref<128x16xf32, #tpu.memory_space<vmem>>) target(%dma_start3A_144 : memref<32768x16xf32, #tpu.memory_space<vmem_shared>>) offsets(%dma_start3A_141 : memref<128xi32, #tpu.memory_space<vmem>>) semaphore(%arg14 : memref<!tpu.dma_semaphore, #tpu.memory_space<semaphore_mem>>) {add = true}
      %dma_start3A_145 = arith.constant 8 : i32
      %dma_start3A_146 = arith.constant 1024 : i32
      %dma_start3A_147 = arith.constant 0 : i32
      %dma_start3A_148 = tpu.memref_slice %arg11[%dma_start3A_146, %dma_start3A_147] : memref<2048x16xf32, #tpu.memory_space<vmem>> -> memref<128x16xf32, #tpu.memory_space<vmem>>
      %dma_start3A_149 = arith.constant 0 : i32
      %dma_start3A_150 = tpu.memref_slice %arg7[%dma_start3A_145, %dma_start3A_149] : memref<16x128xi32, #tpu.memory_space<vmem>> -> memref<1x128xi32, #tpu.memory_space<vmem>>
      %dma_start3A_151 = tpu.memref_squeeze %dma_start3A_150 : memref<1x128xi32, #tpu.memory_space<vmem>> -> memref<128xi32, #tpu.memory_space<vmem>>
      %dma_start3A_152 = arith.constant 0 : i32
      %dma_start3A_153 = arith.constant 0 : i32
      %dma_start3A_154 = tpu.memref_slice %arg13[%dma_start3A_152, %dma_start3A_153] : memref<32768x16xf32, #tpu.memory_space<vmem_shared>> -> memref<32768x16xf32, #tpu.memory_space<vmem_shared>>
      tpu.enqueue_indirect_dma source(%dma_start3A_148 : memref<128x16xf32, #tpu.memory_space<vmem>>) target(%dma_start3A_154 : memref<32768x16xf32, #tpu.memory_space<vmem_shared>>) offsets(%dma_start3A_151 : memref<128xi32, #tpu.memory_space<vmem>>) semaphore(%arg14 : memref<!tpu.dma_semaphore, #tpu.memory_space<semaphore_mem>>) {add = true}
      %dma_start3A_155 = arith.constant 9 : i32
      %dma_start3A_156 = arith.constant 1152 : i32
      %dma_start3A_157 = arith.constant 0 : i32
      %dma_start3A_158 = tpu.memref_slice %arg11[%dma_start3A_156, %dma_start3A_157] : memref<2048x16xf32, #tpu.memory_space<vmem>> -> memref<128x16xf32, #tpu.memory_space<vmem>>
      %dma_start3A_159 = arith.constant 0 : i32
      %dma_start3A_160 = tpu.memref_slice %arg7[%dma_start3A_155, %dma_start3A_159] : memref<16x128xi32, #tpu.memory_space<vmem>> -> memref<1x128xi32, #tpu.memory_space<vmem>>
      %dma_start3A_161 = tpu.memref_squeeze %dma_start3A_160 : memref<1x128xi32, #tpu.memory_space<vmem>> -> memref<128xi32, #tpu.memory_space<vmem>>
      %dma_start3A_162 = arith.constant 0 : i32
      %dma_start3A_163 = arith.constant 0 : i32
      %dma_start3A_164 = tpu.memref_slice %arg13[%dma_start3A_162, %dma_start3A_163] : memref<32768x16xf32, #tpu.memory_space<vmem_shared>> -> memref<32768x16xf32, #tpu.memory_space<vmem_shared>>
      tpu.enqueue_indirect_dma source(%dma_start3A_158 : memref<128x16xf32, #tpu.memory_space<vmem>>) target(%dma_start3A_164 : memref<32768x16xf32, #tpu.memory_space<vmem_shared>>) offsets(%dma_start3A_161 : memref<128xi32, #tpu.memory_space<vmem>>) semaphore(%arg14 : memref<!tpu.dma_semaphore, #tpu.memory_space<semaphore_mem>>) {add = true}
      %dma_start3A_165 = arith.constant 10 : i32
      %dma_start3A_166 = arith.constant 1280 : i32
      %dma_start3A_167 = arith.constant 0 : i32
      %dma_start3A_168 = tpu.memref_slice %arg11[%dma_start3A_166, %dma_start3A_167] : memref<2048x16xf32, #tpu.memory_space<vmem>> -> memref<128x16xf32, #tpu.memory_space<vmem>>
      %dma_start3A_169 = arith.constant 0 : i32
      %dma_start3A_170 = tpu.memref_slice %arg7[%dma_start3A_165, %dma_start3A_169] : memref<16x128xi32, #tpu.memory_space<vmem>> -> memref<1x128xi32, #tpu.memory_space<vmem>>
      %dma_start3A_171 = tpu.memref_squeeze %dma_start3A_170 : memref<1x128xi32, #tpu.memory_space<vmem>> -> memref<128xi32, #tpu.memory_space<vmem>>
      %dma_start3A_172 = arith.constant 0 : i32
      %dma_start3A_173 = arith.constant 0 : i32
      %dma_start3A_174 = tpu.memref_slice %arg13[%dma_start3A_172, %dma_start3A_173] : memref<32768x16xf32, #tpu.memory_space<vmem_shared>> -> memref<32768x16xf32, #tpu.memory_space<vmem_shared>>
      tpu.enqueue_indirect_dma source(%dma_start3A_168 : memref<128x16xf32, #tpu.memory_space<vmem>>) target(%dma_start3A_174 : memref<32768x16xf32, #tpu.memory_space<vmem_shared>>) offsets(%dma_start3A_171 : memref<128xi32, #tpu.memory_space<vmem>>) semaphore(%arg14 : memref<!tpu.dma_semaphore, #tpu.memory_space<semaphore_mem>>) {add = true}
      %dma_start3A_175 = arith.constant 11 : i32
      %dma_start3A_176 = arith.constant 1408 : i32
      %dma_start3A_177 = arith.constant 0 : i32
      %dma_start3A_178 = tpu.memref_slice %arg11[%dma_start3A_176, %dma_start3A_177] : memref<2048x16xf32, #tpu.memory_space<vmem>> -> memref<128x16xf32, #tpu.memory_space<vmem>>
      %dma_start3A_179 = arith.constant 0 : i32
      %dma_start3A_180 = tpu.memref_slice %arg7[%dma_start3A_175, %dma_start3A_179] : memref<16x128xi32, #tpu.memory_space<vmem>> -> memref<1x128xi32, #tpu.memory_space<vmem>>
      %dma_start3A_181 = tpu.memref_squeeze %dma_start3A_180 : memref<1x128xi32, #tpu.memory_space<vmem>> -> memref<128xi32, #tpu.memory_space<vmem>>
      %dma_start3A_182 = arith.constant 0 : i32
      %dma_start3A_183 = arith.constant 0 : i32
      %dma_start3A_184 = tpu.memref_slice %arg13[%dma_start3A_182, %dma_start3A_183] : memref<32768x16xf32, #tpu.memory_space<vmem_shared>> -> memref<32768x16xf32, #tpu.memory_space<vmem_shared>>
      tpu.enqueue_indirect_dma source(%dma_start3A_178 : memref<128x16xf32, #tpu.memory_space<vmem>>) target(%dma_start3A_184 : memref<32768x16xf32, #tpu.memory_space<vmem_shared>>) offsets(%dma_start3A_181 : memref<128xi32, #tpu.memory_space<vmem>>) semaphore(%arg14 : memref<!tpu.dma_semaphore, #tpu.memory_space<semaphore_mem>>) {add = true}
      %dma_start3A_185 = arith.constant 12 : i32
      %dma_start3A_186 = arith.constant 1536 : i32
      %dma_start3A_187 = arith.constant 0 : i32
      %dma_start3A_188 = tpu.memref_slice %arg11[%dma_start3A_186, %dma_start3A_187] : memref<2048x16xf32, #tpu.memory_space<vmem>> -> memref<128x16xf32, #tpu.memory_space<vmem>>
      %dma_start3A_189 = arith.constant 0 : i32
      %dma_start3A_190 = tpu.memref_slice %arg7[%dma_start3A_185, %dma_start3A_189] : memref<16x128xi32, #tpu.memory_space<vmem>> -> memref<1x128xi32, #tpu.memory_space<vmem>>
      %dma_start3A_191 = tpu.memref_squeeze %dma_start3A_190 : memref<1x128xi32, #tpu.memory_space<vmem>> -> memref<128xi32, #tpu.memory_space<vmem>>
      %dma_start3A_192 = arith.constant 0 : i32
      %dma_start3A_193 = arith.constant 0 : i32
      %dma_start3A_194 = tpu.memref_slice %arg13[%dma_start3A_192, %dma_start3A_193] : memref<32768x16xf32, #tpu.memory_space<vmem_shared>> -> memref<32768x16xf32, #tpu.memory_space<vmem_shared>>
      tpu.enqueue_indirect_dma source(%dma_start3A_188 : memref<128x16xf32, #tpu.memory_space<vmem>>) target(%dma_start3A_194 : memref<32768x16xf32, #tpu.memory_space<vmem_shared>>) offsets(%dma_start3A_191 : memref<128xi32, #tpu.memory_space<vmem>>) semaphore(%arg14 : memref<!tpu.dma_semaphore, #tpu.memory_space<semaphore_mem>>) {add = true}
      %dma_start3A_195 = arith.constant 13 : i32
      %dma_start3A_196 = arith.constant 1664 : i32
      %dma_start3A_197 = arith.constant 0 : i32
      %dma_start3A_198 = tpu.memref_slice %arg11[%dma_start3A_196, %dma_start3A_197] : memref<2048x16xf32, #tpu.memory_space<vmem>> -> memref<128x16xf32, #tpu.memory_space<vmem>>
      %dma_start3A_199 = arith.constant 0 : i32
      %dma_start3A_200 = tpu.memref_slice %arg7[%dma_start3A_195, %dma_start3A_199] : memref<16x128xi32, #tpu.memory_space<vmem>> -> memref<1x128xi32, #tpu.memory_space<vmem>>
      %dma_start3A_201 = tpu.memref_squeeze %dma_start3A_200 : memref<1x128xi32, #tpu.memory_space<vmem>> -> memref<128xi32, #tpu.memory_space<vmem>>
      %dma_start3A_202 = arith.constant 0 : i32
      %dma_start3A_203 = arith.constant 0 : i32
      %dma_start3A_204 = tpu.memref_slice %arg13[%dma_start3A_202, %dma_start3A_203] : memref<32768x16xf32, #tpu.memory_space<vmem_shared>> -> memref<32768x16xf32, #tpu.memory_space<vmem_shared>>
      tpu.enqueue_indirect_dma source(%dma_start3A_198 : memref<128x16xf32, #tpu.memory_space<vmem>>) target(%dma_start3A_204 : memref<32768x16xf32, #tpu.memory_space<vmem_shared>>) offsets(%dma_start3A_201 : memref<128xi32, #tpu.memory_space<vmem>>) semaphore(%arg14 : memref<!tpu.dma_semaphore, #tpu.memory_space<semaphore_mem>>) {add = true}
      %dma_start3A_205 = arith.constant 14 : i32
      %dma_start3A_206 = arith.constant 1792 : i32
      %dma_start3A_207 = arith.constant 0 : i32
      %dma_start3A_208 = tpu.memref_slice %arg11[%dma_start3A_206, %dma_start3A_207] : memref<2048x16xf32, #tpu.memory_space<vmem>> -> memref<128x16xf32, #tpu.memory_space<vmem>>
      %dma_start3A_209 = arith.constant 0 : i32
      %dma_start3A_210 = tpu.memref_slice %arg7[%dma_start3A_205, %dma_start3A_209] : memref<16x128xi32, #tpu.memory_space<vmem>> -> memref<1x128xi32, #tpu.memory_space<vmem>>
      %dma_start3A_211 = tpu.memref_squeeze %dma_start3A_210 : memref<1x128xi32, #tpu.memory_space<vmem>> -> memref<128xi32, #tpu.memory_space<vmem>>
      %dma_start3A_212 = arith.constant 0 : i32
      %dma_start3A_213 = arith.constant 0 : i32
      %dma_start3A_214 = tpu.memref_slice %arg13[%dma_start3A_212, %dma_start3A_213] : memref<32768x16xf32, #tpu.memory_space<vmem_shared>> -> memref<32768x16xf32, #tpu.memory_space<vmem_shared>>
      tpu.enqueue_indirect_dma source(%dma_start3A_208 : memref<128x16xf32, #tpu.memory_space<vmem>>) target(%dma_start3A_214 : memref<32768x16xf32, #tpu.memory_space<vmem_shared>>) offsets(%dma_start3A_211 : memref<128xi32, #tpu.memory_space<vmem>>) semaphore(%arg14 : memref<!tpu.dma_semaphore, #tpu.memory_space<semaphore_mem>>) {add = true}
      %dma_start3A_215 = arith.constant 15 : i32
      %dma_start3A_216 = arith.constant 1920 : i32
      %dma_start3A_217 = arith.constant 0 : i32
      %dma_start3A_218 = tpu.memref_slice %arg11[%dma_start3A_216, %dma_start3A_217] : memref<2048x16xf32, #tpu.memory_space<vmem>> -> memref<128x16xf32, #tpu.memory_space<vmem>>
      %dma_start3A_219 = arith.constant 0 : i32
      %dma_start3A_220 = tpu.memref_slice %arg7[%dma_start3A_215, %dma_start3A_219] : memref<16x128xi32, #tpu.memory_space<vmem>> -> memref<1x128xi32, #tpu.memory_space<vmem>>
      %dma_start3A_221 = tpu.memref_squeeze %dma_start3A_220 : memref<1x128xi32, #tpu.memory_space<vmem>> -> memref<128xi32, #tpu.memory_space<vmem>>
      %dma_start3A_222 = arith.constant 0 : i32
      %dma_start3A_223 = arith.constant 0 : i32
      %dma_start3A_224 = tpu.memref_slice %arg13[%dma_start3A_222, %dma_start3A_223] : memref<32768x16xf32, #tpu.memory_space<vmem_shared>> -> memref<32768x16xf32, #tpu.memory_space<vmem_shared>>
      tpu.enqueue_indirect_dma source(%dma_start3A_218 : memref<128x16xf32, #tpu.memory_space<vmem>>) target(%dma_start3A_224 : memref<32768x16xf32, #tpu.memory_space<vmem_shared>>) offsets(%dma_start3A_221 : memref<128xi32, #tpu.memory_space<vmem>>) semaphore(%arg14 : memref<!tpu.dma_semaphore, #tpu.memory_space<semaphore_mem>>) {add = true}
      %mul3A_225 = arith.constant 32 : i32
      %mul3A_226 = arith.muli %multiple_of3A_35, %mul3A_225 : i32
      %jit3A_227 = arith.constant 128 : i32
      %div3A_228 = arith.divsi %mul3A_226, %jit3A_227 : i32
      %sign3A_229 = arith.constant 0 : i32
      %sign3A_230 = arith.cmpi sgt, %mul3A_226, %sign3A_229 : i32
      %sign3A_231 = arith.extui %sign3A_230 : i1 to i32
      %sign3A_232 = arith.constant 0 : i32
      %sign3A_233 = arith.cmpi slt, %mul3A_226, %sign3A_232 : i32
      %sign3A_234 = arith.extui %sign3A_233 : i1 to i32
      %sign3A_235 = arith.subi %sign3A_231, %sign3A_234 : i32
      %sign3A_236 = arith.constant 0 : i32
      %sign3A_237 = arith.cmpi sgt, %jit3A_227, %sign3A_236 : i32
      %sign3A_238 = arith.extui %sign3A_237 : i1 to i32
      %sign3A_239 = arith.constant 0 : i32
      %sign3A_240 = arith.cmpi slt, %jit3A_227, %sign3A_239 : i32
      %sign3A_241 = arith.extui %sign3A_240 : i1 to i32
      %sign3A_242 = arith.subi %sign3A_238, %sign3A_241 : i32
      %ne3A_243 = arith.cmpi ne, %sign3A_235, %sign3A_242 : i32
      %rem3A_244 = arith.remsi %mul3A_226, %jit3A_227 : i32
      %ne3A_245 = arith.constant 0 : i32
      %ne3A_246 = arith.cmpi ne, %rem3A_244, %ne3A_245 : i32
      %and3A_247 = arith.andi %ne3A_243, %ne3A_246 : i1
      %sub3A_248 = arith.constant 1 : i32
      %sub3A_249 = arith.subi %div3A_228, %sub3A_248 : i32
      %select_n3A_250 = arith.select %and3A_247, %sub3A_249, %div3A_228 : i32
      %multiple_of3A_251 = tpu.assume_multiple %select_n3A_250, 16 : i32
      "tpu.region"() ({
        %run_scoped3A = tpu.sem_alloc : memref<!tpu.dma_semaphore, #tpu.memory_space<semaphore_mem>>
        %dma_start3A_427 = arith.constant 0 : i32
        %dma_start3A_428 = tpu.memref_slice %arg3[%multiple_of3A_251, %dma_start3A_427] : memref<16384x128xi32, #tpu.memory_space<hbm>> -> memref<16x128xi32, #tpu.memory_space<hbm>>
        %dma_start3A_429 = arith.constant 0 : i32
        %dma_start3A_430 = tpu.memref_slice %arg3[%multiple_of3A_251, %dma_start3A_429] : memref<16384x128xi32, #tpu.memory_space<hbm>> -> memref<16x128xi32, #tpu.memory_space<hbm>>
        tpu.enqueue_dma source(%dma_start3A_430 : memref<16x128xi32, #tpu.memory_space<hbm>>) target(%arg8 : memref<16x128xi32, #tpu.memory_space<vmem>>) target_semaphore(%run_scoped3A : memref<!tpu.dma_semaphore, #tpu.memory_space<semaphore_mem>>)
        %dma_wait3A_431 = arith.constant 0 : i32
        %dma_wait3A_432 = tpu.memref_slice %arg3[%multiple_of3A_251, %dma_wait3A_431] : memref<16384x128xi32, #tpu.memory_space<hbm>> -> memref<16x128xi32, #tpu.memory_space<hbm>>
        %dma_wait3A_433 = arith.constant 0 : i32
        %dma_wait3A_434 = tpu.memref_slice %arg3[%multiple_of3A_251, %dma_wait3A_433] : memref<16384x128xi32, #tpu.memory_space<hbm>> -> memref<16x128xi32, #tpu.memory_space<hbm>>
        tpu.wait_dma2 semaphore(%run_scoped3A : memref<!tpu.dma_semaphore, #tpu.memory_space<semaphore_mem>>) src(%dma_wait3A_434 : memref<16x128xi32, #tpu.memory_space<hbm>>) dst(%arg8 : memref<16x128xi32, #tpu.memory_space<vmem>>)
        tpu.yield
      }) : () -> ()
      "tpu.region"() ({
        %run_scoped3A = tpu.sem_alloc : memref<!tpu.dma_semaphore, #tpu.memory_space<semaphore_mem>>
        %dma_start3A_427 = arith.constant 0 : i32
        %dma_start3A_428 = tpu.memref_slice %arg2[%multiple_of3A_35, %dma_start3A_427] : memref<65536x16xf32, #tpu.memory_space<hbm>> -> memref<64x16xf32, #tpu.memory_space<hbm>>
        %dma_start3A_429 = arith.constant 0 : i32
        %dma_start3A_430 = tpu.memref_slice %arg2[%multiple_of3A_35, %dma_start3A_429] : memref<65536x16xf32, #tpu.memory_space<hbm>> -> memref<64x16xf32, #tpu.memory_space<hbm>>
        tpu.enqueue_dma source(%dma_start3A_430 : memref<64x16xf32, #tpu.memory_space<hbm>>) target(%arg10 : memref<64x16xf32, #tpu.memory_space<vmem>>) target_semaphore(%run_scoped3A : memref<!tpu.dma_semaphore, #tpu.memory_space<semaphore_mem>>)
        %dma_wait3A_431 = arith.constant 0 : i32
        %dma_wait3A_432 = tpu.memref_slice %arg2[%multiple_of3A_35, %dma_wait3A_431] : memref<65536x16xf32, #tpu.memory_space<hbm>> -> memref<64x16xf32, #tpu.memory_space<hbm>>
        %dma_wait3A_433 = arith.constant 0 : i32
        %dma_wait3A_434 = tpu.memref_slice %arg2[%multiple_of3A_35, %dma_wait3A_433] : memref<65536x16xf32, #tpu.memory_space<hbm>> -> memref<64x16xf32, #tpu.memory_space<hbm>>
        tpu.wait_dma2 semaphore(%run_scoped3A : memref<!tpu.dma_semaphore, #tpu.memory_space<semaphore_mem>>) src(%dma_wait3A_434 : memref<64x16xf32, #tpu.memory_space<hbm>>) dst(%arg10 : memref<64x16xf32, #tpu.memory_space<vmem>>)
        tpu.yield
      }) : () -> ()
      %mul3A_252 = arith.constant 32 : i32
      %mul3A_253 = arith.muli %multiple_of3A_35, %mul3A_252 : i32
      %multiple_of3A_254 = tpu.assume_multiple %mul3A_253, 2048 : i32
      "tpu.region"() ({
        %run_scoped3A = tpu.sem_alloc : memref<!tpu.dma_semaphore, #tpu.memory_space<semaphore_mem>>
        %dma_start3A_427 = tpu.memref_slice %arg4[%multiple_of3A_254] : memref<2097152xf32, #tpu.memory_space<hbm>> -> memref<2048xf32, #tpu.memory_space<hbm>>
        %dma_start3A_428 = tpu.memref_slice %arg4[%multiple_of3A_254] : memref<2097152xf32, #tpu.memory_space<hbm>> -> memref<2048xf32, #tpu.memory_space<hbm>>
        tpu.enqueue_dma source(%dma_start3A_428 : memref<2048xf32, #tpu.memory_space<hbm>>) target(%arg9 : memref<2048xf32, #tpu.memory_space<vmem>>) target_semaphore(%run_scoped3A : memref<!tpu.dma_semaphore, #tpu.memory_space<semaphore_mem>>)
        %dma_wait3A_429 = tpu.memref_slice %arg4[%multiple_of3A_254] : memref<2097152xf32, #tpu.memory_space<hbm>> -> memref<2048xf32, #tpu.memory_space<hbm>>
        %dma_wait3A_430 = tpu.memref_slice %arg4[%multiple_of3A_254] : memref<2097152xf32, #tpu.memory_space<hbm>> -> memref<2048xf32, #tpu.memory_space<hbm>>
        tpu.wait_dma2 semaphore(%run_scoped3A : memref<!tpu.dma_semaphore, #tpu.memory_space<semaphore_mem>>) src(%dma_wait3A_430 : memref<2048xf32, #tpu.memory_space<hbm>>) dst(%arg9 : memref<2048xf32, #tpu.memory_space<vmem>>)
        tpu.yield
      }) : () -> ()
      %scan3A_255 = arith.constant 0 : i32
      %scan3A_256 = arith.constant 0 : i32
      %scan3A_257 = arith.constant 64 : i32
      %scan3A_258 = arith.addi %scan3A_256, %scan3A_257 : i32
      %scan3A_259 = arith.constant 1 : i32
      scf.for %scan3A_427 = %scan3A_256 to %scan3A_258 step %scan3A_259  : i32 {
        %get3A = arith.index_cast %scan3A_427 : i32 to index
        %get3A_428 = arith.constant 0 : index
        %get3A_429 = tpu.vector_load %arg10[%get3A, %get3A_428] {strides = array<i32>} : memref<64x16xf32, #tpu.memory_space<vmem>>, vector<16xf32>,
        %mul3A_430 = arith.constant 32 : i32
        %mul3A_431 = arith.muli %scan3A_427, %mul3A_430 : i32
        %multiple_of3A_432 = tpu.assume_multiple %mul3A_431, 32 : i32
        %get3A_433 = arith.index_cast %multiple_of3A_432 : i32 to index
        %get3A_434 = tpu.vector_load %arg9[%get3A_433] {strides = array<i32>} : memref<2048xf32, #tpu.memory_space<vmem>>, vector<16xf32>,
        %add3A_435 = arith.constant 16 : i32
        %add3A_436 = arith.addi %multiple_of3A_432, %add3A_435 : i32
        %get3A_437 = arith.index_cast %add3A_436 : i32 to index
        %get3A_438 = tpu.vector_load %arg9[%get3A_437] {strides = array<i32>} : memref<2048xf32, #tpu.memory_space<vmem>>, vector<16xf32>,
        %broadcast_in_dim3A = arith.constant 0 : i32
        %broadcast_in_dim3A_439 = vector.broadcast %broadcast_in_dim3A : i32 to vector<16xi32>
        %lt3A = arith.constant 0 : i32
        %lt3A_440 = vector.broadcast %lt3A : i32 to vector<16xi32>
        %lt3A_441 = arith.cmpi slt, %broadcast_in_dim3A_439, %lt3A_440 : vector<16xi32>
        %add3A_442 = arith.constant 16 : i32
        %add3A_443 = vector.broadcast %add3A_442 : i32 to vector<16xi32>
        %add3A_444 = arith.addi %broadcast_in_dim3A_439, %add3A_443 : vector<16xi32>
        %select_n3A_445 = arith.select %lt3A_441, %add3A_444, %broadcast_in_dim3A_439 : vector<16xi1>, vector<16xi32>
        %reshape3A = vector.shape_cast %select_n3A_445 : vector<16xi32> to vector<16x1xi32>
        %gather3A = vector.shape_cast %reshape3A : vector<16x1xi32> to vector<16xi32>
        %gather3A_446 = tpu.dynamic_gather %get3A_434[%gather3A] in [0] : vector<16xf32>, vector<16xi32> -> vector<16xf32>
        %mul3A_447 = arith.mulf %gather3A_446, %get3A_429 : vector<16xf32>
        %add3A_448 = arith.constant 0 : i32
        %add3A_449 = arith.addi %multiple_of3A_432, %add3A_448 : i32
        %swap3A = arith.index_cast %add3A_449 : i32 to index
        %swap3A_450 = arith.constant 0 : index
        %swap3A_451 = tpu.vector_load %arg12[%swap3A, %swap3A_450] {strides = array<i32>} : memref<2048x16xf32, #tpu.memory_space<vmem>>, vector<16xf32>,
        tpu.vector_store %arg12[%swap3A, %swap3A_450], %mul3A_447 {strides = array<i32>} : memref<2048x16xf32, #tpu.memory_space<vmem>>, vector<16xf32>,
        %broadcast_in_dim3A_452 = arith.constant 1 : i32
        %broadcast_in_dim3A_453 = vector.broadcast %broadcast_in_dim3A_452 : i32 to vector<16xi32>
        %lt3A_454 = arith.constant 0 : i32
        %lt3A_455 = vector.broadcast %lt3A_454 : i32 to vector<16xi32>
        %lt3A_456 = arith.cmpi slt, %broadcast_in_dim3A_453, %lt3A_455 : vector<16xi32>
        %add3A_457 = arith.constant 16 : i32
        %add3A_458 = vector.broadcast %add3A_457 : i32 to vector<16xi32>
        %add3A_459 = arith.addi %broadcast_in_dim3A_453, %add3A_458 : vector<16xi32>
        %select_n3A_460 = arith.select %lt3A_456, %add3A_459, %broadcast_in_dim3A_453 : vector<16xi1>, vector<16xi32>
        %reshape3A_461 = vector.shape_cast %select_n3A_460 : vector<16xi32> to vector<16x1xi32>
        %gather3A_462 = vector.shape_cast %reshape3A_461 : vector<16x1xi32> to vector<16xi32>
        %gather3A_463 = tpu.dynamic_gather %get3A_434[%gather3A_462] in [0] : vector<16xf32>, vector<16xi32> -> vector<16xf32>
        %mul3A_464 = arith.mulf %gather3A_463, %get3A_429 : vector<16xf32>
        %add3A_465 = arith.constant 1 : i32
        %add3A_466 = arith.addi %multiple_of3A_432, %add3A_465 : i32
        %swap3A_467 = arith.index_cast %add3A_466 : i32 to index
        %swap3A_468 = arith.constant 0 : index
        %swap3A_469 = tpu.vector_load %arg12[%swap3A_467, %swap3A_468] {strides = array<i32>} : memref<2048x16xf32, #tpu.memory_space<vmem>>, vector<16xf32>,
        tpu.vector_store %arg12[%swap3A_467, %swap3A_468], %mul3A_464 {strides = array<i32>} : memref<2048x16xf32, #tpu.memory_space<vmem>>, vector<16xf32>,
        %broadcast_in_dim3A_470 = arith.constant 2 : i32
        %broadcast_in_dim3A_471 = vector.broadcast %broadcast_in_dim3A_470 : i32 to vector<16xi32>
        %lt3A_472 = arith.constant 0 : i32
        %lt3A_473 = vector.broadcast %lt3A_472 : i32 to vector<16xi32>
        %lt3A_474 = arith.cmpi slt, %broadcast_in_dim3A_471, %lt3A_473 : vector<16xi32>
        %add3A_475 = arith.constant 16 : i32
        %add3A_476 = vector.broadcast %add3A_475 : i32 to vector<16xi32>
        %add3A_477 = arith.addi %broadcast_in_dim3A_471, %add3A_476 : vector<16xi32>
        %select_n3A_478 = arith.select %lt3A_474, %add3A_477, %broadcast_in_dim3A_471 : vector<16xi1>, vector<16xi32>
        %reshape3A_479 = vector.shape_cast %select_n3A_478 : vector<16xi32> to vector<16x1xi32>
        %gather3A_480 = vector.shape_cast %reshape3A_479 : vector<16x1xi32> to vector<16xi32>
        %gather3A_481 = tpu.dynamic_gather %get3A_434[%gather3A_480] in [0] : vector<16xf32>, vector<16xi32> -> vector<16xf32>
        %mul3A_482 = arith.mulf %gather3A_481, %get3A_429 : vector<16xf32>
        %add3A_483 = arith.constant 2 : i32
        %add3A_484 = arith.addi %multiple_of3A_432, %add3A_483 : i32
        %swap3A_485 = arith.index_cast %add3A_484 : i32 to index
        %swap3A_486 = arith.constant 0 : index
        %swap3A_487 = tpu.vector_load %arg12[%swap3A_485, %swap3A_486] {strides = array<i32>} : memref<2048x16xf32, #tpu.memory_space<vmem>>, vector<16xf32>,
        tpu.vector_store %arg12[%swap3A_485, %swap3A_486], %mul3A_482 {strides = array<i32>} : memref<2048x16xf32, #tpu.memory_space<vmem>>, vector<16xf32>,
        %broadcast_in_dim3A_488 = arith.constant 3 : i32
        %broadcast_in_dim3A_489 = vector.broadcast %broadcast_in_dim3A_488 : i32 to vector<16xi32>
        %lt3A_490 = arith.constant 0 : i32
        %lt3A_491 = vector.broadcast %lt3A_490 : i32 to vector<16xi32>
        %lt3A_492 = arith.cmpi slt, %broadcast_in_dim3A_489, %lt3A_491 : vector<16xi32>
        %add3A_493 = arith.constant 16 : i32
        %add3A_494 = vector.broadcast %add3A_493 : i32 to vector<16xi32>
        %add3A_495 = arith.addi %broadcast_in_dim3A_489, %add3A_494 : vector<16xi32>
        %select_n3A_496 = arith.select %lt3A_492, %add3A_495, %broadcast_in_dim3A_489 : vector<16xi1>, vector<16xi32>
        %reshape3A_497 = vector.shape_cast %select_n3A_496 : vector<16xi32> to vector<16x1xi32>
        %gather3A_498 = vector.shape_cast %reshape3A_497 : vector<16x1xi32> to vector<16xi32>
        %gather3A_499 = tpu.dynamic_gather %get3A_434[%gather3A_498] in [0] : vector<16xf32>, vector<16xi32> -> vector<16xf32>
        %mul3A_500 = arith.mulf %gather3A_499, %get3A_429 : vector<16xf32>
        %add3A_501 = arith.constant 3 : i32
        %add3A_502 = arith.addi %multiple_of3A_432, %add3A_501 : i32
        %swap3A_503 = arith.index_cast %add3A_502 : i32 to index
        %swap3A_504 = arith.constant 0 : index
        %swap3A_505 = tpu.vector_load %arg12[%swap3A_503, %swap3A_504] {strides = array<i32>} : memref<2048x16xf32, #tpu.memory_space<vmem>>, vector<16xf32>,
        tpu.vector_store %arg12[%swap3A_503, %swap3A_504], %mul3A_500 {strides = array<i32>} : memref<2048x16xf32, #tpu.memory_space<vmem>>, vector<16xf32>,
        %broadcast_in_dim3A_506 = arith.constant 4 : i32
        %broadcast_in_dim3A_507 = vector.broadcast %broadcast_in_dim3A_506 : i32 to vector<16xi32>
        %lt3A_508 = arith.constant 0 : i32
        %lt3A_509 = vector.broadcast %lt3A_508 : i32 to vector<16xi32>
        %lt3A_510 = arith.cmpi slt, %broadcast_in_dim3A_507, %lt3A_509 : vector<16xi32>
        %add3A_511 = arith.constant 16 : i32
        %add3A_512 = vector.broadcast %add3A_511 : i32 to vector<16xi32>
        %add3A_513 = arith.addi %broadcast_in_dim3A_507, %add3A_512 : vector<16xi32>
        %select_n3A_514 = arith.select %lt3A_510, %add3A_513, %broadcast_in_dim3A_507 : vector<16xi1>, vector<16xi32>
        %reshape3A_515 = vector.shape_cast %select_n3A_514 : vector<16xi32> to vector<16x1xi32>
        %gather3A_516 = vector.shape_cast %reshape3A_515 : vector<16x1xi32> to vector<16xi32>
        %gather3A_517 = tpu.dynamic_gather %get3A_434[%gather3A_516] in [0] : vector<16xf32>, vector<16xi32> -> vector<16xf32>
        %mul3A_518 = arith.mulf %gather3A_517, %get3A_429 : vector<16xf32>
        %add3A_519 = arith.constant 4 : i32
        %add3A_520 = arith.addi %multiple_of3A_432, %add3A_519 : i32
        %swap3A_521 = arith.index_cast %add3A_520 : i32 to index
        %swap3A_522 = arith.constant 0 : index
        %swap3A_523 = tpu.vector_load %arg12[%swap3A_521, %swap3A_522] {strides = array<i32>} : memref<2048x16xf32, #tpu.memory_space<vmem>>, vector<16xf32>,
        tpu.vector_store %arg12[%swap3A_521, %swap3A_522], %mul3A_518 {strides = array<i32>} : memref<2048x16xf32, #tpu.memory_space<vmem>>, vector<16xf32>,
        %broadcast_in_dim3A_524 = arith.constant 5 : i32
        %broadcast_in_dim3A_525 = vector.broadcast %broadcast_in_dim3A_524 : i32 to vector<16xi32>
        %lt3A_526 = arith.constant 0 : i32
        %lt3A_527 = vector.broadcast %lt3A_526 : i32 to vector<16xi32>
        %lt3A_528 = arith.cmpi slt, %broadcast_in_dim3A_525, %lt3A_527 : vector<16xi32>
        %add3A_529 = arith.constant 16 : i32
        %add3A_530 = vector.broadcast %add3A_529 : i32 to vector<16xi32>
        %add3A_531 = arith.addi %broadcast_in_dim3A_525, %add3A_530 : vector<16xi32>
        %select_n3A_532 = arith.select %lt3A_528, %add3A_531, %broadcast_in_dim3A_525 : vector<16xi1>, vector<16xi32>
        %reshape3A_533 = vector.shape_cast %select_n3A_532 : vector<16xi32> to vector<16x1xi32>
        %gather3A_534 = vector.shape_cast %reshape3A_533 : vector<16x1xi32> to vector<16xi32>
        %gather3A_535 = tpu.dynamic_gather %get3A_434[%gather3A_534] in [0] : vector<16xf32>, vector<16xi32> -> vector<16xf32>
        %mul3A_536 = arith.mulf %gather3A_535, %get3A_429 : vector<16xf32>
        %add3A_537 = arith.constant 5 : i32
        %add3A_538 = arith.addi %multiple_of3A_432, %add3A_537 : i32
        %swap3A_539 = arith.index_cast %add3A_538 : i32 to index
        %swap3A_540 = arith.constant 0 : index
        %swap3A_541 = tpu.vector_load %arg12[%swap3A_539, %swap3A_540] {strides = array<i32>} : memref<2048x16xf32, #tpu.memory_space<vmem>>, vector<16xf32>,
        tpu.vector_store %arg12[%swap3A_539, %swap3A_540], %mul3A_536 {strides = array<i32>} : memref<2048x16xf32, #tpu.memory_space<vmem>>, vector<16xf32>,
        %broadcast_in_dim3A_542 = arith.constant 6 : i32
        %broadcast_in_dim3A_543 = vector.broadcast %broadcast_in_dim3A_542 : i32 to vector<16xi32>
        %lt3A_544 = arith.constant 0 : i32
        %lt3A_545 = vector.broadcast %lt3A_544 : i32 to vector<16xi32>
        %lt3A_546 = arith.cmpi slt, %broadcast_in_dim3A_543, %lt3A_545 : vector<16xi32>
        %add3A_547 = arith.constant 16 : i32
        %add3A_548 = vector.broadcast %add3A_547 : i32 to vector<16xi32>
        %add3A_549 = arith.addi %broadcast_in_dim3A_543, %add3A_548 : vector<16xi32>
        %select_n3A_550 = arith.select %lt3A_546, %add3A_549, %broadcast_in_dim3A_543 : vector<16xi1>, vector<16xi32>
        %reshape3A_551 = vector.shape_cast %select_n3A_550 : vector<16xi32> to vector<16x1xi32>
        %gather3A_552 = vector.shape_cast %reshape3A_551 : vector<16x1xi32> to vector<16xi32>
        %gather3A_553 = tpu.dynamic_gather %get3A_434[%gather3A_552] in [0] : vector<16xf32>, vector<16xi32> -> vector<16xf32>
        %mul3A_554 = arith.mulf %gather3A_553, %get3A_429 : vector<16xf32>
        %add3A_555 = arith.constant 6 : i32
        %add3A_556 = arith.addi %multiple_of3A_432, %add3A_555 : i32
        %swap3A_557 = arith.index_cast %add3A_556 : i32 to index
        %swap3A_558 = arith.constant 0 : index
        %swap3A_559 = tpu.vector_load %arg12[%swap3A_557, %swap3A_558] {strides = array<i32>} : memref<2048x16xf32, #tpu.memory_space<vmem>>, vector<16xf32>,
        tpu.vector_store %arg12[%swap3A_557, %swap3A_558], %mul3A_554 {strides = array<i32>} : memref<2048x16xf32, #tpu.memory_space<vmem>>, vector<16xf32>,
        %broadcast_in_dim3A_560 = arith.constant 7 : i32
        %broadcast_in_dim3A_561 = vector.broadcast %broadcast_in_dim3A_560 : i32 to vector<16xi32>
        %lt3A_562 = arith.constant 0 : i32
        %lt3A_563 = vector.broadcast %lt3A_562 : i32 to vector<16xi32>
        %lt3A_564 = arith.cmpi slt, %broadcast_in_dim3A_561, %lt3A_563 : vector<16xi32>
        %add3A_565 = arith.constant 16 : i32
        %add3A_566 = vector.broadcast %add3A_565 : i32 to vector<16xi32>
        %add3A_567 = arith.addi %broadcast_in_dim3A_561, %add3A_566 : vector<16xi32>
        %select_n3A_568 = arith.select %lt3A_564, %add3A_567, %broadcast_in_dim3A_561 : vector<16xi1>, vector<16xi32>
        %reshape3A_569 = vector.shape_cast %select_n3A_568 : vector<16xi32> to vector<16x1xi32>
        %gather3A_570 = vector.shape_cast %reshape3A_569 : vector<16x1xi32> to vector<16xi32>
        %gather3A_571 = tpu.dynamic_gather %get3A_434[%gather3A_570] in [0] : vector<16xf32>, vector<16xi32> -> vector<16xf32>
        %mul3A_572 = arith.mulf %gather3A_571, %get3A_429 : vector<16xf32>
        %add3A_573 = arith.constant 7 : i32
        %add3A_574 = arith.addi %multiple_of3A_432, %add3A_573 : i32
        %swap3A_575 = arith.index_cast %add3A_574 : i32 to index
        %swap3A_576 = arith.constant 0 : index
        %swap3A_577 = tpu.vector_load %arg12[%swap3A_575, %swap3A_576] {strides = array<i32>} : memref<2048x16xf32, #tpu.memory_space<vmem>>, vector<16xf32>,
        tpu.vector_store %arg12[%swap3A_575, %swap3A_576], %mul3A_572 {strides = array<i32>} : memref<2048x16xf32, #tpu.memory_space<vmem>>, vector<16xf32>,
        %broadcast_in_dim3A_578 = arith.constant 8 : i32
        %broadcast_in_dim3A_579 = vector.broadcast %broadcast_in_dim3A_578 : i32 to vector<16xi32>
        %lt3A_580 = arith.constant 0 : i32
        %lt3A_581 = vector.broadcast %lt3A_580 : i32 to vector<16xi32>
        %lt3A_582 = arith.cmpi slt, %broadcast_in_dim3A_579, %lt3A_581 : vector<16xi32>
        %add3A_583 = arith.constant 16 : i32
        %add3A_584 = vector.broadcast %add3A_583 : i32 to vector<16xi32>
        %add3A_585 = arith.addi %broadcast_in_dim3A_579, %add3A_584 : vector<16xi32>
        %select_n3A_586 = arith.select %lt3A_582, %add3A_585, %broadcast_in_dim3A_579 : vector<16xi1>, vector<16xi32>
        %reshape3A_587 = vector.shape_cast %select_n3A_586 : vector<16xi32> to vector<16x1xi32>
        %gather3A_588 = vector.shape_cast %reshape3A_587 : vector<16x1xi32> to vector<16xi32>
        %gather3A_589 = tpu.dynamic_gather %get3A_434[%gather3A_588] in [0] : vector<16xf32>, vector<16xi32> -> vector<16xf32>
        %mul3A_590 = arith.mulf %gather3A_589, %get3A_429 : vector<16xf32>
        %add3A_591 = arith.constant 8 : i32
        %add3A_592 = arith.addi %multiple_of3A_432, %add3A_591 : i32
        %swap3A_593 = arith.index_cast %add3A_592 : i32 to index
        %swap3A_594 = arith.constant 0 : index
        %swap3A_595 = tpu.vector_load %arg12[%swap3A_593, %swap3A_594] {strides = array<i32>} : memref<2048x16xf32, #tpu.memory_space<vmem>>, vector<16xf32>,
        tpu.vector_store %arg12[%swap3A_593, %swap3A_594], %mul3A_590 {strides = array<i32>} : memref<2048x16xf32, #tpu.memory_space<vmem>>, vector<16xf32>,
        %broadcast_in_dim3A_596 = arith.constant 9 : i32
        %broadcast_in_dim3A_597 = vector.broadcast %broadcast_in_dim3A_596 : i32 to vector<16xi32>
        %lt3A_598 = arith.constant 0 : i32
        %lt3A_599 = vector.broadcast %lt3A_598 : i32 to vector<16xi32>
        %lt3A_600 = arith.cmpi slt, %broadcast_in_dim3A_597, %lt3A_599 : vector<16xi32>
        %add3A_601 = arith.constant 16 : i32
        %add3A_602 = vector.broadcast %add3A_601 : i32 to vector<16xi32>
        %add3A_603 = arith.addi %broadcast_in_dim3A_597, %add3A_602 : vector<16xi32>
        %select_n3A_604 = arith.select %lt3A_600, %add3A_603, %broadcast_in_dim3A_597 : vector<16xi1>, vector<16xi32>
        %reshape3A_605 = vector.shape_cast %select_n3A_604 : vector<16xi32> to vector<16x1xi32>
        %gather3A_606 = vector.shape_cast %reshape3A_605 : vector<16x1xi32> to vector<16xi32>
        %gather3A_607 = tpu.dynamic_gather %get3A_434[%gather3A_606] in [0] : vector<16xf32>, vector<16xi32> -> vector<16xf32>
        %mul3A_608 = arith.mulf %gather3A_607, %get3A_429 : vector<16xf32>
        %add3A_609 = arith.constant 9 : i32
        %add3A_610 = arith.addi %multiple_of3A_432, %add3A_609 : i32
        %swap3A_611 = arith.index_cast %add3A_610 : i32 to index
        %swap3A_612 = arith.constant 0 : index
        %swap3A_613 = tpu.vector_load %arg12[%swap3A_611, %swap3A_612] {strides = array<i32>} : memref<2048x16xf32, #tpu.memory_space<vmem>>, vector<16xf32>,
        tpu.vector_store %arg12[%swap3A_611, %swap3A_612], %mul3A_608 {strides = array<i32>} : memref<2048x16xf32, #tpu.memory_space<vmem>>, vector<16xf32>,
        %broadcast_in_dim3A_614 = arith.constant 10 : i32
        %broadcast_in_dim3A_615 = vector.broadcast %broadcast_in_dim3A_614 : i32 to vector<16xi32>
        %lt3A_616 = arith.constant 0 : i32
        %lt3A_617 = vector.broadcast %lt3A_616 : i32 to vector<16xi32>
        %lt3A_618 = arith.cmpi slt, %broadcast_in_dim3A_615, %lt3A_617 : vector<16xi32>
        %add3A_619 = arith.constant 16 : i32
        %add3A_620 = vector.broadcast %add3A_619 : i32 to vector<16xi32>
        %add3A_621 = arith.addi %broadcast_in_dim3A_615, %add3A_620 : vector<16xi32>
        %select_n3A_622 = arith.select %lt3A_618, %add3A_621, %broadcast_in_dim3A_615 : vector<16xi1>, vector<16xi32>
        %reshape3A_623 = vector.shape_cast %select_n3A_622 : vector<16xi32> to vector<16x1xi32>
        %gather3A_624 = vector.shape_cast %reshape3A_623 : vector<16x1xi32> to vector<16xi32>
        %gather3A_625 = tpu.dynamic_gather %get3A_434[%gather3A_624] in [0] : vector<16xf32>, vector<16xi32> -> vector<16xf32>
        %mul3A_626 = arith.mulf %gather3A_625, %get3A_429 : vector<16xf32>
        %add3A_627 = arith.constant 10 : i32
        %add3A_628 = arith.addi %multiple_of3A_432, %add3A_627 : i32
        %swap3A_629 = arith.index_cast %add3A_628 : i32 to index
        %swap3A_630 = arith.constant 0 : index
        %swap3A_631 = tpu.vector_load %arg12[%swap3A_629, %swap3A_630] {strides = array<i32>} : memref<2048x16xf32, #tpu.memory_space<vmem>>, vector<16xf32>,
        tpu.vector_store %arg12[%swap3A_629, %swap3A_630], %mul3A_626 {strides = array<i32>} : memref<2048x16xf32, #tpu.memory_space<vmem>>, vector<16xf32>,
        %broadcast_in_dim3A_632 = arith.constant 11 : i32
        %broadcast_in_dim3A_633 = vector.broadcast %broadcast_in_dim3A_632 : i32 to vector<16xi32>
        %lt3A_634 = arith.constant 0 : i32
        %lt3A_635 = vector.broadcast %lt3A_634 : i32 to vector<16xi32>
        %lt3A_636 = arith.cmpi slt, %broadcast_in_dim3A_633, %lt3A_635 : vector<16xi32>
        %add3A_637 = arith.constant 16 : i32
        %add3A_638 = vector.broadcast %add3A_637 : i32 to vector<16xi32>
        %add3A_639 = arith.addi %broadcast_in_dim3A_633, %add3A_638 : vector<16xi32>
        %select_n3A_640 = arith.select %lt3A_636, %add3A_639, %broadcast_in_dim3A_633 : vector<16xi1>, vector<16xi32>
        %reshape3A_641 = vector.shape_cast %select_n3A_640 : vector<16xi32> to vector<16x1xi32>
        %gather3A_642 = vector.shape_cast %reshape3A_641 : vector<16x1xi32> to vector<16xi32>
        %gather3A_643 = tpu.dynamic_gather %get3A_434[%gather3A_642] in [0] : vector<16xf32>, vector<16xi32> -> vector<16xf32>
        %mul3A_644 = arith.mulf %gather3A_643, %get3A_429 : vector<16xf32>
        %add3A_645 = arith.constant 11 : i32
        %add3A_646 = arith.addi %multiple_of3A_432, %add3A_645 : i32
        %swap3A_647 = arith.index_cast %add3A_646 : i32 to index
        %swap3A_648 = arith.constant 0 : index
        %swap3A_649 = tpu.vector_load %arg12[%swap3A_647, %swap3A_648] {strides = array<i32>} : memref<2048x16xf32, #tpu.memory_space<vmem>>, vector<16xf32>,
        tpu.vector_store %arg12[%swap3A_647, %swap3A_648], %mul3A_644 {strides = array<i32>} : memref<2048x16xf32, #tpu.memory_space<vmem>>, vector<16xf32>,
        %broadcast_in_dim3A_650 = arith.constant 12 : i32
        %broadcast_in_dim3A_651 = vector.broadcast %broadcast_in_dim3A_650 : i32 to vector<16xi32>
        %lt3A_652 = arith.constant 0 : i32
        %lt3A_653 = vector.broadcast %lt3A_652 : i32 to vector<16xi32>
        %lt3A_654 = arith.cmpi slt, %broadcast_in_dim3A_651, %lt3A_653 : vector<16xi32>
        %add3A_655 = arith.constant 16 : i32
        %add3A_656 = vector.broadcast %add3A_655 : i32 to vector<16xi32>
        %add3A_657 = arith.addi %broadcast_in_dim3A_651, %add3A_656 : vector<16xi32>
        %select_n3A_658 = arith.select %lt3A_654, %add3A_657, %broadcast_in_dim3A_651 : vector<16xi1>, vector<16xi32>
        %reshape3A_659 = vector.shape_cast %select_n3A_658 : vector<16xi32> to vector<16x1xi32>
        %gather3A_660 = vector.shape_cast %reshape3A_659 : vector<16x1xi32> to vector<16xi32>
        %gather3A_661 = tpu.dynamic_gather %get3A_434[%gather3A_660] in [0] : vector<16xf32>, vector<16xi32> -> vector<16xf32>
        %mul3A_662 = arith.mulf %gather3A_661, %get3A_429 : vector<16xf32>
        %add3A_663 = arith.constant 12 : i32
        %add3A_664 = arith.addi %multiple_of3A_432, %add3A_663 : i32
        %swap3A_665 = arith.index_cast %add3A_664 : i32 to index
        %swap3A_666 = arith.constant 0 : index
        %swap3A_667 = tpu.vector_load %arg12[%swap3A_665, %swap3A_666] {strides = array<i32>} : memref<2048x16xf32, #tpu.memory_space<vmem>>, vector<16xf32>,
        tpu.vector_store %arg12[%swap3A_665, %swap3A_666], %mul3A_662 {strides = array<i32>} : memref<2048x16xf32, #tpu.memory_space<vmem>>, vector<16xf32>,
        %broadcast_in_dim3A_668 = arith.constant 13 : i32
        %broadcast_in_dim3A_669 = vector.broadcast %broadcast_in_dim3A_668 : i32 to vector<16xi32>
        %lt3A_670 = arith.constant 0 : i32
        %lt3A_671 = vector.broadcast %lt3A_670 : i32 to vector<16xi32>
        %lt3A_672 = arith.cmpi slt, %broadcast_in_dim3A_669, %lt3A_671 : vector<16xi32>
        %add3A_673 = arith.constant 16 : i32
        %add3A_674 = vector.broadcast %add3A_673 : i32 to vector<16xi32>
        %add3A_675 = arith.addi %broadcast_in_dim3A_669, %add3A_674 : vector<16xi32>
        %select_n3A_676 = arith.select %lt3A_672, %add3A_675, %broadcast_in_dim3A_669 : vector<16xi1>, vector<16xi32>
        %reshape3A_677 = vector.shape_cast %select_n3A_676 : vector<16xi32> to vector<16x1xi32>
        %gather3A_678 = vector.shape_cast %reshape3A_677 : vector<16x1xi32> to vector<16xi32>
        %gather3A_679 = tpu.dynamic_gather %get3A_434[%gather3A_678] in [0] : vector<16xf32>, vector<16xi32> -> vector<16xf32>
        %mul3A_680 = arith.mulf %gather3A_679, %get3A_429 : vector<16xf32>
        %add3A_681 = arith.constant 13 : i32
        %add3A_682 = arith.addi %multiple_of3A_432, %add3A_681 : i32
        %swap3A_683 = arith.index_cast %add3A_682 : i32 to index
        %swap3A_684 = arith.constant 0 : index
        %swap3A_685 = tpu.vector_load %arg12[%swap3A_683, %swap3A_684] {strides = array<i32>} : memref<2048x16xf32, #tpu.memory_space<vmem>>, vector<16xf32>,
        tpu.vector_store %arg12[%swap3A_683, %swap3A_684], %mul3A_680 {strides = array<i32>} : memref<2048x16xf32, #tpu.memory_space<vmem>>, vector<16xf32>,
        %broadcast_in_dim3A_686 = arith.constant 14 : i32
        %broadcast_in_dim3A_687 = vector.broadcast %broadcast_in_dim3A_686 : i32 to vector<16xi32>
        %lt3A_688 = arith.constant 0 : i32
        %lt3A_689 = vector.broadcast %lt3A_688 : i32 to vector<16xi32>
        %lt3A_690 = arith.cmpi slt, %broadcast_in_dim3A_687, %lt3A_689 : vector<16xi32>
        %add3A_691 = arith.constant 16 : i32
        %add3A_692 = vector.broadcast %add3A_691 : i32 to vector<16xi32>
        %add3A_693 = arith.addi %broadcast_in_dim3A_687, %add3A_692 : vector<16xi32>
        %select_n3A_694 = arith.select %lt3A_690, %add3A_693, %broadcast_in_dim3A_687 : vector<16xi1>, vector<16xi32>
        %reshape3A_695 = vector.shape_cast %select_n3A_694 : vector<16xi32> to vector<16x1xi32>
        %gather3A_696 = vector.shape_cast %reshape3A_695 : vector<16x1xi32> to vector<16xi32>
        %gather3A_697 = tpu.dynamic_gather %get3A_434[%gather3A_696] in [0] : vector<16xf32>, vector<16xi32> -> vector<16xf32>
        %mul3A_698 = arith.mulf %gather3A_697, %get3A_429 : vector<16xf32>
        %add3A_699 = arith.constant 14 : i32
        %add3A_700 = arith.addi %multiple_of3A_432, %add3A_699 : i32
        %swap3A_701 = arith.index_cast %add3A_700 : i32 to index
        %swap3A_702 = arith.constant 0 : index
        %swap3A_703 = tpu.vector_load %arg12[%swap3A_701, %swap3A_702] {strides = array<i32>} : memref<2048x16xf32, #tpu.memory_space<vmem>>, vector<16xf32>,
        tpu.vector_store %arg12[%swap3A_701, %swap3A_702], %mul3A_698 {strides = array<i32>} : memref<2048x16xf32, #tpu.memory_space<vmem>>, vector<16xf32>,
        %broadcast_in_dim3A_704 = arith.constant 15 : i32
        %broadcast_in_dim3A_705 = vector.broadcast %broadcast_in_dim3A_704 : i32 to vector<16xi32>
        %lt3A_706 = arith.constant 0 : i32
        %lt3A_707 = vector.broadcast %lt3A_706 : i32 to vector<16xi32>
        %lt3A_708 = arith.cmpi slt, %broadcast_in_dim3A_705, %lt3A_707 : vector<16xi32>
        %add3A_709 = arith.constant 16 : i32
        %add3A_710 = vector.broadcast %add3A_709 : i32 to vector<16xi32>
        %add3A_711 = arith.addi %broadcast_in_dim3A_705, %add3A_710 : vector<16xi32>
        %select_n3A_712 = arith.select %lt3A_708, %add3A_711, %broadcast_in_dim3A_705 : vector<16xi1>, vector<16xi32>
        %reshape3A_713 = vector.shape_cast %select_n3A_712 : vector<16xi32> to vector<16x1xi32>
        %gather3A_714 = vector.shape_cast %reshape3A_713 : vector<16x1xi32> to vector<16xi32>
        %gather3A_715 = tpu.dynamic_gather %get3A_434[%gather3A_714] in [0] : vector<16xf32>, vector<16xi32> -> vector<16xf32>
        %mul3A_716 = arith.mulf %gather3A_715, %get3A_429 : vector<16xf32>
        %add3A_717 = arith.constant 15 : i32
        %add3A_718 = arith.addi %multiple_of3A_432, %add3A_717 : i32
        %swap3A_719 = arith.index_cast %add3A_718 : i32 to index
        %swap3A_720 = arith.constant 0 : index
        %swap3A_721 = tpu.vector_load %arg12[%swap3A_719, %swap3A_720] {strides = array<i32>} : memref<2048x16xf32, #tpu.memory_space<vmem>>, vector<16xf32>,
        tpu.vector_store %arg12[%swap3A_719, %swap3A_720], %mul3A_716 {strides = array<i32>} : memref<2048x16xf32, #tpu.memory_space<vmem>>, vector<16xf32>,
        %broadcast_in_dim3A_722 = arith.constant 0 : i32
        %broadcast_in_dim3A_723 = vector.broadcast %broadcast_in_dim3A_722 : i32 to vector<16xi32>
        %lt3A_724 = arith.constant 0 : i32
        %lt3A_725 = vector.broadcast %lt3A_724 : i32 to vector<16xi32>
        %lt3A_726 = arith.cmpi slt, %broadcast_in_dim3A_723, %lt3A_725 : vector<16xi32>
        %add3A_727 = arith.constant 16 : i32
        %add3A_728 = vector.broadcast %add3A_727 : i32 to vector<16xi32>
        %add3A_729 = arith.addi %broadcast_in_dim3A_723, %add3A_728 : vector<16xi32>
        %select_n3A_730 = arith.select %lt3A_726, %add3A_729, %broadcast_in_dim3A_723 : vector<16xi1>, vector<16xi32>
        %reshape3A_731 = vector.shape_cast %select_n3A_730 : vector<16xi32> to vector<16x1xi32>
        %gather3A_732 = vector.shape_cast %reshape3A_731 : vector<16x1xi32> to vector<16xi32>
        %gather3A_733 = tpu.dynamic_gather %get3A_438[%gather3A_732] in [0] : vector<16xf32>, vector<16xi32> -> vector<16xf32>
        %mul3A_734 = arith.mulf %gather3A_733, %get3A_429 : vector<16xf32>
        %add3A_735 = arith.constant 16 : i32
        %add3A_736 = arith.addi %multiple_of3A_432, %add3A_735 : i32
        %swap3A_737 = arith.index_cast %add3A_736 : i32 to index
        %swap3A_738 = arith.constant 0 : index
        %swap3A_739 = tpu.vector_load %arg12[%swap3A_737, %swap3A_738] {strides = array<i32>} : memref<2048x16xf32, #tpu.memory_space<vmem>>, vector<16xf32>,
        tpu.vector_store %arg12[%swap3A_737, %swap3A_738], %mul3A_734 {strides = array<i32>} : memref<2048x16xf32, #tpu.memory_space<vmem>>, vector<16xf32>,
        %broadcast_in_dim3A_740 = arith.constant 1 : i32
        %broadcast_in_dim3A_741 = vector.broadcast %broadcast_in_dim3A_740 : i32 to vector<16xi32>
        %lt3A_742 = arith.constant 0 : i32
        %lt3A_743 = vector.broadcast %lt3A_742 : i32 to vector<16xi32>
        %lt3A_744 = arith.cmpi slt, %broadcast_in_dim3A_741, %lt3A_743 : vector<16xi32>
        %add3A_745 = arith.constant 16 : i32
        %add3A_746 = vector.broadcast %add3A_745 : i32 to vector<16xi32>
        %add3A_747 = arith.addi %broadcast_in_dim3A_741, %add3A_746 : vector<16xi32>
        %select_n3A_748 = arith.select %lt3A_744, %add3A_747, %broadcast_in_dim3A_741 : vector<16xi1>, vector<16xi32>
        %reshape3A_749 = vector.shape_cast %select_n3A_748 : vector<16xi32> to vector<16x1xi32>
        %gather3A_750 = vector.shape_cast %reshape3A_749 : vector<16x1xi32> to vector<16xi32>
        %gather3A_751 = tpu.dynamic_gather %get3A_438[%gather3A_750] in [0] : vector<16xf32>, vector<16xi32> -> vector<16xf32>
        %mul3A_752 = arith.mulf %gather3A_751, %get3A_429 : vector<16xf32>
        %add3A_753 = arith.constant 17 : i32
        %add3A_754 = arith.addi %multiple_of3A_432, %add3A_753 : i32
        %swap3A_755 = arith.index_cast %add3A_754 : i32 to index
        %swap3A_756 = arith.constant 0 : index
        %swap3A_757 = tpu.vector_load %arg12[%swap3A_755, %swap3A_756] {strides = array<i32>} : memref<2048x16xf32, #tpu.memory_space<vmem>>, vector<16xf32>,
        tpu.vector_store %arg12[%swap3A_755, %swap3A_756], %mul3A_752 {strides = array<i32>} : memref<2048x16xf32, #tpu.memory_space<vmem>>, vector<16xf32>,
        %broadcast_in_dim3A_758 = arith.constant 2 : i32
        %broadcast_in_dim3A_759 = vector.broadcast %broadcast_in_dim3A_758 : i32 to vector<16xi32>
        %lt3A_760 = arith.constant 0 : i32
        %lt3A_761 = vector.broadcast %lt3A_760 : i32 to vector<16xi32>
        %lt3A_762 = arith.cmpi slt, %broadcast_in_dim3A_759, %lt3A_761 : vector<16xi32>
        %add3A_763 = arith.constant 16 : i32
        %add3A_764 = vector.broadcast %add3A_763 : i32 to vector<16xi32>
        %add3A_765 = arith.addi %broadcast_in_dim3A_759, %add3A_764 : vector<16xi32>
        %select_n3A_766 = arith.select %lt3A_762, %add3A_765, %broadcast_in_dim3A_759 : vector<16xi1>, vector<16xi32>
        %reshape3A_767 = vector.shape_cast %select_n3A_766 : vector<16xi32> to vector<16x1xi32>
        %gather3A_768 = vector.shape_cast %reshape3A_767 : vector<16x1xi32> to vector<16xi32>
        %gather3A_769 = tpu.dynamic_gather %get3A_438[%gather3A_768] in [0] : vector<16xf32>, vector<16xi32> -> vector<16xf32>
        %mul3A_770 = arith.mulf %gather3A_769, %get3A_429 : vector<16xf32>
        %add3A_771 = arith.constant 18 : i32
        %add3A_772 = arith.addi %multiple_of3A_432, %add3A_771 : i32
        %swap3A_773 = arith.index_cast %add3A_772 : i32 to index
        %swap3A_774 = arith.constant 0 : index
        %swap3A_775 = tpu.vector_load %arg12[%swap3A_773, %swap3A_774] {strides = array<i32>} : memref<2048x16xf32, #tpu.memory_space<vmem>>, vector<16xf32>,
        tpu.vector_store %arg12[%swap3A_773, %swap3A_774], %mul3A_770 {strides = array<i32>} : memref<2048x16xf32, #tpu.memory_space<vmem>>, vector<16xf32>,
        %broadcast_in_dim3A_776 = arith.constant 3 : i32
        %broadcast_in_dim3A_777 = vector.broadcast %broadcast_in_dim3A_776 : i32 to vector<16xi32>
        %lt3A_778 = arith.constant 0 : i32
        %lt3A_779 = vector.broadcast %lt3A_778 : i32 to vector<16xi32>
        %lt3A_780 = arith.cmpi slt, %broadcast_in_dim3A_777, %lt3A_779 : vector<16xi32>
        %add3A_781 = arith.constant 16 : i32
        %add3A_782 = vector.broadcast %add3A_781 : i32 to vector<16xi32>
        %add3A_783 = arith.addi %broadcast_in_dim3A_777, %add3A_782 : vector<16xi32>
        %select_n3A_784 = arith.select %lt3A_780, %add3A_783, %broadcast_in_dim3A_777 : vector<16xi1>, vector<16xi32>
        %reshape3A_785 = vector.shape_cast %select_n3A_784 : vector<16xi32> to vector<16x1xi32>
        %gather3A_786 = vector.shape_cast %reshape3A_785 : vector<16x1xi32> to vector<16xi32>
        %gather3A_787 = tpu.dynamic_gather %get3A_438[%gather3A_786] in [0] : vector<16xf32>, vector<16xi32> -> vector<16xf32>
        %mul3A_788 = arith.mulf %gather3A_787, %get3A_429 : vector<16xf32>
        %add3A_789 = arith.constant 19 : i32
        %add3A_790 = arith.addi %multiple_of3A_432, %add3A_789 : i32
        %swap3A_791 = arith.index_cast %add3A_790 : i32 to index
        %swap3A_792 = arith.constant 0 : index
        %swap3A_793 = tpu.vector_load %arg12[%swap3A_791, %swap3A_792] {strides = array<i32>} : memref<2048x16xf32, #tpu.memory_space<vmem>>, vector<16xf32>,
        tpu.vector_store %arg12[%swap3A_791, %swap3A_792], %mul3A_788 {strides = array<i32>} : memref<2048x16xf32, #tpu.memory_space<vmem>>, vector<16xf32>,
        %broadcast_in_dim3A_794 = arith.constant 4 : i32
        %broadcast_in_dim3A_795 = vector.broadcast %broadcast_in_dim3A_794 : i32 to vector<16xi32>
        %lt3A_796 = arith.constant 0 : i32
        %lt3A_797 = vector.broadcast %lt3A_796 : i32 to vector<16xi32>
        %lt3A_798 = arith.cmpi slt, %broadcast_in_dim3A_795, %lt3A_797 : vector<16xi32>
        %add3A_799 = arith.constant 16 : i32
        %add3A_800 = vector.broadcast %add3A_799 : i32 to vector<16xi32>
        %add3A_801 = arith.addi %broadcast_in_dim3A_795, %add3A_800 : vector<16xi32>
        %select_n3A_802 = arith.select %lt3A_798, %add3A_801, %broadcast_in_dim3A_795 : vector<16xi1>, vector<16xi32>
        %reshape3A_803 = vector.shape_cast %select_n3A_802 : vector<16xi32> to vector<16x1xi32>
        %gather3A_804 = vector.shape_cast %reshape3A_803 : vector<16x1xi32> to vector<16xi32>
        %gather3A_805 = tpu.dynamic_gather %get3A_438[%gather3A_804] in [0] : vector<16xf32>, vector<16xi32> -> vector<16xf32>
        %mul3A_806 = arith.mulf %gather3A_805, %get3A_429 : vector<16xf32>
        %add3A_807 = arith.constant 20 : i32
        %add3A_808 = arith.addi %multiple_of3A_432, %add3A_807 : i32
        %swap3A_809 = arith.index_cast %add3A_808 : i32 to index
        %swap3A_810 = arith.constant 0 : index
        %swap3A_811 = tpu.vector_load %arg12[%swap3A_809, %swap3A_810] {strides = array<i32>} : memref<2048x16xf32, #tpu.memory_space<vmem>>, vector<16xf32>,
        tpu.vector_store %arg12[%swap3A_809, %swap3A_810], %mul3A_806 {strides = array<i32>} : memref<2048x16xf32, #tpu.memory_space<vmem>>, vector<16xf32>,
        %broadcast_in_dim3A_812 = arith.constant 5 : i32
        %broadcast_in_dim3A_813 = vector.broadcast %broadcast_in_dim3A_812 : i32 to vector<16xi32>
        %lt3A_814 = arith.constant 0 : i32
        %lt3A_815 = vector.broadcast %lt3A_814 : i32 to vector<16xi32>
        %lt3A_816 = arith.cmpi slt, %broadcast_in_dim3A_813, %lt3A_815 : vector<16xi32>
        %add3A_817 = arith.constant 16 : i32
        %add3A_818 = vector.broadcast %add3A_817 : i32 to vector<16xi32>
        %add3A_819 = arith.addi %broadcast_in_dim3A_813, %add3A_818 : vector<16xi32>
        %select_n3A_820 = arith.select %lt3A_816, %add3A_819, %broadcast_in_dim3A_813 : vector<16xi1>, vector<16xi32>
        %reshape3A_821 = vector.shape_cast %select_n3A_820 : vector<16xi32> to vector<16x1xi32>
        %gather3A_822 = vector.shape_cast %reshape3A_821 : vector<16x1xi32> to vector<16xi32>
        %gather3A_823 = tpu.dynamic_gather %get3A_438[%gather3A_822] in [0] : vector<16xf32>, vector<16xi32> -> vector<16xf32>
        %mul3A_824 = arith.mulf %gather3A_823, %get3A_429 : vector<16xf32>
        %add3A_825 = arith.constant 21 : i32
        %add3A_826 = arith.addi %multiple_of3A_432, %add3A_825 : i32
        %swap3A_827 = arith.index_cast %add3A_826 : i32 to index
        %swap3A_828 = arith.constant 0 : index
        %swap3A_829 = tpu.vector_load %arg12[%swap3A_827, %swap3A_828] {strides = array<i32>} : memref<2048x16xf32, #tpu.memory_space<vmem>>, vector<16xf32>,
        tpu.vector_store %arg12[%swap3A_827, %swap3A_828], %mul3A_824 {strides = array<i32>} : memref<2048x16xf32, #tpu.memory_space<vmem>>, vector<16xf32>,
        %broadcast_in_dim3A_830 = arith.constant 6 : i32
        %broadcast_in_dim3A_831 = vector.broadcast %broadcast_in_dim3A_830 : i32 to vector<16xi32>
        %lt3A_832 = arith.constant 0 : i32
        %lt3A_833 = vector.broadcast %lt3A_832 : i32 to vector<16xi32>
        %lt3A_834 = arith.cmpi slt, %broadcast_in_dim3A_831, %lt3A_833 : vector<16xi32>
        %add3A_835 = arith.constant 16 : i32
        %add3A_836 = vector.broadcast %add3A_835 : i32 to vector<16xi32>
        %add3A_837 = arith.addi %broadcast_in_dim3A_831, %add3A_836 : vector<16xi32>
        %select_n3A_838 = arith.select %lt3A_834, %add3A_837, %broadcast_in_dim3A_831 : vector<16xi1>, vector<16xi32>
        %reshape3A_839 = vector.shape_cast %select_n3A_838 : vector<16xi32> to vector<16x1xi32>
        %gather3A_840 = vector.shape_cast %reshape3A_839 : vector<16x1xi32> to vector<16xi32>
        %gather3A_841 = tpu.dynamic_gather %get3A_438[%gather3A_840] in [0] : vector<16xf32>, vector<16xi32> -> vector<16xf32>
        %mul3A_842 = arith.mulf %gather3A_841, %get3A_429 : vector<16xf32>
        %add3A_843 = arith.constant 22 : i32
        %add3A_844 = arith.addi %multiple_of3A_432, %add3A_843 : i32
        %swap3A_845 = arith.index_cast %add3A_844 : i32 to index
        %swap3A_846 = arith.constant 0 : index
        %swap3A_847 = tpu.vector_load %arg12[%swap3A_845, %swap3A_846] {strides = array<i32>} : memref<2048x16xf32, #tpu.memory_space<vmem>>, vector<16xf32>,
        tpu.vector_store %arg12[%swap3A_845, %swap3A_846], %mul3A_842 {strides = array<i32>} : memref<2048x16xf32, #tpu.memory_space<vmem>>, vector<16xf32>,
        %broadcast_in_dim3A_848 = arith.constant 7 : i32
        %broadcast_in_dim3A_849 = vector.broadcast %broadcast_in_dim3A_848 : i32 to vector<16xi32>
        %lt3A_850 = arith.constant 0 : i32
        %lt3A_851 = vector.broadcast %lt3A_850 : i32 to vector<16xi32>
        %lt3A_852 = arith.cmpi slt, %broadcast_in_dim3A_849, %lt3A_851 : vector<16xi32>
        %add3A_853 = arith.constant 16 : i32
        %add3A_854 = vector.broadcast %add3A_853 : i32 to vector<16xi32>
        %add3A_855 = arith.addi %broadcast_in_dim3A_849, %add3A_854 : vector<16xi32>
        %select_n3A_856 = arith.select %lt3A_852, %add3A_855, %broadcast_in_dim3A_849 : vector<16xi1>, vector<16xi32>
        %reshape3A_857 = vector.shape_cast %select_n3A_856 : vector<16xi32> to vector<16x1xi32>
        %gather3A_858 = vector.shape_cast %reshape3A_857 : vector<16x1xi32> to vector<16xi32>
        %gather3A_859 = tpu.dynamic_gather %get3A_438[%gather3A_858] in [0] : vector<16xf32>, vector<16xi32> -> vector<16xf32>
        %mul3A_860 = arith.mulf %gather3A_859, %get3A_429 : vector<16xf32>
        %add3A_861 = arith.constant 23 : i32
        %add3A_862 = arith.addi %multiple_of3A_432, %add3A_861 : i32
        %swap3A_863 = arith.index_cast %add3A_862 : i32 to index
        %swap3A_864 = arith.constant 0 : index
        %swap3A_865 = tpu.vector_load %arg12[%swap3A_863, %swap3A_864] {strides = array<i32>} : memref<2048x16xf32, #tpu.memory_space<vmem>>, vector<16xf32>,
        tpu.vector_store %arg12[%swap3A_863, %swap3A_864], %mul3A_860 {strides = array<i32>} : memref<2048x16xf32, #tpu.memory_space<vmem>>, vector<16xf32>,
        %broadcast_in_dim3A_866 = arith.constant 8 : i32
        %broadcast_in_dim3A_867 = vector.broadcast %broadcast_in_dim3A_866 : i32 to vector<16xi32>
        %lt3A_868 = arith.constant 0 : i32
        %lt3A_869 = vector.broadcast %lt3A_868 : i32 to vector<16xi32>
        %lt3A_870 = arith.cmpi slt, %broadcast_in_dim3A_867, %lt3A_869 : vector<16xi32>
        %add3A_871 = arith.constant 16 : i32
        %add3A_872 = vector.broadcast %add3A_871 : i32 to vector<16xi32>
        %add3A_873 = arith.addi %broadcast_in_dim3A_867, %add3A_872 : vector<16xi32>
        %select_n3A_874 = arith.select %lt3A_870, %add3A_873, %broadcast_in_dim3A_867 : vector<16xi1>, vector<16xi32>
        %reshape3A_875 = vector.shape_cast %select_n3A_874 : vector<16xi32> to vector<16x1xi32>
        %gather3A_876 = vector.shape_cast %reshape3A_875 : vector<16x1xi32> to vector<16xi32>
        %gather3A_877 = tpu.dynamic_gather %get3A_438[%gather3A_876] in [0] : vector<16xf32>, vector<16xi32> -> vector<16xf32>
        %mul3A_878 = arith.mulf %gather3A_877, %get3A_429 : vector<16xf32>
        %add3A_879 = arith.constant 24 : i32
        %add3A_880 = arith.addi %multiple_of3A_432, %add3A_879 : i32
        %swap3A_881 = arith.index_cast %add3A_880 : i32 to index
        %swap3A_882 = arith.constant 0 : index
        %swap3A_883 = tpu.vector_load %arg12[%swap3A_881, %swap3A_882] {strides = array<i32>} : memref<2048x16xf32, #tpu.memory_space<vmem>>, vector<16xf32>,
        tpu.vector_store %arg12[%swap3A_881, %swap3A_882], %mul3A_878 {strides = array<i32>} : memref<2048x16xf32, #tpu.memory_space<vmem>>, vector<16xf32>,
        %broadcast_in_dim3A_884 = arith.constant 9 : i32
        %broadcast_in_dim3A_885 = vector.broadcast %broadcast_in_dim3A_884 : i32 to vector<16xi32>
        %lt3A_886 = arith.constant 0 : i32
        %lt3A_887 = vector.broadcast %lt3A_886 : i32 to vector<16xi32>
        %lt3A_888 = arith.cmpi slt, %broadcast_in_dim3A_885, %lt3A_887 : vector<16xi32>
        %add3A_889 = arith.constant 16 : i32
        %add3A_890 = vector.broadcast %add3A_889 : i32 to vector<16xi32>
        %add3A_891 = arith.addi %broadcast_in_dim3A_885, %add3A_890 : vector<16xi32>
        %select_n3A_892 = arith.select %lt3A_888, %add3A_891, %broadcast_in_dim3A_885 : vector<16xi1>, vector<16xi32>
        %reshape3A_893 = vector.shape_cast %select_n3A_892 : vector<16xi32> to vector<16x1xi32>
        %gather3A_894 = vector.shape_cast %reshape3A_893 : vector<16x1xi32> to vector<16xi32>
        %gather3A_895 = tpu.dynamic_gather %get3A_438[%gather3A_894] in [0] : vector<16xf32>, vector<16xi32> -> vector<16xf32>
        %mul3A_896 = arith.mulf %gather3A_895, %get3A_429 : vector<16xf32>
        %add3A_897 = arith.constant 25 : i32
        %add3A_898 = arith.addi %multiple_of3A_432, %add3A_897 : i32
        %swap3A_899 = arith.index_cast %add3A_898 : i32 to index
        %swap3A_900 = arith.constant 0 : index
        %swap3A_901 = tpu.vector_load %arg12[%swap3A_899, %swap3A_900] {strides = array<i32>} : memref<2048x16xf32, #tpu.memory_space<vmem>>, vector<16xf32>,
        tpu.vector_store %arg12[%swap3A_899, %swap3A_900], %mul3A_896 {strides = array<i32>} : memref<2048x16xf32, #tpu.memory_space<vmem>>, vector<16xf32>,
        %broadcast_in_dim3A_902 = arith.constant 10 : i32
        %broadcast_in_dim3A_903 = vector.broadcast %broadcast_in_dim3A_902 : i32 to vector<16xi32>
        %lt3A_904 = arith.constant 0 : i32
        %lt3A_905 = vector.broadcast %lt3A_904 : i32 to vector<16xi32>
        %lt3A_906 = arith.cmpi slt, %broadcast_in_dim3A_903, %lt3A_905 : vector<16xi32>
        %add3A_907 = arith.constant 16 : i32
        %add3A_908 = vector.broadcast %add3A_907 : i32 to vector<16xi32>
        %add3A_909 = arith.addi %broadcast_in_dim3A_903, %add3A_908 : vector<16xi32>
        %select_n3A_910 = arith.select %lt3A_906, %add3A_909, %broadcast_in_dim3A_903 : vector<16xi1>, vector<16xi32>
        %reshape3A_911 = vector.shape_cast %select_n3A_910 : vector<16xi32> to vector<16x1xi32>
        %gather3A_912 = vector.shape_cast %reshape3A_911 : vector<16x1xi32> to vector<16xi32>
        %gather3A_913 = tpu.dynamic_gather %get3A_438[%gather3A_912] in [0] : vector<16xf32>, vector<16xi32> -> vector<16xf32>
        %mul3A_914 = arith.mulf %gather3A_913, %get3A_429 : vector<16xf32>
        %add3A_915 = arith.constant 26 : i32
        %add3A_916 = arith.addi %multiple_of3A_432, %add3A_915 : i32
        %swap3A_917 = arith.index_cast %add3A_916 : i32 to index
        %swap3A_918 = arith.constant 0 : index
        %swap3A_919 = tpu.vector_load %arg12[%swap3A_917, %swap3A_918] {strides = array<i32>} : memref<2048x16xf32, #tpu.memory_space<vmem>>, vector<16xf32>,
        tpu.vector_store %arg12[%swap3A_917, %swap3A_918], %mul3A_914 {strides = array<i32>} : memref<2048x16xf32, #tpu.memory_space<vmem>>, vector<16xf32>,
        %broadcast_in_dim3A_920 = arith.constant 11 : i32
        %broadcast_in_dim3A_921 = vector.broadcast %broadcast_in_dim3A_920 : i32 to vector<16xi32>
        %lt3A_922 = arith.constant 0 : i32
        %lt3A_923 = vector.broadcast %lt3A_922 : i32 to vector<16xi32>
        %lt3A_924 = arith.cmpi slt, %broadcast_in_dim3A_921, %lt3A_923 : vector<16xi32>
        %add3A_925 = arith.constant 16 : i32
        %add3A_926 = vector.broadcast %add3A_925 : i32 to vector<16xi32>
        %add3A_927 = arith.addi %broadcast_in_dim3A_921, %add3A_926 : vector<16xi32>
        %select_n3A_928 = arith.select %lt3A_924, %add3A_927, %broadcast_in_dim3A_921 : vector<16xi1>, vector<16xi32>
        %reshape3A_929 = vector.shape_cast %select_n3A_928 : vector<16xi32> to vector<16x1xi32>
        %gather3A_930 = vector.shape_cast %reshape3A_929 : vector<16x1xi32> to vector<16xi32>
        %gather3A_931 = tpu.dynamic_gather %get3A_438[%gather3A_930] in [0] : vector<16xf32>, vector<16xi32> -> vector<16xf32>
        %mul3A_932 = arith.mulf %gather3A_931, %get3A_429 : vector<16xf32>
        %add3A_933 = arith.constant 27 : i32
        %add3A_934 = arith.addi %multiple_of3A_432, %add3A_933 : i32
        %swap3A_935 = arith.index_cast %add3A_934 : i32 to index
        %swap3A_936 = arith.constant 0 : index
        %swap3A_937 = tpu.vector_load %arg12[%swap3A_935, %swap3A_936] {strides = array<i32>} : memref<2048x16xf32, #tpu.memory_space<vmem>>, vector<16xf32>,
        tpu.vector_store %arg12[%swap3A_935, %swap3A_936], %mul3A_932 {strides = array<i32>} : memref<2048x16xf32, #tpu.memory_space<vmem>>, vector<16xf32>,
        %broadcast_in_dim3A_938 = arith.constant 12 : i32
        %broadcast_in_dim3A_939 = vector.broadcast %broadcast_in_dim3A_938 : i32 to vector<16xi32>
        %lt3A_940 = arith.constant 0 : i32
        %lt3A_941 = vector.broadcast %lt3A_940 : i32 to vector<16xi32>
        %lt3A_942 = arith.cmpi slt, %broadcast_in_dim3A_939, %lt3A_941 : vector<16xi32>
        %add3A_943 = arith.constant 16 : i32
        %add3A_944 = vector.broadcast %add3A_943 : i32 to vector<16xi32>
        %add3A_945 = arith.addi %broadcast_in_dim3A_939, %add3A_944 : vector<16xi32>
        %select_n3A_946 = arith.select %lt3A_942, %add3A_945, %broadcast_in_dim3A_939 : vector<16xi1>, vector<16xi32>
        %reshape3A_947 = vector.shape_cast %select_n3A_946 : vector<16xi32> to vector<16x1xi32>
        %gather3A_948 = vector.shape_cast %reshape3A_947 : vector<16x1xi32> to vector<16xi32>
        %gather3A_949 = tpu.dynamic_gather %get3A_438[%gather3A_948] in [0] : vector<16xf32>, vector<16xi32> -> vector<16xf32>
        %mul3A_950 = arith.mulf %gather3A_949, %get3A_429 : vector<16xf32>
        %add3A_951 = arith.constant 28 : i32
        %add3A_952 = arith.addi %multiple_of3A_432, %add3A_951 : i32
        %swap3A_953 = arith.index_cast %add3A_952 : i32 to index
        %swap3A_954 = arith.constant 0 : index
        %swap3A_955 = tpu.vector_load %arg12[%swap3A_953, %swap3A_954] {strides = array<i32>} : memref<2048x16xf32, #tpu.memory_space<vmem>>, vector<16xf32>,
        tpu.vector_store %arg12[%swap3A_953, %swap3A_954], %mul3A_950 {strides = array<i32>} : memref<2048x16xf32, #tpu.memory_space<vmem>>, vector<16xf32>,
        %broadcast_in_dim3A_956 = arith.constant 13 : i32
        %broadcast_in_dim3A_957 = vector.broadcast %broadcast_in_dim3A_956 : i32 to vector<16xi32>
        %lt3A_958 = arith.constant 0 : i32
        %lt3A_959 = vector.broadcast %lt3A_958 : i32 to vector<16xi32>
        %lt3A_960 = arith.cmpi slt, %broadcast_in_dim3A_957, %lt3A_959 : vector<16xi32>
        %add3A_961 = arith.constant 16 : i32
        %add3A_962 = vector.broadcast %add3A_961 : i32 to vector<16xi32>
        %add3A_963 = arith.addi %broadcast_in_dim3A_957, %add3A_962 : vector<16xi32>
        %select_n3A_964 = arith.select %lt3A_960, %add3A_963, %broadcast_in_dim3A_957 : vector<16xi1>, vector<16xi32>
        %reshape3A_965 = vector.shape_cast %select_n3A_964 : vector<16xi32> to vector<16x1xi32>
        %gather3A_966 = vector.shape_cast %reshape3A_965 : vector<16x1xi32> to vector<16xi32>
        %gather3A_967 = tpu.dynamic_gather %get3A_438[%gather3A_966] in [0] : vector<16xf32>, vector<16xi32> -> vector<16xf32>
        %mul3A_968 = arith.mulf %gather3A_967, %get3A_429 : vector<16xf32>
        %add3A_969 = arith.constant 29 : i32
        %add3A_970 = arith.addi %multiple_of3A_432, %add3A_969 : i32
        %swap3A_971 = arith.index_cast %add3A_970 : i32 to index
        %swap3A_972 = arith.constant 0 : index
        %swap3A_973 = tpu.vector_load %arg12[%swap3A_971, %swap3A_972] {strides = array<i32>} : memref<2048x16xf32, #tpu.memory_space<vmem>>, vector<16xf32>,
        tpu.vector_store %arg12[%swap3A_971, %swap3A_972], %mul3A_968 {strides = array<i32>} : memref<2048x16xf32, #tpu.memory_space<vmem>>, vector<16xf32>,
        %broadcast_in_dim3A_974 = arith.constant 14 : i32
        %broadcast_in_dim3A_975 = vector.broadcast %broadcast_in_dim3A_974 : i32 to vector<16xi32>
        %lt3A_976 = arith.constant 0 : i32
        %lt3A_977 = vector.broadcast %lt3A_976 : i32 to vector<16xi32>
        %lt3A_978 = arith.cmpi slt, %broadcast_in_dim3A_975, %lt3A_977 : vector<16xi32>
        %add3A_979 = arith.constant 16 : i32
        %add3A_980 = vector.broadcast %add3A_979 : i32 to vector<16xi32>
        %add3A_981 = arith.addi %broadcast_in_dim3A_975, %add3A_980 : vector<16xi32>
        %select_n3A_982 = arith.select %lt3A_978, %add3A_981, %broadcast_in_dim3A_975 : vector<16xi1>, vector<16xi32>
        %reshape3A_983 = vector.shape_cast %select_n3A_982 : vector<16xi32> to vector<16x1xi32>
        %gather3A_984 = vector.shape_cast %reshape3A_983 : vector<16x1xi32> to vector<16xi32>
        %gather3A_985 = tpu.dynamic_gather %get3A_438[%gather3A_984] in [0] : vector<16xf32>, vector<16xi32> -> vector<16xf32>
        %mul3A_986 = arith.mulf %gather3A_985, %get3A_429 : vector<16xf32>
        %add3A_987 = arith.constant 30 : i32
        %add3A_988 = arith.addi %multiple_of3A_432, %add3A_987 : i32
        %swap3A_989 = arith.index_cast %add3A_988 : i32 to index
        %swap3A_990 = arith.constant 0 : index
        %swap3A_991 = tpu.vector_load %arg12[%swap3A_989, %swap3A_990] {strides = array<i32>} : memref<2048x16xf32, #tpu.memory_space<vmem>>, vector<16xf32>,
        tpu.vector_store %arg12[%swap3A_989, %swap3A_990], %mul3A_986 {strides = array<i32>} : memref<2048x16xf32, #tpu.memory_space<vmem>>, vector<16xf32>,
        %broadcast_in_dim3A_992 = arith.constant 15 : i32
        %broadcast_in_dim3A_993 = vector.broadcast %broadcast_in_dim3A_992 : i32 to vector<16xi32>
        %lt3A_994 = arith.constant 0 : i32
        %lt3A_995 = vector.broadcast %lt3A_994 : i32 to vector<16xi32>
        %lt3A_996 = arith.cmpi slt, %broadcast_in_dim3A_993, %lt3A_995 : vector<16xi32>
        %add3A_997 = arith.constant 16 : i32
        %add3A_998 = vector.broadcast %add3A_997 : i32 to vector<16xi32>
        %add3A_999 = arith.addi %broadcast_in_dim3A_993, %add3A_998 : vector<16xi32>
        %select_n3A_1000 = arith.select %lt3A_996, %add3A_999, %broadcast_in_dim3A_993 : vector<16xi1>, vector<16xi32>
        %reshape3A_1001 = vector.shape_cast %select_n3A_1000 : vector<16xi32> to vector<16x1xi32>
        %gather3A_1002 = vector.shape_cast %reshape3A_1001 : vector<16x1xi32> to vector<16xi32>
        %gather3A_1003 = tpu.dynamic_gather %get3A_438[%gather3A_1002] in [0] : vector<16xf32>, vector<16xi32> -> vector<16xf32>
        %mul3A_1004 = arith.mulf %gather3A_1003, %get3A_429 : vector<16xf32>
        %add3A_1005 = arith.constant 31 : i32
        %add3A_1006 = arith.addi %multiple_of3A_432, %add3A_1005 : i32
        %swap3A_1007 = arith.index_cast %add3A_1006 : i32 to index
        %swap3A_1008 = arith.constant 0 : index
        %swap3A_1009 = tpu.vector_load %arg12[%swap3A_1007, %swap3A_1008] {strides = array<i32>} : memref<2048x16xf32, #tpu.memory_space<vmem>>, vector<16xf32>,
        tpu.vector_store %arg12[%swap3A_1007, %swap3A_1008], %mul3A_1004 {strides = array<i32>} : memref<2048x16xf32, #tpu.memory_space<vmem>>, vector<16xf32>,
      }
      %scan3A_260 = arith.constant 64 : i32
      %dma_wait3A_261 = arith.constant 0 : i32
      %dma_wait3A_262 = arith.constant 0 : i32
      %dma_wait3A_263 = tpu.memref_slice %arg2[%dma_wait3A_261, %dma_wait3A_262] : memref<65536x16xf32, #tpu.memory_space<hbm>> -> memref<2048x16xf32, #tpu.memory_space<hbm>>
      %dma_wait3A_264 = arith.constant 0 : i32
      %dma_wait3A_265 = arith.constant 0 : i32
      %dma_wait3A_266 = tpu.memref_slice %arg2[%dma_wait3A_264, %dma_wait3A_265] : memref<65536x16xf32, #tpu.memory_space<hbm>> -> memref<2048x16xf32, #tpu.memory_space<hbm>>
      tpu.wait_dma2 semaphore(%arg14 : memref<!tpu.dma_semaphore, #tpu.memory_space<semaphore_mem>>) src(%dma_wait3A_266 : memref<2048x16xf32, #tpu.memory_space<hbm>>) dst(%arg11 : memref<2048x16xf32, #tpu.memory_space<vmem>>)
      %dma_start3A_267 = arith.constant 0 : i32
      %dma_start3A_268 = arith.constant 0 : i32
      %dma_start3A_269 = arith.constant 0 : i32
      %dma_start3A_270 = tpu.memref_slice %arg12[%dma_start3A_268, %dma_start3A_269] : memref<2048x16xf32, #tpu.memory_space<vmem>> -> memref<128x16xf32, #tpu.memory_space<vmem>>
      %dma_start3A_271 = arith.constant 0 : i32
      %dma_start3A_272 = tpu.memref_slice %arg8[%dma_start3A_267, %dma_start3A_271] : memref<16x128xi32, #tpu.memory_space<vmem>> -> memref<1x128xi32, #tpu.memory_space<vmem>>
      %dma_start3A_273 = tpu.memref_squeeze %dma_start3A_272 : memref<1x128xi32, #tpu.memory_space<vmem>> -> memref<128xi32, #tpu.memory_space<vmem>>
      %dma_start3A_274 = arith.constant 0 : i32
      %dma_start3A_275 = arith.constant 0 : i32
      %dma_start3A_276 = tpu.memref_slice %arg13[%dma_start3A_274, %dma_start3A_275] : memref<32768x16xf32, #tpu.memory_space<vmem_shared>> -> memref<32768x16xf32, #tpu.memory_space<vmem_shared>>
      tpu.enqueue_indirect_dma source(%dma_start3A_270 : memref<128x16xf32, #tpu.memory_space<vmem>>) target(%dma_start3A_276 : memref<32768x16xf32, #tpu.memory_space<vmem_shared>>) offsets(%dma_start3A_273 : memref<128xi32, #tpu.memory_space<vmem>>) semaphore(%arg15 : memref<!tpu.dma_semaphore, #tpu.memory_space<semaphore_mem>>) {add = true}
      %dma_start3A_277 = arith.constant 1 : i32
      %dma_start3A_278 = arith.constant 128 : i32
      %dma_start3A_279 = arith.constant 0 : i32
      %dma_start3A_280 = tpu.memref_slice %arg12[%dma_start3A_278, %dma_start3A_279] : memref<2048x16xf32, #tpu.memory_space<vmem>> -> memref<128x16xf32, #tpu.memory_space<vmem>>
      %dma_start3A_281 = arith.constant 0 : i32
      %dma_start3A_282 = tpu.memref_slice %arg8[%dma_start3A_277, %dma_start3A_281] : memref<16x128xi32, #tpu.memory_space<vmem>> -> memref<1x128xi32, #tpu.memory_space<vmem>>
      %dma_start3A_283 = tpu.memref_squeeze %dma_start3A_282 : memref<1x128xi32, #tpu.memory_space<vmem>> -> memref<128xi32, #tpu.memory_space<vmem>>
      %dma_start3A_284 = arith.constant 0 : i32
      %dma_start3A_285 = arith.constant 0 : i32
      %dma_start3A_286 = tpu.memref_slice %arg13[%dma_start3A_284, %dma_start3A_285] : memref<32768x16xf32, #tpu.memory_space<vmem_shared>> -> memref<32768x16xf32, #tpu.memory_space<vmem_shared>>
      tpu.enqueue_indirect_dma source(%dma_start3A_280 : memref<128x16xf32, #tpu.memory_space<vmem>>) target(%dma_start3A_286 : memref<32768x16xf32, #tpu.memory_space<vmem_shared>>) offsets(%dma_start3A_283 : memref<128xi32, #tpu.memory_space<vmem>>) semaphore(%arg15 : memref<!tpu.dma_semaphore, #tpu.memory_space<semaphore_mem>>) {add = true}
      %dma_start3A_287 = arith.constant 2 : i32
      %dma_start3A_288 = arith.constant 256 : i32
      %dma_start3A_289 = arith.constant 0 : i32
      %dma_start3A_290 = tpu.memref_slice %arg12[%dma_start3A_288, %dma_start3A_289] : memref<2048x16xf32, #tpu.memory_space<vmem>> -> memref<128x16xf32, #tpu.memory_space<vmem>>
      %dma_start3A_291 = arith.constant 0 : i32
      %dma_start3A_292 = tpu.memref_slice %arg8[%dma_start3A_287, %dma_start3A_291] : memref<16x128xi32, #tpu.memory_space<vmem>> -> memref<1x128xi32, #tpu.memory_space<vmem>>
      %dma_start3A_293 = tpu.memref_squeeze %dma_start3A_292 : memref<1x128xi32, #tpu.memory_space<vmem>> -> memref<128xi32, #tpu.memory_space<vmem>>
      %dma_start3A_294 = arith.constant 0 : i32
      %dma_start3A_295 = arith.constant 0 : i32
      %dma_start3A_296 = tpu.memref_slice %arg13[%dma_start3A_294, %dma_start3A_295] : memref<32768x16xf32, #tpu.memory_space<vmem_shared>> -> memref<32768x16xf32, #tpu.memory_space<vmem_shared>>
      tpu.enqueue_indirect_dma source(%dma_start3A_290 : memref<128x16xf32, #tpu.memory_space<vmem>>) target(%dma_start3A_296 : memref<32768x16xf32, #tpu.memory_space<vmem_shared>>) offsets(%dma_start3A_293 : memref<128xi32, #tpu.memory_space<vmem>>) semaphore(%arg15 : memref<!tpu.dma_semaphore, #tpu.memory_space<semaphore_mem>>) {add = true}
      %dma_start3A_297 = arith.constant 3 : i32
      %dma_start3A_298 = arith.constant 384 : i32
      %dma_start3A_299 = arith.constant 0 : i32
      %dma_start3A_300 = tpu.memref_slice %arg12[%dma_start3A_298, %dma_start3A_299] : memref<2048x16xf32, #tpu.memory_space<vmem>> -> memref<128x16xf32, #tpu.memory_space<vmem>>
      %dma_start3A_301 = arith.constant 0 : i32
      %dma_start3A_302 = tpu.memref_slice %arg8[%dma_start3A_297, %dma_start3A_301] : memref<16x128xi32, #tpu.memory_space<vmem>> -> memref<1x128xi32, #tpu.memory_space<vmem>>
      %dma_start3A_303 = tpu.memref_squeeze %dma_start3A_302 : memref<1x128xi32, #tpu.memory_space<vmem>> -> memref<128xi32, #tpu.memory_space<vmem>>
      %dma_start3A_304 = arith.constant 0 : i32
      %dma_start3A_305 = arith.constant 0 : i32
      %dma_start3A_306 = tpu.memref_slice %arg13[%dma_start3A_304, %dma_start3A_305] : memref<32768x16xf32, #tpu.memory_space<vmem_shared>> -> memref<32768x16xf32, #tpu.memory_space<vmem_shared>>
      tpu.enqueue_indirect_dma source(%dma_start3A_300 : memref<128x16xf32, #tpu.memory_space<vmem>>) target(%dma_start3A_306 : memref<32768x16xf32, #tpu.memory_space<vmem_shared>>) offsets(%dma_start3A_303 : memref<128xi32, #tpu.memory_space<vmem>>) semaphore(%arg15 : memref<!tpu.dma_semaphore, #tpu.memory_space<semaphore_mem>>) {add = true}
      %dma_start3A_307 = arith.constant 4 : i32
      %dma_start3A_308 = arith.constant 512 : i32
      %dma_start3A_309 = arith.constant 0 : i32
      %dma_start3A_310 = tpu.memref_slice %arg12[%dma_start3A_308, %dma_start3A_309] : memref<2048x16xf32, #tpu.memory_space<vmem>> -> memref<128x16xf32, #tpu.memory_space<vmem>>
      %dma_start3A_311 = arith.constant 0 : i32
      %dma_start3A_312 = tpu.memref_slice %arg8[%dma_start3A_307, %dma_start3A_311] : memref<16x128xi32, #tpu.memory_space<vmem>> -> memref<1x128xi32, #tpu.memory_space<vmem>>
      %dma_start3A_313 = tpu.memref_squeeze %dma_start3A_312 : memref<1x128xi32, #tpu.memory_space<vmem>> -> memref<128xi32, #tpu.memory_space<vmem>>
      %dma_start3A_314 = arith.constant 0 : i32
      %dma_start3A_315 = arith.constant 0 : i32
      %dma_start3A_316 = tpu.memref_slice %arg13[%dma_start3A_314, %dma_start3A_315] : memref<32768x16xf32, #tpu.memory_space<vmem_shared>> -> memref<32768x16xf32, #tpu.memory_space<vmem_shared>>
      tpu.enqueue_indirect_dma source(%dma_start3A_310 : memref<128x16xf32, #tpu.memory_space<vmem>>) target(%dma_start3A_316 : memref<32768x16xf32, #tpu.memory_space<vmem_shared>>) offsets(%dma_start3A_313 : memref<128xi32, #tpu.memory_space<vmem>>) semaphore(%arg15 : memref<!tpu.dma_semaphore, #tpu.memory_space<semaphore_mem>>) {add = true}
      %dma_start3A_317 = arith.constant 5 : i32
      %dma_start3A_318 = arith.constant 640 : i32
      %dma_start3A_319 = arith.constant 0 : i32
      %dma_start3A_320 = tpu.memref_slice %arg12[%dma_start3A_318, %dma_start3A_319] : memref<2048x16xf32, #tpu.memory_space<vmem>> -> memref<128x16xf32, #tpu.memory_space<vmem>>
      %dma_start3A_321 = arith.constant 0 : i32
      %dma_start3A_322 = tpu.memref_slice %arg8[%dma_start3A_317, %dma_start3A_321] : memref<16x128xi32, #tpu.memory_space<vmem>> -> memref<1x128xi32, #tpu.memory_space<vmem>>
      %dma_start3A_323 = tpu.memref_squeeze %dma_start3A_322 : memref<1x128xi32, #tpu.memory_space<vmem>> -> memref<128xi32, #tpu.memory_space<vmem>>
      %dma_start3A_324 = arith.constant 0 : i32
      %dma_start3A_325 = arith.constant 0 : i32
      %dma_start3A_326 = tpu.memref_slice %arg13[%dma_start3A_324, %dma_start3A_325] : memref<32768x16xf32, #tpu.memory_space<vmem_shared>> -> memref<32768x16xf32, #tpu.memory_space<vmem_shared>>
      tpu.enqueue_indirect_dma source(%dma_start3A_320 : memref<128x16xf32, #tpu.memory_space<vmem>>) target(%dma_start3A_326 : memref<32768x16xf32, #tpu.memory_space<vmem_shared>>) offsets(%dma_start3A_323 : memref<128xi32, #tpu.memory_space<vmem>>) semaphore(%arg15 : memref<!tpu.dma_semaphore, #tpu.memory_space<semaphore_mem>>) {add = true}
      %dma_start3A_327 = arith.constant 6 : i32
      %dma_start3A_328 = arith.constant 768 : i32
      %dma_start3A_329 = arith.constant 0 : i32
      %dma_start3A_330 = tpu.memref_slice %arg12[%dma_start3A_328, %dma_start3A_329] : memref<2048x16xf32, #tpu.memory_space<vmem>> -> memref<128x16xf32, #tpu.memory_space<vmem>>
      %dma_start3A_331 = arith.constant 0 : i32
      %dma_start3A_332 = tpu.memref_slice %arg8[%dma_start3A_327, %dma_start3A_331] : memref<16x128xi32, #tpu.memory_space<vmem>> -> memref<1x128xi32, #tpu.memory_space<vmem>>
      %dma_start3A_333 = tpu.memref_squeeze %dma_start3A_332 : memref<1x128xi32, #tpu.memory_space<vmem>> -> memref<128xi32, #tpu.memory_space<vmem>>
      %dma_start3A_334 = arith.constant 0 : i32
      %dma_start3A_335 = arith.constant 0 : i32
      %dma_start3A_336 = tpu.memref_slice %arg13[%dma_start3A_334, %dma_start3A_335] : memref<32768x16xf32, #tpu.memory_space<vmem_shared>> -> memref<32768x16xf32, #tpu.memory_space<vmem_shared>>
      tpu.enqueue_indirect_dma source(%dma_start3A_330 : memref<128x16xf32, #tpu.memory_space<vmem>>) target(%dma_start3A_336 : memref<32768x16xf32, #tpu.memory_space<vmem_shared>>) offsets(%dma_start3A_333 : memref<128xi32, #tpu.memory_space<vmem>>) semaphore(%arg15 : memref<!tpu.dma_semaphore, #tpu.memory_space<semaphore_mem>>) {add = true}
      %dma_start3A_337 = arith.constant 7 : i32
      %dma_start3A_338 = arith.constant 896 : i32
      %dma_start3A_339 = arith.constant 0 : i32
      %dma_start3A_340 = tpu.memref_slice %arg12[%dma_start3A_338, %dma_start3A_339] : memref<2048x16xf32, #tpu.memory_space<vmem>> -> memref<128x16xf32, #tpu.memory_space<vmem>>
      %dma_start3A_341 = arith.constant 0 : i32
      %dma_start3A_342 = tpu.memref_slice %arg8[%dma_start3A_337, %dma_start3A_341] : memref<16x128xi32, #tpu.memory_space<vmem>> -> memref<1x128xi32, #tpu.memory_space<vmem>>
      %dma_start3A_343 = tpu.memref_squeeze %dma_start3A_342 : memref<1x128xi32, #tpu.memory_space<vmem>> -> memref<128xi32, #tpu.memory_space<vmem>>
      %dma_start3A_344 = arith.constant 0 : i32
      %dma_start3A_345 = arith.constant 0 : i32
      %dma_start3A_346 = tpu.memref_slice %arg13[%dma_start3A_344, %dma_start3A_345] : memref<32768x16xf32, #tpu.memory_space<vmem_shared>> -> memref<32768x16xf32, #tpu.memory_space<vmem_shared>>
      tpu.enqueue_indirect_dma source(%dma_start3A_340 : memref<128x16xf32, #tpu.memory_space<vmem>>) target(%dma_start3A_346 : memref<32768x16xf32, #tpu.memory_space<vmem_shared>>) offsets(%dma_start3A_343 : memref<128xi32, #tpu.memory_space<vmem>>) semaphore(%arg15 : memref<!tpu.dma_semaphore, #tpu.memory_space<semaphore_mem>>) {add = true}
      %dma_start3A_347 = arith.constant 8 : i32
      %dma_start3A_348 = arith.constant 1024 : i32
      %dma_start3A_349 = arith.constant 0 : i32
      %dma_start3A_350 = tpu.memref_slice %arg12[%dma_start3A_348, %dma_start3A_349] : memref<2048x16xf32, #tpu.memory_space<vmem>> -> memref<128x16xf32, #tpu.memory_space<vmem>>
      %dma_start3A_351 = arith.constant 0 : i32
      %dma_start3A_352 = tpu.memref_slice %arg8[%dma_start3A_347, %dma_start3A_351] : memref<16x128xi32, #tpu.memory_space<vmem>> -> memref<1x128xi32, #tpu.memory_space<vmem>>
      %dma_start3A_353 = tpu.memref_squeeze %dma_start3A_352 : memref<1x128xi32, #tpu.memory_space<vmem>> -> memref<128xi32, #tpu.memory_space<vmem>>
      %dma_start3A_354 = arith.constant 0 : i32
      %dma_start3A_355 = arith.constant 0 : i32
      %dma_start3A_356 = tpu.memref_slice %arg13[%dma_start3A_354, %dma_start3A_355] : memref<32768x16xf32, #tpu.memory_space<vmem_shared>> -> memref<32768x16xf32, #tpu.memory_space<vmem_shared>>
      tpu.enqueue_indirect_dma source(%dma_start3A_350 : memref<128x16xf32, #tpu.memory_space<vmem>>) target(%dma_start3A_356 : memref<32768x16xf32, #tpu.memory_space<vmem_shared>>) offsets(%dma_start3A_353 : memref<128xi32, #tpu.memory_space<vmem>>) semaphore(%arg15 : memref<!tpu.dma_semaphore, #tpu.memory_space<semaphore_mem>>) {add = true}
      %dma_start3A_357 = arith.constant 9 : i32
      %dma_start3A_358 = arith.constant 1152 : i32
      %dma_start3A_359 = arith.constant 0 : i32
      %dma_start3A_360 = tpu.memref_slice %arg12[%dma_start3A_358, %dma_start3A_359] : memref<2048x16xf32, #tpu.memory_space<vmem>> -> memref<128x16xf32, #tpu.memory_space<vmem>>
      %dma_start3A_361 = arith.constant 0 : i32
      %dma_start3A_362 = tpu.memref_slice %arg8[%dma_start3A_357, %dma_start3A_361] : memref<16x128xi32, #tpu.memory_space<vmem>> -> memref<1x128xi32, #tpu.memory_space<vmem>>
      %dma_start3A_363 = tpu.memref_squeeze %dma_start3A_362 : memref<1x128xi32, #tpu.memory_space<vmem>> -> memref<128xi32, #tpu.memory_space<vmem>>
      %dma_start3A_364 = arith.constant 0 : i32
      %dma_start3A_365 = arith.constant 0 : i32
      %dma_start3A_366 = tpu.memref_slice %arg13[%dma_start3A_364, %dma_start3A_365] : memref<32768x16xf32, #tpu.memory_space<vmem_shared>> -> memref<32768x16xf32, #tpu.memory_space<vmem_shared>>
      tpu.enqueue_indirect_dma source(%dma_start3A_360 : memref<128x16xf32, #tpu.memory_space<vmem>>) target(%dma_start3A_366 : memref<32768x16xf32, #tpu.memory_space<vmem_shared>>) offsets(%dma_start3A_363 : memref<128xi32, #tpu.memory_space<vmem>>) semaphore(%arg15 : memref<!tpu.dma_semaphore, #tpu.memory_space<semaphore_mem>>) {add = true}
      %dma_start3A_367 = arith.constant 10 : i32
      %dma_start3A_368 = arith.constant 1280 : i32
      %dma_start3A_369 = arith.constant 0 : i32
      %dma_start3A_370 = tpu.memref_slice %arg12[%dma_start3A_368, %dma_start3A_369] : memref<2048x16xf32, #tpu.memory_space<vmem>> -> memref<128x16xf32, #tpu.memory_space<vmem>>
      %dma_start3A_371 = arith.constant 0 : i32
      %dma_start3A_372 = tpu.memref_slice %arg8[%dma_start3A_367, %dma_start3A_371] : memref<16x128xi32, #tpu.memory_space<vmem>> -> memref<1x128xi32, #tpu.memory_space<vmem>>
      %dma_start3A_373 = tpu.memref_squeeze %dma_start3A_372 : memref<1x128xi32, #tpu.memory_space<vmem>> -> memref<128xi32, #tpu.memory_space<vmem>>
      %dma_start3A_374 = arith.constant 0 : i32
      %dma_start3A_375 = arith.constant 0 : i32
      %dma_start3A_376 = tpu.memref_slice %arg13[%dma_start3A_374, %dma_start3A_375] : memref<32768x16xf32, #tpu.memory_space<vmem_shared>> -> memref<32768x16xf32, #tpu.memory_space<vmem_shared>>
      tpu.enqueue_indirect_dma source(%dma_start3A_370 : memref<128x16xf32, #tpu.memory_space<vmem>>) target(%dma_start3A_376 : memref<32768x16xf32, #tpu.memory_space<vmem_shared>>) offsets(%dma_start3A_373 : memref<128xi32, #tpu.memory_space<vmem>>) semaphore(%arg15 : memref<!tpu.dma_semaphore, #tpu.memory_space<semaphore_mem>>) {add = true}
      %dma_start3A_377 = arith.constant 11 : i32
      %dma_start3A_378 = arith.constant 1408 : i32
      %dma_start3A_379 = arith.constant 0 : i32
      %dma_start3A_380 = tpu.memref_slice %arg12[%dma_start3A_378, %dma_start3A_379] : memref<2048x16xf32, #tpu.memory_space<vmem>> -> memref<128x16xf32, #tpu.memory_space<vmem>>
      %dma_start3A_381 = arith.constant 0 : i32
      %dma_start3A_382 = tpu.memref_slice %arg8[%dma_start3A_377, %dma_start3A_381] : memref<16x128xi32, #tpu.memory_space<vmem>> -> memref<1x128xi32, #tpu.memory_space<vmem>>
      %dma_start3A_383 = tpu.memref_squeeze %dma_start3A_382 : memref<1x128xi32, #tpu.memory_space<vmem>> -> memref<128xi32, #tpu.memory_space<vmem>>
      %dma_start3A_384 = arith.constant 0 : i32
      %dma_start3A_385 = arith.constant 0 : i32
      %dma_start3A_386 = tpu.memref_slice %arg13[%dma_start3A_384, %dma_start3A_385] : memref<32768x16xf32, #tpu.memory_space<vmem_shared>> -> memref<32768x16xf32, #tpu.memory_space<vmem_shared>>
      tpu.enqueue_indirect_dma source(%dma_start3A_380 : memref<128x16xf32, #tpu.memory_space<vmem>>) target(%dma_start3A_386 : memref<32768x16xf32, #tpu.memory_space<vmem_shared>>) offsets(%dma_start3A_383 : memref<128xi32, #tpu.memory_space<vmem>>) semaphore(%arg15 : memref<!tpu.dma_semaphore, #tpu.memory_space<semaphore_mem>>) {add = true}
      %dma_start3A_387 = arith.constant 12 : i32
      %dma_start3A_388 = arith.constant 1536 : i32
      %dma_start3A_389 = arith.constant 0 : i32
      %dma_start3A_390 = tpu.memref_slice %arg12[%dma_start3A_388, %dma_start3A_389] : memref<2048x16xf32, #tpu.memory_space<vmem>> -> memref<128x16xf32, #tpu.memory_space<vmem>>
      %dma_start3A_391 = arith.constant 0 : i32
      %dma_start3A_392 = tpu.memref_slice %arg8[%dma_start3A_387, %dma_start3A_391] : memref<16x128xi32, #tpu.memory_space<vmem>> -> memref<1x128xi32, #tpu.memory_space<vmem>>
      %dma_start3A_393 = tpu.memref_squeeze %dma_start3A_392 : memref<1x128xi32, #tpu.memory_space<vmem>> -> memref<128xi32, #tpu.memory_space<vmem>>
      %dma_start3A_394 = arith.constant 0 : i32
      %dma_start3A_395 = arith.constant 0 : i32
      %dma_start3A_396 = tpu.memref_slice %arg13[%dma_start3A_394, %dma_start3A_395] : memref<32768x16xf32, #tpu.memory_space<vmem_shared>> -> memref<32768x16xf32, #tpu.memory_space<vmem_shared>>
      tpu.enqueue_indirect_dma source(%dma_start3A_390 : memref<128x16xf32, #tpu.memory_space<vmem>>) target(%dma_start3A_396 : memref<32768x16xf32, #tpu.memory_space<vmem_shared>>) offsets(%dma_start3A_393 : memref<128xi32, #tpu.memory_space<vmem>>) semaphore(%arg15 : memref<!tpu.dma_semaphore, #tpu.memory_space<semaphore_mem>>) {add = true}
      %dma_start3A_397 = arith.constant 13 : i32
      %dma_start3A_398 = arith.constant 1664 : i32
      %dma_start3A_399 = arith.constant 0 : i32
      %dma_start3A_400 = tpu.memref_slice %arg12[%dma_start3A_398, %dma_start3A_399] : memref<2048x16xf32, #tpu.memory_space<vmem>> -> memref<128x16xf32, #tpu.memory_space<vmem>>
      %dma_start3A_401 = arith.constant 0 : i32
      %dma_start3A_402 = tpu.memref_slice %arg8[%dma_start3A_397, %dma_start3A_401] : memref<16x128xi32, #tpu.memory_space<vmem>> -> memref<1x128xi32, #tpu.memory_space<vmem>>
      %dma_start3A_403 = tpu.memref_squeeze %dma_start3A_402 : memref<1x128xi32, #tpu.memory_space<vmem>> -> memref<128xi32, #tpu.memory_space<vmem>>
      %dma_start3A_404 = arith.constant 0 : i32
      %dma_start3A_405 = arith.constant 0 : i32
      %dma_start3A_406 = tpu.memref_slice %arg13[%dma_start3A_404, %dma_start3A_405] : memref<32768x16xf32, #tpu.memory_space<vmem_shared>> -> memref<32768x16xf32, #tpu.memory_space<vmem_shared>>
      tpu.enqueue_indirect_dma source(%dma_start3A_400 : memref<128x16xf32, #tpu.memory_space<vmem>>) target(%dma_start3A_406 : memref<32768x16xf32, #tpu.memory_space<vmem_shared>>) offsets(%dma_start3A_403 : memref<128xi32, #tpu.memory_space<vmem>>) semaphore(%arg15 : memref<!tpu.dma_semaphore, #tpu.memory_space<semaphore_mem>>) {add = true}
      %dma_start3A_407 = arith.constant 14 : i32
      %dma_start3A_408 = arith.constant 1792 : i32
      %dma_start3A_409 = arith.constant 0 : i32
      %dma_start3A_410 = tpu.memref_slice %arg12[%dma_start3A_408, %dma_start3A_409] : memref<2048x16xf32, #tpu.memory_space<vmem>> -> memref<128x16xf32, #tpu.memory_space<vmem>>
      %dma_start3A_411 = arith.constant 0 : i32
      %dma_start3A_412 = tpu.memref_slice %arg8[%dma_start3A_407, %dma_start3A_411] : memref<16x128xi32, #tpu.memory_space<vmem>> -> memref<1x128xi32, #tpu.memory_space<vmem>>
      %dma_start3A_413 = tpu.memref_squeeze %dma_start3A_412 : memref<1x128xi32, #tpu.memory_space<vmem>> -> memref<128xi32, #tpu.memory_space<vmem>>
      %dma_start3A_414 = arith.constant 0 : i32
      %dma_start3A_415 = arith.constant 0 : i32
      %dma_start3A_416 = tpu.memref_slice %arg13[%dma_start3A_414, %dma_start3A_415] : memref<32768x16xf32, #tpu.memory_space<vmem_shared>> -> memref<32768x16xf32, #tpu.memory_space<vmem_shared>>
      tpu.enqueue_indirect_dma source(%dma_start3A_410 : memref<128x16xf32, #tpu.memory_space<vmem>>) target(%dma_start3A_416 : memref<32768x16xf32, #tpu.memory_space<vmem_shared>>) offsets(%dma_start3A_413 : memref<128xi32, #tpu.memory_space<vmem>>) semaphore(%arg15 : memref<!tpu.dma_semaphore, #tpu.memory_space<semaphore_mem>>) {add = true}
      %dma_start3A_417 = arith.constant 15 : i32
      %dma_start3A_418 = arith.constant 1920 : i32
      %dma_start3A_419 = arith.constant 0 : i32
      %dma_start3A_420 = tpu.memref_slice %arg12[%dma_start3A_418, %dma_start3A_419] : memref<2048x16xf32, #tpu.memory_space<vmem>> -> memref<128x16xf32, #tpu.memory_space<vmem>>
      %dma_start3A_421 = arith.constant 0 : i32
      %dma_start3A_422 = tpu.memref_slice %arg8[%dma_start3A_417, %dma_start3A_421] : memref<16x128xi32, #tpu.memory_space<vmem>> -> memref<1x128xi32, #tpu.memory_space<vmem>>
      %dma_start3A_423 = tpu.memref_squeeze %dma_start3A_422 : memref<1x128xi32, #tpu.memory_space<vmem>> -> memref<128xi32, #tpu.memory_space<vmem>>
      %dma_start3A_424 = arith.constant 0 : i32
      %dma_start3A_425 = arith.constant 0 : i32
      %dma_start3A_426 = tpu.memref_slice %arg13[%dma_start3A_424, %dma_start3A_425] : memref<32768x16xf32, #tpu.memory_space<vmem_shared>> -> memref<32768x16xf32, #tpu.memory_space<vmem_shared>>
      tpu.enqueue_indirect_dma source(%dma_start3A_420 : memref<128x16xf32, #tpu.memory_space<vmem>>) target(%dma_start3A_426 : memref<32768x16xf32, #tpu.memory_space<vmem_shared>>) offsets(%dma_start3A_423 : memref<128xi32, #tpu.memory_space<vmem>>) semaphore(%arg15 : memref<!tpu.dma_semaphore, #tpu.memory_space<semaphore_mem>>) {add = true}
    }
    %scan3A_11 = arith.constant 16 : i32
    %dma_wait3A = arith.constant 0 : i32
    %dma_wait3A_12 = arith.constant 0 : i32
    %dma_wait3A_13 = tpu.memref_slice %arg2[%dma_wait3A, %dma_wait3A_12] : memref<65536x16xf32, #tpu.memory_space<hbm>> -> memref<2048x16xf32, #tpu.memory_space<hbm>>
    %dma_wait3A_14 = arith.constant 0 : i32
    %dma_wait3A_15 = arith.constant 0 : i32
    %dma_wait3A_16 = tpu.memref_slice %arg2[%dma_wait3A_14, %dma_wait3A_15] : memref<65536x16xf32, #tpu.memory_space<hbm>> -> memref<2048x16xf32, #tpu.memory_space<hbm>>
    tpu.wait_dma2 semaphore(%arg15 : memref<!tpu.dma_semaphore, #tpu.memory_space<semaphore_mem>>) src(%dma_wait3A_16 : memref<2048x16xf32, #tpu.memory_space<hbm>>) dst(%arg12 : memref<2048x16xf32, #tpu.memory_space<vmem>>)
    %barrier3A_17 = arith.constant 0 : index
    tpu.barrier barrier_id(%barrier3A_17)
    %mul3A_18 = arith.constant 2048 : i32
    %mul3A_19 = arith.muli %arg1, %mul3A_18 : i32
    %mul3A_20 = arith.constant 2048 : i32
    %mul3A_21 = arith.muli %arg1, %mul3A_20 : i32
    "tpu.region"() ({
      %run_scoped3A = tpu.sem_alloc : memref<!tpu.dma_semaphore, #tpu.memory_space<semaphore_mem>>
      %dma_start3A = arith.constant 0 : i32
      %dma_start3A_22 = tpu.memref_slice %arg6[%arg0, %mul3A_21, %dma_start3A] : memref<2x32768x16xf32, #tpu.memory_space<hbm>> -> memref<1x2048x16xf32, #tpu.memory_space<hbm>>
      %dma_start3A_23 = tpu.memref_squeeze %dma_start3A_22 : memref<1x2048x16xf32, #tpu.memory_space<hbm>> -> memref<2048x16xf32, #tpu.memory_space<hbm>>
      %dma_start3A_24 = arith.constant 0 : i32
      %dma_start3A_25 = tpu.memref_slice %arg13[%mul3A_19, %dma_start3A_24] : memref<32768x16xf32, #tpu.memory_space<vmem_shared>> -> memref<2048x16xf32, #tpu.memory_space<vmem_shared>>
      tpu.enqueue_dma source(%dma_start3A_25 : memref<2048x16xf32, #tpu.memory_space<vmem_shared>>) target(%dma_start3A_23 : memref<2048x16xf32, #tpu.memory_space<hbm>>) target_semaphore(%run_scoped3A : memref<!tpu.dma_semaphore, #tpu.memory_space<semaphore_mem>>)
      %dma_wait3A_26 = arith.constant 0 : i32
      %dma_wait3A_27 = tpu.memref_slice %arg6[%arg0, %mul3A_21, %dma_wait3A_26] : memref<2x32768x16xf32, #tpu.memory_space<hbm>> -> memref<1x2048x16xf32, #tpu.memory_space<hbm>>
      %dma_wait3A_28 = tpu.memref_squeeze %dma_wait3A_27 : memref<1x2048x16xf32, #tpu.memory_space<hbm>> -> memref<2048x16xf32, #tpu.memory_space<hbm>>
      %dma_wait3A_29 = arith.constant 0 : i32
      %dma_wait3A_30 = tpu.memref_slice %arg13[%mul3A_19, %dma_wait3A_29] : memref<32768x16xf32, #tpu.memory_space<vmem_shared>> -> memref<2048x16xf32, #tpu.memory_space<vmem_shared>>
      tpu.wait_dma2 semaphore(%run_scoped3A : memref<!tpu.dma_semaphore, #tpu.memory_space<semaphore_mem>>) src(%dma_wait3A_30 : memref<2048x16xf32, #tpu.memory_space<vmem_shared>>) dst(%dma_wait3A_28 : memref<2048x16xf32, #tpu.memory_space<hbm>>)
      tpu.yield
    }) : () -> ()
    return
  }
}

#map = affine_map<(d0, d1) -> (0, 0)>
#map1 = affine_map<(d0, d1) -> (0)>
module attributes {stable_mosaic.version = 14 : i64} {
  func.func @k(%arg0: i32, %arg1: i32, %arg2: memref<65536x16xf32, #tpu.memory_space<hbm>>, %arg3: memref<16384x128xi32, #tpu.memory_space<hbm>>, %arg4: memref<2097152xf32, #tpu.memory_space<hbm>>, %arg5: memref<32768x16xf32, #tpu.memory_space<hbm>>, %arg6: memref<65536x16xf32, #tpu.memory_space<hbm>>, %arg7: memref<16x128xi32, #tpu.memory_space<vmem>>, %arg8: memref<16x128xi32, #tpu.memory_space<vmem>>, %arg9: memref<2048xf32, #tpu.memory_space<vmem>>, %arg10: memref<64x16xf32, #tpu.memory_space<vmem>>, %arg11: memref<2048x16xf32, #tpu.memory_space<vmem>>, %arg12: memref<2048x16xf32, #tpu.memory_space<vmem>>, %arg13: memref<64x16xf32, #tpu.memory_space<vmem>>, %arg14: memref<!tpu.dma_semaphore, #tpu.memory_space<semaphore_mem>>, %arg15: memref<!tpu.dma_semaphore, #tpu.memory_space<semaphore_mem>>) attributes {dimension_semantics = [#tpu.dimension_semantics<core_parallel>, #tpu.dimension_semantics<subcore_parallel>], iteration_bounds = array<i64: 2, 16>, scalar_prefetch = 0 : i64, scratch_operands = 9 : i64, tpu.core_type = #tpu.core_type<sc_vector_subcore>, window_params = [{transform_indices = #map}, {transform_indices = #map}, {transform_indices = #map1}, {transform_indices = #map}, {transform_indices = #map}]} {
    %mul3A = arith.constant 2 : i32
    %mul3A_0 = arith.muli %arg1, %mul3A : i32
    %add3A = arith.addi %mul3A_0, %arg0 : i32
    %mul3A_1 = arith.constant 2048 : i32
    %mul3A_2 = arith.muli %add3A, %mul3A_1 : i32
    %mul3A_3 = arith.constant 32 : i32
    %mul3A_4 = arith.muli %mul3A_2, %mul3A_3 : i32
    %jit3A = arith.constant 128 : i32
    %div3A = arith.divsi %mul3A_4, %jit3A : i32
    %sign3A = arith.constant 0 : i32
    %sign3A_5 = arith.cmpi sgt, %mul3A_4, %sign3A : i32
    %sign3A_6 = arith.extui %sign3A_5 : i1 to i32
    %sign3A_7 = arith.constant 0 : i32
    %sign3A_8 = arith.cmpi slt, %mul3A_4, %sign3A_7 : i32
    %sign3A_9 = arith.extui %sign3A_8 : i1 to i32
    %sign3A_10 = arith.subi %sign3A_6, %sign3A_9 : i32
    %sign3A_11 = arith.constant 0 : i32
    %sign3A_12 = arith.cmpi sgt, %jit3A, %sign3A_11 : i32
    %sign3A_13 = arith.extui %sign3A_12 : i1 to i32
    %sign3A_14 = arith.constant 0 : i32
    %sign3A_15 = arith.cmpi slt, %jit3A, %sign3A_14 : i32
    %sign3A_16 = arith.extui %sign3A_15 : i1 to i32
    %sign3A_17 = arith.subi %sign3A_13, %sign3A_16 : i32
    %ne3A = arith.cmpi ne, %sign3A_10, %sign3A_17 : i32
    %rem3A = arith.remsi %mul3A_4, %jit3A : i32
    %ne3A_18 = arith.constant 0 : i32
    %ne3A_19 = arith.cmpi ne, %rem3A, %ne3A_18 : i32
    %and3A = arith.andi %ne3A, %ne3A_19 : i1
    %sub3A = arith.constant 1 : i32
    %sub3A_20 = arith.subi %div3A, %sub3A : i32
    %select_n3A = arith.select %and3A, %sub3A_20, %div3A : i32
    %multiple_of3A = tpu.assume_multiple %select_n3A, 16 : i32
    "tpu.region"() ({
      %run_scoped3A = tpu.sem_alloc : memref<!tpu.dma_semaphore, #tpu.memory_space<semaphore_mem>>
      %dma_start3A_185 = arith.constant 0 : i32
      %dma_start3A_186 = tpu.memref_slice %arg3[%multiple_of3A, %dma_start3A_185] : memref<16384x128xi32, #tpu.memory_space<hbm>> -> memref<16x128xi32, #tpu.memory_space<hbm>>
      %dma_start3A_187 = arith.constant 0 : i32
      %dma_start3A_188 = tpu.memref_slice %arg3[%multiple_of3A, %dma_start3A_187] : memref<16384x128xi32, #tpu.memory_space<hbm>> -> memref<16x128xi32, #tpu.memory_space<hbm>>
      tpu.enqueue_dma source(%dma_start3A_188 : memref<16x128xi32, #tpu.memory_space<hbm>>) target(%arg7 : memref<16x128xi32, #tpu.memory_space<vmem>>) target_semaphore(%run_scoped3A : memref<!tpu.dma_semaphore, #tpu.memory_space<semaphore_mem>>)
      %dma_wait3A = arith.constant 0 : i32
      %dma_wait3A_189 = tpu.memref_slice %arg3[%multiple_of3A, %dma_wait3A] : memref<16384x128xi32, #tpu.memory_space<hbm>> -> memref<16x128xi32, #tpu.memory_space<hbm>>
      %dma_wait3A_190 = arith.constant 0 : i32
      %dma_wait3A_191 = tpu.memref_slice %arg3[%multiple_of3A, %dma_wait3A_190] : memref<16384x128xi32, #tpu.memory_space<hbm>> -> memref<16x128xi32, #tpu.memory_space<hbm>>
      tpu.wait_dma2 semaphore(%run_scoped3A : memref<!tpu.dma_semaphore, #tpu.memory_space<semaphore_mem>>) src(%dma_wait3A_191 : memref<16x128xi32, #tpu.memory_space<hbm>>) dst(%arg7 : memref<16x128xi32, #tpu.memory_space<vmem>>)
      tpu.yield
    }) : () -> ()
    %dma_start3A = arith.constant 0 : i32
    %dma_start3A_21 = arith.constant 0 : i32
    %dma_start3A_22 = arith.constant 0 : i32
    %dma_start3A_23 = tpu.memref_slice %arg11[%dma_start3A_21, %dma_start3A_22] : memref<2048x16xf32, #tpu.memory_space<vmem>> -> memref<128x16xf32, #tpu.memory_space<vmem>>
    %dma_start3A_24 = arith.constant 0 : i32
    %dma_start3A_25 = tpu.memref_slice %arg7[%dma_start3A, %dma_start3A_24] : memref<16x128xi32, #tpu.memory_space<vmem>> -> memref<1x128xi32, #tpu.memory_space<vmem>>
    %dma_start3A_26 = tpu.memref_squeeze %dma_start3A_25 : memref<1x128xi32, #tpu.memory_space<vmem>> -> memref<128xi32, #tpu.memory_space<vmem>>
    %dma_start3A_27 = arith.constant 0 : i32
    %dma_start3A_28 = arith.constant 0 : i32
    %dma_start3A_29 = tpu.memref_slice %arg5[%dma_start3A_27, %dma_start3A_28] : memref<32768x16xf32, #tpu.memory_space<hbm>> -> memref<32768x16xf32, #tpu.memory_space<hbm>>
    tpu.enqueue_indirect_dma source(%dma_start3A_29 : memref<32768x16xf32, #tpu.memory_space<hbm>>) target(%dma_start3A_23 : memref<128x16xf32, #tpu.memory_space<vmem>>) offsets(%dma_start3A_26 : memref<128xi32, #tpu.memory_space<vmem>>) semaphore(%arg14 : memref<!tpu.dma_semaphore, #tpu.memory_space<semaphore_mem>>)
    %dma_start3A_30 = arith.constant 1 : i32
    %dma_start3A_31 = arith.constant 128 : i32
    %dma_start3A_32 = arith.constant 0 : i32
    %dma_start3A_33 = tpu.memref_slice %arg11[%dma_start3A_31, %dma_start3A_32] : memref<2048x16xf32, #tpu.memory_space<vmem>> -> memref<128x16xf32, #tpu.memory_space<vmem>>
    %dma_start3A_34 = arith.constant 0 : i32
    %dma_start3A_35 = tpu.memref_slice %arg7[%dma_start3A_30, %dma_start3A_34] : memref<16x128xi32, #tpu.memory_space<vmem>> -> memref<1x128xi32, #tpu.memory_space<vmem>>
    %dma_start3A_36 = tpu.memref_squeeze %dma_start3A_35 : memref<1x128xi32, #tpu.memory_space<vmem>> -> memref<128xi32, #tpu.memory_space<vmem>>
    %dma_start3A_37 = arith.constant 0 : i32
    %dma_start3A_38 = arith.constant 0 : i32
    %dma_start3A_39 = tpu.memref_slice %arg5[%dma_start3A_37, %dma_start3A_38] : memref<32768x16xf32, #tpu.memory_space<hbm>> -> memref<32768x16xf32, #tpu.memory_space<hbm>>
    tpu.enqueue_indirect_dma source(%dma_start3A_39 : memref<32768x16xf32, #tpu.memory_space<hbm>>) target(%dma_start3A_33 : memref<128x16xf32, #tpu.memory_space<vmem>>) offsets(%dma_start3A_36 : memref<128xi32, #tpu.memory_space<vmem>>) semaphore(%arg14 : memref<!tpu.dma_semaphore, #tpu.memory_space<semaphore_mem>>)
    %dma_start3A_40 = arith.constant 2 : i32
    %dma_start3A_41 = arith.constant 256 : i32
    %dma_start3A_42 = arith.constant 0 : i32
    %dma_start3A_43 = tpu.memref_slice %arg11[%dma_start3A_41, %dma_start3A_42] : memref<2048x16xf32, #tpu.memory_space<vmem>> -> memref<128x16xf32, #tpu.memory_space<vmem>>
    %dma_start3A_44 = arith.constant 0 : i32
    %dma_start3A_45 = tpu.memref_slice %arg7[%dma_start3A_40, %dma_start3A_44] : memref<16x128xi32, #tpu.memory_space<vmem>> -> memref<1x128xi32, #tpu.memory_space<vmem>>
    %dma_start3A_46 = tpu.memref_squeeze %dma_start3A_45 : memref<1x128xi32, #tpu.memory_space<vmem>> -> memref<128xi32, #tpu.memory_space<vmem>>
    %dma_start3A_47 = arith.constant 0 : i32
    %dma_start3A_48 = arith.constant 0 : i32
    %dma_start3A_49 = tpu.memref_slice %arg5[%dma_start3A_47, %dma_start3A_48] : memref<32768x16xf32, #tpu.memory_space<hbm>> -> memref<32768x16xf32, #tpu.memory_space<hbm>>
    tpu.enqueue_indirect_dma source(%dma_start3A_49 : memref<32768x16xf32, #tpu.memory_space<hbm>>) target(%dma_start3A_43 : memref<128x16xf32, #tpu.memory_space<vmem>>) offsets(%dma_start3A_46 : memref<128xi32, #tpu.memory_space<vmem>>) semaphore(%arg14 : memref<!tpu.dma_semaphore, #tpu.memory_space<semaphore_mem>>)
    %dma_start3A_50 = arith.constant 3 : i32
    %dma_start3A_51 = arith.constant 384 : i32
    %dma_start3A_52 = arith.constant 0 : i32
    %dma_start3A_53 = tpu.memref_slice %arg11[%dma_start3A_51, %dma_start3A_52] : memref<2048x16xf32, #tpu.memory_space<vmem>> -> memref<128x16xf32, #tpu.memory_space<vmem>>
    %dma_start3A_54 = arith.constant 0 : i32
    %dma_start3A_55 = tpu.memref_slice %arg7[%dma_start3A_50, %dma_start3A_54] : memref<16x128xi32, #tpu.memory_space<vmem>> -> memref<1x128xi32, #tpu.memory_space<vmem>>
    %dma_start3A_56 = tpu.memref_squeeze %dma_start3A_55 : memref<1x128xi32, #tpu.memory_space<vmem>> -> memref<128xi32, #tpu.memory_space<vmem>>
    %dma_start3A_57 = arith.constant 0 : i32
    %dma_start3A_58 = arith.constant 0 : i32
    %dma_start3A_59 = tpu.memref_slice %arg5[%dma_start3A_57, %dma_start3A_58] : memref<32768x16xf32, #tpu.memory_space<hbm>> -> memref<32768x16xf32, #tpu.memory_space<hbm>>
    tpu.enqueue_indirect_dma source(%dma_start3A_59 : memref<32768x16xf32, #tpu.memory_space<hbm>>) target(%dma_start3A_53 : memref<128x16xf32, #tpu.memory_space<vmem>>) offsets(%dma_start3A_56 : memref<128xi32, #tpu.memory_space<vmem>>) semaphore(%arg14 : memref<!tpu.dma_semaphore, #tpu.memory_space<semaphore_mem>>)
    %dma_start3A_60 = arith.constant 4 : i32
    %dma_start3A_61 = arith.constant 512 : i32
    %dma_start3A_62 = arith.constant 0 : i32
    %dma_start3A_63 = tpu.memref_slice %arg11[%dma_start3A_61, %dma_start3A_62] : memref<2048x16xf32, #tpu.memory_space<vmem>> -> memref<128x16xf32, #tpu.memory_space<vmem>>
    %dma_start3A_64 = arith.constant 0 : i32
    %dma_start3A_65 = tpu.memref_slice %arg7[%dma_start3A_60, %dma_start3A_64] : memref<16x128xi32, #tpu.memory_space<vmem>> -> memref<1x128xi32, #tpu.memory_space<vmem>>
    %dma_start3A_66 = tpu.memref_squeeze %dma_start3A_65 : memref<1x128xi32, #tpu.memory_space<vmem>> -> memref<128xi32, #tpu.memory_space<vmem>>
    %dma_start3A_67 = arith.constant 0 : i32
    %dma_start3A_68 = arith.constant 0 : i32
    %dma_start3A_69 = tpu.memref_slice %arg5[%dma_start3A_67, %dma_start3A_68] : memref<32768x16xf32, #tpu.memory_space<hbm>> -> memref<32768x16xf32, #tpu.memory_space<hbm>>
    tpu.enqueue_indirect_dma source(%dma_start3A_69 : memref<32768x16xf32, #tpu.memory_space<hbm>>) target(%dma_start3A_63 : memref<128x16xf32, #tpu.memory_space<vmem>>) offsets(%dma_start3A_66 : memref<128xi32, #tpu.memory_space<vmem>>) semaphore(%arg14 : memref<!tpu.dma_semaphore, #tpu.memory_space<semaphore_mem>>)
    %dma_start3A_70 = arith.constant 5 : i32
    %dma_start3A_71 = arith.constant 640 : i32
    %dma_start3A_72 = arith.constant 0 : i32
    %dma_start3A_73 = tpu.memref_slice %arg11[%dma_start3A_71, %dma_start3A_72] : memref<2048x16xf32, #tpu.memory_space<vmem>> -> memref<128x16xf32, #tpu.memory_space<vmem>>
    %dma_start3A_74 = arith.constant 0 : i32
    %dma_start3A_75 = tpu.memref_slice %arg7[%dma_start3A_70, %dma_start3A_74] : memref<16x128xi32, #tpu.memory_space<vmem>> -> memref<1x128xi32, #tpu.memory_space<vmem>>
    %dma_start3A_76 = tpu.memref_squeeze %dma_start3A_75 : memref<1x128xi32, #tpu.memory_space<vmem>> -> memref<128xi32, #tpu.memory_space<vmem>>
    %dma_start3A_77 = arith.constant 0 : i32
    %dma_start3A_78 = arith.constant 0 : i32
    %dma_start3A_79 = tpu.memref_slice %arg5[%dma_start3A_77, %dma_start3A_78] : memref<32768x16xf32, #tpu.memory_space<hbm>> -> memref<32768x16xf32, #tpu.memory_space<hbm>>
    tpu.enqueue_indirect_dma source(%dma_start3A_79 : memref<32768x16xf32, #tpu.memory_space<hbm>>) target(%dma_start3A_73 : memref<128x16xf32, #tpu.memory_space<vmem>>) offsets(%dma_start3A_76 : memref<128xi32, #tpu.memory_space<vmem>>) semaphore(%arg14 : memref<!tpu.dma_semaphore, #tpu.memory_space<semaphore_mem>>)
    %dma_start3A_80 = arith.constant 6 : i32
    %dma_start3A_81 = arith.constant 768 : i32
    %dma_start3A_82 = arith.constant 0 : i32
    %dma_start3A_83 = tpu.memref_slice %arg11[%dma_start3A_81, %dma_start3A_82] : memref<2048x16xf32, #tpu.memory_space<vmem>> -> memref<128x16xf32, #tpu.memory_space<vmem>>
    %dma_start3A_84 = arith.constant 0 : i32
    %dma_start3A_85 = tpu.memref_slice %arg7[%dma_start3A_80, %dma_start3A_84] : memref<16x128xi32, #tpu.memory_space<vmem>> -> memref<1x128xi32, #tpu.memory_space<vmem>>
    %dma_start3A_86 = tpu.memref_squeeze %dma_start3A_85 : memref<1x128xi32, #tpu.memory_space<vmem>> -> memref<128xi32, #tpu.memory_space<vmem>>
    %dma_start3A_87 = arith.constant 0 : i32
    %dma_start3A_88 = arith.constant 0 : i32
    %dma_start3A_89 = tpu.memref_slice %arg5[%dma_start3A_87, %dma_start3A_88] : memref<32768x16xf32, #tpu.memory_space<hbm>> -> memref<32768x16xf32, #tpu.memory_space<hbm>>
    tpu.enqueue_indirect_dma source(%dma_start3A_89 : memref<32768x16xf32, #tpu.memory_space<hbm>>) target(%dma_start3A_83 : memref<128x16xf32, #tpu.memory_space<vmem>>) offsets(%dma_start3A_86 : memref<128xi32, #tpu.memory_space<vmem>>) semaphore(%arg14 : memref<!tpu.dma_semaphore, #tpu.memory_space<semaphore_mem>>)
    %dma_start3A_90 = arith.constant 7 : i32
    %dma_start3A_91 = arith.constant 896 : i32
    %dma_start3A_92 = arith.constant 0 : i32
    %dma_start3A_93 = tpu.memref_slice %arg11[%dma_start3A_91, %dma_start3A_92] : memref<2048x16xf32, #tpu.memory_space<vmem>> -> memref<128x16xf32, #tpu.memory_space<vmem>>
    %dma_start3A_94 = arith.constant 0 : i32
    %dma_start3A_95 = tpu.memref_slice %arg7[%dma_start3A_90, %dma_start3A_94] : memref<16x128xi32, #tpu.memory_space<vmem>> -> memref<1x128xi32, #tpu.memory_space<vmem>>
    %dma_start3A_96 = tpu.memref_squeeze %dma_start3A_95 : memref<1x128xi32, #tpu.memory_space<vmem>> -> memref<128xi32, #tpu.memory_space<vmem>>
    %dma_start3A_97 = arith.constant 0 : i32
    %dma_start3A_98 = arith.constant 0 : i32
    %dma_start3A_99 = tpu.memref_slice %arg5[%dma_start3A_97, %dma_start3A_98] : memref<32768x16xf32, #tpu.memory_space<hbm>> -> memref<32768x16xf32, #tpu.memory_space<hbm>>
    tpu.enqueue_indirect_dma source(%dma_start3A_99 : memref<32768x16xf32, #tpu.memory_space<hbm>>) target(%dma_start3A_93 : memref<128x16xf32, #tpu.memory_space<vmem>>) offsets(%dma_start3A_96 : memref<128xi32, #tpu.memory_space<vmem>>) semaphore(%arg14 : memref<!tpu.dma_semaphore, #tpu.memory_space<semaphore_mem>>)
    %dma_start3A_100 = arith.constant 8 : i32
    %dma_start3A_101 = arith.constant 1024 : i32
    %dma_start3A_102 = arith.constant 0 : i32
    %dma_start3A_103 = tpu.memref_slice %arg11[%dma_start3A_101, %dma_start3A_102] : memref<2048x16xf32, #tpu.memory_space<vmem>> -> memref<128x16xf32, #tpu.memory_space<vmem>>
    %dma_start3A_104 = arith.constant 0 : i32
    %dma_start3A_105 = tpu.memref_slice %arg7[%dma_start3A_100, %dma_start3A_104] : memref<16x128xi32, #tpu.memory_space<vmem>> -> memref<1x128xi32, #tpu.memory_space<vmem>>
    %dma_start3A_106 = tpu.memref_squeeze %dma_start3A_105 : memref<1x128xi32, #tpu.memory_space<vmem>> -> memref<128xi32, #tpu.memory_space<vmem>>
    %dma_start3A_107 = arith.constant 0 : i32
    %dma_start3A_108 = arith.constant 0 : i32
    %dma_start3A_109 = tpu.memref_slice %arg5[%dma_start3A_107, %dma_start3A_108] : memref<32768x16xf32, #tpu.memory_space<hbm>> -> memref<32768x16xf32, #tpu.memory_space<hbm>>
    tpu.enqueue_indirect_dma source(%dma_start3A_109 : memref<32768x16xf32, #tpu.memory_space<hbm>>) target(%dma_start3A_103 : memref<128x16xf32, #tpu.memory_space<vmem>>) offsets(%dma_start3A_106 : memref<128xi32, #tpu.memory_space<vmem>>) semaphore(%arg14 : memref<!tpu.dma_semaphore, #tpu.memory_space<semaphore_mem>>)
    %dma_start3A_110 = arith.constant 9 : i32
    %dma_start3A_111 = arith.constant 1152 : i32
    %dma_start3A_112 = arith.constant 0 : i32
    %dma_start3A_113 = tpu.memref_slice %arg11[%dma_start3A_111, %dma_start3A_112] : memref<2048x16xf32, #tpu.memory_space<vmem>> -> memref<128x16xf32, #tpu.memory_space<vmem>>
    %dma_start3A_114 = arith.constant 0 : i32
    %dma_start3A_115 = tpu.memref_slice %arg7[%dma_start3A_110, %dma_start3A_114] : memref<16x128xi32, #tpu.memory_space<vmem>> -> memref<1x128xi32, #tpu.memory_space<vmem>>
    %dma_start3A_116 = tpu.memref_squeeze %dma_start3A_115 : memref<1x128xi32, #tpu.memory_space<vmem>> -> memref<128xi32, #tpu.memory_space<vmem>>
    %dma_start3A_117 = arith.constant 0 : i32
    %dma_start3A_118 = arith.constant 0 : i32
    %dma_start3A_119 = tpu.memref_slice %arg5[%dma_start3A_117, %dma_start3A_118] : memref<32768x16xf32, #tpu.memory_space<hbm>> -> memref<32768x16xf32, #tpu.memory_space<hbm>>
    tpu.enqueue_indirect_dma source(%dma_start3A_119 : memref<32768x16xf32, #tpu.memory_space<hbm>>) target(%dma_start3A_113 : memref<128x16xf32, #tpu.memory_space<vmem>>) offsets(%dma_start3A_116 : memref<128xi32, #tpu.memory_space<vmem>>) semaphore(%arg14 : memref<!tpu.dma_semaphore, #tpu.memory_space<semaphore_mem>>)
    %dma_start3A_120 = arith.constant 10 : i32
    %dma_start3A_121 = arith.constant 1280 : i32
    %dma_start3A_122 = arith.constant 0 : i32
    %dma_start3A_123 = tpu.memref_slice %arg11[%dma_start3A_121, %dma_start3A_122] : memref<2048x16xf32, #tpu.memory_space<vmem>> -> memref<128x16xf32, #tpu.memory_space<vmem>>
    %dma_start3A_124 = arith.constant 0 : i32
    %dma_start3A_125 = tpu.memref_slice %arg7[%dma_start3A_120, %dma_start3A_124] : memref<16x128xi32, #tpu.memory_space<vmem>> -> memref<1x128xi32, #tpu.memory_space<vmem>>
    %dma_start3A_126 = tpu.memref_squeeze %dma_start3A_125 : memref<1x128xi32, #tpu.memory_space<vmem>> -> memref<128xi32, #tpu.memory_space<vmem>>
    %dma_start3A_127 = arith.constant 0 : i32
    %dma_start3A_128 = arith.constant 0 : i32
    %dma_start3A_129 = tpu.memref_slice %arg5[%dma_start3A_127, %dma_start3A_128] : memref<32768x16xf32, #tpu.memory_space<hbm>> -> memref<32768x16xf32, #tpu.memory_space<hbm>>
    tpu.enqueue_indirect_dma source(%dma_start3A_129 : memref<32768x16xf32, #tpu.memory_space<hbm>>) target(%dma_start3A_123 : memref<128x16xf32, #tpu.memory_space<vmem>>) offsets(%dma_start3A_126 : memref<128xi32, #tpu.memory_space<vmem>>) semaphore(%arg14 : memref<!tpu.dma_semaphore, #tpu.memory_space<semaphore_mem>>)
    %dma_start3A_130 = arith.constant 11 : i32
    %dma_start3A_131 = arith.constant 1408 : i32
    %dma_start3A_132 = arith.constant 0 : i32
    %dma_start3A_133 = tpu.memref_slice %arg11[%dma_start3A_131, %dma_start3A_132] : memref<2048x16xf32, #tpu.memory_space<vmem>> -> memref<128x16xf32, #tpu.memory_space<vmem>>
    %dma_start3A_134 = arith.constant 0 : i32
    %dma_start3A_135 = tpu.memref_slice %arg7[%dma_start3A_130, %dma_start3A_134] : memref<16x128xi32, #tpu.memory_space<vmem>> -> memref<1x128xi32, #tpu.memory_space<vmem>>
    %dma_start3A_136 = tpu.memref_squeeze %dma_start3A_135 : memref<1x128xi32, #tpu.memory_space<vmem>> -> memref<128xi32, #tpu.memory_space<vmem>>
    %dma_start3A_137 = arith.constant 0 : i32
    %dma_start3A_138 = arith.constant 0 : i32
    %dma_start3A_139 = tpu.memref_slice %arg5[%dma_start3A_137, %dma_start3A_138] : memref<32768x16xf32, #tpu.memory_space<hbm>> -> memref<32768x16xf32, #tpu.memory_space<hbm>>
    tpu.enqueue_indirect_dma source(%dma_start3A_139 : memref<32768x16xf32, #tpu.memory_space<hbm>>) target(%dma_start3A_133 : memref<128x16xf32, #tpu.memory_space<vmem>>) offsets(%dma_start3A_136 : memref<128xi32, #tpu.memory_space<vmem>>) semaphore(%arg14 : memref<!tpu.dma_semaphore, #tpu.memory_space<semaphore_mem>>)
    %dma_start3A_140 = arith.constant 12 : i32
    %dma_start3A_141 = arith.constant 1536 : i32
    %dma_start3A_142 = arith.constant 0 : i32
    %dma_start3A_143 = tpu.memref_slice %arg11[%dma_start3A_141, %dma_start3A_142] : memref<2048x16xf32, #tpu.memory_space<vmem>> -> memref<128x16xf32, #tpu.memory_space<vmem>>
    %dma_start3A_144 = arith.constant 0 : i32
    %dma_start3A_145 = tpu.memref_slice %arg7[%dma_start3A_140, %dma_start3A_144] : memref<16x128xi32, #tpu.memory_space<vmem>> -> memref<1x128xi32, #tpu.memory_space<vmem>>
    %dma_start3A_146 = tpu.memref_squeeze %dma_start3A_145 : memref<1x128xi32, #tpu.memory_space<vmem>> -> memref<128xi32, #tpu.memory_space<vmem>>
    %dma_start3A_147 = arith.constant 0 : i32
    %dma_start3A_148 = arith.constant 0 : i32
    %dma_start3A_149 = tpu.memref_slice %arg5[%dma_start3A_147, %dma_start3A_148] : memref<32768x16xf32, #tpu.memory_space<hbm>> -> memref<32768x16xf32, #tpu.memory_space<hbm>>
    tpu.enqueue_indirect_dma source(%dma_start3A_149 : memref<32768x16xf32, #tpu.memory_space<hbm>>) target(%dma_start3A_143 : memref<128x16xf32, #tpu.memory_space<vmem>>) offsets(%dma_start3A_146 : memref<128xi32, #tpu.memory_space<vmem>>) semaphore(%arg14 : memref<!tpu.dma_semaphore, #tpu.memory_space<semaphore_mem>>)
    %dma_start3A_150 = arith.constant 13 : i32
    %dma_start3A_151 = arith.constant 1664 : i32
    %dma_start3A_152 = arith.constant 0 : i32
    %dma_start3A_153 = tpu.memref_slice %arg11[%dma_start3A_151, %dma_start3A_152] : memref<2048x16xf32, #tpu.memory_space<vmem>> -> memref<128x16xf32, #tpu.memory_space<vmem>>
    %dma_start3A_154 = arith.constant 0 : i32
    %dma_start3A_155 = tpu.memref_slice %arg7[%dma_start3A_150, %dma_start3A_154] : memref<16x128xi32, #tpu.memory_space<vmem>> -> memref<1x128xi32, #tpu.memory_space<vmem>>
    %dma_start3A_156 = tpu.memref_squeeze %dma_start3A_155 : memref<1x128xi32, #tpu.memory_space<vmem>> -> memref<128xi32, #tpu.memory_space<vmem>>
    %dma_start3A_157 = arith.constant 0 : i32
    %dma_start3A_158 = arith.constant 0 : i32
    %dma_start3A_159 = tpu.memref_slice %arg5[%dma_start3A_157, %dma_start3A_158] : memref<32768x16xf32, #tpu.memory_space<hbm>> -> memref<32768x16xf32, #tpu.memory_space<hbm>>
    tpu.enqueue_indirect_dma source(%dma_start3A_159 : memref<32768x16xf32, #tpu.memory_space<hbm>>) target(%dma_start3A_153 : memref<128x16xf32, #tpu.memory_space<vmem>>) offsets(%dma_start3A_156 : memref<128xi32, #tpu.memory_space<vmem>>) semaphore(%arg14 : memref<!tpu.dma_semaphore, #tpu.memory_space<semaphore_mem>>)
    %dma_start3A_160 = arith.constant 14 : i32
    %dma_start3A_161 = arith.constant 1792 : i32
    %dma_start3A_162 = arith.constant 0 : i32
    %dma_start3A_163 = tpu.memref_slice %arg11[%dma_start3A_161, %dma_start3A_162] : memref<2048x16xf32, #tpu.memory_space<vmem>> -> memref<128x16xf32, #tpu.memory_space<vmem>>
    %dma_start3A_164 = arith.constant 0 : i32
    %dma_start3A_165 = tpu.memref_slice %arg7[%dma_start3A_160, %dma_start3A_164] : memref<16x128xi32, #tpu.memory_space<vmem>> -> memref<1x128xi32, #tpu.memory_space<vmem>>
    %dma_start3A_166 = tpu.memref_squeeze %dma_start3A_165 : memref<1x128xi32, #tpu.memory_space<vmem>> -> memref<128xi32, #tpu.memory_space<vmem>>
    %dma_start3A_167 = arith.constant 0 : i32
    %dma_start3A_168 = arith.constant 0 : i32
    %dma_start3A_169 = tpu.memref_slice %arg5[%dma_start3A_167, %dma_start3A_168] : memref<32768x16xf32, #tpu.memory_space<hbm>> -> memref<32768x16xf32, #tpu.memory_space<hbm>>
    tpu.enqueue_indirect_dma source(%dma_start3A_169 : memref<32768x16xf32, #tpu.memory_space<hbm>>) target(%dma_start3A_163 : memref<128x16xf32, #tpu.memory_space<vmem>>) offsets(%dma_start3A_166 : memref<128xi32, #tpu.memory_space<vmem>>) semaphore(%arg14 : memref<!tpu.dma_semaphore, #tpu.memory_space<semaphore_mem>>)
    %dma_start3A_170 = arith.constant 15 : i32
    %dma_start3A_171 = arith.constant 1920 : i32
    %dma_start3A_172 = arith.constant 0 : i32
    %dma_start3A_173 = tpu.memref_slice %arg11[%dma_start3A_171, %dma_start3A_172] : memref<2048x16xf32, #tpu.memory_space<vmem>> -> memref<128x16xf32, #tpu.memory_space<vmem>>
    %dma_start3A_174 = arith.constant 0 : i32
    %dma_start3A_175 = tpu.memref_slice %arg7[%dma_start3A_170, %dma_start3A_174] : memref<16x128xi32, #tpu.memory_space<vmem>> -> memref<1x128xi32, #tpu.memory_space<vmem>>
    %dma_start3A_176 = tpu.memref_squeeze %dma_start3A_175 : memref<1x128xi32, #tpu.memory_space<vmem>> -> memref<128xi32, #tpu.memory_space<vmem>>
    %dma_start3A_177 = arith.constant 0 : i32
    %dma_start3A_178 = arith.constant 0 : i32
    %dma_start3A_179 = tpu.memref_slice %arg5[%dma_start3A_177, %dma_start3A_178] : memref<32768x16xf32, #tpu.memory_space<hbm>> -> memref<32768x16xf32, #tpu.memory_space<hbm>>
    tpu.enqueue_indirect_dma source(%dma_start3A_179 : memref<32768x16xf32, #tpu.memory_space<hbm>>) target(%dma_start3A_173 : memref<128x16xf32, #tpu.memory_space<vmem>>) offsets(%dma_start3A_176 : memref<128xi32, #tpu.memory_space<vmem>>) semaphore(%arg14 : memref<!tpu.dma_semaphore, #tpu.memory_space<semaphore_mem>>)
    %scan3A = arith.constant 0 : i32
    %scan3A_180 = arith.constant 0 : i32
    %scan3A_181 = arith.constant 16 : i32
    %scan3A_182 = arith.addi %scan3A_180, %scan3A_181 : i32
    %scan3A_183 = arith.constant 1 : i32
    scf.for %scan3A_185 = %scan3A_180 to %scan3A_182 step %scan3A_183  : i32 {
      %mul3A_186 = arith.constant 2 : i32
      %mul3A_187 = arith.muli %mul3A_186, %scan3A_185 : i32
      %mul3A_188 = arith.constant 64 : i32
      %mul3A_189 = arith.muli %mul3A_187, %mul3A_188 : i32
      %add3A_190 = arith.addi %mul3A_2, %mul3A_189 : i32
      %multiple_of3A_191 = tpu.assume_multiple %add3A_190, 64 : i32
      %mul3A_192 = arith.constant 2 : i32
      %mul3A_193 = arith.muli %mul3A_192, %scan3A_185 : i32
      %add3A_194 = arith.constant 1 : i32
      %add3A_195 = arith.addi %mul3A_193, %add3A_194 : i32
      %mul3A_196 = arith.constant 64 : i32
      %mul3A_197 = arith.muli %add3A_195, %mul3A_196 : i32
      %add3A_198 = arith.addi %mul3A_2, %mul3A_197 : i32
      %multiple_of3A_199 = tpu.assume_multiple %add3A_198, 64 : i32
      %mul3A_200 = arith.constant 2 : i32
      %mul3A_201 = arith.muli %mul3A_200, %scan3A_185 : i32
      %add3A_202 = arith.constant 2 : i32
      %add3A_203 = arith.addi %mul3A_201, %add3A_202 : i32
      %mul3A_204 = arith.constant 64 : i32
      %mul3A_205 = arith.muli %add3A_203, %mul3A_204 : i32
      %add3A_206 = arith.addi %mul3A_2, %mul3A_205 : i32
      %multiple_of3A_207 = tpu.assume_multiple %add3A_206, 64 : i32
      %mul3A_208 = arith.constant 32 : i32
      %mul3A_209 = arith.muli %multiple_of3A_199, %mul3A_208 : i32
      %jit3A_210 = arith.constant 128 : i32
      %div3A_211 = arith.divsi %mul3A_209, %jit3A_210 : i32
      %sign3A_212 = arith.constant 0 : i32
      %sign3A_213 = arith.cmpi sgt, %mul3A_209, %sign3A_212 : i32
      %sign3A_214 = arith.extui %sign3A_213 : i1 to i32
      %sign3A_215 = arith.constant 0 : i32
      %sign3A_216 = arith.cmpi slt, %mul3A_209, %sign3A_215 : i32
      %sign3A_217 = arith.extui %sign3A_216 : i1 to i32
      %sign3A_218 = arith.subi %sign3A_214, %sign3A_217 : i32
      %sign3A_219 = arith.constant 0 : i32
      %sign3A_220 = arith.cmpi sgt, %jit3A_210, %sign3A_219 : i32
      %sign3A_221 = arith.extui %sign3A_220 : i1 to i32
      %sign3A_222 = arith.constant 0 : i32
      %sign3A_223 = arith.cmpi slt, %jit3A_210, %sign3A_222 : i32
      %sign3A_224 = arith.extui %sign3A_223 : i1 to i32
      %sign3A_225 = arith.subi %sign3A_221, %sign3A_224 : i32
      %ne3A_226 = arith.cmpi ne, %sign3A_218, %sign3A_225 : i32
      %rem3A_227 = arith.remsi %mul3A_209, %jit3A_210 : i32
      %ne3A_228 = arith.constant 0 : i32
      %ne3A_229 = arith.cmpi ne, %rem3A_227, %ne3A_228 : i32
      %and3A_230 = arith.andi %ne3A_226, %ne3A_229 : i1
      %sub3A_231 = arith.constant 1 : i32
      %sub3A_232 = arith.subi %div3A_211, %sub3A_231 : i32
      %select_n3A_233 = arith.select %and3A_230, %sub3A_232, %div3A_211 : i32
      %multiple_of3A_234 = tpu.assume_multiple %select_n3A_233, 16 : i32
      "tpu.region"() ({
        %run_scoped3A = tpu.sem_alloc : memref<!tpu.dma_semaphore, #tpu.memory_space<semaphore_mem>>
        %dma_start3A_426 = arith.constant 0 : i32
        %dma_start3A_427 = tpu.memref_slice %arg3[%multiple_of3A_234, %dma_start3A_426] : memref<16384x128xi32, #tpu.memory_space<hbm>> -> memref<16x128xi32, #tpu.memory_space<hbm>>
        %dma_start3A_428 = arith.constant 0 : i32
        %dma_start3A_429 = tpu.memref_slice %arg3[%multiple_of3A_234, %dma_start3A_428] : memref<16384x128xi32, #tpu.memory_space<hbm>> -> memref<16x128xi32, #tpu.memory_space<hbm>>
        tpu.enqueue_dma source(%dma_start3A_429 : memref<16x128xi32, #tpu.memory_space<hbm>>) target(%arg8 : memref<16x128xi32, #tpu.memory_space<vmem>>) target_semaphore(%run_scoped3A : memref<!tpu.dma_semaphore, #tpu.memory_space<semaphore_mem>>)
        %dma_wait3A_430 = arith.constant 0 : i32
        %dma_wait3A_431 = tpu.memref_slice %arg3[%multiple_of3A_234, %dma_wait3A_430] : memref<16384x128xi32, #tpu.memory_space<hbm>> -> memref<16x128xi32, #tpu.memory_space<hbm>>
        %dma_wait3A_432 = arith.constant 0 : i32
        %dma_wait3A_433 = tpu.memref_slice %arg3[%multiple_of3A_234, %dma_wait3A_432] : memref<16384x128xi32, #tpu.memory_space<hbm>> -> memref<16x128xi32, #tpu.memory_space<hbm>>
        tpu.wait_dma2 semaphore(%run_scoped3A : memref<!tpu.dma_semaphore, #tpu.memory_space<semaphore_mem>>) src(%dma_wait3A_433 : memref<16x128xi32, #tpu.memory_space<hbm>>) dst(%arg8 : memref<16x128xi32, #tpu.memory_space<vmem>>)
        tpu.yield
      }) : () -> ()
      %dma_start3A_235 = arith.constant 0 : i32
      %dma_start3A_236 = arith.constant 0 : i32
      %dma_start3A_237 = arith.constant 0 : i32
      %dma_start3A_238 = tpu.memref_slice %arg12[%dma_start3A_236, %dma_start3A_237] : memref<2048x16xf32, #tpu.memory_space<vmem>> -> memref<128x16xf32, #tpu.memory_space<vmem>>
      %dma_start3A_239 = arith.constant 0 : i32
      %dma_start3A_240 = tpu.memref_slice %arg8[%dma_start3A_235, %dma_start3A_239] : memref<16x128xi32, #tpu.memory_space<vmem>> -> memref<1x128xi32, #tpu.memory_space<vmem>>
      %dma_start3A_241 = tpu.memref_squeeze %dma_start3A_240 : memref<1x128xi32, #tpu.memory_space<vmem>> -> memref<128xi32, #tpu.memory_space<vmem>>
      %dma_start3A_242 = arith.constant 0 : i32
      %dma_start3A_243 = arith.constant 0 : i32
      %dma_start3A_244 = tpu.memref_slice %arg5[%dma_start3A_242, %dma_start3A_243] : memref<32768x16xf32, #tpu.memory_space<hbm>> -> memref<32768x16xf32, #tpu.memory_space<hbm>>
      tpu.enqueue_indirect_dma source(%dma_start3A_244 : memref<32768x16xf32, #tpu.memory_space<hbm>>) target(%dma_start3A_238 : memref<128x16xf32, #tpu.memory_space<vmem>>) offsets(%dma_start3A_241 : memref<128xi32, #tpu.memory_space<vmem>>) semaphore(%arg15 : memref<!tpu.dma_semaphore, #tpu.memory_space<semaphore_mem>>)
      %dma_start3A_245 = arith.constant 1 : i32
      %dma_start3A_246 = arith.constant 128 : i32
      %dma_start3A_247 = arith.constant 0 : i32
      %dma_start3A_248 = tpu.memref_slice %arg12[%dma_start3A_246, %dma_start3A_247] : memref<2048x16xf32, #tpu.memory_space<vmem>> -> memref<128x16xf32, #tpu.memory_space<vmem>>
      %dma_start3A_249 = arith.constant 0 : i32
      %dma_start3A_250 = tpu.memref_slice %arg8[%dma_start3A_245, %dma_start3A_249] : memref<16x128xi32, #tpu.memory_space<vmem>> -> memref<1x128xi32, #tpu.memory_space<vmem>>
      %dma_start3A_251 = tpu.memref_squeeze %dma_start3A_250 : memref<1x128xi32, #tpu.memory_space<vmem>> -> memref<128xi32, #tpu.memory_space<vmem>>
      %dma_start3A_252 = arith.constant 0 : i32
      %dma_start3A_253 = arith.constant 0 : i32
      %dma_start3A_254 = tpu.memref_slice %arg5[%dma_start3A_252, %dma_start3A_253] : memref<32768x16xf32, #tpu.memory_space<hbm>> -> memref<32768x16xf32, #tpu.memory_space<hbm>>
      tpu.enqueue_indirect_dma source(%dma_start3A_254 : memref<32768x16xf32, #tpu.memory_space<hbm>>) target(%dma_start3A_248 : memref<128x16xf32, #tpu.memory_space<vmem>>) offsets(%dma_start3A_251 : memref<128xi32, #tpu.memory_space<vmem>>) semaphore(%arg15 : memref<!tpu.dma_semaphore, #tpu.memory_space<semaphore_mem>>)
      %dma_start3A_255 = arith.constant 2 : i32
      %dma_start3A_256 = arith.constant 256 : i32
      %dma_start3A_257 = arith.constant 0 : i32
      %dma_start3A_258 = tpu.memref_slice %arg12[%dma_start3A_256, %dma_start3A_257] : memref<2048x16xf32, #tpu.memory_space<vmem>> -> memref<128x16xf32, #tpu.memory_space<vmem>>
      %dma_start3A_259 = arith.constant 0 : i32
      %dma_start3A_260 = tpu.memref_slice %arg8[%dma_start3A_255, %dma_start3A_259] : memref<16x128xi32, #tpu.memory_space<vmem>> -> memref<1x128xi32, #tpu.memory_space<vmem>>
      %dma_start3A_261 = tpu.memref_squeeze %dma_start3A_260 : memref<1x128xi32, #tpu.memory_space<vmem>> -> memref<128xi32, #tpu.memory_space<vmem>>
      %dma_start3A_262 = arith.constant 0 : i32
      %dma_start3A_263 = arith.constant 0 : i32
      %dma_start3A_264 = tpu.memref_slice %arg5[%dma_start3A_262, %dma_start3A_263] : memref<32768x16xf32, #tpu.memory_space<hbm>> -> memref<32768x16xf32, #tpu.memory_space<hbm>>
      tpu.enqueue_indirect_dma source(%dma_start3A_264 : memref<32768x16xf32, #tpu.memory_space<hbm>>) target(%dma_start3A_258 : memref<128x16xf32, #tpu.memory_space<vmem>>) offsets(%dma_start3A_261 : memref<128xi32, #tpu.memory_space<vmem>>) semaphore(%arg15 : memref<!tpu.dma_semaphore, #tpu.memory_space<semaphore_mem>>)
      %dma_start3A_265 = arith.constant 3 : i32
      %dma_start3A_266 = arith.constant 384 : i32
      %dma_start3A_267 = arith.constant 0 : i32
      %dma_start3A_268 = tpu.memref_slice %arg12[%dma_start3A_266, %dma_start3A_267] : memref<2048x16xf32, #tpu.memory_space<vmem>> -> memref<128x16xf32, #tpu.memory_space<vmem>>
      %dma_start3A_269 = arith.constant 0 : i32
      %dma_start3A_270 = tpu.memref_slice %arg8[%dma_start3A_265, %dma_start3A_269] : memref<16x128xi32, #tpu.memory_space<vmem>> -> memref<1x128xi32, #tpu.memory_space<vmem>>
      %dma_start3A_271 = tpu.memref_squeeze %dma_start3A_270 : memref<1x128xi32, #tpu.memory_space<vmem>> -> memref<128xi32, #tpu.memory_space<vmem>>
      %dma_start3A_272 = arith.constant 0 : i32
      %dma_start3A_273 = arith.constant 0 : i32
      %dma_start3A_274 = tpu.memref_slice %arg5[%dma_start3A_272, %dma_start3A_273] : memref<32768x16xf32, #tpu.memory_space<hbm>> -> memref<32768x16xf32, #tpu.memory_space<hbm>>
      tpu.enqueue_indirect_dma source(%dma_start3A_274 : memref<32768x16xf32, #tpu.memory_space<hbm>>) target(%dma_start3A_268 : memref<128x16xf32, #tpu.memory_space<vmem>>) offsets(%dma_start3A_271 : memref<128xi32, #tpu.memory_space<vmem>>) semaphore(%arg15 : memref<!tpu.dma_semaphore, #tpu.memory_space<semaphore_mem>>)
      %dma_start3A_275 = arith.constant 4 : i32
      %dma_start3A_276 = arith.constant 512 : i32
      %dma_start3A_277 = arith.constant 0 : i32
      %dma_start3A_278 = tpu.memref_slice %arg12[%dma_start3A_276, %dma_start3A_277] : memref<2048x16xf32, #tpu.memory_space<vmem>> -> memref<128x16xf32, #tpu.memory_space<vmem>>
      %dma_start3A_279 = arith.constant 0 : i32
      %dma_start3A_280 = tpu.memref_slice %arg8[%dma_start3A_275, %dma_start3A_279] : memref<16x128xi32, #tpu.memory_space<vmem>> -> memref<1x128xi32, #tpu.memory_space<vmem>>
      %dma_start3A_281 = tpu.memref_squeeze %dma_start3A_280 : memref<1x128xi32, #tpu.memory_space<vmem>> -> memref<128xi32, #tpu.memory_space<vmem>>
      %dma_start3A_282 = arith.constant 0 : i32
      %dma_start3A_283 = arith.constant 0 : i32
      %dma_start3A_284 = tpu.memref_slice %arg5[%dma_start3A_282, %dma_start3A_283] : memref<32768x16xf32, #tpu.memory_space<hbm>> -> memref<32768x16xf32, #tpu.memory_space<hbm>>
      tpu.enqueue_indirect_dma source(%dma_start3A_284 : memref<32768x16xf32, #tpu.memory_space<hbm>>) target(%dma_start3A_278 : memref<128x16xf32, #tpu.memory_space<vmem>>) offsets(%dma_start3A_281 : memref<128xi32, #tpu.memory_space<vmem>>) semaphore(%arg15 : memref<!tpu.dma_semaphore, #tpu.memory_space<semaphore_mem>>)
      %dma_start3A_285 = arith.constant 5 : i32
      %dma_start3A_286 = arith.constant 640 : i32
      %dma_start3A_287 = arith.constant 0 : i32
      %dma_start3A_288 = tpu.memref_slice %arg12[%dma_start3A_286, %dma_start3A_287] : memref<2048x16xf32, #tpu.memory_space<vmem>> -> memref<128x16xf32, #tpu.memory_space<vmem>>
      %dma_start3A_289 = arith.constant 0 : i32
      %dma_start3A_290 = tpu.memref_slice %arg8[%dma_start3A_285, %dma_start3A_289] : memref<16x128xi32, #tpu.memory_space<vmem>> -> memref<1x128xi32, #tpu.memory_space<vmem>>
      %dma_start3A_291 = tpu.memref_squeeze %dma_start3A_290 : memref<1x128xi32, #tpu.memory_space<vmem>> -> memref<128xi32, #tpu.memory_space<vmem>>
      %dma_start3A_292 = arith.constant 0 : i32
      %dma_start3A_293 = arith.constant 0 : i32
      %dma_start3A_294 = tpu.memref_slice %arg5[%dma_start3A_292, %dma_start3A_293] : memref<32768x16xf32, #tpu.memory_space<hbm>> -> memref<32768x16xf32, #tpu.memory_space<hbm>>
      tpu.enqueue_indirect_dma source(%dma_start3A_294 : memref<32768x16xf32, #tpu.memory_space<hbm>>) target(%dma_start3A_288 : memref<128x16xf32, #tpu.memory_space<vmem>>) offsets(%dma_start3A_291 : memref<128xi32, #tpu.memory_space<vmem>>) semaphore(%arg15 : memref<!tpu.dma_semaphore, #tpu.memory_space<semaphore_mem>>)
      %dma_start3A_295 = arith.constant 6 : i32
      %dma_start3A_296 = arith.constant 768 : i32
      %dma_start3A_297 = arith.constant 0 : i32
      %dma_start3A_298 = tpu.memref_slice %arg12[%dma_start3A_296, %dma_start3A_297] : memref<2048x16xf32, #tpu.memory_space<vmem>> -> memref<128x16xf32, #tpu.memory_space<vmem>>
      %dma_start3A_299 = arith.constant 0 : i32
      %dma_start3A_300 = tpu.memref_slice %arg8[%dma_start3A_295, %dma_start3A_299] : memref<16x128xi32, #tpu.memory_space<vmem>> -> memref<1x128xi32, #tpu.memory_space<vmem>>
      %dma_start3A_301 = tpu.memref_squeeze %dma_start3A_300 : memref<1x128xi32, #tpu.memory_space<vmem>> -> memref<128xi32, #tpu.memory_space<vmem>>
      %dma_start3A_302 = arith.constant 0 : i32
      %dma_start3A_303 = arith.constant 0 : i32
      %dma_start3A_304 = tpu.memref_slice %arg5[%dma_start3A_302, %dma_start3A_303] : memref<32768x16xf32, #tpu.memory_space<hbm>> -> memref<32768x16xf32, #tpu.memory_space<hbm>>
      tpu.enqueue_indirect_dma source(%dma_start3A_304 : memref<32768x16xf32, #tpu.memory_space<hbm>>) target(%dma_start3A_298 : memref<128x16xf32, #tpu.memory_space<vmem>>) offsets(%dma_start3A_301 : memref<128xi32, #tpu.memory_space<vmem>>) semaphore(%arg15 : memref<!tpu.dma_semaphore, #tpu.memory_space<semaphore_mem>>)
      %dma_start3A_305 = arith.constant 7 : i32
      %dma_start3A_306 = arith.constant 896 : i32
      %dma_start3A_307 = arith.constant 0 : i32
      %dma_start3A_308 = tpu.memref_slice %arg12[%dma_start3A_306, %dma_start3A_307] : memref<2048x16xf32, #tpu.memory_space<vmem>> -> memref<128x16xf32, #tpu.memory_space<vmem>>
      %dma_start3A_309 = arith.constant 0 : i32
      %dma_start3A_310 = tpu.memref_slice %arg8[%dma_start3A_305, %dma_start3A_309] : memref<16x128xi32, #tpu.memory_space<vmem>> -> memref<1x128xi32, #tpu.memory_space<vmem>>
      %dma_start3A_311 = tpu.memref_squeeze %dma_start3A_310 : memref<1x128xi32, #tpu.memory_space<vmem>> -> memref<128xi32, #tpu.memory_space<vmem>>
      %dma_start3A_312 = arith.constant 0 : i32
      %dma_start3A_313 = arith.constant 0 : i32
      %dma_start3A_314 = tpu.memref_slice %arg5[%dma_start3A_312, %dma_start3A_313] : memref<32768x16xf32, #tpu.memory_space<hbm>> -> memref<32768x16xf32, #tpu.memory_space<hbm>>
      tpu.enqueue_indirect_dma source(%dma_start3A_314 : memref<32768x16xf32, #tpu.memory_space<hbm>>) target(%dma_start3A_308 : memref<128x16xf32, #tpu.memory_space<vmem>>) offsets(%dma_start3A_311 : memref<128xi32, #tpu.memory_space<vmem>>) semaphore(%arg15 : memref<!tpu.dma_semaphore, #tpu.memory_space<semaphore_mem>>)
      %dma_start3A_315 = arith.constant 8 : i32
      %dma_start3A_316 = arith.constant 1024 : i32
      %dma_start3A_317 = arith.constant 0 : i32
      %dma_start3A_318 = tpu.memref_slice %arg12[%dma_start3A_316, %dma_start3A_317] : memref<2048x16xf32, #tpu.memory_space<vmem>> -> memref<128x16xf32, #tpu.memory_space<vmem>>
      %dma_start3A_319 = arith.constant 0 : i32
      %dma_start3A_320 = tpu.memref_slice %arg8[%dma_start3A_315, %dma_start3A_319] : memref<16x128xi32, #tpu.memory_space<vmem>> -> memref<1x128xi32, #tpu.memory_space<vmem>>
      %dma_start3A_321 = tpu.memref_squeeze %dma_start3A_320 : memref<1x128xi32, #tpu.memory_space<vmem>> -> memref<128xi32, #tpu.memory_space<vmem>>
      %dma_start3A_322 = arith.constant 0 : i32
      %dma_start3A_323 = arith.constant 0 : i32
      %dma_start3A_324 = tpu.memref_slice %arg5[%dma_start3A_322, %dma_start3A_323] : memref<32768x16xf32, #tpu.memory_space<hbm>> -> memref<32768x16xf32, #tpu.memory_space<hbm>>
      tpu.enqueue_indirect_dma source(%dma_start3A_324 : memref<32768x16xf32, #tpu.memory_space<hbm>>) target(%dma_start3A_318 : memref<128x16xf32, #tpu.memory_space<vmem>>) offsets(%dma_start3A_321 : memref<128xi32, #tpu.memory_space<vmem>>) semaphore(%arg15 : memref<!tpu.dma_semaphore, #tpu.memory_space<semaphore_mem>>)
      %dma_start3A_325 = arith.constant 9 : i32
      %dma_start3A_326 = arith.constant 1152 : i32
      %dma_start3A_327 = arith.constant 0 : i32
      %dma_start3A_328 = tpu.memref_slice %arg12[%dma_start3A_326, %dma_start3A_327] : memref<2048x16xf32, #tpu.memory_space<vmem>> -> memref<128x16xf32, #tpu.memory_space<vmem>>
      %dma_start3A_329 = arith.constant 0 : i32
      %dma_start3A_330 = tpu.memref_slice %arg8[%dma_start3A_325, %dma_start3A_329] : memref<16x128xi32, #tpu.memory_space<vmem>> -> memref<1x128xi32, #tpu.memory_space<vmem>>
      %dma_start3A_331 = tpu.memref_squeeze %dma_start3A_330 : memref<1x128xi32, #tpu.memory_space<vmem>> -> memref<128xi32, #tpu.memory_space<vmem>>
      %dma_start3A_332 = arith.constant 0 : i32
      %dma_start3A_333 = arith.constant 0 : i32
      %dma_start3A_334 = tpu.memref_slice %arg5[%dma_start3A_332, %dma_start3A_333] : memref<32768x16xf32, #tpu.memory_space<hbm>> -> memref<32768x16xf32, #tpu.memory_space<hbm>>
      tpu.enqueue_indirect_dma source(%dma_start3A_334 : memref<32768x16xf32, #tpu.memory_space<hbm>>) target(%dma_start3A_328 : memref<128x16xf32, #tpu.memory_space<vmem>>) offsets(%dma_start3A_331 : memref<128xi32, #tpu.memory_space<vmem>>) semaphore(%arg15 : memref<!tpu.dma_semaphore, #tpu.memory_space<semaphore_mem>>)
      %dma_start3A_335 = arith.constant 10 : i32
      %dma_start3A_336 = arith.constant 1280 : i32
      %dma_start3A_337 = arith.constant 0 : i32
      %dma_start3A_338 = tpu.memref_slice %arg12[%dma_start3A_336, %dma_start3A_337] : memref<2048x16xf32, #tpu.memory_space<vmem>> -> memref<128x16xf32, #tpu.memory_space<vmem>>
      %dma_start3A_339 = arith.constant 0 : i32
      %dma_start3A_340 = tpu.memref_slice %arg8[%dma_start3A_335, %dma_start3A_339] : memref<16x128xi32, #tpu.memory_space<vmem>> -> memref<1x128xi32, #tpu.memory_space<vmem>>
      %dma_start3A_341 = tpu.memref_squeeze %dma_start3A_340 : memref<1x128xi32, #tpu.memory_space<vmem>> -> memref<128xi32, #tpu.memory_space<vmem>>
      %dma_start3A_342 = arith.constant 0 : i32
      %dma_start3A_343 = arith.constant 0 : i32
      %dma_start3A_344 = tpu.memref_slice %arg5[%dma_start3A_342, %dma_start3A_343] : memref<32768x16xf32, #tpu.memory_space<hbm>> -> memref<32768x16xf32, #tpu.memory_space<hbm>>
      tpu.enqueue_indirect_dma source(%dma_start3A_344 : memref<32768x16xf32, #tpu.memory_space<hbm>>) target(%dma_start3A_338 : memref<128x16xf32, #tpu.memory_space<vmem>>) offsets(%dma_start3A_341 : memref<128xi32, #tpu.memory_space<vmem>>) semaphore(%arg15 : memref<!tpu.dma_semaphore, #tpu.memory_space<semaphore_mem>>)
      %dma_start3A_345 = arith.constant 11 : i32
      %dma_start3A_346 = arith.constant 1408 : i32
      %dma_start3A_347 = arith.constant 0 : i32
      %dma_start3A_348 = tpu.memref_slice %arg12[%dma_start3A_346, %dma_start3A_347] : memref<2048x16xf32, #tpu.memory_space<vmem>> -> memref<128x16xf32, #tpu.memory_space<vmem>>
      %dma_start3A_349 = arith.constant 0 : i32
      %dma_start3A_350 = tpu.memref_slice %arg8[%dma_start3A_345, %dma_start3A_349] : memref<16x128xi32, #tpu.memory_space<vmem>> -> memref<1x128xi32, #tpu.memory_space<vmem>>
      %dma_start3A_351 = tpu.memref_squeeze %dma_start3A_350 : memref<1x128xi32, #tpu.memory_space<vmem>> -> memref<128xi32, #tpu.memory_space<vmem>>
      %dma_start3A_352 = arith.constant 0 : i32
      %dma_start3A_353 = arith.constant 0 : i32
      %dma_start3A_354 = tpu.memref_slice %arg5[%dma_start3A_352, %dma_start3A_353] : memref<32768x16xf32, #tpu.memory_space<hbm>> -> memref<32768x16xf32, #tpu.memory_space<hbm>>
      tpu.enqueue_indirect_dma source(%dma_start3A_354 : memref<32768x16xf32, #tpu.memory_space<hbm>>) target(%dma_start3A_348 : memref<128x16xf32, #tpu.memory_space<vmem>>) offsets(%dma_start3A_351 : memref<128xi32, #tpu.memory_space<vmem>>) semaphore(%arg15 : memref<!tpu.dma_semaphore, #tpu.memory_space<semaphore_mem>>)
      %dma_start3A_355 = arith.constant 12 : i32
      %dma_start3A_356 = arith.constant 1536 : i32
      %dma_start3A_357 = arith.constant 0 : i32
      %dma_start3A_358 = tpu.memref_slice %arg12[%dma_start3A_356, %dma_start3A_357] : memref<2048x16xf32, #tpu.memory_space<vmem>> -> memref<128x16xf32, #tpu.memory_space<vmem>>
      %dma_start3A_359 = arith.constant 0 : i32
      %dma_start3A_360 = tpu.memref_slice %arg8[%dma_start3A_355, %dma_start3A_359] : memref<16x128xi32, #tpu.memory_space<vmem>> -> memref<1x128xi32, #tpu.memory_space<vmem>>
      %dma_start3A_361 = tpu.memref_squeeze %dma_start3A_360 : memref<1x128xi32, #tpu.memory_space<vmem>> -> memref<128xi32, #tpu.memory_space<vmem>>
      %dma_start3A_362 = arith.constant 0 : i32
      %dma_start3A_363 = arith.constant 0 : i32
      %dma_start3A_364 = tpu.memref_slice %arg5[%dma_start3A_362, %dma_start3A_363] : memref<32768x16xf32, #tpu.memory_space<hbm>> -> memref<32768x16xf32, #tpu.memory_space<hbm>>
      tpu.enqueue_indirect_dma source(%dma_start3A_364 : memref<32768x16xf32, #tpu.memory_space<hbm>>) target(%dma_start3A_358 : memref<128x16xf32, #tpu.memory_space<vmem>>) offsets(%dma_start3A_361 : memref<128xi32, #tpu.memory_space<vmem>>) semaphore(%arg15 : memref<!tpu.dma_semaphore, #tpu.memory_space<semaphore_mem>>)
      %dma_start3A_365 = arith.constant 13 : i32
      %dma_start3A_366 = arith.constant 1664 : i32
      %dma_start3A_367 = arith.constant 0 : i32
      %dma_start3A_368 = tpu.memref_slice %arg12[%dma_start3A_366, %dma_start3A_367] : memref<2048x16xf32, #tpu.memory_space<vmem>> -> memref<128x16xf32, #tpu.memory_space<vmem>>
      %dma_start3A_369 = arith.constant 0 : i32
      %dma_start3A_370 = tpu.memref_slice %arg8[%dma_start3A_365, %dma_start3A_369] : memref<16x128xi32, #tpu.memory_space<vmem>> -> memref<1x128xi32, #tpu.memory_space<vmem>>
      %dma_start3A_371 = tpu.memref_squeeze %dma_start3A_370 : memref<1x128xi32, #tpu.memory_space<vmem>> -> memref<128xi32, #tpu.memory_space<vmem>>
      %dma_start3A_372 = arith.constant 0 : i32
      %dma_start3A_373 = arith.constant 0 : i32
      %dma_start3A_374 = tpu.memref_slice %arg5[%dma_start3A_372, %dma_start3A_373] : memref<32768x16xf32, #tpu.memory_space<hbm>> -> memref<32768x16xf32, #tpu.memory_space<hbm>>
      tpu.enqueue_indirect_dma source(%dma_start3A_374 : memref<32768x16xf32, #tpu.memory_space<hbm>>) target(%dma_start3A_368 : memref<128x16xf32, #tpu.memory_space<vmem>>) offsets(%dma_start3A_371 : memref<128xi32, #tpu.memory_space<vmem>>) semaphore(%arg15 : memref<!tpu.dma_semaphore, #tpu.memory_space<semaphore_mem>>)
      %dma_start3A_375 = arith.constant 14 : i32
      %dma_start3A_376 = arith.constant 1792 : i32
      %dma_start3A_377 = arith.constant 0 : i32
      %dma_start3A_378 = tpu.memref_slice %arg12[%dma_start3A_376, %dma_start3A_377] : memref<2048x16xf32, #tpu.memory_space<vmem>> -> memref<128x16xf32, #tpu.memory_space<vmem>>
      %dma_start3A_379 = arith.constant 0 : i32
      %dma_start3A_380 = tpu.memref_slice %arg8[%dma_start3A_375, %dma_start3A_379] : memref<16x128xi32, #tpu.memory_space<vmem>> -> memref<1x128xi32, #tpu.memory_space<vmem>>
      %dma_start3A_381 = tpu.memref_squeeze %dma_start3A_380 : memref<1x128xi32, #tpu.memory_space<vmem>> -> memref<128xi32, #tpu.memory_space<vmem>>
      %dma_start3A_382 = arith.constant 0 : i32
      %dma_start3A_383 = arith.constant 0 : i32
      %dma_start3A_384 = tpu.memref_slice %arg5[%dma_start3A_382, %dma_start3A_383] : memref<32768x16xf32, #tpu.memory_space<hbm>> -> memref<32768x16xf32, #tpu.memory_space<hbm>>
      tpu.enqueue_indirect_dma source(%dma_start3A_384 : memref<32768x16xf32, #tpu.memory_space<hbm>>) target(%dma_start3A_378 : memref<128x16xf32, #tpu.memory_space<vmem>>) offsets(%dma_start3A_381 : memref<128xi32, #tpu.memory_space<vmem>>) semaphore(%arg15 : memref<!tpu.dma_semaphore, #tpu.memory_space<semaphore_mem>>)
      %dma_start3A_385 = arith.constant 15 : i32
      %dma_start3A_386 = arith.constant 1920 : i32
      %dma_start3A_387 = arith.constant 0 : i32
      %dma_start3A_388 = tpu.memref_slice %arg12[%dma_start3A_386, %dma_start3A_387] : memref<2048x16xf32, #tpu.memory_space<vmem>> -> memref<128x16xf32, #tpu.memory_space<vmem>>
      %dma_start3A_389 = arith.constant 0 : i32
      %dma_start3A_390 = tpu.memref_slice %arg8[%dma_start3A_385, %dma_start3A_389] : memref<16x128xi32, #tpu.memory_space<vmem>> -> memref<1x128xi32, #tpu.memory_space<vmem>>
      %dma_start3A_391 = tpu.memref_squeeze %dma_start3A_390 : memref<1x128xi32, #tpu.memory_space<vmem>> -> memref<128xi32, #tpu.memory_space<vmem>>
      %dma_start3A_392 = arith.constant 0 : i32
      %dma_start3A_393 = arith.constant 0 : i32
      %dma_start3A_394 = tpu.memref_slice %arg5[%dma_start3A_392, %dma_start3A_393] : memref<32768x16xf32, #tpu.memory_space<hbm>> -> memref<32768x16xf32, #tpu.memory_space<hbm>>
      tpu.enqueue_indirect_dma source(%dma_start3A_394 : memref<32768x16xf32, #tpu.memory_space<hbm>>) target(%dma_start3A_388 : memref<128x16xf32, #tpu.memory_space<vmem>>) offsets(%dma_start3A_391 : memref<128xi32, #tpu.memory_space<vmem>>) semaphore(%arg15 : memref<!tpu.dma_semaphore, #tpu.memory_space<semaphore_mem>>)
      %dma_wait3A = arith.constant 0 : i32
      %dma_wait3A_395 = arith.constant 0 : i32
      %dma_wait3A_396 = tpu.memref_slice %arg5[%dma_wait3A, %dma_wait3A_395] : memref<32768x16xf32, #tpu.memory_space<hbm>> -> memref<2048x16xf32, #tpu.memory_space<hbm>>
      %dma_wait3A_397 = arith.constant 0 : i32
      %dma_wait3A_398 = arith.constant 0 : i32
      %dma_wait3A_399 = tpu.memref_slice %arg5[%dma_wait3A_397, %dma_wait3A_398] : memref<32768x16xf32, #tpu.memory_space<hbm>> -> memref<2048x16xf32, #tpu.memory_space<hbm>>
      tpu.wait_dma2 semaphore(%arg14 : memref<!tpu.dma_semaphore, #tpu.memory_space<semaphore_mem>>) src(%dma_wait3A_399 : memref<2048x16xf32, #tpu.memory_space<hbm>>) dst(%arg11 : memref<2048x16xf32, #tpu.memory_space<vmem>>)
      "tpu.region"() ({
        %run_scoped3A = tpu.sem_alloc : memref<!tpu.dma_semaphore, #tpu.memory_space<semaphore_mem>>
        %dma_start3A_426 = arith.constant 0 : i32
        %dma_start3A_427 = tpu.memref_slice %arg2[%multiple_of3A_191, %dma_start3A_426] : memref<65536x16xf32, #tpu.memory_space<hbm>> -> memref<64x16xf32, #tpu.memory_space<hbm>>
        %dma_start3A_428 = arith.constant 0 : i32
        %dma_start3A_429 = tpu.memref_slice %arg2[%multiple_of3A_191, %dma_start3A_428] : memref<65536x16xf32, #tpu.memory_space<hbm>> -> memref<64x16xf32, #tpu.memory_space<hbm>>
        tpu.enqueue_dma source(%dma_start3A_429 : memref<64x16xf32, #tpu.memory_space<hbm>>) target(%arg10 : memref<64x16xf32, #tpu.memory_space<vmem>>) target_semaphore(%run_scoped3A : memref<!tpu.dma_semaphore, #tpu.memory_space<semaphore_mem>>)
        %dma_wait3A_430 = arith.constant 0 : i32
        %dma_wait3A_431 = tpu.memref_slice %arg2[%multiple_of3A_191, %dma_wait3A_430] : memref<65536x16xf32, #tpu.memory_space<hbm>> -> memref<64x16xf32, #tpu.memory_space<hbm>>
        %dma_wait3A_432 = arith.constant 0 : i32
        %dma_wait3A_433 = tpu.memref_slice %arg2[%multiple_of3A_191, %dma_wait3A_432] : memref<65536x16xf32, #tpu.memory_space<hbm>> -> memref<64x16xf32, #tpu.memory_space<hbm>>
        tpu.wait_dma2 semaphore(%run_scoped3A : memref<!tpu.dma_semaphore, #tpu.memory_space<semaphore_mem>>) src(%dma_wait3A_433 : memref<64x16xf32, #tpu.memory_space<hbm>>) dst(%arg10 : memref<64x16xf32, #tpu.memory_space<vmem>>)
        tpu.yield
      }) : () -> ()
      %mul3A_400 = arith.constant 32 : i32
      %mul3A_401 = arith.muli %multiple_of3A_191, %mul3A_400 : i32
      %multiple_of3A_402 = tpu.assume_multiple %mul3A_401, 2048 : i32
      "tpu.region"() ({
        %run_scoped3A = tpu.sem_alloc : memref<!tpu.dma_semaphore, #tpu.memory_space<semaphore_mem>>
        %dma_start3A_426 = tpu.memref_slice %arg4[%multiple_of3A_402] : memref<2097152xf32, #tpu.memory_space<hbm>> -> memref<2048xf32, #tpu.memory_space<hbm>>
        %dma_start3A_427 = tpu.memref_slice %arg4[%multiple_of3A_402] : memref<2097152xf32, #tpu.memory_space<hbm>> -> memref<2048xf32, #tpu.memory_space<hbm>>
        tpu.enqueue_dma source(%dma_start3A_427 : memref<2048xf32, #tpu.memory_space<hbm>>) target(%arg9 : memref<2048xf32, #tpu.memory_space<vmem>>) target_semaphore(%run_scoped3A : memref<!tpu.dma_semaphore, #tpu.memory_space<semaphore_mem>>)
        %dma_wait3A_428 = tpu.memref_slice %arg4[%multiple_of3A_402] : memref<2097152xf32, #tpu.memory_space<hbm>> -> memref<2048xf32, #tpu.memory_space<hbm>>
        %dma_wait3A_429 = tpu.memref_slice %arg4[%multiple_of3A_402] : memref<2097152xf32, #tpu.memory_space<hbm>> -> memref<2048xf32, #tpu.memory_space<hbm>>
        tpu.wait_dma2 semaphore(%run_scoped3A : memref<!tpu.dma_semaphore, #tpu.memory_space<semaphore_mem>>) src(%dma_wait3A_429 : memref<2048xf32, #tpu.memory_space<hbm>>) dst(%arg9 : memref<2048xf32, #tpu.memory_space<vmem>>)
        tpu.yield
      }) : () -> ()
      %scan3A_403 = arith.constant 0 : i32
      %scan3A_404 = arith.constant 0 : i32
      %scan3A_405 = arith.constant 64 : i32
      %scan3A_406 = arith.addi %scan3A_404, %scan3A_405 : i32
      %scan3A_407 = arith.constant 1 : i32
      scf.for %scan3A_426 = %scan3A_404 to %scan3A_406 step %scan3A_407  : i32 {
        %mul3A_427 = arith.constant 32 : i32
        %mul3A_428 = arith.muli %scan3A_426, %mul3A_427 : i32
        %multiple_of3A_429 = tpu.assume_multiple %mul3A_428, 32 : i32
        %get3A = arith.index_cast %multiple_of3A_429 : i32 to index
        %get3A_430 = tpu.vector_load %arg9[%get3A] {strides = array<i32>} : memref<2048xf32, #tpu.memory_space<vmem>>, vector<16xf32>,
        %add3A_431 = arith.constant 16 : i32
        %add3A_432 = arith.addi %multiple_of3A_429, %add3A_431 : i32
        %get3A_433 = arith.index_cast %add3A_432 : i32 to index
        %get3A_434 = tpu.vector_load %arg9[%get3A_433] {strides = array<i32>} : memref<2048xf32, #tpu.memory_space<vmem>>, vector<16xf32>,
        %get3A_435 = arith.index_cast %scan3A_426 : i32 to index
        %get3A_436 = arith.constant 0 : index
        %get3A_437 = tpu.vector_load %arg10[%get3A_435, %get3A_436] {strides = array<i32>} : memref<64x16xf32, #tpu.memory_space<vmem>>, vector<16xf32>,
        %neg3A = arith.constant 0.000000e+00 : f32
        %neg3A_438 = vector.broadcast %neg3A : f32 to vector<16xf32>
        %neg3A_439 = arith.subf %neg3A_438, %get3A_437 : vector<16xf32>
        %broadcast_in_dim3A = arith.constant 0.000000e+00 : f32
        %broadcast_in_dim3A_440 = vector.broadcast %broadcast_in_dim3A : f32 to vector<16xf32>
        %broadcast_in_dim3A_441 = arith.constant 0.000000e+00 : f32
        %broadcast_in_dim3A_442 = vector.broadcast %broadcast_in_dim3A_441 : f32 to vector<16xf32>
        %broadcast_in_dim3A_443 = arith.constant 0.000000e+00 : f32
        %broadcast_in_dim3A_444 = vector.broadcast %broadcast_in_dim3A_443 : f32 to vector<16xf32>
        %broadcast_in_dim3A_445 = arith.constant 0 : i32
        %broadcast_in_dim3A_446 = vector.broadcast %broadcast_in_dim3A_445 : i32 to vector<16xi32>
        %lt3A_447 = arith.constant 0 : i32
        %lt3A_448 = vector.broadcast %lt3A_447 : i32 to vector<16xi32>
        %lt3A_449 = arith.cmpi slt, %broadcast_in_dim3A_446, %lt3A_448 : vector<16xi32>
        %add3A_450 = arith.constant 16 : i32
        %add3A_451 = vector.broadcast %add3A_450 : i32 to vector<16xi32>
        %add3A_452 = arith.addi %broadcast_in_dim3A_446, %add3A_451 : vector<16xi32>
        %select_n3A_453 = arith.select %lt3A_449, %add3A_452, %broadcast_in_dim3A_446 : vector<16xi1>, vector<16xi32>
        %reshape3A = vector.shape_cast %select_n3A_453 : vector<16xi32> to vector<16x1xi32>
        %gather3A = vector.shape_cast %reshape3A : vector<16x1xi32> to vector<16xi32>
        %gather3A_454 = tpu.dynamic_gather %get3A_430[%gather3A] in [0] : vector<16xf32>, vector<16xi32> -> vector<16xf32>
        %add3A_455 = arith.constant 0 : i32
        %add3A_456 = arith.addi %multiple_of3A_429, %add3A_455 : i32
        %get3A_457 = arith.index_cast %add3A_456 : i32 to index
        %get3A_458 = arith.constant 0 : index
        %get3A_459 = tpu.vector_load %arg11[%get3A_457, %get3A_458] {strides = array<i32>} : memref<2048x16xf32, #tpu.memory_space<vmem>>, vector<16xf32>,
        %mul3A_460 = arith.mulf %gather3A_454, %get3A_459 : vector<16xf32>
        %add3A_461 = arith.addf %neg3A_439, %mul3A_460 : vector<16xf32>
        %broadcast_in_dim3A_462 = arith.constant 1 : i32
        %broadcast_in_dim3A_463 = vector.broadcast %broadcast_in_dim3A_462 : i32 to vector<16xi32>
        %lt3A_464 = arith.constant 0 : i32
        %lt3A_465 = vector.broadcast %lt3A_464 : i32 to vector<16xi32>
        %lt3A_466 = arith.cmpi slt, %broadcast_in_dim3A_463, %lt3A_465 : vector<16xi32>
        %add3A_467 = arith.constant 16 : i32
        %add3A_468 = vector.broadcast %add3A_467 : i32 to vector<16xi32>
        %add3A_469 = arith.addi %broadcast_in_dim3A_463, %add3A_468 : vector<16xi32>
        %select_n3A_470 = arith.select %lt3A_466, %add3A_469, %broadcast_in_dim3A_463 : vector<16xi1>, vector<16xi32>
        %reshape3A_471 = vector.shape_cast %select_n3A_470 : vector<16xi32> to vector<16x1xi32>
        %gather3A_472 = vector.shape_cast %reshape3A_471 : vector<16x1xi32> to vector<16xi32>
        %gather3A_473 = tpu.dynamic_gather %get3A_430[%gather3A_472] in [0] : vector<16xf32>, vector<16xi32> -> vector<16xf32>
        %add3A_474 = arith.constant 1 : i32
        %add3A_475 = arith.addi %multiple_of3A_429, %add3A_474 : i32
        %get3A_476 = arith.index_cast %add3A_475 : i32 to index
        %get3A_477 = arith.constant 0 : index
        %get3A_478 = tpu.vector_load %arg11[%get3A_476, %get3A_477] {strides = array<i32>} : memref<2048x16xf32, #tpu.memory_space<vmem>>, vector<16xf32>,
        %mul3A_479 = arith.mulf %gather3A_473, %get3A_478 : vector<16xf32>
        %add3A_480 = arith.addf %broadcast_in_dim3A_440, %mul3A_479 : vector<16xf32>
        %broadcast_in_dim3A_481 = arith.constant 2 : i32
        %broadcast_in_dim3A_482 = vector.broadcast %broadcast_in_dim3A_481 : i32 to vector<16xi32>
        %lt3A_483 = arith.constant 0 : i32
        %lt3A_484 = vector.broadcast %lt3A_483 : i32 to vector<16xi32>
        %lt3A_485 = arith.cmpi slt, %broadcast_in_dim3A_482, %lt3A_484 : vector<16xi32>
        %add3A_486 = arith.constant 16 : i32
        %add3A_487 = vector.broadcast %add3A_486 : i32 to vector<16xi32>
        %add3A_488 = arith.addi %broadcast_in_dim3A_482, %add3A_487 : vector<16xi32>
        %select_n3A_489 = arith.select %lt3A_485, %add3A_488, %broadcast_in_dim3A_482 : vector<16xi1>, vector<16xi32>
        %reshape3A_490 = vector.shape_cast %select_n3A_489 : vector<16xi32> to vector<16x1xi32>
        %gather3A_491 = vector.shape_cast %reshape3A_490 : vector<16x1xi32> to vector<16xi32>
        %gather3A_492 = tpu.dynamic_gather %get3A_430[%gather3A_491] in [0] : vector<16xf32>, vector<16xi32> -> vector<16xf32>
        %add3A_493 = arith.constant 2 : i32
        %add3A_494 = arith.addi %multiple_of3A_429, %add3A_493 : i32
        %get3A_495 = arith.index_cast %add3A_494 : i32 to index
        %get3A_496 = arith.constant 0 : index
        %get3A_497 = tpu.vector_load %arg11[%get3A_495, %get3A_496] {strides = array<i32>} : memref<2048x16xf32, #tpu.memory_space<vmem>>, vector<16xf32>,
        %mul3A_498 = arith.mulf %gather3A_492, %get3A_497 : vector<16xf32>
        %add3A_499 = arith.addf %broadcast_in_dim3A_442, %mul3A_498 : vector<16xf32>
        %broadcast_in_dim3A_500 = arith.constant 3 : i32
        %broadcast_in_dim3A_501 = vector.broadcast %broadcast_in_dim3A_500 : i32 to vector<16xi32>
        %lt3A_502 = arith.constant 0 : i32
        %lt3A_503 = vector.broadcast %lt3A_502 : i32 to vector<16xi32>
        %lt3A_504 = arith.cmpi slt, %broadcast_in_dim3A_501, %lt3A_503 : vector<16xi32>
        %add3A_505 = arith.constant 16 : i32
        %add3A_506 = vector.broadcast %add3A_505 : i32 to vector<16xi32>
        %add3A_507 = arith.addi %broadcast_in_dim3A_501, %add3A_506 : vector<16xi32>
        %select_n3A_508 = arith.select %lt3A_504, %add3A_507, %broadcast_in_dim3A_501 : vector<16xi1>, vector<16xi32>
        %reshape3A_509 = vector.shape_cast %select_n3A_508 : vector<16xi32> to vector<16x1xi32>
        %gather3A_510 = vector.shape_cast %reshape3A_509 : vector<16x1xi32> to vector<16xi32>
        %gather3A_511 = tpu.dynamic_gather %get3A_430[%gather3A_510] in [0] : vector<16xf32>, vector<16xi32> -> vector<16xf32>
        %add3A_512 = arith.constant 3 : i32
        %add3A_513 = arith.addi %multiple_of3A_429, %add3A_512 : i32
        %get3A_514 = arith.index_cast %add3A_513 : i32 to index
        %get3A_515 = arith.constant 0 : index
        %get3A_516 = tpu.vector_load %arg11[%get3A_514, %get3A_515] {strides = array<i32>} : memref<2048x16xf32, #tpu.memory_space<vmem>>, vector<16xf32>,
        %mul3A_517 = arith.mulf %gather3A_511, %get3A_516 : vector<16xf32>
        %add3A_518 = arith.addf %broadcast_in_dim3A_444, %mul3A_517 : vector<16xf32>
        %broadcast_in_dim3A_519 = arith.constant 4 : i32
        %broadcast_in_dim3A_520 = vector.broadcast %broadcast_in_dim3A_519 : i32 to vector<16xi32>
        %lt3A_521 = arith.constant 0 : i32
        %lt3A_522 = vector.broadcast %lt3A_521 : i32 to vector<16xi32>
        %lt3A_523 = arith.cmpi slt, %broadcast_in_dim3A_520, %lt3A_522 : vector<16xi32>
        %add3A_524 = arith.constant 16 : i32
        %add3A_525 = vector.broadcast %add3A_524 : i32 to vector<16xi32>
        %add3A_526 = arith.addi %broadcast_in_dim3A_520, %add3A_525 : vector<16xi32>
        %select_n3A_527 = arith.select %lt3A_523, %add3A_526, %broadcast_in_dim3A_520 : vector<16xi1>, vector<16xi32>
        %reshape3A_528 = vector.shape_cast %select_n3A_527 : vector<16xi32> to vector<16x1xi32>
        %gather3A_529 = vector.shape_cast %reshape3A_528 : vector<16x1xi32> to vector<16xi32>
        %gather3A_530 = tpu.dynamic_gather %get3A_430[%gather3A_529] in [0] : vector<16xf32>, vector<16xi32> -> vector<16xf32>
        %add3A_531 = arith.constant 4 : i32
        %add3A_532 = arith.addi %multiple_of3A_429, %add3A_531 : i32
        %get3A_533 = arith.index_cast %add3A_532 : i32 to index
        %get3A_534 = arith.constant 0 : index
        %get3A_535 = tpu.vector_load %arg11[%get3A_533, %get3A_534] {strides = array<i32>} : memref<2048x16xf32, #tpu.memory_space<vmem>>, vector<16xf32>,
        %mul3A_536 = arith.mulf %gather3A_530, %get3A_535 : vector<16xf32>
        %add3A_537 = arith.addf %add3A_461, %mul3A_536 : vector<16xf32>
        %broadcast_in_dim3A_538 = arith.constant 5 : i32
        %broadcast_in_dim3A_539 = vector.broadcast %broadcast_in_dim3A_538 : i32 to vector<16xi32>
        %lt3A_540 = arith.constant 0 : i32
        %lt3A_541 = vector.broadcast %lt3A_540 : i32 to vector<16xi32>
        %lt3A_542 = arith.cmpi slt, %broadcast_in_dim3A_539, %lt3A_541 : vector<16xi32>
        %add3A_543 = arith.constant 16 : i32
        %add3A_544 = vector.broadcast %add3A_543 : i32 to vector<16xi32>
        %add3A_545 = arith.addi %broadcast_in_dim3A_539, %add3A_544 : vector<16xi32>
        %select_n3A_546 = arith.select %lt3A_542, %add3A_545, %broadcast_in_dim3A_539 : vector<16xi1>, vector<16xi32>
        %reshape3A_547 = vector.shape_cast %select_n3A_546 : vector<16xi32> to vector<16x1xi32>
        %gather3A_548 = vector.shape_cast %reshape3A_547 : vector<16x1xi32> to vector<16xi32>
        %gather3A_549 = tpu.dynamic_gather %get3A_430[%gather3A_548] in [0] : vector<16xf32>, vector<16xi32> -> vector<16xf32>
        %add3A_550 = arith.constant 5 : i32
        %add3A_551 = arith.addi %multiple_of3A_429, %add3A_550 : i32
        %get3A_552 = arith.index_cast %add3A_551 : i32 to index
        %get3A_553 = arith.constant 0 : index
        %get3A_554 = tpu.vector_load %arg11[%get3A_552, %get3A_553] {strides = array<i32>} : memref<2048x16xf32, #tpu.memory_space<vmem>>, vector<16xf32>,
        %mul3A_555 = arith.mulf %gather3A_549, %get3A_554 : vector<16xf32>
        %add3A_556 = arith.addf %add3A_480, %mul3A_555 : vector<16xf32>
        %broadcast_in_dim3A_557 = arith.constant 6 : i32
        %broadcast_in_dim3A_558 = vector.broadcast %broadcast_in_dim3A_557 : i32 to vector<16xi32>
        %lt3A_559 = arith.constant 0 : i32
        %lt3A_560 = vector.broadcast %lt3A_559 : i32 to vector<16xi32>
        %lt3A_561 = arith.cmpi slt, %broadcast_in_dim3A_558, %lt3A_560 : vector<16xi32>
        %add3A_562 = arith.constant 16 : i32
        %add3A_563 = vector.broadcast %add3A_562 : i32 to vector<16xi32>
        %add3A_564 = arith.addi %broadcast_in_dim3A_558, %add3A_563 : vector<16xi32>
        %select_n3A_565 = arith.select %lt3A_561, %add3A_564, %broadcast_in_dim3A_558 : vector<16xi1>, vector<16xi32>
        %reshape3A_566 = vector.shape_cast %select_n3A_565 : vector<16xi32> to vector<16x1xi32>
        %gather3A_567 = vector.shape_cast %reshape3A_566 : vector<16x1xi32> to vector<16xi32>
        %gather3A_568 = tpu.dynamic_gather %get3A_430[%gather3A_567] in [0] : vector<16xf32>, vector<16xi32> -> vector<16xf32>
        %add3A_569 = arith.constant 6 : i32
        %add3A_570 = arith.addi %multiple_of3A_429, %add3A_569 : i32
        %get3A_571 = arith.index_cast %add3A_570 : i32 to index
        %get3A_572 = arith.constant 0 : index
        %get3A_573 = tpu.vector_load %arg11[%get3A_571, %get3A_572] {strides = array<i32>} : memref<2048x16xf32, #tpu.memory_space<vmem>>, vector<16xf32>,
        %mul3A_574 = arith.mulf %gather3A_568, %get3A_573 : vector<16xf32>
        %add3A_575 = arith.addf %add3A_499, %mul3A_574 : vector<16xf32>
        %broadcast_in_dim3A_576 = arith.constant 7 : i32
        %broadcast_in_dim3A_577 = vector.broadcast %broadcast_in_dim3A_576 : i32 to vector<16xi32>
        %lt3A_578 = arith.constant 0 : i32
        %lt3A_579 = vector.broadcast %lt3A_578 : i32 to vector<16xi32>
        %lt3A_580 = arith.cmpi slt, %broadcast_in_dim3A_577, %lt3A_579 : vector<16xi32>
        %add3A_581 = arith.constant 16 : i32
        %add3A_582 = vector.broadcast %add3A_581 : i32 to vector<16xi32>
        %add3A_583 = arith.addi %broadcast_in_dim3A_577, %add3A_582 : vector<16xi32>
        %select_n3A_584 = arith.select %lt3A_580, %add3A_583, %broadcast_in_dim3A_577 : vector<16xi1>, vector<16xi32>
        %reshape3A_585 = vector.shape_cast %select_n3A_584 : vector<16xi32> to vector<16x1xi32>
        %gather3A_586 = vector.shape_cast %reshape3A_585 : vector<16x1xi32> to vector<16xi32>
        %gather3A_587 = tpu.dynamic_gather %get3A_430[%gather3A_586] in [0] : vector<16xf32>, vector<16xi32> -> vector<16xf32>
        %add3A_588 = arith.constant 7 : i32
        %add3A_589 = arith.addi %multiple_of3A_429, %add3A_588 : i32
        %get3A_590 = arith.index_cast %add3A_589 : i32 to index
        %get3A_591 = arith.constant 0 : index
        %get3A_592 = tpu.vector_load %arg11[%get3A_590, %get3A_591] {strides = array<i32>} : memref<2048x16xf32, #tpu.memory_space<vmem>>, vector<16xf32>,
        %mul3A_593 = arith.mulf %gather3A_587, %get3A_592 : vector<16xf32>
        %add3A_594 = arith.addf %add3A_518, %mul3A_593 : vector<16xf32>
        %broadcast_in_dim3A_595 = arith.constant 8 : i32
        %broadcast_in_dim3A_596 = vector.broadcast %broadcast_in_dim3A_595 : i32 to vector<16xi32>
        %lt3A_597 = arith.constant 0 : i32
        %lt3A_598 = vector.broadcast %lt3A_597 : i32 to vector<16xi32>
        %lt3A_599 = arith.cmpi slt, %broadcast_in_dim3A_596, %lt3A_598 : vector<16xi32>
        %add3A_600 = arith.constant 16 : i32
        %add3A_601 = vector.broadcast %add3A_600 : i32 to vector<16xi32>
        %add3A_602 = arith.addi %broadcast_in_dim3A_596, %add3A_601 : vector<16xi32>
        %select_n3A_603 = arith.select %lt3A_599, %add3A_602, %broadcast_in_dim3A_596 : vector<16xi1>, vector<16xi32>
        %reshape3A_604 = vector.shape_cast %select_n3A_603 : vector<16xi32> to vector<16x1xi32>
        %gather3A_605 = vector.shape_cast %reshape3A_604 : vector<16x1xi32> to vector<16xi32>
        %gather3A_606 = tpu.dynamic_gather %get3A_430[%gather3A_605] in [0] : vector<16xf32>, vector<16xi32> -> vector<16xf32>
        %add3A_607 = arith.constant 8 : i32
        %add3A_608 = arith.addi %multiple_of3A_429, %add3A_607 : i32
        %get3A_609 = arith.index_cast %add3A_608 : i32 to index
        %get3A_610 = arith.constant 0 : index
        %get3A_611 = tpu.vector_load %arg11[%get3A_609, %get3A_610] {strides = array<i32>} : memref<2048x16xf32, #tpu.memory_space<vmem>>, vector<16xf32>,
        %mul3A_612 = arith.mulf %gather3A_606, %get3A_611 : vector<16xf32>
        %add3A_613 = arith.addf %add3A_537, %mul3A_612 : vector<16xf32>
        %broadcast_in_dim3A_614 = arith.constant 9 : i32
        %broadcast_in_dim3A_615 = vector.broadcast %broadcast_in_dim3A_614 : i32 to vector<16xi32>
        %lt3A_616 = arith.constant 0 : i32
        %lt3A_617 = vector.broadcast %lt3A_616 : i32 to vector<16xi32>
        %lt3A_618 = arith.cmpi slt, %broadcast_in_dim3A_615, %lt3A_617 : vector<16xi32>
        %add3A_619 = arith.constant 16 : i32
        %add3A_620 = vector.broadcast %add3A_619 : i32 to vector<16xi32>
        %add3A_621 = arith.addi %broadcast_in_dim3A_615, %add3A_620 : vector<16xi32>
        %select_n3A_622 = arith.select %lt3A_618, %add3A_621, %broadcast_in_dim3A_615 : vector<16xi1>, vector<16xi32>
        %reshape3A_623 = vector.shape_cast %select_n3A_622 : vector<16xi32> to vector<16x1xi32>
        %gather3A_624 = vector.shape_cast %reshape3A_623 : vector<16x1xi32> to vector<16xi32>
        %gather3A_625 = tpu.dynamic_gather %get3A_430[%gather3A_624] in [0] : vector<16xf32>, vector<16xi32> -> vector<16xf32>
        %add3A_626 = arith.constant 9 : i32
        %add3A_627 = arith.addi %multiple_of3A_429, %add3A_626 : i32
        %get3A_628 = arith.index_cast %add3A_627 : i32 to index
        %get3A_629 = arith.constant 0 : index
        %get3A_630 = tpu.vector_load %arg11[%get3A_628, %get3A_629] {strides = array<i32>} : memref<2048x16xf32, #tpu.memory_space<vmem>>, vector<16xf32>,
        %mul3A_631 = arith.mulf %gather3A_625, %get3A_630 : vector<16xf32>
        %add3A_632 = arith.addf %add3A_556, %mul3A_631 : vector<16xf32>
        %broadcast_in_dim3A_633 = arith.constant 10 : i32
        %broadcast_in_dim3A_634 = vector.broadcast %broadcast_in_dim3A_633 : i32 to vector<16xi32>
        %lt3A_635 = arith.constant 0 : i32
        %lt3A_636 = vector.broadcast %lt3A_635 : i32 to vector<16xi32>
        %lt3A_637 = arith.cmpi slt, %broadcast_in_dim3A_634, %lt3A_636 : vector<16xi32>
        %add3A_638 = arith.constant 16 : i32
        %add3A_639 = vector.broadcast %add3A_638 : i32 to vector<16xi32>
        %add3A_640 = arith.addi %broadcast_in_dim3A_634, %add3A_639 : vector<16xi32>
        %select_n3A_641 = arith.select %lt3A_637, %add3A_640, %broadcast_in_dim3A_634 : vector<16xi1>, vector<16xi32>
        %reshape3A_642 = vector.shape_cast %select_n3A_641 : vector<16xi32> to vector<16x1xi32>
        %gather3A_643 = vector.shape_cast %reshape3A_642 : vector<16x1xi32> to vector<16xi32>
        %gather3A_644 = tpu.dynamic_gather %get3A_430[%gather3A_643] in [0] : vector<16xf32>, vector<16xi32> -> vector<16xf32>
        %add3A_645 = arith.constant 10 : i32
        %add3A_646 = arith.addi %multiple_of3A_429, %add3A_645 : i32
        %get3A_647 = arith.index_cast %add3A_646 : i32 to index
        %get3A_648 = arith.constant 0 : index
        %get3A_649 = tpu.vector_load %arg11[%get3A_647, %get3A_648] {strides = array<i32>} : memref<2048x16xf32, #tpu.memory_space<vmem>>, vector<16xf32>,
        %mul3A_650 = arith.mulf %gather3A_644, %get3A_649 : vector<16xf32>
        %add3A_651 = arith.addf %add3A_575, %mul3A_650 : vector<16xf32>
        %broadcast_in_dim3A_652 = arith.constant 11 : i32
        %broadcast_in_dim3A_653 = vector.broadcast %broadcast_in_dim3A_652 : i32 to vector<16xi32>
        %lt3A_654 = arith.constant 0 : i32
        %lt3A_655 = vector.broadcast %lt3A_654 : i32 to vector<16xi32>
        %lt3A_656 = arith.cmpi slt, %broadcast_in_dim3A_653, %lt3A_655 : vector<16xi32>
        %add3A_657 = arith.constant 16 : i32
        %add3A_658 = vector.broadcast %add3A_657 : i32 to vector<16xi32>
        %add3A_659 = arith.addi %broadcast_in_dim3A_653, %add3A_658 : vector<16xi32>
        %select_n3A_660 = arith.select %lt3A_656, %add3A_659, %broadcast_in_dim3A_653 : vector<16xi1>, vector<16xi32>
        %reshape3A_661 = vector.shape_cast %select_n3A_660 : vector<16xi32> to vector<16x1xi32>
        %gather3A_662 = vector.shape_cast %reshape3A_661 : vector<16x1xi32> to vector<16xi32>
        %gather3A_663 = tpu.dynamic_gather %get3A_430[%gather3A_662] in [0] : vector<16xf32>, vector<16xi32> -> vector<16xf32>
        %add3A_664 = arith.constant 11 : i32
        %add3A_665 = arith.addi %multiple_of3A_429, %add3A_664 : i32
        %get3A_666 = arith.index_cast %add3A_665 : i32 to index
        %get3A_667 = arith.constant 0 : index
        %get3A_668 = tpu.vector_load %arg11[%get3A_666, %get3A_667] {strides = array<i32>} : memref<2048x16xf32, #tpu.memory_space<vmem>>, vector<16xf32>,
        %mul3A_669 = arith.mulf %gather3A_663, %get3A_668 : vector<16xf32>
        %add3A_670 = arith.addf %add3A_594, %mul3A_669 : vector<16xf32>
        %broadcast_in_dim3A_671 = arith.constant 12 : i32
        %broadcast_in_dim3A_672 = vector.broadcast %broadcast_in_dim3A_671 : i32 to vector<16xi32>
        %lt3A_673 = arith.constant 0 : i32
        %lt3A_674 = vector.broadcast %lt3A_673 : i32 to vector<16xi32>
        %lt3A_675 = arith.cmpi slt, %broadcast_in_dim3A_672, %lt3A_674 : vector<16xi32>
        %add3A_676 = arith.constant 16 : i32
        %add3A_677 = vector.broadcast %add3A_676 : i32 to vector<16xi32>
        %add3A_678 = arith.addi %broadcast_in_dim3A_672, %add3A_677 : vector<16xi32>
        %select_n3A_679 = arith.select %lt3A_675, %add3A_678, %broadcast_in_dim3A_672 : vector<16xi1>, vector<16xi32>
        %reshape3A_680 = vector.shape_cast %select_n3A_679 : vector<16xi32> to vector<16x1xi32>
        %gather3A_681 = vector.shape_cast %reshape3A_680 : vector<16x1xi32> to vector<16xi32>
        %gather3A_682 = tpu.dynamic_gather %get3A_430[%gather3A_681] in [0] : vector<16xf32>, vector<16xi32> -> vector<16xf32>
        %add3A_683 = arith.constant 12 : i32
        %add3A_684 = arith.addi %multiple_of3A_429, %add3A_683 : i32
        %get3A_685 = arith.index_cast %add3A_684 : i32 to index
        %get3A_686 = arith.constant 0 : index
        %get3A_687 = tpu.vector_load %arg11[%get3A_685, %get3A_686] {strides = array<i32>} : memref<2048x16xf32, #tpu.memory_space<vmem>>, vector<16xf32>,
        %mul3A_688 = arith.mulf %gather3A_682, %get3A_687 : vector<16xf32>
        %add3A_689 = arith.addf %add3A_613, %mul3A_688 : vector<16xf32>
        %broadcast_in_dim3A_690 = arith.constant 13 : i32
        %broadcast_in_dim3A_691 = vector.broadcast %broadcast_in_dim3A_690 : i32 to vector<16xi32>
        %lt3A_692 = arith.constant 0 : i32
        %lt3A_693 = vector.broadcast %lt3A_692 : i32 to vector<16xi32>
        %lt3A_694 = arith.cmpi slt, %broadcast_in_dim3A_691, %lt3A_693 : vector<16xi32>
        %add3A_695 = arith.constant 16 : i32
        %add3A_696 = vector.broadcast %add3A_695 : i32 to vector<16xi32>
        %add3A_697 = arith.addi %broadcast_in_dim3A_691, %add3A_696 : vector<16xi32>
        %select_n3A_698 = arith.select %lt3A_694, %add3A_697, %broadcast_in_dim3A_691 : vector<16xi1>, vector<16xi32>
        %reshape3A_699 = vector.shape_cast %select_n3A_698 : vector<16xi32> to vector<16x1xi32>
        %gather3A_700 = vector.shape_cast %reshape3A_699 : vector<16x1xi32> to vector<16xi32>
        %gather3A_701 = tpu.dynamic_gather %get3A_430[%gather3A_700] in [0] : vector<16xf32>, vector<16xi32> -> vector<16xf32>
        %add3A_702 = arith.constant 13 : i32
        %add3A_703 = arith.addi %multiple_of3A_429, %add3A_702 : i32
        %get3A_704 = arith.index_cast %add3A_703 : i32 to index
        %get3A_705 = arith.constant 0 : index
        %get3A_706 = tpu.vector_load %arg11[%get3A_704, %get3A_705] {strides = array<i32>} : memref<2048x16xf32, #tpu.memory_space<vmem>>, vector<16xf32>,
        %mul3A_707 = arith.mulf %gather3A_701, %get3A_706 : vector<16xf32>
        %add3A_708 = arith.addf %add3A_632, %mul3A_707 : vector<16xf32>
        %broadcast_in_dim3A_709 = arith.constant 14 : i32
        %broadcast_in_dim3A_710 = vector.broadcast %broadcast_in_dim3A_709 : i32 to vector<16xi32>
        %lt3A_711 = arith.constant 0 : i32
        %lt3A_712 = vector.broadcast %lt3A_711 : i32 to vector<16xi32>
        %lt3A_713 = arith.cmpi slt, %broadcast_in_dim3A_710, %lt3A_712 : vector<16xi32>
        %add3A_714 = arith.constant 16 : i32
        %add3A_715 = vector.broadcast %add3A_714 : i32 to vector<16xi32>
        %add3A_716 = arith.addi %broadcast_in_dim3A_710, %add3A_715 : vector<16xi32>
        %select_n3A_717 = arith.select %lt3A_713, %add3A_716, %broadcast_in_dim3A_710 : vector<16xi1>, vector<16xi32>
        %reshape3A_718 = vector.shape_cast %select_n3A_717 : vector<16xi32> to vector<16x1xi32>
        %gather3A_719 = vector.shape_cast %reshape3A_718 : vector<16x1xi32> to vector<16xi32>
        %gather3A_720 = tpu.dynamic_gather %get3A_430[%gather3A_719] in [0] : vector<16xf32>, vector<16xi32> -> vector<16xf32>
        %add3A_721 = arith.constant 14 : i32
        %add3A_722 = arith.addi %multiple_of3A_429, %add3A_721 : i32
        %get3A_723 = arith.index_cast %add3A_722 : i32 to index
        %get3A_724 = arith.constant 0 : index
        %get3A_725 = tpu.vector_load %arg11[%get3A_723, %get3A_724] {strides = array<i32>} : memref<2048x16xf32, #tpu.memory_space<vmem>>, vector<16xf32>,
        %mul3A_726 = arith.mulf %gather3A_720, %get3A_725 : vector<16xf32>
        %add3A_727 = arith.addf %add3A_651, %mul3A_726 : vector<16xf32>
        %broadcast_in_dim3A_728 = arith.constant 15 : i32
        %broadcast_in_dim3A_729 = vector.broadcast %broadcast_in_dim3A_728 : i32 to vector<16xi32>
        %lt3A_730 = arith.constant 0 : i32
        %lt3A_731 = vector.broadcast %lt3A_730 : i32 to vector<16xi32>
        %lt3A_732 = arith.cmpi slt, %broadcast_in_dim3A_729, %lt3A_731 : vector<16xi32>
        %add3A_733 = arith.constant 16 : i32
        %add3A_734 = vector.broadcast %add3A_733 : i32 to vector<16xi32>
        %add3A_735 = arith.addi %broadcast_in_dim3A_729, %add3A_734 : vector<16xi32>
        %select_n3A_736 = arith.select %lt3A_732, %add3A_735, %broadcast_in_dim3A_729 : vector<16xi1>, vector<16xi32>
        %reshape3A_737 = vector.shape_cast %select_n3A_736 : vector<16xi32> to vector<16x1xi32>
        %gather3A_738 = vector.shape_cast %reshape3A_737 : vector<16x1xi32> to vector<16xi32>
        %gather3A_739 = tpu.dynamic_gather %get3A_430[%gather3A_738] in [0] : vector<16xf32>, vector<16xi32> -> vector<16xf32>
        %add3A_740 = arith.constant 15 : i32
        %add3A_741 = arith.addi %multiple_of3A_429, %add3A_740 : i32
        %get3A_742 = arith.index_cast %add3A_741 : i32 to index
        %get3A_743 = arith.constant 0 : index
        %get3A_744 = tpu.vector_load %arg11[%get3A_742, %get3A_743] {strides = array<i32>} : memref<2048x16xf32, #tpu.memory_space<vmem>>, vector<16xf32>,
        %mul3A_745 = arith.mulf %gather3A_739, %get3A_744 : vector<16xf32>
        %add3A_746 = arith.addf %add3A_670, %mul3A_745 : vector<16xf32>
        %broadcast_in_dim3A_747 = arith.constant 0 : i32
        %broadcast_in_dim3A_748 = vector.broadcast %broadcast_in_dim3A_747 : i32 to vector<16xi32>
        %lt3A_749 = arith.constant 0 : i32
        %lt3A_750 = vector.broadcast %lt3A_749 : i32 to vector<16xi32>
        %lt3A_751 = arith.cmpi slt, %broadcast_in_dim3A_748, %lt3A_750 : vector<16xi32>
        %add3A_752 = arith.constant 16 : i32
        %add3A_753 = vector.broadcast %add3A_752 : i32 to vector<16xi32>
        %add3A_754 = arith.addi %broadcast_in_dim3A_748, %add3A_753 : vector<16xi32>
        %select_n3A_755 = arith.select %lt3A_751, %add3A_754, %broadcast_in_dim3A_748 : vector<16xi1>, vector<16xi32>
        %reshape3A_756 = vector.shape_cast %select_n3A_755 : vector<16xi32> to vector<16x1xi32>
        %gather3A_757 = vector.shape_cast %reshape3A_756 : vector<16x1xi32> to vector<16xi32>
        %gather3A_758 = tpu.dynamic_gather %get3A_434[%gather3A_757] in [0] : vector<16xf32>, vector<16xi32> -> vector<16xf32>
        %add3A_759 = arith.constant 16 : i32
        %add3A_760 = arith.addi %multiple_of3A_429, %add3A_759 : i32
        %get3A_761 = arith.index_cast %add3A_760 : i32 to index
        %get3A_762 = arith.constant 0 : index
        %get3A_763 = tpu.vector_load %arg11[%get3A_761, %get3A_762] {strides = array<i32>} : memref<2048x16xf32, #tpu.memory_space<vmem>>, vector<16xf32>,
        %mul3A_764 = arith.mulf %gather3A_758, %get3A_763 : vector<16xf32>
        %add3A_765 = arith.addf %add3A_689, %mul3A_764 : vector<16xf32>
        %broadcast_in_dim3A_766 = arith.constant 1 : i32
        %broadcast_in_dim3A_767 = vector.broadcast %broadcast_in_dim3A_766 : i32 to vector<16xi32>
        %lt3A_768 = arith.constant 0 : i32
        %lt3A_769 = vector.broadcast %lt3A_768 : i32 to vector<16xi32>
        %lt3A_770 = arith.cmpi slt, %broadcast_in_dim3A_767, %lt3A_769 : vector<16xi32>
        %add3A_771 = arith.constant 16 : i32
        %add3A_772 = vector.broadcast %add3A_771 : i32 to vector<16xi32>
        %add3A_773 = arith.addi %broadcast_in_dim3A_767, %add3A_772 : vector<16xi32>
        %select_n3A_774 = arith.select %lt3A_770, %add3A_773, %broadcast_in_dim3A_767 : vector<16xi1>, vector<16xi32>
        %reshape3A_775 = vector.shape_cast %select_n3A_774 : vector<16xi32> to vector<16x1xi32>
        %gather3A_776 = vector.shape_cast %reshape3A_775 : vector<16x1xi32> to vector<16xi32>
        %gather3A_777 = tpu.dynamic_gather %get3A_434[%gather3A_776] in [0] : vector<16xf32>, vector<16xi32> -> vector<16xf32>
        %add3A_778 = arith.constant 17 : i32
        %add3A_779 = arith.addi %multiple_of3A_429, %add3A_778 : i32
        %get3A_780 = arith.index_cast %add3A_779 : i32 to index
        %get3A_781 = arith.constant 0 : index
        %get3A_782 = tpu.vector_load %arg11[%get3A_780, %get3A_781] {strides = array<i32>} : memref<2048x16xf32, #tpu.memory_space<vmem>>, vector<16xf32>,
        %mul3A_783 = arith.mulf %gather3A_777, %get3A_782 : vector<16xf32>
        %add3A_784 = arith.addf %add3A_708, %mul3A_783 : vector<16xf32>
        %broadcast_in_dim3A_785 = arith.constant 2 : i32
        %broadcast_in_dim3A_786 = vector.broadcast %broadcast_in_dim3A_785 : i32 to vector<16xi32>
        %lt3A_787 = arith.constant 0 : i32
        %lt3A_788 = vector.broadcast %lt3A_787 : i32 to vector<16xi32>
        %lt3A_789 = arith.cmpi slt, %broadcast_in_dim3A_786, %lt3A_788 : vector<16xi32>
        %add3A_790 = arith.constant 16 : i32
        %add3A_791 = vector.broadcast %add3A_790 : i32 to vector<16xi32>
        %add3A_792 = arith.addi %broadcast_in_dim3A_786, %add3A_791 : vector<16xi32>
        %select_n3A_793 = arith.select %lt3A_789, %add3A_792, %broadcast_in_dim3A_786 : vector<16xi1>, vector<16xi32>
        %reshape3A_794 = vector.shape_cast %select_n3A_793 : vector<16xi32> to vector<16x1xi32>
        %gather3A_795 = vector.shape_cast %reshape3A_794 : vector<16x1xi32> to vector<16xi32>
        %gather3A_796 = tpu.dynamic_gather %get3A_434[%gather3A_795] in [0] : vector<16xf32>, vector<16xi32> -> vector<16xf32>
        %add3A_797 = arith.constant 18 : i32
        %add3A_798 = arith.addi %multiple_of3A_429, %add3A_797 : i32
        %get3A_799 = arith.index_cast %add3A_798 : i32 to index
        %get3A_800 = arith.constant 0 : index
        %get3A_801 = tpu.vector_load %arg11[%get3A_799, %get3A_800] {strides = array<i32>} : memref<2048x16xf32, #tpu.memory_space<vmem>>, vector<16xf32>,
        %mul3A_802 = arith.mulf %gather3A_796, %get3A_801 : vector<16xf32>
        %add3A_803 = arith.addf %add3A_727, %mul3A_802 : vector<16xf32>
        %broadcast_in_dim3A_804 = arith.constant 3 : i32
        %broadcast_in_dim3A_805 = vector.broadcast %broadcast_in_dim3A_804 : i32 to vector<16xi32>
        %lt3A_806 = arith.constant 0 : i32
        %lt3A_807 = vector.broadcast %lt3A_806 : i32 to vector<16xi32>
        %lt3A_808 = arith.cmpi slt, %broadcast_in_dim3A_805, %lt3A_807 : vector<16xi32>
        %add3A_809 = arith.constant 16 : i32
        %add3A_810 = vector.broadcast %add3A_809 : i32 to vector<16xi32>
        %add3A_811 = arith.addi %broadcast_in_dim3A_805, %add3A_810 : vector<16xi32>
        %select_n3A_812 = arith.select %lt3A_808, %add3A_811, %broadcast_in_dim3A_805 : vector<16xi1>, vector<16xi32>
        %reshape3A_813 = vector.shape_cast %select_n3A_812 : vector<16xi32> to vector<16x1xi32>
        %gather3A_814 = vector.shape_cast %reshape3A_813 : vector<16x1xi32> to vector<16xi32>
        %gather3A_815 = tpu.dynamic_gather %get3A_434[%gather3A_814] in [0] : vector<16xf32>, vector<16xi32> -> vector<16xf32>
        %add3A_816 = arith.constant 19 : i32
        %add3A_817 = arith.addi %multiple_of3A_429, %add3A_816 : i32
        %get3A_818 = arith.index_cast %add3A_817 : i32 to index
        %get3A_819 = arith.constant 0 : index
        %get3A_820 = tpu.vector_load %arg11[%get3A_818, %get3A_819] {strides = array<i32>} : memref<2048x16xf32, #tpu.memory_space<vmem>>, vector<16xf32>,
        %mul3A_821 = arith.mulf %gather3A_815, %get3A_820 : vector<16xf32>
        %add3A_822 = arith.addf %add3A_746, %mul3A_821 : vector<16xf32>
        %broadcast_in_dim3A_823 = arith.constant 4 : i32
        %broadcast_in_dim3A_824 = vector.broadcast %broadcast_in_dim3A_823 : i32 to vector<16xi32>
        %lt3A_825 = arith.constant 0 : i32
        %lt3A_826 = vector.broadcast %lt3A_825 : i32 to vector<16xi32>
        %lt3A_827 = arith.cmpi slt, %broadcast_in_dim3A_824, %lt3A_826 : vector<16xi32>
        %add3A_828 = arith.constant 16 : i32
        %add3A_829 = vector.broadcast %add3A_828 : i32 to vector<16xi32>
        %add3A_830 = arith.addi %broadcast_in_dim3A_824, %add3A_829 : vector<16xi32>
        %select_n3A_831 = arith.select %lt3A_827, %add3A_830, %broadcast_in_dim3A_824 : vector<16xi1>, vector<16xi32>
        %reshape3A_832 = vector.shape_cast %select_n3A_831 : vector<16xi32> to vector<16x1xi32>
        %gather3A_833 = vector.shape_cast %reshape3A_832 : vector<16x1xi32> to vector<16xi32>
        %gather3A_834 = tpu.dynamic_gather %get3A_434[%gather3A_833] in [0] : vector<16xf32>, vector<16xi32> -> vector<16xf32>
        %add3A_835 = arith.constant 20 : i32
        %add3A_836 = arith.addi %multiple_of3A_429, %add3A_835 : i32
        %get3A_837 = arith.index_cast %add3A_836 : i32 to index
        %get3A_838 = arith.constant 0 : index
        %get3A_839 = tpu.vector_load %arg11[%get3A_837, %get3A_838] {strides = array<i32>} : memref<2048x16xf32, #tpu.memory_space<vmem>>, vector<16xf32>,
        %mul3A_840 = arith.mulf %gather3A_834, %get3A_839 : vector<16xf32>
        %add3A_841 = arith.addf %add3A_765, %mul3A_840 : vector<16xf32>
        %broadcast_in_dim3A_842 = arith.constant 5 : i32
        %broadcast_in_dim3A_843 = vector.broadcast %broadcast_in_dim3A_842 : i32 to vector<16xi32>
        %lt3A_844 = arith.constant 0 : i32
        %lt3A_845 = vector.broadcast %lt3A_844 : i32 to vector<16xi32>
        %lt3A_846 = arith.cmpi slt, %broadcast_in_dim3A_843, %lt3A_845 : vector<16xi32>
        %add3A_847 = arith.constant 16 : i32
        %add3A_848 = vector.broadcast %add3A_847 : i32 to vector<16xi32>
        %add3A_849 = arith.addi %broadcast_in_dim3A_843, %add3A_848 : vector<16xi32>
        %select_n3A_850 = arith.select %lt3A_846, %add3A_849, %broadcast_in_dim3A_843 : vector<16xi1>, vector<16xi32>
        %reshape3A_851 = vector.shape_cast %select_n3A_850 : vector<16xi32> to vector<16x1xi32>
        %gather3A_852 = vector.shape_cast %reshape3A_851 : vector<16x1xi32> to vector<16xi32>
        %gather3A_853 = tpu.dynamic_gather %get3A_434[%gather3A_852] in [0] : vector<16xf32>, vector<16xi32> -> vector<16xf32>
        %add3A_854 = arith.constant 21 : i32
        %add3A_855 = arith.addi %multiple_of3A_429, %add3A_854 : i32
        %get3A_856 = arith.index_cast %add3A_855 : i32 to index
        %get3A_857 = arith.constant 0 : index
        %get3A_858 = tpu.vector_load %arg11[%get3A_856, %get3A_857] {strides = array<i32>} : memref<2048x16xf32, #tpu.memory_space<vmem>>, vector<16xf32>,
        %mul3A_859 = arith.mulf %gather3A_853, %get3A_858 : vector<16xf32>
        %add3A_860 = arith.addf %add3A_784, %mul3A_859 : vector<16xf32>
        %broadcast_in_dim3A_861 = arith.constant 6 : i32
        %broadcast_in_dim3A_862 = vector.broadcast %broadcast_in_dim3A_861 : i32 to vector<16xi32>
        %lt3A_863 = arith.constant 0 : i32
        %lt3A_864 = vector.broadcast %lt3A_863 : i32 to vector<16xi32>
        %lt3A_865 = arith.cmpi slt, %broadcast_in_dim3A_862, %lt3A_864 : vector<16xi32>
        %add3A_866 = arith.constant 16 : i32
        %add3A_867 = vector.broadcast %add3A_866 : i32 to vector<16xi32>
        %add3A_868 = arith.addi %broadcast_in_dim3A_862, %add3A_867 : vector<16xi32>
        %select_n3A_869 = arith.select %lt3A_865, %add3A_868, %broadcast_in_dim3A_862 : vector<16xi1>, vector<16xi32>
        %reshape3A_870 = vector.shape_cast %select_n3A_869 : vector<16xi32> to vector<16x1xi32>
        %gather3A_871 = vector.shape_cast %reshape3A_870 : vector<16x1xi32> to vector<16xi32>
        %gather3A_872 = tpu.dynamic_gather %get3A_434[%gather3A_871] in [0] : vector<16xf32>, vector<16xi32> -> vector<16xf32>
        %add3A_873 = arith.constant 22 : i32
        %add3A_874 = arith.addi %multiple_of3A_429, %add3A_873 : i32
        %get3A_875 = arith.index_cast %add3A_874 : i32 to index
        %get3A_876 = arith.constant 0 : index
        %get3A_877 = tpu.vector_load %arg11[%get3A_875, %get3A_876] {strides = array<i32>} : memref<2048x16xf32, #tpu.memory_space<vmem>>, vector<16xf32>,
        %mul3A_878 = arith.mulf %gather3A_872, %get3A_877 : vector<16xf32>
        %add3A_879 = arith.addf %add3A_803, %mul3A_878 : vector<16xf32>
        %broadcast_in_dim3A_880 = arith.constant 7 : i32
        %broadcast_in_dim3A_881 = vector.broadcast %broadcast_in_dim3A_880 : i32 to vector<16xi32>
        %lt3A_882 = arith.constant 0 : i32
        %lt3A_883 = vector.broadcast %lt3A_882 : i32 to vector<16xi32>
        %lt3A_884 = arith.cmpi slt, %broadcast_in_dim3A_881, %lt3A_883 : vector<16xi32>
        %add3A_885 = arith.constant 16 : i32
        %add3A_886 = vector.broadcast %add3A_885 : i32 to vector<16xi32>
        %add3A_887 = arith.addi %broadcast_in_dim3A_881, %add3A_886 : vector<16xi32>
        %select_n3A_888 = arith.select %lt3A_884, %add3A_887, %broadcast_in_dim3A_881 : vector<16xi1>, vector<16xi32>
        %reshape3A_889 = vector.shape_cast %select_n3A_888 : vector<16xi32> to vector<16x1xi32>
        %gather3A_890 = vector.shape_cast %reshape3A_889 : vector<16x1xi32> to vector<16xi32>
        %gather3A_891 = tpu.dynamic_gather %get3A_434[%gather3A_890] in [0] : vector<16xf32>, vector<16xi32> -> vector<16xf32>
        %add3A_892 = arith.constant 23 : i32
        %add3A_893 = arith.addi %multiple_of3A_429, %add3A_892 : i32
        %get3A_894 = arith.index_cast %add3A_893 : i32 to index
        %get3A_895 = arith.constant 0 : index
        %get3A_896 = tpu.vector_load %arg11[%get3A_894, %get3A_895] {strides = array<i32>} : memref<2048x16xf32, #tpu.memory_space<vmem>>, vector<16xf32>,
        %mul3A_897 = arith.mulf %gather3A_891, %get3A_896 : vector<16xf32>
        %add3A_898 = arith.addf %add3A_822, %mul3A_897 : vector<16xf32>
        %broadcast_in_dim3A_899 = arith.constant 8 : i32
        %broadcast_in_dim3A_900 = vector.broadcast %broadcast_in_dim3A_899 : i32 to vector<16xi32>
        %lt3A_901 = arith.constant 0 : i32
        %lt3A_902 = vector.broadcast %lt3A_901 : i32 to vector<16xi32>
        %lt3A_903 = arith.cmpi slt, %broadcast_in_dim3A_900, %lt3A_902 : vector<16xi32>
        %add3A_904 = arith.constant 16 : i32
        %add3A_905 = vector.broadcast %add3A_904 : i32 to vector<16xi32>
        %add3A_906 = arith.addi %broadcast_in_dim3A_900, %add3A_905 : vector<16xi32>
        %select_n3A_907 = arith.select %lt3A_903, %add3A_906, %broadcast_in_dim3A_900 : vector<16xi1>, vector<16xi32>
        %reshape3A_908 = vector.shape_cast %select_n3A_907 : vector<16xi32> to vector<16x1xi32>
        %gather3A_909 = vector.shape_cast %reshape3A_908 : vector<16x1xi32> to vector<16xi32>
        %gather3A_910 = tpu.dynamic_gather %get3A_434[%gather3A_909] in [0] : vector<16xf32>, vector<16xi32> -> vector<16xf32>
        %add3A_911 = arith.constant 24 : i32
        %add3A_912 = arith.addi %multiple_of3A_429, %add3A_911 : i32
        %get3A_913 = arith.index_cast %add3A_912 : i32 to index
        %get3A_914 = arith.constant 0 : index
        %get3A_915 = tpu.vector_load %arg11[%get3A_913, %get3A_914] {strides = array<i32>} : memref<2048x16xf32, #tpu.memory_space<vmem>>, vector<16xf32>,
        %mul3A_916 = arith.mulf %gather3A_910, %get3A_915 : vector<16xf32>
        %add3A_917 = arith.addf %add3A_841, %mul3A_916 : vector<16xf32>
        %broadcast_in_dim3A_918 = arith.constant 9 : i32
        %broadcast_in_dim3A_919 = vector.broadcast %broadcast_in_dim3A_918 : i32 to vector<16xi32>
        %lt3A_920 = arith.constant 0 : i32
        %lt3A_921 = vector.broadcast %lt3A_920 : i32 to vector<16xi32>
        %lt3A_922 = arith.cmpi slt, %broadcast_in_dim3A_919, %lt3A_921 : vector<16xi32>
        %add3A_923 = arith.constant 16 : i32
        %add3A_924 = vector.broadcast %add3A_923 : i32 to vector<16xi32>
        %add3A_925 = arith.addi %broadcast_in_dim3A_919, %add3A_924 : vector<16xi32>
        %select_n3A_926 = arith.select %lt3A_922, %add3A_925, %broadcast_in_dim3A_919 : vector<16xi1>, vector<16xi32>
        %reshape3A_927 = vector.shape_cast %select_n3A_926 : vector<16xi32> to vector<16x1xi32>
        %gather3A_928 = vector.shape_cast %reshape3A_927 : vector<16x1xi32> to vector<16xi32>
        %gather3A_929 = tpu.dynamic_gather %get3A_434[%gather3A_928] in [0] : vector<16xf32>, vector<16xi32> -> vector<16xf32>
        %add3A_930 = arith.constant 25 : i32
        %add3A_931 = arith.addi %multiple_of3A_429, %add3A_930 : i32
        %get3A_932 = arith.index_cast %add3A_931 : i32 to index
        %get3A_933 = arith.constant 0 : index
        %get3A_934 = tpu.vector_load %arg11[%get3A_932, %get3A_933] {strides = array<i32>} : memref<2048x16xf32, #tpu.memory_space<vmem>>, vector<16xf32>,
        %mul3A_935 = arith.mulf %gather3A_929, %get3A_934 : vector<16xf32>
        %add3A_936 = arith.addf %add3A_860, %mul3A_935 : vector<16xf32>
        %broadcast_in_dim3A_937 = arith.constant 10 : i32
        %broadcast_in_dim3A_938 = vector.broadcast %broadcast_in_dim3A_937 : i32 to vector<16xi32>
        %lt3A_939 = arith.constant 0 : i32
        %lt3A_940 = vector.broadcast %lt3A_939 : i32 to vector<16xi32>
        %lt3A_941 = arith.cmpi slt, %broadcast_in_dim3A_938, %lt3A_940 : vector<16xi32>
        %add3A_942 = arith.constant 16 : i32
        %add3A_943 = vector.broadcast %add3A_942 : i32 to vector<16xi32>
        %add3A_944 = arith.addi %broadcast_in_dim3A_938, %add3A_943 : vector<16xi32>
        %select_n3A_945 = arith.select %lt3A_941, %add3A_944, %broadcast_in_dim3A_938 : vector<16xi1>, vector<16xi32>
        %reshape3A_946 = vector.shape_cast %select_n3A_945 : vector<16xi32> to vector<16x1xi32>
        %gather3A_947 = vector.shape_cast %reshape3A_946 : vector<16x1xi32> to vector<16xi32>
        %gather3A_948 = tpu.dynamic_gather %get3A_434[%gather3A_947] in [0] : vector<16xf32>, vector<16xi32> -> vector<16xf32>
        %add3A_949 = arith.constant 26 : i32
        %add3A_950 = arith.addi %multiple_of3A_429, %add3A_949 : i32
        %get3A_951 = arith.index_cast %add3A_950 : i32 to index
        %get3A_952 = arith.constant 0 : index
        %get3A_953 = tpu.vector_load %arg11[%get3A_951, %get3A_952] {strides = array<i32>} : memref<2048x16xf32, #tpu.memory_space<vmem>>, vector<16xf32>,
        %mul3A_954 = arith.mulf %gather3A_948, %get3A_953 : vector<16xf32>
        %add3A_955 = arith.addf %add3A_879, %mul3A_954 : vector<16xf32>
        %broadcast_in_dim3A_956 = arith.constant 11 : i32
        %broadcast_in_dim3A_957 = vector.broadcast %broadcast_in_dim3A_956 : i32 to vector<16xi32>
        %lt3A_958 = arith.constant 0 : i32
        %lt3A_959 = vector.broadcast %lt3A_958 : i32 to vector<16xi32>
        %lt3A_960 = arith.cmpi slt, %broadcast_in_dim3A_957, %lt3A_959 : vector<16xi32>
        %add3A_961 = arith.constant 16 : i32
        %add3A_962 = vector.broadcast %add3A_961 : i32 to vector<16xi32>
        %add3A_963 = arith.addi %broadcast_in_dim3A_957, %add3A_962 : vector<16xi32>
        %select_n3A_964 = arith.select %lt3A_960, %add3A_963, %broadcast_in_dim3A_957 : vector<16xi1>, vector<16xi32>
        %reshape3A_965 = vector.shape_cast %select_n3A_964 : vector<16xi32> to vector<16x1xi32>
        %gather3A_966 = vector.shape_cast %reshape3A_965 : vector<16x1xi32> to vector<16xi32>
        %gather3A_967 = tpu.dynamic_gather %get3A_434[%gather3A_966] in [0] : vector<16xf32>, vector<16xi32> -> vector<16xf32>
        %add3A_968 = arith.constant 27 : i32
        %add3A_969 = arith.addi %multiple_of3A_429, %add3A_968 : i32
        %get3A_970 = arith.index_cast %add3A_969 : i32 to index
        %get3A_971 = arith.constant 0 : index
        %get3A_972 = tpu.vector_load %arg11[%get3A_970, %get3A_971] {strides = array<i32>} : memref<2048x16xf32, #tpu.memory_space<vmem>>, vector<16xf32>,
        %mul3A_973 = arith.mulf %gather3A_967, %get3A_972 : vector<16xf32>
        %add3A_974 = arith.addf %add3A_898, %mul3A_973 : vector<16xf32>
        %broadcast_in_dim3A_975 = arith.constant 12 : i32
        %broadcast_in_dim3A_976 = vector.broadcast %broadcast_in_dim3A_975 : i32 to vector<16xi32>
        %lt3A_977 = arith.constant 0 : i32
        %lt3A_978 = vector.broadcast %lt3A_977 : i32 to vector<16xi32>
        %lt3A_979 = arith.cmpi slt, %broadcast_in_dim3A_976, %lt3A_978 : vector<16xi32>
        %add3A_980 = arith.constant 16 : i32
        %add3A_981 = vector.broadcast %add3A_980 : i32 to vector<16xi32>
        %add3A_982 = arith.addi %broadcast_in_dim3A_976, %add3A_981 : vector<16xi32>
        %select_n3A_983 = arith.select %lt3A_979, %add3A_982, %broadcast_in_dim3A_976 : vector<16xi1>, vector<16xi32>
        %reshape3A_984 = vector.shape_cast %select_n3A_983 : vector<16xi32> to vector<16x1xi32>
        %gather3A_985 = vector.shape_cast %reshape3A_984 : vector<16x1xi32> to vector<16xi32>
        %gather3A_986 = tpu.dynamic_gather %get3A_434[%gather3A_985] in [0] : vector<16xf32>, vector<16xi32> -> vector<16xf32>
        %add3A_987 = arith.constant 28 : i32
        %add3A_988 = arith.addi %multiple_of3A_429, %add3A_987 : i32
        %get3A_989 = arith.index_cast %add3A_988 : i32 to index
        %get3A_990 = arith.constant 0 : index
        %get3A_991 = tpu.vector_load %arg11[%get3A_989, %get3A_990] {strides = array<i32>} : memref<2048x16xf32, #tpu.memory_space<vmem>>, vector<16xf32>,
        %mul3A_992 = arith.mulf %gather3A_986, %get3A_991 : vector<16xf32>
        %add3A_993 = arith.addf %add3A_917, %mul3A_992 : vector<16xf32>
        %broadcast_in_dim3A_994 = arith.constant 13 : i32
        %broadcast_in_dim3A_995 = vector.broadcast %broadcast_in_dim3A_994 : i32 to vector<16xi32>
        %lt3A_996 = arith.constant 0 : i32
        %lt3A_997 = vector.broadcast %lt3A_996 : i32 to vector<16xi32>
        %lt3A_998 = arith.cmpi slt, %broadcast_in_dim3A_995, %lt3A_997 : vector<16xi32>
        %add3A_999 = arith.constant 16 : i32
        %add3A_1000 = vector.broadcast %add3A_999 : i32 to vector<16xi32>
        %add3A_1001 = arith.addi %broadcast_in_dim3A_995, %add3A_1000 : vector<16xi32>
        %select_n3A_1002 = arith.select %lt3A_998, %add3A_1001, %broadcast_in_dim3A_995 : vector<16xi1>, vector<16xi32>
        %reshape3A_1003 = vector.shape_cast %select_n3A_1002 : vector<16xi32> to vector<16x1xi32>
        %gather3A_1004 = vector.shape_cast %reshape3A_1003 : vector<16x1xi32> to vector<16xi32>
        %gather3A_1005 = tpu.dynamic_gather %get3A_434[%gather3A_1004] in [0] : vector<16xf32>, vector<16xi32> -> vector<16xf32>
        %add3A_1006 = arith.constant 29 : i32
        %add3A_1007 = arith.addi %multiple_of3A_429, %add3A_1006 : i32
        %get3A_1008 = arith.index_cast %add3A_1007 : i32 to index
        %get3A_1009 = arith.constant 0 : index
        %get3A_1010 = tpu.vector_load %arg11[%get3A_1008, %get3A_1009] {strides = array<i32>} : memref<2048x16xf32, #tpu.memory_space<vmem>>, vector<16xf32>,
        %mul3A_1011 = arith.mulf %gather3A_1005, %get3A_1010 : vector<16xf32>
        %add3A_1012 = arith.addf %add3A_936, %mul3A_1011 : vector<16xf32>
        %broadcast_in_dim3A_1013 = arith.constant 14 : i32
        %broadcast_in_dim3A_1014 = vector.broadcast %broadcast_in_dim3A_1013 : i32 to vector<16xi32>
        %lt3A_1015 = arith.constant 0 : i32
        %lt3A_1016 = vector.broadcast %lt3A_1015 : i32 to vector<16xi32>
        %lt3A_1017 = arith.cmpi slt, %broadcast_in_dim3A_1014, %lt3A_1016 : vector<16xi32>
        %add3A_1018 = arith.constant 16 : i32
        %add3A_1019 = vector.broadcast %add3A_1018 : i32 to vector<16xi32>
        %add3A_1020 = arith.addi %broadcast_in_dim3A_1014, %add3A_1019 : vector<16xi32>
        %select_n3A_1021 = arith.select %lt3A_1017, %add3A_1020, %broadcast_in_dim3A_1014 : vector<16xi1>, vector<16xi32>
        %reshape3A_1022 = vector.shape_cast %select_n3A_1021 : vector<16xi32> to vector<16x1xi32>
        %gather3A_1023 = vector.shape_cast %reshape3A_1022 : vector<16x1xi32> to vector<16xi32>
        %gather3A_1024 = tpu.dynamic_gather %get3A_434[%gather3A_1023] in [0] : vector<16xf32>, vector<16xi32> -> vector<16xf32>
        %add3A_1025 = arith.constant 30 : i32
        %add3A_1026 = arith.addi %multiple_of3A_429, %add3A_1025 : i32
        %get3A_1027 = arith.index_cast %add3A_1026 : i32 to index
        %get3A_1028 = arith.constant 0 : index
        %get3A_1029 = tpu.vector_load %arg11[%get3A_1027, %get3A_1028] {strides = array<i32>} : memref<2048x16xf32, #tpu.memory_space<vmem>>, vector<16xf32>,
        %mul3A_1030 = arith.mulf %gather3A_1024, %get3A_1029 : vector<16xf32>
        %add3A_1031 = arith.addf %add3A_955, %mul3A_1030 : vector<16xf32>
        %broadcast_in_dim3A_1032 = arith.constant 15 : i32
        %broadcast_in_dim3A_1033 = vector.broadcast %broadcast_in_dim3A_1032 : i32 to vector<16xi32>
        %lt3A_1034 = arith.constant 0 : i32
        %lt3A_1035 = vector.broadcast %lt3A_1034 : i32 to vector<16xi32>
        %lt3A_1036 = arith.cmpi slt, %broadcast_in_dim3A_1033, %lt3A_1035 : vector<16xi32>
        %add3A_1037 = arith.constant 16 : i32
        %add3A_1038 = vector.broadcast %add3A_1037 : i32 to vector<16xi32>
        %add3A_1039 = arith.addi %broadcast_in_dim3A_1033, %add3A_1038 : vector<16xi32>
        %select_n3A_1040 = arith.select %lt3A_1036, %add3A_1039, %broadcast_in_dim3A_1033 : vector<16xi1>, vector<16xi32>
        %reshape3A_1041 = vector.shape_cast %select_n3A_1040 : vector<16xi32> to vector<16x1xi32>
        %gather3A_1042 = vector.shape_cast %reshape3A_1041 : vector<16x1xi32> to vector<16xi32>
        %gather3A_1043 = tpu.dynamic_gather %get3A_434[%gather3A_1042] in [0] : vector<16xf32>, vector<16xi32> -> vector<16xf32>
        %add3A_1044 = arith.constant 31 : i32
        %add3A_1045 = arith.addi %multiple_of3A_429, %add3A_1044 : i32
        %get3A_1046 = arith.index_cast %add3A_1045 : i32 to index
        %get3A_1047 = arith.constant 0 : index
        %get3A_1048 = tpu.vector_load %arg11[%get3A_1046, %get3A_1047] {strides = array<i32>} : memref<2048x16xf32, #tpu.memory_space<vmem>>, vector<16xf32>,
        %mul3A_1049 = arith.mulf %gather3A_1043, %get3A_1048 : vector<16xf32>
        %add3A_1050 = arith.addf %add3A_974, %mul3A_1049 : vector<16xf32>
        %add3A_1051 = arith.addf %add3A_993, %add3A_1012 : vector<16xf32>
        %add3A_1052 = arith.addf %add3A_1031, %add3A_1050 : vector<16xf32>
        %add3A_1053 = arith.addf %add3A_1051, %add3A_1052 : vector<16xf32>
        %swap3A = arith.index_cast %scan3A_426 : i32 to index
        %swap3A_1054 = arith.constant 0 : index
        %swap3A_1055 = tpu.vector_load %arg13[%swap3A, %swap3A_1054] {strides = array<i32>} : memref<64x16xf32, #tpu.memory_space<vmem>>, vector<16xf32>,
        tpu.vector_store %arg13[%swap3A, %swap3A_1054], %add3A_1053 {strides = array<i32>} : memref<64x16xf32, #tpu.memory_space<vmem>>, vector<16xf32>,
      }
      %scan3A_408 = arith.constant 64 : i32
      "tpu.region"() ({
        %run_scoped3A = tpu.sem_alloc : memref<!tpu.dma_semaphore, #tpu.memory_space<semaphore_mem>>
        %dma_start3A_426 = arith.constant 0 : i32
        %dma_start3A_427 = tpu.memref_slice %arg6[%multiple_of3A_191, %dma_start3A_426] : memref<65536x16xf32, #tpu.memory_space<hbm>> -> memref<64x16xf32, #tpu.memory_space<hbm>>
        %dma_start3A_428 = arith.constant 0 : i32
        %dma_start3A_429 = tpu.memref_slice %arg6[%multiple_of3A_191, %dma_start3A_428] : memref<65536x16xf32, #tpu.memory_space<hbm>> -> memref<64x16xf32, #tpu.memory_space<hbm>>
        tpu.enqueue_dma source(%arg13 : memref<64x16xf32, #tpu.memory_space<vmem>>) target(%dma_start3A_429 : memref<64x16xf32, #tpu.memory_space<hbm>>) target_semaphore(%run_scoped3A : memref<!tpu.dma_semaphore, #tpu.memory_space<semaphore_mem>>)
        %dma_wait3A_430 = arith.constant 0 : i32
        %dma_wait3A_431 = tpu.memref_slice %arg6[%multiple_of3A_191, %dma_wait3A_430] : memref<65536x16xf32, #tpu.memory_space<hbm>> -> memref<64x16xf32, #tpu.memory_space<hbm>>
        %dma_wait3A_432 = arith.constant 0 : i32
        %dma_wait3A_433 = tpu.memref_slice %arg6[%multiple_of3A_191, %dma_wait3A_432] : memref<65536x16xf32, #tpu.memory_space<hbm>> -> memref<64x16xf32, #tpu.memory_space<hbm>>
        tpu.wait_dma2 semaphore(%run_scoped3A : memref<!tpu.dma_semaphore, #tpu.memory_space<semaphore_mem>>) src(%arg13 : memref<64x16xf32, #tpu.memory_space<vmem>>) dst(%dma_wait3A_433 : memref<64x16xf32, #tpu.memory_space<hbm>>)
        tpu.yield
      }) : () -> ()
      %lt3A = arith.constant 15 : i32
      %lt3A_409 = arith.cmpi slt, %scan3A_185, %lt3A : i32
      %convert_element_type3A = arith.extui %lt3A_409 : i1 to i32
      %cond3A = arith.constant 0 : i32
      %cond3A_410 = arith.cmpi ne, %convert_element_type3A, %cond3A : i32
      scf.if %cond3A_410 {
        %mul3A_426 = arith.constant 32 : i32
        %mul3A_427 = arith.muli %multiple_of3A_207, %mul3A_426 : i32
        %jit3A_428 = arith.constant 128 : i32
        %div3A_429 = arith.divsi %mul3A_427, %jit3A_428 : i32
        %sign3A_430 = arith.constant 0 : i32
        %sign3A_431 = arith.cmpi sgt, %mul3A_427, %sign3A_430 : i32
        %sign3A_432 = arith.extui %sign3A_431 : i1 to i32
        %sign3A_433 = arith.constant 0 : i32
        %sign3A_434 = arith.cmpi slt, %mul3A_427, %sign3A_433 : i32
        %sign3A_435 = arith.extui %sign3A_434 : i1 to i32
        %sign3A_436 = arith.subi %sign3A_432, %sign3A_435 : i32
        %sign3A_437 = arith.constant 0 : i32
        %sign3A_438 = arith.cmpi sgt, %jit3A_428, %sign3A_437 : i32
        %sign3A_439 = arith.extui %sign3A_438 : i1 to i32
        %sign3A_440 = arith.constant 0 : i32
        %sign3A_441 = arith.cmpi slt, %jit3A_428, %sign3A_440 : i32
        %sign3A_442 = arith.extui %sign3A_441 : i1 to i32
        %sign3A_443 = arith.subi %sign3A_439, %sign3A_442 : i32
        %ne3A_444 = arith.cmpi ne, %sign3A_436, %sign3A_443 : i32
        %rem3A_445 = arith.remsi %mul3A_427, %jit3A_428 : i32
        %ne3A_446 = arith.constant 0 : i32
        %ne3A_447 = arith.cmpi ne, %rem3A_445, %ne3A_446 : i32
        %and3A_448 = arith.andi %ne3A_444, %ne3A_447 : i1
        %sub3A_449 = arith.constant 1 : i32
        %sub3A_450 = arith.subi %div3A_429, %sub3A_449 : i32
        %select_n3A_451 = arith.select %and3A_448, %sub3A_450, %div3A_429 : i32
        %multiple_of3A_452 = tpu.assume_multiple %select_n3A_451, 16 : i32
        "tpu.region"() ({
          %run_scoped3A = tpu.sem_alloc : memref<!tpu.dma_semaphore, #tpu.memory_space<semaphore_mem>>
          %dma_start3A_613 = arith.constant 0 : i32
          %dma_start3A_614 = tpu.memref_slice %arg3[%multiple_of3A_452, %dma_start3A_613] : memref<16384x128xi32, #tpu.memory_space<hbm>> -> memref<16x128xi32, #tpu.memory_space<hbm>>
          %dma_start3A_615 = arith.constant 0 : i32
          %dma_start3A_616 = tpu.memref_slice %arg3[%multiple_of3A_452, %dma_start3A_615] : memref<16384x128xi32, #tpu.memory_space<hbm>> -> memref<16x128xi32, #tpu.memory_space<hbm>>
          tpu.enqueue_dma source(%dma_start3A_616 : memref<16x128xi32, #tpu.memory_space<hbm>>) target(%arg7 : memref<16x128xi32, #tpu.memory_space<vmem>>) target_semaphore(%run_scoped3A : memref<!tpu.dma_semaphore, #tpu.memory_space<semaphore_mem>>)
          %dma_wait3A_617 = arith.constant 0 : i32
          %dma_wait3A_618 = tpu.memref_slice %arg3[%multiple_of3A_452, %dma_wait3A_617] : memref<16384x128xi32, #tpu.memory_space<hbm>> -> memref<16x128xi32, #tpu.memory_space<hbm>>
          %dma_wait3A_619 = arith.constant 0 : i32
          %dma_wait3A_620 = tpu.memref_slice %arg3[%multiple_of3A_452, %dma_wait3A_619] : memref<16384x128xi32, #tpu.memory_space<hbm>> -> memref<16x128xi32, #tpu.memory_space<hbm>>
          tpu.wait_dma2 semaphore(%run_scoped3A : memref<!tpu.dma_semaphore, #tpu.memory_space<semaphore_mem>>) src(%dma_wait3A_620 : memref<16x128xi32, #tpu.memory_space<hbm>>) dst(%arg7 : memref<16x128xi32, #tpu.memory_space<vmem>>)
          tpu.yield
        }) : () -> ()
        %dma_start3A_453 = arith.constant 0 : i32
        %dma_start3A_454 = arith.constant 0 : i32
        %dma_start3A_455 = arith.constant 0 : i32
        %dma_start3A_456 = tpu.memref_slice %arg11[%dma_start3A_454, %dma_start3A_455] : memref<2048x16xf32, #tpu.memory_space<vmem>> -> memref<128x16xf32, #tpu.memory_space<vmem>>
        %dma_start3A_457 = arith.constant 0 : i32
        %dma_start3A_458 = tpu.memref_slice %arg7[%dma_start3A_453, %dma_start3A_457] : memref<16x128xi32, #tpu.memory_space<vmem>> -> memref<1x128xi32, #tpu.memory_space<vmem>>
        %dma_start3A_459 = tpu.memref_squeeze %dma_start3A_458 : memref<1x128xi32, #tpu.memory_space<vmem>> -> memref<128xi32, #tpu.memory_space<vmem>>
        %dma_start3A_460 = arith.constant 0 : i32
        %dma_start3A_461 = arith.constant 0 : i32
        %dma_start3A_462 = tpu.memref_slice %arg5[%dma_start3A_460, %dma_start3A_461] : memref<32768x16xf32, #tpu.memory_space<hbm>> -> memref<32768x16xf32, #tpu.memory_space<hbm>>
        tpu.enqueue_indirect_dma source(%dma_start3A_462 : memref<32768x16xf32, #tpu.memory_space<hbm>>) target(%dma_start3A_456 : memref<128x16xf32, #tpu.memory_space<vmem>>) offsets(%dma_start3A_459 : memref<128xi32, #tpu.memory_space<vmem>>) semaphore(%arg14 : memref<!tpu.dma_semaphore, #tpu.memory_space<semaphore_mem>>)
        %dma_start3A_463 = arith.constant 1 : i32
        %dma_start3A_464 = arith.constant 128 : i32
        %dma_start3A_465 = arith.constant 0 : i32
        %dma_start3A_466 = tpu.memref_slice %arg11[%dma_start3A_464, %dma_start3A_465] : memref<2048x16xf32, #tpu.memory_space<vmem>> -> memref<128x16xf32, #tpu.memory_space<vmem>>
        %dma_start3A_467 = arith.constant 0 : i32
        %dma_start3A_468 = tpu.memref_slice %arg7[%dma_start3A_463, %dma_start3A_467] : memref<16x128xi32, #tpu.memory_space<vmem>> -> memref<1x128xi32, #tpu.memory_space<vmem>>
        %dma_start3A_469 = tpu.memref_squeeze %dma_start3A_468 : memref<1x128xi32, #tpu.memory_space<vmem>> -> memref<128xi32, #tpu.memory_space<vmem>>
        %dma_start3A_470 = arith.constant 0 : i32
        %dma_start3A_471 = arith.constant 0 : i32
        %dma_start3A_472 = tpu.memref_slice %arg5[%dma_start3A_470, %dma_start3A_471] : memref<32768x16xf32, #tpu.memory_space<hbm>> -> memref<32768x16xf32, #tpu.memory_space<hbm>>
        tpu.enqueue_indirect_dma source(%dma_start3A_472 : memref<32768x16xf32, #tpu.memory_space<hbm>>) target(%dma_start3A_466 : memref<128x16xf32, #tpu.memory_space<vmem>>) offsets(%dma_start3A_469 : memref<128xi32, #tpu.memory_space<vmem>>) semaphore(%arg14 : memref<!tpu.dma_semaphore, #tpu.memory_space<semaphore_mem>>)
        %dma_start3A_473 = arith.constant 2 : i32
        %dma_start3A_474 = arith.constant 256 : i32
        %dma_start3A_475 = arith.constant 0 : i32
        %dma_start3A_476 = tpu.memref_slice %arg11[%dma_start3A_474, %dma_start3A_475] : memref<2048x16xf32, #tpu.memory_space<vmem>> -> memref<128x16xf32, #tpu.memory_space<vmem>>
        %dma_start3A_477 = arith.constant 0 : i32
        %dma_start3A_478 = tpu.memref_slice %arg7[%dma_start3A_473, %dma_start3A_477] : memref<16x128xi32, #tpu.memory_space<vmem>> -> memref<1x128xi32, #tpu.memory_space<vmem>>
        %dma_start3A_479 = tpu.memref_squeeze %dma_start3A_478 : memref<1x128xi32, #tpu.memory_space<vmem>> -> memref<128xi32, #tpu.memory_space<vmem>>
        %dma_start3A_480 = arith.constant 0 : i32
        %dma_start3A_481 = arith.constant 0 : i32
        %dma_start3A_482 = tpu.memref_slice %arg5[%dma_start3A_480, %dma_start3A_481] : memref<32768x16xf32, #tpu.memory_space<hbm>> -> memref<32768x16xf32, #tpu.memory_space<hbm>>
        tpu.enqueue_indirect_dma source(%dma_start3A_482 : memref<32768x16xf32, #tpu.memory_space<hbm>>) target(%dma_start3A_476 : memref<128x16xf32, #tpu.memory_space<vmem>>) offsets(%dma_start3A_479 : memref<128xi32, #tpu.memory_space<vmem>>) semaphore(%arg14 : memref<!tpu.dma_semaphore, #tpu.memory_space<semaphore_mem>>)
        %dma_start3A_483 = arith.constant 3 : i32
        %dma_start3A_484 = arith.constant 384 : i32
        %dma_start3A_485 = arith.constant 0 : i32
        %dma_start3A_486 = tpu.memref_slice %arg11[%dma_start3A_484, %dma_start3A_485] : memref<2048x16xf32, #tpu.memory_space<vmem>> -> memref<128x16xf32, #tpu.memory_space<vmem>>
        %dma_start3A_487 = arith.constant 0 : i32
        %dma_start3A_488 = tpu.memref_slice %arg7[%dma_start3A_483, %dma_start3A_487] : memref<16x128xi32, #tpu.memory_space<vmem>> -> memref<1x128xi32, #tpu.memory_space<vmem>>
        %dma_start3A_489 = tpu.memref_squeeze %dma_start3A_488 : memref<1x128xi32, #tpu.memory_space<vmem>> -> memref<128xi32, #tpu.memory_space<vmem>>
        %dma_start3A_490 = arith.constant 0 : i32
        %dma_start3A_491 = arith.constant 0 : i32
        %dma_start3A_492 = tpu.memref_slice %arg5[%dma_start3A_490, %dma_start3A_491] : memref<32768x16xf32, #tpu.memory_space<hbm>> -> memref<32768x16xf32, #tpu.memory_space<hbm>>
        tpu.enqueue_indirect_dma source(%dma_start3A_492 : memref<32768x16xf32, #tpu.memory_space<hbm>>) target(%dma_start3A_486 : memref<128x16xf32, #tpu.memory_space<vmem>>) offsets(%dma_start3A_489 : memref<128xi32, #tpu.memory_space<vmem>>) semaphore(%arg14 : memref<!tpu.dma_semaphore, #tpu.memory_space<semaphore_mem>>)
        %dma_start3A_493 = arith.constant 4 : i32
        %dma_start3A_494 = arith.constant 512 : i32
        %dma_start3A_495 = arith.constant 0 : i32
        %dma_start3A_496 = tpu.memref_slice %arg11[%dma_start3A_494, %dma_start3A_495] : memref<2048x16xf32, #tpu.memory_space<vmem>> -> memref<128x16xf32, #tpu.memory_space<vmem>>
        %dma_start3A_497 = arith.constant 0 : i32
        %dma_start3A_498 = tpu.memref_slice %arg7[%dma_start3A_493, %dma_start3A_497] : memref<16x128xi32, #tpu.memory_space<vmem>> -> memref<1x128xi32, #tpu.memory_space<vmem>>
        %dma_start3A_499 = tpu.memref_squeeze %dma_start3A_498 : memref<1x128xi32, #tpu.memory_space<vmem>> -> memref<128xi32, #tpu.memory_space<vmem>>
        %dma_start3A_500 = arith.constant 0 : i32
        %dma_start3A_501 = arith.constant 0 : i32
        %dma_start3A_502 = tpu.memref_slice %arg5[%dma_start3A_500, %dma_start3A_501] : memref<32768x16xf32, #tpu.memory_space<hbm>> -> memref<32768x16xf32, #tpu.memory_space<hbm>>
        tpu.enqueue_indirect_dma source(%dma_start3A_502 : memref<32768x16xf32, #tpu.memory_space<hbm>>) target(%dma_start3A_496 : memref<128x16xf32, #tpu.memory_space<vmem>>) offsets(%dma_start3A_499 : memref<128xi32, #tpu.memory_space<vmem>>) semaphore(%arg14 : memref<!tpu.dma_semaphore, #tpu.memory_space<semaphore_mem>>)
        %dma_start3A_503 = arith.constant 5 : i32
        %dma_start3A_504 = arith.constant 640 : i32
        %dma_start3A_505 = arith.constant 0 : i32
        %dma_start3A_506 = tpu.memref_slice %arg11[%dma_start3A_504, %dma_start3A_505] : memref<2048x16xf32, #tpu.memory_space<vmem>> -> memref<128x16xf32, #tpu.memory_space<vmem>>
        %dma_start3A_507 = arith.constant 0 : i32
        %dma_start3A_508 = tpu.memref_slice %arg7[%dma_start3A_503, %dma_start3A_507] : memref<16x128xi32, #tpu.memory_space<vmem>> -> memref<1x128xi32, #tpu.memory_space<vmem>>
        %dma_start3A_509 = tpu.memref_squeeze %dma_start3A_508 : memref<1x128xi32, #tpu.memory_space<vmem>> -> memref<128xi32, #tpu.memory_space<vmem>>
        %dma_start3A_510 = arith.constant 0 : i32
        %dma_start3A_511 = arith.constant 0 : i32
        %dma_start3A_512 = tpu.memref_slice %arg5[%dma_start3A_510, %dma_start3A_511] : memref<32768x16xf32, #tpu.memory_space<hbm>> -> memref<32768x16xf32, #tpu.memory_space<hbm>>
        tpu.enqueue_indirect_dma source(%dma_start3A_512 : memref<32768x16xf32, #tpu.memory_space<hbm>>) target(%dma_start3A_506 : memref<128x16xf32, #tpu.memory_space<vmem>>) offsets(%dma_start3A_509 : memref<128xi32, #tpu.memory_space<vmem>>) semaphore(%arg14 : memref<!tpu.dma_semaphore, #tpu.memory_space<semaphore_mem>>)
        %dma_start3A_513 = arith.constant 6 : i32
        %dma_start3A_514 = arith.constant 768 : i32
        %dma_start3A_515 = arith.constant 0 : i32
        %dma_start3A_516 = tpu.memref_slice %arg11[%dma_start3A_514, %dma_start3A_515] : memref<2048x16xf32, #tpu.memory_space<vmem>> -> memref<128x16xf32, #tpu.memory_space<vmem>>
        %dma_start3A_517 = arith.constant 0 : i32
        %dma_start3A_518 = tpu.memref_slice %arg7[%dma_start3A_513, %dma_start3A_517] : memref<16x128xi32, #tpu.memory_space<vmem>> -> memref<1x128xi32, #tpu.memory_space<vmem>>
        %dma_start3A_519 = tpu.memref_squeeze %dma_start3A_518 : memref<1x128xi32, #tpu.memory_space<vmem>> -> memref<128xi32, #tpu.memory_space<vmem>>
        %dma_start3A_520 = arith.constant 0 : i32
        %dma_start3A_521 = arith.constant 0 : i32
        %dma_start3A_522 = tpu.memref_slice %arg5[%dma_start3A_520, %dma_start3A_521] : memref<32768x16xf32, #tpu.memory_space<hbm>> -> memref<32768x16xf32, #tpu.memory_space<hbm>>
        tpu.enqueue_indirect_dma source(%dma_start3A_522 : memref<32768x16xf32, #tpu.memory_space<hbm>>) target(%dma_start3A_516 : memref<128x16xf32, #tpu.memory_space<vmem>>) offsets(%dma_start3A_519 : memref<128xi32, #tpu.memory_space<vmem>>) semaphore(%arg14 : memref<!tpu.dma_semaphore, #tpu.memory_space<semaphore_mem>>)
        %dma_start3A_523 = arith.constant 7 : i32
        %dma_start3A_524 = arith.constant 896 : i32
        %dma_start3A_525 = arith.constant 0 : i32
        %dma_start3A_526 = tpu.memref_slice %arg11[%dma_start3A_524, %dma_start3A_525] : memref<2048x16xf32, #tpu.memory_space<vmem>> -> memref<128x16xf32, #tpu.memory_space<vmem>>
        %dma_start3A_527 = arith.constant 0 : i32
        %dma_start3A_528 = tpu.memref_slice %arg7[%dma_start3A_523, %dma_start3A_527] : memref<16x128xi32, #tpu.memory_space<vmem>> -> memref<1x128xi32, #tpu.memory_space<vmem>>
        %dma_start3A_529 = tpu.memref_squeeze %dma_start3A_528 : memref<1x128xi32, #tpu.memory_space<vmem>> -> memref<128xi32, #tpu.memory_space<vmem>>
        %dma_start3A_530 = arith.constant 0 : i32
        %dma_start3A_531 = arith.constant 0 : i32
        %dma_start3A_532 = tpu.memref_slice %arg5[%dma_start3A_530, %dma_start3A_531] : memref<32768x16xf32, #tpu.memory_space<hbm>> -> memref<32768x16xf32, #tpu.memory_space<hbm>>
        tpu.enqueue_indirect_dma source(%dma_start3A_532 : memref<32768x16xf32, #tpu.memory_space<hbm>>) target(%dma_start3A_526 : memref<128x16xf32, #tpu.memory_space<vmem>>) offsets(%dma_start3A_529 : memref<128xi32, #tpu.memory_space<vmem>>) semaphore(%arg14 : memref<!tpu.dma_semaphore, #tpu.memory_space<semaphore_mem>>)
        %dma_start3A_533 = arith.constant 8 : i32
        %dma_start3A_534 = arith.constant 1024 : i32
        %dma_start3A_535 = arith.constant 0 : i32
        %dma_start3A_536 = tpu.memref_slice %arg11[%dma_start3A_534, %dma_start3A_535] : memref<2048x16xf32, #tpu.memory_space<vmem>> -> memref<128x16xf32, #tpu.memory_space<vmem>>
        %dma_start3A_537 = arith.constant 0 : i32
        %dma_start3A_538 = tpu.memref_slice %arg7[%dma_start3A_533, %dma_start3A_537] : memref<16x128xi32, #tpu.memory_space<vmem>> -> memref<1x128xi32, #tpu.memory_space<vmem>>
        %dma_start3A_539 = tpu.memref_squeeze %dma_start3A_538 : memref<1x128xi32, #tpu.memory_space<vmem>> -> memref<128xi32, #tpu.memory_space<vmem>>
        %dma_start3A_540 = arith.constant 0 : i32
        %dma_start3A_541 = arith.constant 0 : i32
        %dma_start3A_542 = tpu.memref_slice %arg5[%dma_start3A_540, %dma_start3A_541] : memref<32768x16xf32, #tpu.memory_space<hbm>> -> memref<32768x16xf32, #tpu.memory_space<hbm>>
        tpu.enqueue_indirect_dma source(%dma_start3A_542 : memref<32768x16xf32, #tpu.memory_space<hbm>>) target(%dma_start3A_536 : memref<128x16xf32, #tpu.memory_space<vmem>>) offsets(%dma_start3A_539 : memref<128xi32, #tpu.memory_space<vmem>>) semaphore(%arg14 : memref<!tpu.dma_semaphore, #tpu.memory_space<semaphore_mem>>)
        %dma_start3A_543 = arith.constant 9 : i32
        %dma_start3A_544 = arith.constant 1152 : i32
        %dma_start3A_545 = arith.constant 0 : i32
        %dma_start3A_546 = tpu.memref_slice %arg11[%dma_start3A_544, %dma_start3A_545] : memref<2048x16xf32, #tpu.memory_space<vmem>> -> memref<128x16xf32, #tpu.memory_space<vmem>>
        %dma_start3A_547 = arith.constant 0 : i32
        %dma_start3A_548 = tpu.memref_slice %arg7[%dma_start3A_543, %dma_start3A_547] : memref<16x128xi32, #tpu.memory_space<vmem>> -> memref<1x128xi32, #tpu.memory_space<vmem>>
        %dma_start3A_549 = tpu.memref_squeeze %dma_start3A_548 : memref<1x128xi32, #tpu.memory_space<vmem>> -> memref<128xi32, #tpu.memory_space<vmem>>
        %dma_start3A_550 = arith.constant 0 : i32
        %dma_start3A_551 = arith.constant 0 : i32
        %dma_start3A_552 = tpu.memref_slice %arg5[%dma_start3A_550, %dma_start3A_551] : memref<32768x16xf32, #tpu.memory_space<hbm>> -> memref<32768x16xf32, #tpu.memory_space<hbm>>
        tpu.enqueue_indirect_dma source(%dma_start3A_552 : memref<32768x16xf32, #tpu.memory_space<hbm>>) target(%dma_start3A_546 : memref<128x16xf32, #tpu.memory_space<vmem>>) offsets(%dma_start3A_549 : memref<128xi32, #tpu.memory_space<vmem>>) semaphore(%arg14 : memref<!tpu.dma_semaphore, #tpu.memory_space<semaphore_mem>>)
        %dma_start3A_553 = arith.constant 10 : i32
        %dma_start3A_554 = arith.constant 1280 : i32
        %dma_start3A_555 = arith.constant 0 : i32
        %dma_start3A_556 = tpu.memref_slice %arg11[%dma_start3A_554, %dma_start3A_555] : memref<2048x16xf32, #tpu.memory_space<vmem>> -> memref<128x16xf32, #tpu.memory_space<vmem>>
        %dma_start3A_557 = arith.constant 0 : i32
        %dma_start3A_558 = tpu.memref_slice %arg7[%dma_start3A_553, %dma_start3A_557] : memref<16x128xi32, #tpu.memory_space<vmem>> -> memref<1x128xi32, #tpu.memory_space<vmem>>
        %dma_start3A_559 = tpu.memref_squeeze %dma_start3A_558 : memref<1x128xi32, #tpu.memory_space<vmem>> -> memref<128xi32, #tpu.memory_space<vmem>>
        %dma_start3A_560 = arith.constant 0 : i32
        %dma_start3A_561 = arith.constant 0 : i32
        %dma_start3A_562 = tpu.memref_slice %arg5[%dma_start3A_560, %dma_start3A_561] : memref<32768x16xf32, #tpu.memory_space<hbm>> -> memref<32768x16xf32, #tpu.memory_space<hbm>>
        tpu.enqueue_indirect_dma source(%dma_start3A_562 : memref<32768x16xf32, #tpu.memory_space<hbm>>) target(%dma_start3A_556 : memref<128x16xf32, #tpu.memory_space<vmem>>) offsets(%dma_start3A_559 : memref<128xi32, #tpu.memory_space<vmem>>) semaphore(%arg14 : memref<!tpu.dma_semaphore, #tpu.memory_space<semaphore_mem>>)
        %dma_start3A_563 = arith.constant 11 : i32
        %dma_start3A_564 = arith.constant 1408 : i32
        %dma_start3A_565 = arith.constant 0 : i32
        %dma_start3A_566 = tpu.memref_slice %arg11[%dma_start3A_564, %dma_start3A_565] : memref<2048x16xf32, #tpu.memory_space<vmem>> -> memref<128x16xf32, #tpu.memory_space<vmem>>
        %dma_start3A_567 = arith.constant 0 : i32
        %dma_start3A_568 = tpu.memref_slice %arg7[%dma_start3A_563, %dma_start3A_567] : memref<16x128xi32, #tpu.memory_space<vmem>> -> memref<1x128xi32, #tpu.memory_space<vmem>>
        %dma_start3A_569 = tpu.memref_squeeze %dma_start3A_568 : memref<1x128xi32, #tpu.memory_space<vmem>> -> memref<128xi32, #tpu.memory_space<vmem>>
        %dma_start3A_570 = arith.constant 0 : i32
        %dma_start3A_571 = arith.constant 0 : i32
        %dma_start3A_572 = tpu.memref_slice %arg5[%dma_start3A_570, %dma_start3A_571] : memref<32768x16xf32, #tpu.memory_space<hbm>> -> memref<32768x16xf32, #tpu.memory_space<hbm>>
        tpu.enqueue_indirect_dma source(%dma_start3A_572 : memref<32768x16xf32, #tpu.memory_space<hbm>>) target(%dma_start3A_566 : memref<128x16xf32, #tpu.memory_space<vmem>>) offsets(%dma_start3A_569 : memref<128xi32, #tpu.memory_space<vmem>>) semaphore(%arg14 : memref<!tpu.dma_semaphore, #tpu.memory_space<semaphore_mem>>)
        %dma_start3A_573 = arith.constant 12 : i32
        %dma_start3A_574 = arith.constant 1536 : i32
        %dma_start3A_575 = arith.constant 0 : i32
        %dma_start3A_576 = tpu.memref_slice %arg11[%dma_start3A_574, %dma_start3A_575] : memref<2048x16xf32, #tpu.memory_space<vmem>> -> memref<128x16xf32, #tpu.memory_space<vmem>>
        %dma_start3A_577 = arith.constant 0 : i32
        %dma_start3A_578 = tpu.memref_slice %arg7[%dma_start3A_573, %dma_start3A_577] : memref<16x128xi32, #tpu.memory_space<vmem>> -> memref<1x128xi32, #tpu.memory_space<vmem>>
        %dma_start3A_579 = tpu.memref_squeeze %dma_start3A_578 : memref<1x128xi32, #tpu.memory_space<vmem>> -> memref<128xi32, #tpu.memory_space<vmem>>
        %dma_start3A_580 = arith.constant 0 : i32
        %dma_start3A_581 = arith.constant 0 : i32
        %dma_start3A_582 = tpu.memref_slice %arg5[%dma_start3A_580, %dma_start3A_581] : memref<32768x16xf32, #tpu.memory_space<hbm>> -> memref<32768x16xf32, #tpu.memory_space<hbm>>
        tpu.enqueue_indirect_dma source(%dma_start3A_582 : memref<32768x16xf32, #tpu.memory_space<hbm>>) target(%dma_start3A_576 : memref<128x16xf32, #tpu.memory_space<vmem>>) offsets(%dma_start3A_579 : memref<128xi32, #tpu.memory_space<vmem>>) semaphore(%arg14 : memref<!tpu.dma_semaphore, #tpu.memory_space<semaphore_mem>>)
        %dma_start3A_583 = arith.constant 13 : i32
        %dma_start3A_584 = arith.constant 1664 : i32
        %dma_start3A_585 = arith.constant 0 : i32
        %dma_start3A_586 = tpu.memref_slice %arg11[%dma_start3A_584, %dma_start3A_585] : memref<2048x16xf32, #tpu.memory_space<vmem>> -> memref<128x16xf32, #tpu.memory_space<vmem>>
        %dma_start3A_587 = arith.constant 0 : i32
        %dma_start3A_588 = tpu.memref_slice %arg7[%dma_start3A_583, %dma_start3A_587] : memref<16x128xi32, #tpu.memory_space<vmem>> -> memref<1x128xi32, #tpu.memory_space<vmem>>
        %dma_start3A_589 = tpu.memref_squeeze %dma_start3A_588 : memref<1x128xi32, #tpu.memory_space<vmem>> -> memref<128xi32, #tpu.memory_space<vmem>>
        %dma_start3A_590 = arith.constant 0 : i32
        %dma_start3A_591 = arith.constant 0 : i32
        %dma_start3A_592 = tpu.memref_slice %arg5[%dma_start3A_590, %dma_start3A_591] : memref<32768x16xf32, #tpu.memory_space<hbm>> -> memref<32768x16xf32, #tpu.memory_space<hbm>>
        tpu.enqueue_indirect_dma source(%dma_start3A_592 : memref<32768x16xf32, #tpu.memory_space<hbm>>) target(%dma_start3A_586 : memref<128x16xf32, #tpu.memory_space<vmem>>) offsets(%dma_start3A_589 : memref<128xi32, #tpu.memory_space<vmem>>) semaphore(%arg14 : memref<!tpu.dma_semaphore, #tpu.memory_space<semaphore_mem>>)
        %dma_start3A_593 = arith.constant 14 : i32
        %dma_start3A_594 = arith.constant 1792 : i32
        %dma_start3A_595 = arith.constant 0 : i32
        %dma_start3A_596 = tpu.memref_slice %arg11[%dma_start3A_594, %dma_start3A_595] : memref<2048x16xf32, #tpu.memory_space<vmem>> -> memref<128x16xf32, #tpu.memory_space<vmem>>
        %dma_start3A_597 = arith.constant 0 : i32
        %dma_start3A_598 = tpu.memref_slice %arg7[%dma_start3A_593, %dma_start3A_597] : memref<16x128xi32, #tpu.memory_space<vmem>> -> memref<1x128xi32, #tpu.memory_space<vmem>>
        %dma_start3A_599 = tpu.memref_squeeze %dma_start3A_598 : memref<1x128xi32, #tpu.memory_space<vmem>> -> memref<128xi32, #tpu.memory_space<vmem>>
        %dma_start3A_600 = arith.constant 0 : i32
        %dma_start3A_601 = arith.constant 0 : i32
        %dma_start3A_602 = tpu.memref_slice %arg5[%dma_start3A_600, %dma_start3A_601] : memref<32768x16xf32, #tpu.memory_space<hbm>> -> memref<32768x16xf32, #tpu.memory_space<hbm>>
        tpu.enqueue_indirect_dma source(%dma_start3A_602 : memref<32768x16xf32, #tpu.memory_space<hbm>>) target(%dma_start3A_596 : memref<128x16xf32, #tpu.memory_space<vmem>>) offsets(%dma_start3A_599 : memref<128xi32, #tpu.memory_space<vmem>>) semaphore(%arg14 : memref<!tpu.dma_semaphore, #tpu.memory_space<semaphore_mem>>)
        %dma_start3A_603 = arith.constant 15 : i32
        %dma_start3A_604 = arith.constant 1920 : i32
        %dma_start3A_605 = arith.constant 0 : i32
        %dma_start3A_606 = tpu.memref_slice %arg11[%dma_start3A_604, %dma_start3A_605] : memref<2048x16xf32, #tpu.memory_space<vmem>> -> memref<128x16xf32, #tpu.memory_space<vmem>>
        %dma_start3A_607 = arith.constant 0 : i32
        %dma_start3A_608 = tpu.memref_slice %arg7[%dma_start3A_603, %dma_start3A_607] : memref<16x128xi32, #tpu.memory_space<vmem>> -> memref<1x128xi32, #tpu.memory_space<vmem>>
        %dma_start3A_609 = tpu.memref_squeeze %dma_start3A_608 : memref<1x128xi32, #tpu.memory_space<vmem>> -> memref<128xi32, #tpu.memory_space<vmem>>
        %dma_start3A_610 = arith.constant 0 : i32
        %dma_start3A_611 = arith.constant 0 : i32
        %dma_start3A_612 = tpu.memref_slice %arg5[%dma_start3A_610, %dma_start3A_611] : memref<32768x16xf32, #tpu.memory_space<hbm>> -> memref<32768x16xf32, #tpu.memory_space<hbm>>
        tpu.enqueue_indirect_dma source(%dma_start3A_612 : memref<32768x16xf32, #tpu.memory_space<hbm>>) target(%dma_start3A_606 : memref<128x16xf32, #tpu.memory_space<vmem>>) offsets(%dma_start3A_609 : memref<128xi32, #tpu.memory_space<vmem>>) semaphore(%arg14 : memref<!tpu.dma_semaphore, #tpu.memory_space<semaphore_mem>>)
      } else {
      }
      %dma_wait3A_411 = arith.constant 0 : i32
      %dma_wait3A_412 = arith.constant 0 : i32
      %dma_wait3A_413 = tpu.memref_slice %arg5[%dma_wait3A_411, %dma_wait3A_412] : memref<32768x16xf32, #tpu.memory_space<hbm>> -> memref<2048x16xf32, #tpu.memory_space<hbm>>
      %dma_wait3A_414 = arith.constant 0 : i32
      %dma_wait3A_415 = arith.constant 0 : i32
      %dma_wait3A_416 = tpu.memref_slice %arg5[%dma_wait3A_414, %dma_wait3A_415] : memref<32768x16xf32, #tpu.memory_space<hbm>> -> memref<2048x16xf32, #tpu.memory_space<hbm>>
      tpu.wait_dma2 semaphore(%arg15 : memref<!tpu.dma_semaphore, #tpu.memory_space<semaphore_mem>>) src(%dma_wait3A_416 : memref<2048x16xf32, #tpu.memory_space<hbm>>) dst(%arg12 : memref<2048x16xf32, #tpu.memory_space<vmem>>)
      "tpu.region"() ({
        %run_scoped3A = tpu.sem_alloc : memref<!tpu.dma_semaphore, #tpu.memory_space<semaphore_mem>>
        %dma_start3A_426 = arith.constant 0 : i32
        %dma_start3A_427 = tpu.memref_slice %arg2[%multiple_of3A_199, %dma_start3A_426] : memref<65536x16xf32, #tpu.memory_space<hbm>> -> memref<64x16xf32, #tpu.memory_space<hbm>>
        %dma_start3A_428 = arith.constant 0 : i32
        %dma_start3A_429 = tpu.memref_slice %arg2[%multiple_of3A_199, %dma_start3A_428] : memref<65536x16xf32, #tpu.memory_space<hbm>> -> memref<64x16xf32, #tpu.memory_space<hbm>>
        tpu.enqueue_dma source(%dma_start3A_429 : memref<64x16xf32, #tpu.memory_space<hbm>>) target(%arg10 : memref<64x16xf32, #tpu.memory_space<vmem>>) target_semaphore(%run_scoped3A : memref<!tpu.dma_semaphore, #tpu.memory_space<semaphore_mem>>)
        %dma_wait3A_430 = arith.constant 0 : i32
        %dma_wait3A_431 = tpu.memref_slice %arg2[%multiple_of3A_199, %dma_wait3A_430] : memref<65536x16xf32, #tpu.memory_space<hbm>> -> memref<64x16xf32, #tpu.memory_space<hbm>>
        %dma_wait3A_432 = arith.constant 0 : i32
        %dma_wait3A_433 = tpu.memref_slice %arg2[%multiple_of3A_199, %dma_wait3A_432] : memref<65536x16xf32, #tpu.memory_space<hbm>> -> memref<64x16xf32, #tpu.memory_space<hbm>>
        tpu.wait_dma2 semaphore(%run_scoped3A : memref<!tpu.dma_semaphore, #tpu.memory_space<semaphore_mem>>) src(%dma_wait3A_433 : memref<64x16xf32, #tpu.memory_space<hbm>>) dst(%arg10 : memref<64x16xf32, #tpu.memory_space<vmem>>)
        tpu.yield
      }) : () -> ()
      %mul3A_417 = arith.constant 32 : i32
      %mul3A_418 = arith.muli %multiple_of3A_199, %mul3A_417 : i32
      %multiple_of3A_419 = tpu.assume_multiple %mul3A_418, 2048 : i32
      "tpu.region"() ({
        %run_scoped3A = tpu.sem_alloc : memref<!tpu.dma_semaphore, #tpu.memory_space<semaphore_mem>>
        %dma_start3A_426 = tpu.memref_slice %arg4[%multiple_of3A_419] : memref<2097152xf32, #tpu.memory_space<hbm>> -> memref<2048xf32, #tpu.memory_space<hbm>>
        %dma_start3A_427 = tpu.memref_slice %arg4[%multiple_of3A_419] : memref<2097152xf32, #tpu.memory_space<hbm>> -> memref<2048xf32, #tpu.memory_space<hbm>>
        tpu.enqueue_dma source(%dma_start3A_427 : memref<2048xf32, #tpu.memory_space<hbm>>) target(%arg9 : memref<2048xf32, #tpu.memory_space<vmem>>) target_semaphore(%run_scoped3A : memref<!tpu.dma_semaphore, #tpu.memory_space<semaphore_mem>>)
        %dma_wait3A_428 = tpu.memref_slice %arg4[%multiple_of3A_419] : memref<2097152xf32, #tpu.memory_space<hbm>> -> memref<2048xf32, #tpu.memory_space<hbm>>
        %dma_wait3A_429 = tpu.memref_slice %arg4[%multiple_of3A_419] : memref<2097152xf32, #tpu.memory_space<hbm>> -> memref<2048xf32, #tpu.memory_space<hbm>>
        tpu.wait_dma2 semaphore(%run_scoped3A : memref<!tpu.dma_semaphore, #tpu.memory_space<semaphore_mem>>) src(%dma_wait3A_429 : memref<2048xf32, #tpu.memory_space<hbm>>) dst(%arg9 : memref<2048xf32, #tpu.memory_space<vmem>>)
        tpu.yield
      }) : () -> ()
      %scan3A_420 = arith.constant 0 : i32
      %scan3A_421 = arith.constant 0 : i32
      %scan3A_422 = arith.constant 64 : i32
      %scan3A_423 = arith.addi %scan3A_421, %scan3A_422 : i32
      %scan3A_424 = arith.constant 1 : i32
      scf.for %scan3A_426 = %scan3A_421 to %scan3A_423 step %scan3A_424  : i32 {
        %mul3A_427 = arith.constant 32 : i32
        %mul3A_428 = arith.muli %scan3A_426, %mul3A_427 : i32
        %multiple_of3A_429 = tpu.assume_multiple %mul3A_428, 32 : i32
        %get3A = arith.index_cast %multiple_of3A_429 : i32 to index
        %get3A_430 = tpu.vector_load %arg9[%get3A] {strides = array<i32>} : memref<2048xf32, #tpu.memory_space<vmem>>, vector<16xf32>,
        %add3A_431 = arith.constant 16 : i32
        %add3A_432 = arith.addi %multiple_of3A_429, %add3A_431 : i32
        %get3A_433 = arith.index_cast %add3A_432 : i32 to index
        %get3A_434 = tpu.vector_load %arg9[%get3A_433] {strides = array<i32>} : memref<2048xf32, #tpu.memory_space<vmem>>, vector<16xf32>,
        %get3A_435 = arith.index_cast %scan3A_426 : i32 to index
        %get3A_436 = arith.constant 0 : index
        %get3A_437 = tpu.vector_load %arg10[%get3A_435, %get3A_436] {strides = array<i32>} : memref<64x16xf32, #tpu.memory_space<vmem>>, vector<16xf32>,
        %neg3A = arith.constant 0.000000e+00 : f32
        %neg3A_438 = vector.broadcast %neg3A : f32 to vector<16xf32>
        %neg3A_439 = arith.subf %neg3A_438, %get3A_437 : vector<16xf32>
        %broadcast_in_dim3A = arith.constant 0.000000e+00 : f32
        %broadcast_in_dim3A_440 = vector.broadcast %broadcast_in_dim3A : f32 to vector<16xf32>
        %broadcast_in_dim3A_441 = arith.constant 0.000000e+00 : f32
        %broadcast_in_dim3A_442 = vector.broadcast %broadcast_in_dim3A_441 : f32 to vector<16xf32>
        %broadcast_in_dim3A_443 = arith.constant 0.000000e+00 : f32
        %broadcast_in_dim3A_444 = vector.broadcast %broadcast_in_dim3A_443 : f32 to vector<16xf32>
        %broadcast_in_dim3A_445 = arith.constant 0 : i32
        %broadcast_in_dim3A_446 = vector.broadcast %broadcast_in_dim3A_445 : i32 to vector<16xi32>
        %lt3A_447 = arith.constant 0 : i32
        %lt3A_448 = vector.broadcast %lt3A_447 : i32 to vector<16xi32>
        %lt3A_449 = arith.cmpi slt, %broadcast_in_dim3A_446, %lt3A_448 : vector<16xi32>
        %add3A_450 = arith.constant 16 : i32
        %add3A_451 = vector.broadcast %add3A_450 : i32 to vector<16xi32>
        %add3A_452 = arith.addi %broadcast_in_dim3A_446, %add3A_451 : vector<16xi32>
        %select_n3A_453 = arith.select %lt3A_449, %add3A_452, %broadcast_in_dim3A_446 : vector<16xi1>, vector<16xi32>
        %reshape3A = vector.shape_cast %select_n3A_453 : vector<16xi32> to vector<16x1xi32>
        %gather3A = vector.shape_cast %reshape3A : vector<16x1xi32> to vector<16xi32>
        %gather3A_454 = tpu.dynamic_gather %get3A_430[%gather3A] in [0] : vector<16xf32>, vector<16xi32> -> vector<16xf32>
        %add3A_455 = arith.constant 0 : i32
        %add3A_456 = arith.addi %multiple_of3A_429, %add3A_455 : i32
        %get3A_457 = arith.index_cast %add3A_456 : i32 to index
        %get3A_458 = arith.constant 0 : index
        %get3A_459 = tpu.vector_load %arg12[%get3A_457, %get3A_458] {strides = array<i32>} : memref<2048x16xf32, #tpu.memory_space<vmem>>, vector<16xf32>,
        %mul3A_460 = arith.mulf %gather3A_454, %get3A_459 : vector<16xf32>
        %add3A_461 = arith.addf %neg3A_439, %mul3A_460 : vector<16xf32>
        %broadcast_in_dim3A_462 = arith.constant 1 : i32
        %broadcast_in_dim3A_463 = vector.broadcast %broadcast_in_dim3A_462 : i32 to vector<16xi32>
        %lt3A_464 = arith.constant 0 : i32
        %lt3A_465 = vector.broadcast %lt3A_464 : i32 to vector<16xi32>
        %lt3A_466 = arith.cmpi slt, %broadcast_in_dim3A_463, %lt3A_465 : vector<16xi32>
        %add3A_467 = arith.constant 16 : i32
        %add3A_468 = vector.broadcast %add3A_467 : i32 to vector<16xi32>
        %add3A_469 = arith.addi %broadcast_in_dim3A_463, %add3A_468 : vector<16xi32>
        %select_n3A_470 = arith.select %lt3A_466, %add3A_469, %broadcast_in_dim3A_463 : vector<16xi1>, vector<16xi32>
        %reshape3A_471 = vector.shape_cast %select_n3A_470 : vector<16xi32> to vector<16x1xi32>
        %gather3A_472 = vector.shape_cast %reshape3A_471 : vector<16x1xi32> to vector<16xi32>
        %gather3A_473 = tpu.dynamic_gather %get3A_430[%gather3A_472] in [0] : vector<16xf32>, vector<16xi32> -> vector<16xf32>
        %add3A_474 = arith.constant 1 : i32
        %add3A_475 = arith.addi %multiple_of3A_429, %add3A_474 : i32
        %get3A_476 = arith.index_cast %add3A_475 : i32 to index
        %get3A_477 = arith.constant 0 : index
        %get3A_478 = tpu.vector_load %arg12[%get3A_476, %get3A_477] {strides = array<i32>} : memref<2048x16xf32, #tpu.memory_space<vmem>>, vector<16xf32>,
        %mul3A_479 = arith.mulf %gather3A_473, %get3A_478 : vector<16xf32>
        %add3A_480 = arith.addf %broadcast_in_dim3A_440, %mul3A_479 : vector<16xf32>
        %broadcast_in_dim3A_481 = arith.constant 2 : i32
        %broadcast_in_dim3A_482 = vector.broadcast %broadcast_in_dim3A_481 : i32 to vector<16xi32>
        %lt3A_483 = arith.constant 0 : i32
        %lt3A_484 = vector.broadcast %lt3A_483 : i32 to vector<16xi32>
        %lt3A_485 = arith.cmpi slt, %broadcast_in_dim3A_482, %lt3A_484 : vector<16xi32>
        %add3A_486 = arith.constant 16 : i32
        %add3A_487 = vector.broadcast %add3A_486 : i32 to vector<16xi32>
        %add3A_488 = arith.addi %broadcast_in_dim3A_482, %add3A_487 : vector<16xi32>
        %select_n3A_489 = arith.select %lt3A_485, %add3A_488, %broadcast_in_dim3A_482 : vector<16xi1>, vector<16xi32>
        %reshape3A_490 = vector.shape_cast %select_n3A_489 : vector<16xi32> to vector<16x1xi32>
        %gather3A_491 = vector.shape_cast %reshape3A_490 : vector<16x1xi32> to vector<16xi32>
        %gather3A_492 = tpu.dynamic_gather %get3A_430[%gather3A_491] in [0] : vector<16xf32>, vector<16xi32> -> vector<16xf32>
        %add3A_493 = arith.constant 2 : i32
        %add3A_494 = arith.addi %multiple_of3A_429, %add3A_493 : i32
        %get3A_495 = arith.index_cast %add3A_494 : i32 to index
        %get3A_496 = arith.constant 0 : index
        %get3A_497 = tpu.vector_load %arg12[%get3A_495, %get3A_496] {strides = array<i32>} : memref<2048x16xf32, #tpu.memory_space<vmem>>, vector<16xf32>,
        %mul3A_498 = arith.mulf %gather3A_492, %get3A_497 : vector<16xf32>
        %add3A_499 = arith.addf %broadcast_in_dim3A_442, %mul3A_498 : vector<16xf32>
        %broadcast_in_dim3A_500 = arith.constant 3 : i32
        %broadcast_in_dim3A_501 = vector.broadcast %broadcast_in_dim3A_500 : i32 to vector<16xi32>
        %lt3A_502 = arith.constant 0 : i32
        %lt3A_503 = vector.broadcast %lt3A_502 : i32 to vector<16xi32>
        %lt3A_504 = arith.cmpi slt, %broadcast_in_dim3A_501, %lt3A_503 : vector<16xi32>
        %add3A_505 = arith.constant 16 : i32
        %add3A_506 = vector.broadcast %add3A_505 : i32 to vector<16xi32>
        %add3A_507 = arith.addi %broadcast_in_dim3A_501, %add3A_506 : vector<16xi32>
        %select_n3A_508 = arith.select %lt3A_504, %add3A_507, %broadcast_in_dim3A_501 : vector<16xi1>, vector<16xi32>
        %reshape3A_509 = vector.shape_cast %select_n3A_508 : vector<16xi32> to vector<16x1xi32>
        %gather3A_510 = vector.shape_cast %reshape3A_509 : vector<16x1xi32> to vector<16xi32>
        %gather3A_511 = tpu.dynamic_gather %get3A_430[%gather3A_510] in [0] : vector<16xf32>, vector<16xi32> -> vector<16xf32>
        %add3A_512 = arith.constant 3 : i32
        %add3A_513 = arith.addi %multiple_of3A_429, %add3A_512 : i32
        %get3A_514 = arith.index_cast %add3A_513 : i32 to index
        %get3A_515 = arith.constant 0 : index
        %get3A_516 = tpu.vector_load %arg12[%get3A_514, %get3A_515] {strides = array<i32>} : memref<2048x16xf32, #tpu.memory_space<vmem>>, vector<16xf32>,
        %mul3A_517 = arith.mulf %gather3A_511, %get3A_516 : vector<16xf32>
        %add3A_518 = arith.addf %broadcast_in_dim3A_444, %mul3A_517 : vector<16xf32>
        %broadcast_in_dim3A_519 = arith.constant 4 : i32
        %broadcast_in_dim3A_520 = vector.broadcast %broadcast_in_dim3A_519 : i32 to vector<16xi32>
        %lt3A_521 = arith.constant 0 : i32
        %lt3A_522 = vector.broadcast %lt3A_521 : i32 to vector<16xi32>
        %lt3A_523 = arith.cmpi slt, %broadcast_in_dim3A_520, %lt3A_522 : vector<16xi32>
        %add3A_524 = arith.constant 16 : i32
        %add3A_525 = vector.broadcast %add3A_524 : i32 to vector<16xi32>
        %add3A_526 = arith.addi %broadcast_in_dim3A_520, %add3A_525 : vector<16xi32>
        %select_n3A_527 = arith.select %lt3A_523, %add3A_526, %broadcast_in_dim3A_520 : vector<16xi1>, vector<16xi32>
        %reshape3A_528 = vector.shape_cast %select_n3A_527 : vector<16xi32> to vector<16x1xi32>
        %gather3A_529 = vector.shape_cast %reshape3A_528 : vector<16x1xi32> to vector<16xi32>
        %gather3A_530 = tpu.dynamic_gather %get3A_430[%gather3A_529] in [0] : vector<16xf32>, vector<16xi32> -> vector<16xf32>
        %add3A_531 = arith.constant 4 : i32
        %add3A_532 = arith.addi %multiple_of3A_429, %add3A_531 : i32
        %get3A_533 = arith.index_cast %add3A_532 : i32 to index
        %get3A_534 = arith.constant 0 : index
        %get3A_535 = tpu.vector_load %arg12[%get3A_533, %get3A_534] {strides = array<i32>} : memref<2048x16xf32, #tpu.memory_space<vmem>>, vector<16xf32>,
        %mul3A_536 = arith.mulf %gather3A_530, %get3A_535 : vector<16xf32>
        %add3A_537 = arith.addf %add3A_461, %mul3A_536 : vector<16xf32>
        %broadcast_in_dim3A_538 = arith.constant 5 : i32
        %broadcast_in_dim3A_539 = vector.broadcast %broadcast_in_dim3A_538 : i32 to vector<16xi32>
        %lt3A_540 = arith.constant 0 : i32
        %lt3A_541 = vector.broadcast %lt3A_540 : i32 to vector<16xi32>
        %lt3A_542 = arith.cmpi slt, %broadcast_in_dim3A_539, %lt3A_541 : vector<16xi32>
        %add3A_543 = arith.constant 16 : i32
        %add3A_544 = vector.broadcast %add3A_543 : i32 to vector<16xi32>
        %add3A_545 = arith.addi %broadcast_in_dim3A_539, %add3A_544 : vector<16xi32>
        %select_n3A_546 = arith.select %lt3A_542, %add3A_545, %broadcast_in_dim3A_539 : vector<16xi1>, vector<16xi32>
        %reshape3A_547 = vector.shape_cast %select_n3A_546 : vector<16xi32> to vector<16x1xi32>
        %gather3A_548 = vector.shape_cast %reshape3A_547 : vector<16x1xi32> to vector<16xi32>
        %gather3A_549 = tpu.dynamic_gather %get3A_430[%gather3A_548] in [0] : vector<16xf32>, vector<16xi32> -> vector<16xf32>
        %add3A_550 = arith.constant 5 : i32
        %add3A_551 = arith.addi %multiple_of3A_429, %add3A_550 : i32
        %get3A_552 = arith.index_cast %add3A_551 : i32 to index
        %get3A_553 = arith.constant 0 : index
        %get3A_554 = tpu.vector_load %arg12[%get3A_552, %get3A_553] {strides = array<i32>} : memref<2048x16xf32, #tpu.memory_space<vmem>>, vector<16xf32>,
        %mul3A_555 = arith.mulf %gather3A_549, %get3A_554 : vector<16xf32>
        %add3A_556 = arith.addf %add3A_480, %mul3A_555 : vector<16xf32>
        %broadcast_in_dim3A_557 = arith.constant 6 : i32
        %broadcast_in_dim3A_558 = vector.broadcast %broadcast_in_dim3A_557 : i32 to vector<16xi32>
        %lt3A_559 = arith.constant 0 : i32
        %lt3A_560 = vector.broadcast %lt3A_559 : i32 to vector<16xi32>
        %lt3A_561 = arith.cmpi slt, %broadcast_in_dim3A_558, %lt3A_560 : vector<16xi32>
        %add3A_562 = arith.constant 16 : i32
        %add3A_563 = vector.broadcast %add3A_562 : i32 to vector<16xi32>
        %add3A_564 = arith.addi %broadcast_in_dim3A_558, %add3A_563 : vector<16xi32>
        %select_n3A_565 = arith.select %lt3A_561, %add3A_564, %broadcast_in_dim3A_558 : vector<16xi1>, vector<16xi32>
        %reshape3A_566 = vector.shape_cast %select_n3A_565 : vector<16xi32> to vector<16x1xi32>
        %gather3A_567 = vector.shape_cast %reshape3A_566 : vector<16x1xi32> to vector<16xi32>
        %gather3A_568 = tpu.dynamic_gather %get3A_430[%gather3A_567] in [0] : vector<16xf32>, vector<16xi32> -> vector<16xf32>
        %add3A_569 = arith.constant 6 : i32
        %add3A_570 = arith.addi %multiple_of3A_429, %add3A_569 : i32
        %get3A_571 = arith.index_cast %add3A_570 : i32 to index
        %get3A_572 = arith.constant 0 : index
        %get3A_573 = tpu.vector_load %arg12[%get3A_571, %get3A_572] {strides = array<i32>} : memref<2048x16xf32, #tpu.memory_space<vmem>>, vector<16xf32>,
        %mul3A_574 = arith.mulf %gather3A_568, %get3A_573 : vector<16xf32>
        %add3A_575 = arith.addf %add3A_499, %mul3A_574 : vector<16xf32>
        %broadcast_in_dim3A_576 = arith.constant 7 : i32
        %broadcast_in_dim3A_577 = vector.broadcast %broadcast_in_dim3A_576 : i32 to vector<16xi32>
        %lt3A_578 = arith.constant 0 : i32
        %lt3A_579 = vector.broadcast %lt3A_578 : i32 to vector<16xi32>
        %lt3A_580 = arith.cmpi slt, %broadcast_in_dim3A_577, %lt3A_579 : vector<16xi32>
        %add3A_581 = arith.constant 16 : i32
        %add3A_582 = vector.broadcast %add3A_581 : i32 to vector<16xi32>
        %add3A_583 = arith.addi %broadcast_in_dim3A_577, %add3A_582 : vector<16xi32>
        %select_n3A_584 = arith.select %lt3A_580, %add3A_583, %broadcast_in_dim3A_577 : vector<16xi1>, vector<16xi32>
        %reshape3A_585 = vector.shape_cast %select_n3A_584 : vector<16xi32> to vector<16x1xi32>
        %gather3A_586 = vector.shape_cast %reshape3A_585 : vector<16x1xi32> to vector<16xi32>
        %gather3A_587 = tpu.dynamic_gather %get3A_430[%gather3A_586] in [0] : vector<16xf32>, vector<16xi32> -> vector<16xf32>
        %add3A_588 = arith.constant 7 : i32
        %add3A_589 = arith.addi %multiple_of3A_429, %add3A_588 : i32
        %get3A_590 = arith.index_cast %add3A_589 : i32 to index
        %get3A_591 = arith.constant 0 : index
        %get3A_592 = tpu.vector_load %arg12[%get3A_590, %get3A_591] {strides = array<i32>} : memref<2048x16xf32, #tpu.memory_space<vmem>>, vector<16xf32>,
        %mul3A_593 = arith.mulf %gather3A_587, %get3A_592 : vector<16xf32>
        %add3A_594 = arith.addf %add3A_518, %mul3A_593 : vector<16xf32>
        %broadcast_in_dim3A_595 = arith.constant 8 : i32
        %broadcast_in_dim3A_596 = vector.broadcast %broadcast_in_dim3A_595 : i32 to vector<16xi32>
        %lt3A_597 = arith.constant 0 : i32
        %lt3A_598 = vector.broadcast %lt3A_597 : i32 to vector<16xi32>
        %lt3A_599 = arith.cmpi slt, %broadcast_in_dim3A_596, %lt3A_598 : vector<16xi32>
        %add3A_600 = arith.constant 16 : i32
        %add3A_601 = vector.broadcast %add3A_600 : i32 to vector<16xi32>
        %add3A_602 = arith.addi %broadcast_in_dim3A_596, %add3A_601 : vector<16xi32>
        %select_n3A_603 = arith.select %lt3A_599, %add3A_602, %broadcast_in_dim3A_596 : vector<16xi1>, vector<16xi32>
        %reshape3A_604 = vector.shape_cast %select_n3A_603 : vector<16xi32> to vector<16x1xi32>
        %gather3A_605 = vector.shape_cast %reshape3A_604 : vector<16x1xi32> to vector<16xi32>
        %gather3A_606 = tpu.dynamic_gather %get3A_430[%gather3A_605] in [0] : vector<16xf32>, vector<16xi32> -> vector<16xf32>
        %add3A_607 = arith.constant 8 : i32
        %add3A_608 = arith.addi %multiple_of3A_429, %add3A_607 : i32
        %get3A_609 = arith.index_cast %add3A_608 : i32 to index
        %get3A_610 = arith.constant 0 : index
        %get3A_611 = tpu.vector_load %arg12[%get3A_609, %get3A_610] {strides = array<i32>} : memref<2048x16xf32, #tpu.memory_space<vmem>>, vector<16xf32>,
        %mul3A_612 = arith.mulf %gather3A_606, %get3A_611 : vector<16xf32>
        %add3A_613 = arith.addf %add3A_537, %mul3A_612 : vector<16xf32>
        %broadcast_in_dim3A_614 = arith.constant 9 : i32
        %broadcast_in_dim3A_615 = vector.broadcast %broadcast_in_dim3A_614 : i32 to vector<16xi32>
        %lt3A_616 = arith.constant 0 : i32
        %lt3A_617 = vector.broadcast %lt3A_616 : i32 to vector<16xi32>
        %lt3A_618 = arith.cmpi slt, %broadcast_in_dim3A_615, %lt3A_617 : vector<16xi32>
        %add3A_619 = arith.constant 16 : i32
        %add3A_620 = vector.broadcast %add3A_619 : i32 to vector<16xi32>
        %add3A_621 = arith.addi %broadcast_in_dim3A_615, %add3A_620 : vector<16xi32>
        %select_n3A_622 = arith.select %lt3A_618, %add3A_621, %broadcast_in_dim3A_615 : vector<16xi1>, vector<16xi32>
        %reshape3A_623 = vector.shape_cast %select_n3A_622 : vector<16xi32> to vector<16x1xi32>
        %gather3A_624 = vector.shape_cast %reshape3A_623 : vector<16x1xi32> to vector<16xi32>
        %gather3A_625 = tpu.dynamic_gather %get3A_430[%gather3A_624] in [0] : vector<16xf32>, vector<16xi32> -> vector<16xf32>
        %add3A_626 = arith.constant 9 : i32
        %add3A_627 = arith.addi %multiple_of3A_429, %add3A_626 : i32
        %get3A_628 = arith.index_cast %add3A_627 : i32 to index
        %get3A_629 = arith.constant 0 : index
        %get3A_630 = tpu.vector_load %arg12[%get3A_628, %get3A_629] {strides = array<i32>} : memref<2048x16xf32, #tpu.memory_space<vmem>>, vector<16xf32>,
        %mul3A_631 = arith.mulf %gather3A_625, %get3A_630 : vector<16xf32>
        %add3A_632 = arith.addf %add3A_556, %mul3A_631 : vector<16xf32>
        %broadcast_in_dim3A_633 = arith.constant 10 : i32
        %broadcast_in_dim3A_634 = vector.broadcast %broadcast_in_dim3A_633 : i32 to vector<16xi32>
        %lt3A_635 = arith.constant 0 : i32
        %lt3A_636 = vector.broadcast %lt3A_635 : i32 to vector<16xi32>
        %lt3A_637 = arith.cmpi slt, %broadcast_in_dim3A_634, %lt3A_636 : vector<16xi32>
        %add3A_638 = arith.constant 16 : i32
        %add3A_639 = vector.broadcast %add3A_638 : i32 to vector<16xi32>
        %add3A_640 = arith.addi %broadcast_in_dim3A_634, %add3A_639 : vector<16xi32>
        %select_n3A_641 = arith.select %lt3A_637, %add3A_640, %broadcast_in_dim3A_634 : vector<16xi1>, vector<16xi32>
        %reshape3A_642 = vector.shape_cast %select_n3A_641 : vector<16xi32> to vector<16x1xi32>
        %gather3A_643 = vector.shape_cast %reshape3A_642 : vector<16x1xi32> to vector<16xi32>
        %gather3A_644 = tpu.dynamic_gather %get3A_430[%gather3A_643] in [0] : vector<16xf32>, vector<16xi32> -> vector<16xf32>
        %add3A_645 = arith.constant 10 : i32
        %add3A_646 = arith.addi %multiple_of3A_429, %add3A_645 : i32
        %get3A_647 = arith.index_cast %add3A_646 : i32 to index
        %get3A_648 = arith.constant 0 : index
        %get3A_649 = tpu.vector_load %arg12[%get3A_647, %get3A_648] {strides = array<i32>} : memref<2048x16xf32, #tpu.memory_space<vmem>>, vector<16xf32>,
        %mul3A_650 = arith.mulf %gather3A_644, %get3A_649 : vector<16xf32>
        %add3A_651 = arith.addf %add3A_575, %mul3A_650 : vector<16xf32>
        %broadcast_in_dim3A_652 = arith.constant 11 : i32
        %broadcast_in_dim3A_653 = vector.broadcast %broadcast_in_dim3A_652 : i32 to vector<16xi32>
        %lt3A_654 = arith.constant 0 : i32
        %lt3A_655 = vector.broadcast %lt3A_654 : i32 to vector<16xi32>
        %lt3A_656 = arith.cmpi slt, %broadcast_in_dim3A_653, %lt3A_655 : vector<16xi32>
        %add3A_657 = arith.constant 16 : i32
        %add3A_658 = vector.broadcast %add3A_657 : i32 to vector<16xi32>
        %add3A_659 = arith.addi %broadcast_in_dim3A_653, %add3A_658 : vector<16xi32>
        %select_n3A_660 = arith.select %lt3A_656, %add3A_659, %broadcast_in_dim3A_653 : vector<16xi1>, vector<16xi32>
        %reshape3A_661 = vector.shape_cast %select_n3A_660 : vector<16xi32> to vector<16x1xi32>
        %gather3A_662 = vector.shape_cast %reshape3A_661 : vector<16x1xi32> to vector<16xi32>
        %gather3A_663 = tpu.dynamic_gather %get3A_430[%gather3A_662] in [0] : vector<16xf32>, vector<16xi32> -> vector<16xf32>
        %add3A_664 = arith.constant 11 : i32
        %add3A_665 = arith.addi %multiple_of3A_429, %add3A_664 : i32
        %get3A_666 = arith.index_cast %add3A_665 : i32 to index
        %get3A_667 = arith.constant 0 : index
        %get3A_668 = tpu.vector_load %arg12[%get3A_666, %get3A_667] {strides = array<i32>} : memref<2048x16xf32, #tpu.memory_space<vmem>>, vector<16xf32>,
        %mul3A_669 = arith.mulf %gather3A_663, %get3A_668 : vector<16xf32>
        %add3A_670 = arith.addf %add3A_594, %mul3A_669 : vector<16xf32>
        %broadcast_in_dim3A_671 = arith.constant 12 : i32
        %broadcast_in_dim3A_672 = vector.broadcast %broadcast_in_dim3A_671 : i32 to vector<16xi32>
        %lt3A_673 = arith.constant 0 : i32
        %lt3A_674 = vector.broadcast %lt3A_673 : i32 to vector<16xi32>
        %lt3A_675 = arith.cmpi slt, %broadcast_in_dim3A_672, %lt3A_674 : vector<16xi32>
        %add3A_676 = arith.constant 16 : i32
        %add3A_677 = vector.broadcast %add3A_676 : i32 to vector<16xi32>
        %add3A_678 = arith.addi %broadcast_in_dim3A_672, %add3A_677 : vector<16xi32>
        %select_n3A_679 = arith.select %lt3A_675, %add3A_678, %broadcast_in_dim3A_672 : vector<16xi1>, vector<16xi32>
        %reshape3A_680 = vector.shape_cast %select_n3A_679 : vector<16xi32> to vector<16x1xi32>
        %gather3A_681 = vector.shape_cast %reshape3A_680 : vector<16x1xi32> to vector<16xi32>
        %gather3A_682 = tpu.dynamic_gather %get3A_430[%gather3A_681] in [0] : vector<16xf32>, vector<16xi32> -> vector<16xf32>
        %add3A_683 = arith.constant 12 : i32
        %add3A_684 = arith.addi %multiple_of3A_429, %add3A_683 : i32
        %get3A_685 = arith.index_cast %add3A_684 : i32 to index
        %get3A_686 = arith.constant 0 : index
        %get3A_687 = tpu.vector_load %arg12[%get3A_685, %get3A_686] {strides = array<i32>} : memref<2048x16xf32, #tpu.memory_space<vmem>>, vector<16xf32>,
        %mul3A_688 = arith.mulf %gather3A_682, %get3A_687 : vector<16xf32>
        %add3A_689 = arith.addf %add3A_613, %mul3A_688 : vector<16xf32>
        %broadcast_in_dim3A_690 = arith.constant 13 : i32
        %broadcast_in_dim3A_691 = vector.broadcast %broadcast_in_dim3A_690 : i32 to vector<16xi32>
        %lt3A_692 = arith.constant 0 : i32
        %lt3A_693 = vector.broadcast %lt3A_692 : i32 to vector<16xi32>
        %lt3A_694 = arith.cmpi slt, %broadcast_in_dim3A_691, %lt3A_693 : vector<16xi32>
        %add3A_695 = arith.constant 16 : i32
        %add3A_696 = vector.broadcast %add3A_695 : i32 to vector<16xi32>
        %add3A_697 = arith.addi %broadcast_in_dim3A_691, %add3A_696 : vector<16xi32>
        %select_n3A_698 = arith.select %lt3A_694, %add3A_697, %broadcast_in_dim3A_691 : vector<16xi1>, vector<16xi32>
        %reshape3A_699 = vector.shape_cast %select_n3A_698 : vector<16xi32> to vector<16x1xi32>
        %gather3A_700 = vector.shape_cast %reshape3A_699 : vector<16x1xi32> to vector<16xi32>
        %gather3A_701 = tpu.dynamic_gather %get3A_430[%gather3A_700] in [0] : vector<16xf32>, vector<16xi32> -> vector<16xf32>
        %add3A_702 = arith.constant 13 : i32
        %add3A_703 = arith.addi %multiple_of3A_429, %add3A_702 : i32
        %get3A_704 = arith.index_cast %add3A_703 : i32 to index
        %get3A_705 = arith.constant 0 : index
        %get3A_706 = tpu.vector_load %arg12[%get3A_704, %get3A_705] {strides = array<i32>} : memref<2048x16xf32, #tpu.memory_space<vmem>>, vector<16xf32>,
        %mul3A_707 = arith.mulf %gather3A_701, %get3A_706 : vector<16xf32>
        %add3A_708 = arith.addf %add3A_632, %mul3A_707 : vector<16xf32>
        %broadcast_in_dim3A_709 = arith.constant 14 : i32
        %broadcast_in_dim3A_710 = vector.broadcast %broadcast_in_dim3A_709 : i32 to vector<16xi32>
        %lt3A_711 = arith.constant 0 : i32
        %lt3A_712 = vector.broadcast %lt3A_711 : i32 to vector<16xi32>
        %lt3A_713 = arith.cmpi slt, %broadcast_in_dim3A_710, %lt3A_712 : vector<16xi32>
        %add3A_714 = arith.constant 16 : i32
        %add3A_715 = vector.broadcast %add3A_714 : i32 to vector<16xi32>
        %add3A_716 = arith.addi %broadcast_in_dim3A_710, %add3A_715 : vector<16xi32>
        %select_n3A_717 = arith.select %lt3A_713, %add3A_716, %broadcast_in_dim3A_710 : vector<16xi1>, vector<16xi32>
        %reshape3A_718 = vector.shape_cast %select_n3A_717 : vector<16xi32> to vector<16x1xi32>
        %gather3A_719 = vector.shape_cast %reshape3A_718 : vector<16x1xi32> to vector<16xi32>
        %gather3A_720 = tpu.dynamic_gather %get3A_430[%gather3A_719] in [0] : vector<16xf32>, vector<16xi32> -> vector<16xf32>
        %add3A_721 = arith.constant 14 : i32
        %add3A_722 = arith.addi %multiple_of3A_429, %add3A_721 : i32
        %get3A_723 = arith.index_cast %add3A_722 : i32 to index
        %get3A_724 = arith.constant 0 : index
        %get3A_725 = tpu.vector_load %arg12[%get3A_723, %get3A_724] {strides = array<i32>} : memref<2048x16xf32, #tpu.memory_space<vmem>>, vector<16xf32>,
        %mul3A_726 = arith.mulf %gather3A_720, %get3A_725 : vector<16xf32>
        %add3A_727 = arith.addf %add3A_651, %mul3A_726 : vector<16xf32>
        %broadcast_in_dim3A_728 = arith.constant 15 : i32
        %broadcast_in_dim3A_729 = vector.broadcast %broadcast_in_dim3A_728 : i32 to vector<16xi32>
        %lt3A_730 = arith.constant 0 : i32
        %lt3A_731 = vector.broadcast %lt3A_730 : i32 to vector<16xi32>
        %lt3A_732 = arith.cmpi slt, %broadcast_in_dim3A_729, %lt3A_731 : vector<16xi32>
        %add3A_733 = arith.constant 16 : i32
        %add3A_734 = vector.broadcast %add3A_733 : i32 to vector<16xi32>
        %add3A_735 = arith.addi %broadcast_in_dim3A_729, %add3A_734 : vector<16xi32>
        %select_n3A_736 = arith.select %lt3A_732, %add3A_735, %broadcast_in_dim3A_729 : vector<16xi1>, vector<16xi32>
        %reshape3A_737 = vector.shape_cast %select_n3A_736 : vector<16xi32> to vector<16x1xi32>
        %gather3A_738 = vector.shape_cast %reshape3A_737 : vector<16x1xi32> to vector<16xi32>
        %gather3A_739 = tpu.dynamic_gather %get3A_430[%gather3A_738] in [0] : vector<16xf32>, vector<16xi32> -> vector<16xf32>
        %add3A_740 = arith.constant 15 : i32
        %add3A_741 = arith.addi %multiple_of3A_429, %add3A_740 : i32
        %get3A_742 = arith.index_cast %add3A_741 : i32 to index
        %get3A_743 = arith.constant 0 : index
        %get3A_744 = tpu.vector_load %arg12[%get3A_742, %get3A_743] {strides = array<i32>} : memref<2048x16xf32, #tpu.memory_space<vmem>>, vector<16xf32>,
        %mul3A_745 = arith.mulf %gather3A_739, %get3A_744 : vector<16xf32>
        %add3A_746 = arith.addf %add3A_670, %mul3A_745 : vector<16xf32>
        %broadcast_in_dim3A_747 = arith.constant 0 : i32
        %broadcast_in_dim3A_748 = vector.broadcast %broadcast_in_dim3A_747 : i32 to vector<16xi32>
        %lt3A_749 = arith.constant 0 : i32
        %lt3A_750 = vector.broadcast %lt3A_749 : i32 to vector<16xi32>
        %lt3A_751 = arith.cmpi slt, %broadcast_in_dim3A_748, %lt3A_750 : vector<16xi32>
        %add3A_752 = arith.constant 16 : i32
        %add3A_753 = vector.broadcast %add3A_752 : i32 to vector<16xi32>
        %add3A_754 = arith.addi %broadcast_in_dim3A_748, %add3A_753 : vector<16xi32>
        %select_n3A_755 = arith.select %lt3A_751, %add3A_754, %broadcast_in_dim3A_748 : vector<16xi1>, vector<16xi32>
        %reshape3A_756 = vector.shape_cast %select_n3A_755 : vector<16xi32> to vector<16x1xi32>
        %gather3A_757 = vector.shape_cast %reshape3A_756 : vector<16x1xi32> to vector<16xi32>
        %gather3A_758 = tpu.dynamic_gather %get3A_434[%gather3A_757] in [0] : vector<16xf32>, vector<16xi32> -> vector<16xf32>
        %add3A_759 = arith.constant 16 : i32
        %add3A_760 = arith.addi %multiple_of3A_429, %add3A_759 : i32
        %get3A_761 = arith.index_cast %add3A_760 : i32 to index
        %get3A_762 = arith.constant 0 : index
        %get3A_763 = tpu.vector_load %arg12[%get3A_761, %get3A_762] {strides = array<i32>} : memref<2048x16xf32, #tpu.memory_space<vmem>>, vector<16xf32>,
        %mul3A_764 = arith.mulf %gather3A_758, %get3A_763 : vector<16xf32>
        %add3A_765 = arith.addf %add3A_689, %mul3A_764 : vector<16xf32>
        %broadcast_in_dim3A_766 = arith.constant 1 : i32
        %broadcast_in_dim3A_767 = vector.broadcast %broadcast_in_dim3A_766 : i32 to vector<16xi32>
        %lt3A_768 = arith.constant 0 : i32
        %lt3A_769 = vector.broadcast %lt3A_768 : i32 to vector<16xi32>
        %lt3A_770 = arith.cmpi slt, %broadcast_in_dim3A_767, %lt3A_769 : vector<16xi32>
        %add3A_771 = arith.constant 16 : i32
        %add3A_772 = vector.broadcast %add3A_771 : i32 to vector<16xi32>
        %add3A_773 = arith.addi %broadcast_in_dim3A_767, %add3A_772 : vector<16xi32>
        %select_n3A_774 = arith.select %lt3A_770, %add3A_773, %broadcast_in_dim3A_767 : vector<16xi1>, vector<16xi32>
        %reshape3A_775 = vector.shape_cast %select_n3A_774 : vector<16xi32> to vector<16x1xi32>
        %gather3A_776 = vector.shape_cast %reshape3A_775 : vector<16x1xi32> to vector<16xi32>
        %gather3A_777 = tpu.dynamic_gather %get3A_434[%gather3A_776] in [0] : vector<16xf32>, vector<16xi32> -> vector<16xf32>
        %add3A_778 = arith.constant 17 : i32
        %add3A_779 = arith.addi %multiple_of3A_429, %add3A_778 : i32
        %get3A_780 = arith.index_cast %add3A_779 : i32 to index
        %get3A_781 = arith.constant 0 : index
        %get3A_782 = tpu.vector_load %arg12[%get3A_780, %get3A_781] {strides = array<i32>} : memref<2048x16xf32, #tpu.memory_space<vmem>>, vector<16xf32>,
        %mul3A_783 = arith.mulf %gather3A_777, %get3A_782 : vector<16xf32>
        %add3A_784 = arith.addf %add3A_708, %mul3A_783 : vector<16xf32>
        %broadcast_in_dim3A_785 = arith.constant 2 : i32
        %broadcast_in_dim3A_786 = vector.broadcast %broadcast_in_dim3A_785 : i32 to vector<16xi32>
        %lt3A_787 = arith.constant 0 : i32
        %lt3A_788 = vector.broadcast %lt3A_787 : i32 to vector<16xi32>
        %lt3A_789 = arith.cmpi slt, %broadcast_in_dim3A_786, %lt3A_788 : vector<16xi32>
        %add3A_790 = arith.constant 16 : i32
        %add3A_791 = vector.broadcast %add3A_790 : i32 to vector<16xi32>
        %add3A_792 = arith.addi %broadcast_in_dim3A_786, %add3A_791 : vector<16xi32>
        %select_n3A_793 = arith.select %lt3A_789, %add3A_792, %broadcast_in_dim3A_786 : vector<16xi1>, vector<16xi32>
        %reshape3A_794 = vector.shape_cast %select_n3A_793 : vector<16xi32> to vector<16x1xi32>
        %gather3A_795 = vector.shape_cast %reshape3A_794 : vector<16x1xi32> to vector<16xi32>
        %gather3A_796 = tpu.dynamic_gather %get3A_434[%gather3A_795] in [0] : vector<16xf32>, vector<16xi32> -> vector<16xf32>
        %add3A_797 = arith.constant 18 : i32
        %add3A_798 = arith.addi %multiple_of3A_429, %add3A_797 : i32
        %get3A_799 = arith.index_cast %add3A_798 : i32 to index
        %get3A_800 = arith.constant 0 : index
        %get3A_801 = tpu.vector_load %arg12[%get3A_799, %get3A_800] {strides = array<i32>} : memref<2048x16xf32, #tpu.memory_space<vmem>>, vector<16xf32>,
        %mul3A_802 = arith.mulf %gather3A_796, %get3A_801 : vector<16xf32>
        %add3A_803 = arith.addf %add3A_727, %mul3A_802 : vector<16xf32>
        %broadcast_in_dim3A_804 = arith.constant 3 : i32
        %broadcast_in_dim3A_805 = vector.broadcast %broadcast_in_dim3A_804 : i32 to vector<16xi32>
        %lt3A_806 = arith.constant 0 : i32
        %lt3A_807 = vector.broadcast %lt3A_806 : i32 to vector<16xi32>
        %lt3A_808 = arith.cmpi slt, %broadcast_in_dim3A_805, %lt3A_807 : vector<16xi32>
        %add3A_809 = arith.constant 16 : i32
        %add3A_810 = vector.broadcast %add3A_809 : i32 to vector<16xi32>
        %add3A_811 = arith.addi %broadcast_in_dim3A_805, %add3A_810 : vector<16xi32>
        %select_n3A_812 = arith.select %lt3A_808, %add3A_811, %broadcast_in_dim3A_805 : vector<16xi1>, vector<16xi32>
        %reshape3A_813 = vector.shape_cast %select_n3A_812 : vector<16xi32> to vector<16x1xi32>
        %gather3A_814 = vector.shape_cast %reshape3A_813 : vector<16x1xi32> to vector<16xi32>
        %gather3A_815 = tpu.dynamic_gather %get3A_434[%gather3A_814] in [0] : vector<16xf32>, vector<16xi32> -> vector<16xf32>
        %add3A_816 = arith.constant 19 : i32
        %add3A_817 = arith.addi %multiple_of3A_429, %add3A_816 : i32
        %get3A_818 = arith.index_cast %add3A_817 : i32 to index
        %get3A_819 = arith.constant 0 : index
        %get3A_820 = tpu.vector_load %arg12[%get3A_818, %get3A_819] {strides = array<i32>} : memref<2048x16xf32, #tpu.memory_space<vmem>>, vector<16xf32>,
        %mul3A_821 = arith.mulf %gather3A_815, %get3A_820 : vector<16xf32>
        %add3A_822 = arith.addf %add3A_746, %mul3A_821 : vector<16xf32>
        %broadcast_in_dim3A_823 = arith.constant 4 : i32
        %broadcast_in_dim3A_824 = vector.broadcast %broadcast_in_dim3A_823 : i32 to vector<16xi32>
        %lt3A_825 = arith.constant 0 : i32
        %lt3A_826 = vector.broadcast %lt3A_825 : i32 to vector<16xi32>
        %lt3A_827 = arith.cmpi slt, %broadcast_in_dim3A_824, %lt3A_826 : vector<16xi32>
        %add3A_828 = arith.constant 16 : i32
        %add3A_829 = vector.broadcast %add3A_828 : i32 to vector<16xi32>
        %add3A_830 = arith.addi %broadcast_in_dim3A_824, %add3A_829 : vector<16xi32>
        %select_n3A_831 = arith.select %lt3A_827, %add3A_830, %broadcast_in_dim3A_824 : vector<16xi1>, vector<16xi32>
        %reshape3A_832 = vector.shape_cast %select_n3A_831 : vector<16xi32> to vector<16x1xi32>
        %gather3A_833 = vector.shape_cast %reshape3A_832 : vector<16x1xi32> to vector<16xi32>
        %gather3A_834 = tpu.dynamic_gather %get3A_434[%gather3A_833] in [0] : vector<16xf32>, vector<16xi32> -> vector<16xf32>
        %add3A_835 = arith.constant 20 : i32
        %add3A_836 = arith.addi %multiple_of3A_429, %add3A_835 : i32
        %get3A_837 = arith.index_cast %add3A_836 : i32 to index
        %get3A_838 = arith.constant 0 : index
        %get3A_839 = tpu.vector_load %arg12[%get3A_837, %get3A_838] {strides = array<i32>} : memref<2048x16xf32, #tpu.memory_space<vmem>>, vector<16xf32>,
        %mul3A_840 = arith.mulf %gather3A_834, %get3A_839 : vector<16xf32>
        %add3A_841 = arith.addf %add3A_765, %mul3A_840 : vector<16xf32>
        %broadcast_in_dim3A_842 = arith.constant 5 : i32
        %broadcast_in_dim3A_843 = vector.broadcast %broadcast_in_dim3A_842 : i32 to vector<16xi32>
        %lt3A_844 = arith.constant 0 : i32
        %lt3A_845 = vector.broadcast %lt3A_844 : i32 to vector<16xi32>
        %lt3A_846 = arith.cmpi slt, %broadcast_in_dim3A_843, %lt3A_845 : vector<16xi32>
        %add3A_847 = arith.constant 16 : i32
        %add3A_848 = vector.broadcast %add3A_847 : i32 to vector<16xi32>
        %add3A_849 = arith.addi %broadcast_in_dim3A_843, %add3A_848 : vector<16xi32>
        %select_n3A_850 = arith.select %lt3A_846, %add3A_849, %broadcast_in_dim3A_843 : vector<16xi1>, vector<16xi32>
        %reshape3A_851 = vector.shape_cast %select_n3A_850 : vector<16xi32> to vector<16x1xi32>
        %gather3A_852 = vector.shape_cast %reshape3A_851 : vector<16x1xi32> to vector<16xi32>
        %gather3A_853 = tpu.dynamic_gather %get3A_434[%gather3A_852] in [0] : vector<16xf32>, vector<16xi32> -> vector<16xf32>
        %add3A_854 = arith.constant 21 : i32
        %add3A_855 = arith.addi %multiple_of3A_429, %add3A_854 : i32
        %get3A_856 = arith.index_cast %add3A_855 : i32 to index
        %get3A_857 = arith.constant 0 : index
        %get3A_858 = tpu.vector_load %arg12[%get3A_856, %get3A_857] {strides = array<i32>} : memref<2048x16xf32, #tpu.memory_space<vmem>>, vector<16xf32>,
        %mul3A_859 = arith.mulf %gather3A_853, %get3A_858 : vector<16xf32>
        %add3A_860 = arith.addf %add3A_784, %mul3A_859 : vector<16xf32>
        %broadcast_in_dim3A_861 = arith.constant 6 : i32
        %broadcast_in_dim3A_862 = vector.broadcast %broadcast_in_dim3A_861 : i32 to vector<16xi32>
        %lt3A_863 = arith.constant 0 : i32
        %lt3A_864 = vector.broadcast %lt3A_863 : i32 to vector<16xi32>
        %lt3A_865 = arith.cmpi slt, %broadcast_in_dim3A_862, %lt3A_864 : vector<16xi32>
        %add3A_866 = arith.constant 16 : i32
        %add3A_867 = vector.broadcast %add3A_866 : i32 to vector<16xi32>
        %add3A_868 = arith.addi %broadcast_in_dim3A_862, %add3A_867 : vector<16xi32>
        %select_n3A_869 = arith.select %lt3A_865, %add3A_868, %broadcast_in_dim3A_862 : vector<16xi1>, vector<16xi32>
        %reshape3A_870 = vector.shape_cast %select_n3A_869 : vector<16xi32> to vector<16x1xi32>
        %gather3A_871 = vector.shape_cast %reshape3A_870 : vector<16x1xi32> to vector<16xi32>
        %gather3A_872 = tpu.dynamic_gather %get3A_434[%gather3A_871] in [0] : vector<16xf32>, vector<16xi32> -> vector<16xf32>
        %add3A_873 = arith.constant 22 : i32
        %add3A_874 = arith.addi %multiple_of3A_429, %add3A_873 : i32
        %get3A_875 = arith.index_cast %add3A_874 : i32 to index
        %get3A_876 = arith.constant 0 : index
        %get3A_877 = tpu.vector_load %arg12[%get3A_875, %get3A_876] {strides = array<i32>} : memref<2048x16xf32, #tpu.memory_space<vmem>>, vector<16xf32>,
        %mul3A_878 = arith.mulf %gather3A_872, %get3A_877 : vector<16xf32>
        %add3A_879 = arith.addf %add3A_803, %mul3A_878 : vector<16xf32>
        %broadcast_in_dim3A_880 = arith.constant 7 : i32
        %broadcast_in_dim3A_881 = vector.broadcast %broadcast_in_dim3A_880 : i32 to vector<16xi32>
        %lt3A_882 = arith.constant 0 : i32
        %lt3A_883 = vector.broadcast %lt3A_882 : i32 to vector<16xi32>
        %lt3A_884 = arith.cmpi slt, %broadcast_in_dim3A_881, %lt3A_883 : vector<16xi32>
        %add3A_885 = arith.constant 16 : i32
        %add3A_886 = vector.broadcast %add3A_885 : i32 to vector<16xi32>
        %add3A_887 = arith.addi %broadcast_in_dim3A_881, %add3A_886 : vector<16xi32>
        %select_n3A_888 = arith.select %lt3A_884, %add3A_887, %broadcast_in_dim3A_881 : vector<16xi1>, vector<16xi32>
        %reshape3A_889 = vector.shape_cast %select_n3A_888 : vector<16xi32> to vector<16x1xi32>
        %gather3A_890 = vector.shape_cast %reshape3A_889 : vector<16x1xi32> to vector<16xi32>
        %gather3A_891 = tpu.dynamic_gather %get3A_434[%gather3A_890] in [0] : vector<16xf32>, vector<16xi32> -> vector<16xf32>
        %add3A_892 = arith.constant 23 : i32
        %add3A_893 = arith.addi %multiple_of3A_429, %add3A_892 : i32
        %get3A_894 = arith.index_cast %add3A_893 : i32 to index
        %get3A_895 = arith.constant 0 : index
        %get3A_896 = tpu.vector_load %arg12[%get3A_894, %get3A_895] {strides = array<i32>} : memref<2048x16xf32, #tpu.memory_space<vmem>>, vector<16xf32>,
        %mul3A_897 = arith.mulf %gather3A_891, %get3A_896 : vector<16xf32>
        %add3A_898 = arith.addf %add3A_822, %mul3A_897 : vector<16xf32>
        %broadcast_in_dim3A_899 = arith.constant 8 : i32
        %broadcast_in_dim3A_900 = vector.broadcast %broadcast_in_dim3A_899 : i32 to vector<16xi32>
        %lt3A_901 = arith.constant 0 : i32
        %lt3A_902 = vector.broadcast %lt3A_901 : i32 to vector<16xi32>
        %lt3A_903 = arith.cmpi slt, %broadcast_in_dim3A_900, %lt3A_902 : vector<16xi32>
        %add3A_904 = arith.constant 16 : i32
        %add3A_905 = vector.broadcast %add3A_904 : i32 to vector<16xi32>
        %add3A_906 = arith.addi %broadcast_in_dim3A_900, %add3A_905 : vector<16xi32>
        %select_n3A_907 = arith.select %lt3A_903, %add3A_906, %broadcast_in_dim3A_900 : vector<16xi1>, vector<16xi32>
        %reshape3A_908 = vector.shape_cast %select_n3A_907 : vector<16xi32> to vector<16x1xi32>
        %gather3A_909 = vector.shape_cast %reshape3A_908 : vector<16x1xi32> to vector<16xi32>
        %gather3A_910 = tpu.dynamic_gather %get3A_434[%gather3A_909] in [0] : vector<16xf32>, vector<16xi32> -> vector<16xf32>
        %add3A_911 = arith.constant 24 : i32
        %add3A_912 = arith.addi %multiple_of3A_429, %add3A_911 : i32
        %get3A_913 = arith.index_cast %add3A_912 : i32 to index
        %get3A_914 = arith.constant 0 : index
        %get3A_915 = tpu.vector_load %arg12[%get3A_913, %get3A_914] {strides = array<i32>} : memref<2048x16xf32, #tpu.memory_space<vmem>>, vector<16xf32>,
        %mul3A_916 = arith.mulf %gather3A_910, %get3A_915 : vector<16xf32>
        %add3A_917 = arith.addf %add3A_841, %mul3A_916 : vector<16xf32>
        %broadcast_in_dim3A_918 = arith.constant 9 : i32
        %broadcast_in_dim3A_919 = vector.broadcast %broadcast_in_dim3A_918 : i32 to vector<16xi32>
        %lt3A_920 = arith.constant 0 : i32
        %lt3A_921 = vector.broadcast %lt3A_920 : i32 to vector<16xi32>
        %lt3A_922 = arith.cmpi slt, %broadcast_in_dim3A_919, %lt3A_921 : vector<16xi32>
        %add3A_923 = arith.constant 16 : i32
        %add3A_924 = vector.broadcast %add3A_923 : i32 to vector<16xi32>
        %add3A_925 = arith.addi %broadcast_in_dim3A_919, %add3A_924 : vector<16xi32>
        %select_n3A_926 = arith.select %lt3A_922, %add3A_925, %broadcast_in_dim3A_919 : vector<16xi1>, vector<16xi32>
        %reshape3A_927 = vector.shape_cast %select_n3A_926 : vector<16xi32> to vector<16x1xi32>
        %gather3A_928 = vector.shape_cast %reshape3A_927 : vector<16x1xi32> to vector<16xi32>
        %gather3A_929 = tpu.dynamic_gather %get3A_434[%gather3A_928] in [0] : vector<16xf32>, vector<16xi32> -> vector<16xf32>
        %add3A_930 = arith.constant 25 : i32
        %add3A_931 = arith.addi %multiple_of3A_429, %add3A_930 : i32
        %get3A_932 = arith.index_cast %add3A_931 : i32 to index
        %get3A_933 = arith.constant 0 : index
        %get3A_934 = tpu.vector_load %arg12[%get3A_932, %get3A_933] {strides = array<i32>} : memref<2048x16xf32, #tpu.memory_space<vmem>>, vector<16xf32>,
        %mul3A_935 = arith.mulf %gather3A_929, %get3A_934 : vector<16xf32>
        %add3A_936 = arith.addf %add3A_860, %mul3A_935 : vector<16xf32>
        %broadcast_in_dim3A_937 = arith.constant 10 : i32
        %broadcast_in_dim3A_938 = vector.broadcast %broadcast_in_dim3A_937 : i32 to vector<16xi32>
        %lt3A_939 = arith.constant 0 : i32
        %lt3A_940 = vector.broadcast %lt3A_939 : i32 to vector<16xi32>
        %lt3A_941 = arith.cmpi slt, %broadcast_in_dim3A_938, %lt3A_940 : vector<16xi32>
        %add3A_942 = arith.constant 16 : i32
        %add3A_943 = vector.broadcast %add3A_942 : i32 to vector<16xi32>
        %add3A_944 = arith.addi %broadcast_in_dim3A_938, %add3A_943 : vector<16xi32>
        %select_n3A_945 = arith.select %lt3A_941, %add3A_944, %broadcast_in_dim3A_938 : vector<16xi1>, vector<16xi32>
        %reshape3A_946 = vector.shape_cast %select_n3A_945 : vector<16xi32> to vector<16x1xi32>
        %gather3A_947 = vector.shape_cast %reshape3A_946 : vector<16x1xi32> to vector<16xi32>
        %gather3A_948 = tpu.dynamic_gather %get3A_434[%gather3A_947] in [0] : vector<16xf32>, vector<16xi32> -> vector<16xf32>
        %add3A_949 = arith.constant 26 : i32
        %add3A_950 = arith.addi %multiple_of3A_429, %add3A_949 : i32
        %get3A_951 = arith.index_cast %add3A_950 : i32 to index
        %get3A_952 = arith.constant 0 : index
        %get3A_953 = tpu.vector_load %arg12[%get3A_951, %get3A_952] {strides = array<i32>} : memref<2048x16xf32, #tpu.memory_space<vmem>>, vector<16xf32>,
        %mul3A_954 = arith.mulf %gather3A_948, %get3A_953 : vector<16xf32>
        %add3A_955 = arith.addf %add3A_879, %mul3A_954 : vector<16xf32>
        %broadcast_in_dim3A_956 = arith.constant 11 : i32
        %broadcast_in_dim3A_957 = vector.broadcast %broadcast_in_dim3A_956 : i32 to vector<16xi32>
        %lt3A_958 = arith.constant 0 : i32
        %lt3A_959 = vector.broadcast %lt3A_958 : i32 to vector<16xi32>
        %lt3A_960 = arith.cmpi slt, %broadcast_in_dim3A_957, %lt3A_959 : vector<16xi32>
        %add3A_961 = arith.constant 16 : i32
        %add3A_962 = vector.broadcast %add3A_961 : i32 to vector<16xi32>
        %add3A_963 = arith.addi %broadcast_in_dim3A_957, %add3A_962 : vector<16xi32>
        %select_n3A_964 = arith.select %lt3A_960, %add3A_963, %broadcast_in_dim3A_957 : vector<16xi1>, vector<16xi32>
        %reshape3A_965 = vector.shape_cast %select_n3A_964 : vector<16xi32> to vector<16x1xi32>
        %gather3A_966 = vector.shape_cast %reshape3A_965 : vector<16x1xi32> to vector<16xi32>
        %gather3A_967 = tpu.dynamic_gather %get3A_434[%gather3A_966] in [0] : vector<16xf32>, vector<16xi32> -> vector<16xf32>
        %add3A_968 = arith.constant 27 : i32
        %add3A_969 = arith.addi %multiple_of3A_429, %add3A_968 : i32
        %get3A_970 = arith.index_cast %add3A_969 : i32 to index
        %get3A_971 = arith.constant 0 : index
        %get3A_972 = tpu.vector_load %arg12[%get3A_970, %get3A_971] {strides = array<i32>} : memref<2048x16xf32, #tpu.memory_space<vmem>>, vector<16xf32>,
        %mul3A_973 = arith.mulf %gather3A_967, %get3A_972 : vector<16xf32>
        %add3A_974 = arith.addf %add3A_898, %mul3A_973 : vector<16xf32>
        %broadcast_in_dim3A_975 = arith.constant 12 : i32
        %broadcast_in_dim3A_976 = vector.broadcast %broadcast_in_dim3A_975 : i32 to vector<16xi32>
        %lt3A_977 = arith.constant 0 : i32
        %lt3A_978 = vector.broadcast %lt3A_977 : i32 to vector<16xi32>
        %lt3A_979 = arith.cmpi slt, %broadcast_in_dim3A_976, %lt3A_978 : vector<16xi32>
        %add3A_980 = arith.constant 16 : i32
        %add3A_981 = vector.broadcast %add3A_980 : i32 to vector<16xi32>
        %add3A_982 = arith.addi %broadcast_in_dim3A_976, %add3A_981 : vector<16xi32>
        %select_n3A_983 = arith.select %lt3A_979, %add3A_982, %broadcast_in_dim3A_976 : vector<16xi1>, vector<16xi32>
        %reshape3A_984 = vector.shape_cast %select_n3A_983 : vector<16xi32> to vector<16x1xi32>
        %gather3A_985 = vector.shape_cast %reshape3A_984 : vector<16x1xi32> to vector<16xi32>
        %gather3A_986 = tpu.dynamic_gather %get3A_434[%gather3A_985] in [0] : vector<16xf32>, vector<16xi32> -> vector<16xf32>
        %add3A_987 = arith.constant 28 : i32
        %add3A_988 = arith.addi %multiple_of3A_429, %add3A_987 : i32
        %get3A_989 = arith.index_cast %add3A_988 : i32 to index
        %get3A_990 = arith.constant 0 : index
        %get3A_991 = tpu.vector_load %arg12[%get3A_989, %get3A_990] {strides = array<i32>} : memref<2048x16xf32, #tpu.memory_space<vmem>>, vector<16xf32>,
        %mul3A_992 = arith.mulf %gather3A_986, %get3A_991 : vector<16xf32>
        %add3A_993 = arith.addf %add3A_917, %mul3A_992 : vector<16xf32>
        %broadcast_in_dim3A_994 = arith.constant 13 : i32
        %broadcast_in_dim3A_995 = vector.broadcast %broadcast_in_dim3A_994 : i32 to vector<16xi32>
        %lt3A_996 = arith.constant 0 : i32
        %lt3A_997 = vector.broadcast %lt3A_996 : i32 to vector<16xi32>
        %lt3A_998 = arith.cmpi slt, %broadcast_in_dim3A_995, %lt3A_997 : vector<16xi32>
        %add3A_999 = arith.constant 16 : i32
        %add3A_1000 = vector.broadcast %add3A_999 : i32 to vector<16xi32>
        %add3A_1001 = arith.addi %broadcast_in_dim3A_995, %add3A_1000 : vector<16xi32>
        %select_n3A_1002 = arith.select %lt3A_998, %add3A_1001, %broadcast_in_dim3A_995 : vector<16xi1>, vector<16xi32>
        %reshape3A_1003 = vector.shape_cast %select_n3A_1002 : vector<16xi32> to vector<16x1xi32>
        %gather3A_1004 = vector.shape_cast %reshape3A_1003 : vector<16x1xi32> to vector<16xi32>
        %gather3A_1005 = tpu.dynamic_gather %get3A_434[%gather3A_1004] in [0] : vector<16xf32>, vector<16xi32> -> vector<16xf32>
        %add3A_1006 = arith.constant 29 : i32
        %add3A_1007 = arith.addi %multiple_of3A_429, %add3A_1006 : i32
        %get3A_1008 = arith.index_cast %add3A_1007 : i32 to index
        %get3A_1009 = arith.constant 0 : index
        %get3A_1010 = tpu.vector_load %arg12[%get3A_1008, %get3A_1009] {strides = array<i32>} : memref<2048x16xf32, #tpu.memory_space<vmem>>, vector<16xf32>,
        %mul3A_1011 = arith.mulf %gather3A_1005, %get3A_1010 : vector<16xf32>
        %add3A_1012 = arith.addf %add3A_936, %mul3A_1011 : vector<16xf32>
        %broadcast_in_dim3A_1013 = arith.constant 14 : i32
        %broadcast_in_dim3A_1014 = vector.broadcast %broadcast_in_dim3A_1013 : i32 to vector<16xi32>
        %lt3A_1015 = arith.constant 0 : i32
        %lt3A_1016 = vector.broadcast %lt3A_1015 : i32 to vector<16xi32>
        %lt3A_1017 = arith.cmpi slt, %broadcast_in_dim3A_1014, %lt3A_1016 : vector<16xi32>
        %add3A_1018 = arith.constant 16 : i32
        %add3A_1019 = vector.broadcast %add3A_1018 : i32 to vector<16xi32>
        %add3A_1020 = arith.addi %broadcast_in_dim3A_1014, %add3A_1019 : vector<16xi32>
        %select_n3A_1021 = arith.select %lt3A_1017, %add3A_1020, %broadcast_in_dim3A_1014 : vector<16xi1>, vector<16xi32>
        %reshape3A_1022 = vector.shape_cast %select_n3A_1021 : vector<16xi32> to vector<16x1xi32>
        %gather3A_1023 = vector.shape_cast %reshape3A_1022 : vector<16x1xi32> to vector<16xi32>
        %gather3A_1024 = tpu.dynamic_gather %get3A_434[%gather3A_1023] in [0] : vector<16xf32>, vector<16xi32> -> vector<16xf32>
        %add3A_1025 = arith.constant 30 : i32
        %add3A_1026 = arith.addi %multiple_of3A_429, %add3A_1025 : i32
        %get3A_1027 = arith.index_cast %add3A_1026 : i32 to index
        %get3A_1028 = arith.constant 0 : index
        %get3A_1029 = tpu.vector_load %arg12[%get3A_1027, %get3A_1028] {strides = array<i32>} : memref<2048x16xf32, #tpu.memory_space<vmem>>, vector<16xf32>,
        %mul3A_1030 = arith.mulf %gather3A_1024, %get3A_1029 : vector<16xf32>
        %add3A_1031 = arith.addf %add3A_955, %mul3A_1030 : vector<16xf32>
        %broadcast_in_dim3A_1032 = arith.constant 15 : i32
        %broadcast_in_dim3A_1033 = vector.broadcast %broadcast_in_dim3A_1032 : i32 to vector<16xi32>
        %lt3A_1034 = arith.constant 0 : i32
        %lt3A_1035 = vector.broadcast %lt3A_1034 : i32 to vector<16xi32>
        %lt3A_1036 = arith.cmpi slt, %broadcast_in_dim3A_1033, %lt3A_1035 : vector<16xi32>
        %add3A_1037 = arith.constant 16 : i32
        %add3A_1038 = vector.broadcast %add3A_1037 : i32 to vector<16xi32>
        %add3A_1039 = arith.addi %broadcast_in_dim3A_1033, %add3A_1038 : vector<16xi32>
        %select_n3A_1040 = arith.select %lt3A_1036, %add3A_1039, %broadcast_in_dim3A_1033 : vector<16xi1>, vector<16xi32>
        %reshape3A_1041 = vector.shape_cast %select_n3A_1040 : vector<16xi32> to vector<16x1xi32>
        %gather3A_1042 = vector.shape_cast %reshape3A_1041 : vector<16x1xi32> to vector<16xi32>
        %gather3A_1043 = tpu.dynamic_gather %get3A_434[%gather3A_1042] in [0] : vector<16xf32>, vector<16xi32> -> vector<16xf32>
        %add3A_1044 = arith.constant 31 : i32
        %add3A_1045 = arith.addi %multiple_of3A_429, %add3A_1044 : i32
        %get3A_1046 = arith.index_cast %add3A_1045 : i32 to index
        %get3A_1047 = arith.constant 0 : index
        %get3A_1048 = tpu.vector_load %arg12[%get3A_1046, %get3A_1047] {strides = array<i32>} : memref<2048x16xf32, #tpu.memory_space<vmem>>, vector<16xf32>,
        %mul3A_1049 = arith.mulf %gather3A_1043, %get3A_1048 : vector<16xf32>
        %add3A_1050 = arith.addf %add3A_974, %mul3A_1049 : vector<16xf32>
        %add3A_1051 = arith.addf %add3A_993, %add3A_1012 : vector<16xf32>
        %add3A_1052 = arith.addf %add3A_1031, %add3A_1050 : vector<16xf32>
        %add3A_1053 = arith.addf %add3A_1051, %add3A_1052 : vector<16xf32>
        %swap3A = arith.index_cast %scan3A_426 : i32 to index
        %swap3A_1054 = arith.constant 0 : index
        %swap3A_1055 = tpu.vector_load %arg13[%swap3A, %swap3A_1054] {strides = array<i32>} : memref<64x16xf32, #tpu.memory_space<vmem>>, vector<16xf32>,
        tpu.vector_store %arg13[%swap3A, %swap3A_1054], %add3A_1053 {strides = array<i32>} : memref<64x16xf32, #tpu.memory_space<vmem>>, vector<16xf32>,
      }
      %scan3A_425 = arith.constant 64 : i32
      "tpu.region"() ({
        %run_scoped3A = tpu.sem_alloc : memref<!tpu.dma_semaphore, #tpu.memory_space<semaphore_mem>>
        %dma_start3A_426 = arith.constant 0 : i32
        %dma_start3A_427 = tpu.memref_slice %arg6[%multiple_of3A_199, %dma_start3A_426] : memref<65536x16xf32, #tpu.memory_space<hbm>> -> memref<64x16xf32, #tpu.memory_space<hbm>>
        %dma_start3A_428 = arith.constant 0 : i32
        %dma_start3A_429 = tpu.memref_slice %arg6[%multiple_of3A_199, %dma_start3A_428] : memref<65536x16xf32, #tpu.memory_space<hbm>> -> memref<64x16xf32, #tpu.memory_space<hbm>>
        tpu.enqueue_dma source(%arg13 : memref<64x16xf32, #tpu.memory_space<vmem>>) target(%dma_start3A_429 : memref<64x16xf32, #tpu.memory_space<hbm>>) target_semaphore(%run_scoped3A : memref<!tpu.dma_semaphore, #tpu.memory_space<semaphore_mem>>)
        %dma_wait3A_430 = arith.constant 0 : i32
        %dma_wait3A_431 = tpu.memref_slice %arg6[%multiple_of3A_199, %dma_wait3A_430] : memref<65536x16xf32, #tpu.memory_space<hbm>> -> memref<64x16xf32, #tpu.memory_space<hbm>>
        %dma_wait3A_432 = arith.constant 0 : i32
        %dma_wait3A_433 = tpu.memref_slice %arg6[%multiple_of3A_199, %dma_wait3A_432] : memref<65536x16xf32, #tpu.memory_space<hbm>> -> memref<64x16xf32, #tpu.memory_space<hbm>>
        tpu.wait_dma2 semaphore(%run_scoped3A : memref<!tpu.dma_semaphore, #tpu.memory_space<semaphore_mem>>) src(%arg13 : memref<64x16xf32, #tpu.memory_space<vmem>>) dst(%dma_wait3A_433 : memref<64x16xf32, #tpu.memory_space<hbm>>)
        tpu.yield
      }) : () -> ()
    }
    %scan3A_184 = arith.constant 16 : i32
    return
  }
}

module attributes {stable_mosaic.version = 14 : i64} {
  func.func @_corners_body(%arg0: i32, %arg1: memref<5x2048xf32, #tpu.memory_space<vmem>>, %arg2: memref<32x2048xi32, #tpu.memory_space<vmem>>, %arg3: memref<32x2048xf32, #tpu.memory_space<vmem>>) attributes {dimension_semantics = [#tpu.dimension_semantics<arbitrary>], iteration_bounds = array<i64: 32>, scalar_prefetch = 0 : i64, scratch_operands = 0 : i64, tpu.core_type = #tpu.core_type<tc>, window_params = [{transform_indices = @transform_0, window_bounds = array<i64: 5, 2048>}, {transform_indices = @transform_1, window_bounds = array<i64: 32, 2048>}, {transform_indices = @transform_2, window_bounds = array<i64: 32, 2048>}]} {
    %get3A = arith.constant 0 : index
    %get3A_0 = arith.constant 0 : index
    %get3A_1 = vector.load %arg1[%get3A, %get3A_0] : memref<5x2048xf32, #tpu.memory_space<vmem>>, vector<5x2048xf32>
    %mul3A = arith.constant 7.000000e+00 : f32
    %mul3A_2 = vector.broadcast %mul3A : f32 to vector<5x2048xf32>
    %mul3A_3 = arith.mulf %get3A_1, %mul3A_2 : vector<5x2048xf32>
    %floor3A = math.floor %mul3A_3 : vector<5x2048xf32>
    %sub3A = arith.subf %mul3A_3, %floor3A : vector<5x2048xf32>
    %convert_element_type3A = arith.fptosi %floor3A : vector<5x2048xf32> to vector<5x2048xi32>
    %iota3A = tpu.iota {dimensions = array<i32: 0>} : vector<32x2048xi32>
    %broadcast_in_dim3A = arith.constant 1.000000e+00 : f32
    %broadcast_in_dim3A_4 = vector.broadcast %broadcast_in_dim3A : f32 to vector<32x2048xf32>
    %broadcast_in_dim3A_5 = arith.constant 0 : i32
    %broadcast_in_dim3A_6 = vector.broadcast %broadcast_in_dim3A_5 : i32 to vector<32x2048xi32>
    %shift_right_arithmetic3A = arith.constant 0 : i32
    %shift_right_arithmetic3A_7 = vector.broadcast %shift_right_arithmetic3A : i32 to vector<32x2048xi32>
    %shift_right_arithmetic3A_8 = arith.shrsi %iota3A, %shift_right_arithmetic3A_7 : vector<32x2048xi32>
    %and3A = arith.constant 1 : i32
    %and3A_9 = vector.broadcast %and3A : i32 to vector<32x2048xi32>
    %and3A_10 = arith.andi %shift_right_arithmetic3A_8, %and3A_9 : vector<32x2048xi32>
    %slice3A = vector.extract_strided_slice %sub3A {offsets = [0, 0], sizes = [1, 2048], strides = [1, 1]} : vector<5x2048xf32> to vector<1x2048xf32>
    %broadcast_in_dim3A_11 = vector.shape_cast %slice3A : vector<1x2048xf32> to vector<1x2048xf32>
    %broadcast_in_dim3A_12 = vector.broadcast %broadcast_in_dim3A_11 : vector<1x2048xf32> to vector<32x2048xf32>
    %slice3A_13 = vector.extract_strided_slice %convert_element_type3A {offsets = [0, 0], sizes = [1, 2048], strides = [1, 1]} : vector<5x2048xi32> to vector<1x2048xi32>
    %broadcast_in_dim3A_14 = vector.shape_cast %slice3A_13 : vector<1x2048xi32> to vector<1x2048xi32>
    %broadcast_in_dim3A_15 = vector.broadcast %broadcast_in_dim3A_14 : vector<1x2048xi32> to vector<32x2048xi32>
    %eq3A = arith.constant 1 : i32
    %eq3A_16 = vector.broadcast %eq3A : i32 to vector<32x2048xi32>
    %eq3A_17 = arith.cmpi eq, %and3A_10, %eq3A_16 : vector<32x2048xi32>
    %sub3A_18 = arith.constant 1.000000e+00 : f32
    %sub3A_19 = vector.broadcast %sub3A_18 : f32 to vector<32x2048xf32>
    %sub3A_20 = arith.subf %sub3A_19, %broadcast_in_dim3A_12 : vector<32x2048xf32>
    %select_n3A = arith.select %eq3A_17, %broadcast_in_dim3A_12, %sub3A_20 : vector<32x2048xi1>, vector<32x2048xf32>
    %mul3A_21 = arith.mulf %broadcast_in_dim3A_4, %select_n3A : vector<32x2048xf32>
    %add3A = arith.addi %broadcast_in_dim3A_15, %and3A_10 : vector<32x2048xi32>
    %jit3A = arith.constant 0 : i32
    %jit3A_22 = arith.constant 7 : i32
    %max3A = vector.broadcast %jit3A : i32 to vector<32x2048xi32>
    %max3A_23 = arith.maxsi %max3A, %add3A : vector<32x2048xi32>
    %min3A = vector.broadcast %jit3A_22 : i32 to vector<32x2048xi32>
    %min3A_24 = arith.minsi %min3A, %max3A_23 : vector<32x2048xi32>
    %mul3A_25 = arith.constant 4096 : i32
    %mul3A_26 = vector.broadcast %mul3A_25 : i32 to vector<32x2048xi32>
    %mul3A_27 = arith.muli %min3A_24, %mul3A_26 : vector<32x2048xi32>
    %add3A_28 = arith.addi %broadcast_in_dim3A_6, %mul3A_27 : vector<32x2048xi32>
    %shift_right_arithmetic3A_29 = arith.constant 1 : i32
    %shift_right_arithmetic3A_30 = vector.broadcast %shift_right_arithmetic3A_29 : i32 to vector<32x2048xi32>
    %shift_right_arithmetic3A_31 = arith.shrsi %iota3A, %shift_right_arithmetic3A_30 : vector<32x2048xi32>
    %and3A_32 = arith.constant 1 : i32
    %and3A_33 = vector.broadcast %and3A_32 : i32 to vector<32x2048xi32>
    %and3A_34 = arith.andi %shift_right_arithmetic3A_31, %and3A_33 : vector<32x2048xi32>
    %slice3A_35 = vector.extract_strided_slice %sub3A {offsets = [1, 0], sizes = [1, 2048], strides = [1, 1]} : vector<5x2048xf32> to vector<1x2048xf32>
    %broadcast_in_dim3A_36 = vector.shape_cast %slice3A_35 : vector<1x2048xf32> to vector<1x2048xf32>
    %broadcast_in_dim3A_37 = vector.broadcast %broadcast_in_dim3A_36 : vector<1x2048xf32> to vector<32x2048xf32>
    %slice3A_38 = vector.extract_strided_slice %convert_element_type3A {offsets = [1, 0], sizes = [1, 2048], strides = [1, 1]} : vector<5x2048xi32> to vector<1x2048xi32>
    %broadcast_in_dim3A_39 = vector.shape_cast %slice3A_38 : vector<1x2048xi32> to vector<1x2048xi32>
    %broadcast_in_dim3A_40 = vector.broadcast %broadcast_in_dim3A_39 : vector<1x2048xi32> to vector<32x2048xi32>
    %eq3A_41 = arith.constant 1 : i32
    %eq3A_42 = vector.broadcast %eq3A_41 : i32 to vector<32x2048xi32>
    %eq3A_43 = arith.cmpi eq, %and3A_34, %eq3A_42 : vector<32x2048xi32>
    %sub3A_44 = arith.constant 1.000000e+00 : f32
    %sub3A_45 = vector.broadcast %sub3A_44 : f32 to vector<32x2048xf32>
    %sub3A_46 = arith.subf %sub3A_45, %broadcast_in_dim3A_37 : vector<32x2048xf32>
    %select_n3A_47 = arith.select %eq3A_43, %broadcast_in_dim3A_37, %sub3A_46 : vector<32x2048xi1>, vector<32x2048xf32>
    %mul3A_48 = arith.mulf %mul3A_21, %select_n3A_47 : vector<32x2048xf32>
    %add3A_49 = arith.addi %broadcast_in_dim3A_40, %and3A_34 : vector<32x2048xi32>
    %jit3A_50 = arith.constant 0 : i32
    %jit3A_51 = arith.constant 7 : i32
    %max3A_52 = vector.broadcast %jit3A_50 : i32 to vector<32x2048xi32>
    %max3A_53 = arith.maxsi %max3A_52, %add3A_49 : vector<32x2048xi32>
    %min3A_54 = vector.broadcast %jit3A_51 : i32 to vector<32x2048xi32>
    %min3A_55 = arith.minsi %min3A_54, %max3A_53 : vector<32x2048xi32>
    %mul3A_56 = arith.constant 512 : i32
    %mul3A_57 = vector.broadcast %mul3A_56 : i32 to vector<32x2048xi32>
    %mul3A_58 = arith.muli %min3A_55, %mul3A_57 : vector<32x2048xi32>
    %add3A_59 = arith.addi %add3A_28, %mul3A_58 : vector<32x2048xi32>
    %shift_right_arithmetic3A_60 = arith.constant 2 : i32
    %shift_right_arithmetic3A_61 = vector.broadcast %shift_right_arithmetic3A_60 : i32 to vector<32x2048xi32>
    %shift_right_arithmetic3A_62 = arith.shrsi %iota3A, %shift_right_arithmetic3A_61 : vector<32x2048xi32>
    %and3A_63 = arith.constant 1 : i32
    %and3A_64 = vector.broadcast %and3A_63 : i32 to vector<32x2048xi32>
    %and3A_65 = arith.andi %shift_right_arithmetic3A_62, %and3A_64 : vector<32x2048xi32>
    %slice3A_66 = vector.extract_strided_slice %sub3A {offsets = [2, 0], sizes = [1, 2048], strides = [1, 1]} : vector<5x2048xf32> to vector<1x2048xf32>
    %broadcast_in_dim3A_67 = vector.shape_cast %slice3A_66 : vector<1x2048xf32> to vector<1x2048xf32>
    %broadcast_in_dim3A_68 = vector.broadcast %broadcast_in_dim3A_67 : vector<1x2048xf32> to vector<32x2048xf32>
    %slice3A_69 = vector.extract_strided_slice %convert_element_type3A {offsets = [2, 0], sizes = [1, 2048], strides = [1, 1]} : vector<5x2048xi32> to vector<1x2048xi32>
    %broadcast_in_dim3A_70 = vector.shape_cast %slice3A_69 : vector<1x2048xi32> to vector<1x2048xi32>
    %broadcast_in_dim3A_71 = vector.broadcast %broadcast_in_dim3A_70 : vector<1x2048xi32> to vector<32x2048xi32>
    %eq3A_72 = arith.constant 1 : i32
    %eq3A_73 = vector.broadcast %eq3A_72 : i32 to vector<32x2048xi32>
    %eq3A_74 = arith.cmpi eq, %and3A_65, %eq3A_73 : vector<32x2048xi32>
    %sub3A_75 = arith.constant 1.000000e+00 : f32
    %sub3A_76 = vector.broadcast %sub3A_75 : f32 to vector<32x2048xf32>
    %sub3A_77 = arith.subf %sub3A_76, %broadcast_in_dim3A_68 : vector<32x2048xf32>
    %select_n3A_78 = arith.select %eq3A_74, %broadcast_in_dim3A_68, %sub3A_77 : vector<32x2048xi1>, vector<32x2048xf32>
    %mul3A_79 = arith.mulf %mul3A_48, %select_n3A_78 : vector<32x2048xf32>
    %add3A_80 = arith.addi %broadcast_in_dim3A_71, %and3A_65 : vector<32x2048xi32>
    %jit3A_81 = arith.constant 0 : i32
    %jit3A_82 = arith.constant 7 : i32
    %max3A_83 = vector.broadcast %jit3A_81 : i32 to vector<32x2048xi32>
    %max3A_84 = arith.maxsi %max3A_83, %add3A_80 : vector<32x2048xi32>
    %min3A_85 = vector.broadcast %jit3A_82 : i32 to vector<32x2048xi32>
    %min3A_86 = arith.minsi %min3A_85, %max3A_84 : vector<32x2048xi32>
    %mul3A_87 = arith.constant 64 : i32
    %mul3A_88 = vector.broadcast %mul3A_87 : i32 to vector<32x2048xi32>
    %mul3A_89 = arith.muli %min3A_86, %mul3A_88 : vector<32x2048xi32>
    %add3A_90 = arith.addi %add3A_59, %mul3A_89 : vector<32x2048xi32>
    %shift_right_arithmetic3A_91 = arith.constant 3 : i32
    %shift_right_arithmetic3A_92 = vector.broadcast %shift_right_arithmetic3A_91 : i32 to vector<32x2048xi32>
    %shift_right_arithmetic3A_93 = arith.shrsi %iota3A, %shift_right_arithmetic3A_92 : vector<32x2048xi32>
    %and3A_94 = arith.constant 1 : i32
    %and3A_95 = vector.broadcast %and3A_94 : i32 to vector<32x2048xi32>
    %and3A_96 = arith.andi %shift_right_arithmetic3A_93, %and3A_95 : vector<32x2048xi32>
    %slice3A_97 = vector.extract_strided_slice %sub3A {offsets = [3, 0], sizes = [1, 2048], strides = [1, 1]} : vector<5x2048xf32> to vector<1x2048xf32>
    %broadcast_in_dim3A_98 = vector.shape_cast %slice3A_97 : vector<1x2048xf32> to vector<1x2048xf32>
    %broadcast_in_dim3A_99 = vector.broadcast %broadcast_in_dim3A_98 : vector<1x2048xf32> to vector<32x2048xf32>
    %slice3A_100 = vector.extract_strided_slice %convert_element_type3A {offsets = [3, 0], sizes = [1, 2048], strides = [1, 1]} : vector<5x2048xi32> to vector<1x2048xi32>
    %broadcast_in_dim3A_101 = vector.shape_cast %slice3A_100 : vector<1x2048xi32> to vector<1x2048xi32>
    %broadcast_in_dim3A_102 = vector.broadcast %broadcast_in_dim3A_101 : vector<1x2048xi32> to vector<32x2048xi32>
    %eq3A_103 = arith.constant 1 : i32
    %eq3A_104 = vector.broadcast %eq3A_103 : i32 to vector<32x2048xi32>
    %eq3A_105 = arith.cmpi eq, %and3A_96, %eq3A_104 : vector<32x2048xi32>
    %sub3A_106 = arith.constant 1.000000e+00 : f32
    %sub3A_107 = vector.broadcast %sub3A_106 : f32 to vector<32x2048xf32>
    %sub3A_108 = arith.subf %sub3A_107, %broadcast_in_dim3A_99 : vector<32x2048xf32>
    %select_n3A_109 = arith.select %eq3A_105, %broadcast_in_dim3A_99, %sub3A_108 : vector<32x2048xi1>, vector<32x2048xf32>
    %mul3A_110 = arith.mulf %mul3A_79, %select_n3A_109 : vector<32x2048xf32>
    %add3A_111 = arith.addi %broadcast_in_dim3A_102, %and3A_96 : vector<32x2048xi32>
    %jit3A_112 = arith.constant 0 : i32
    %jit3A_113 = arith.constant 7 : i32
    %max3A_114 = vector.broadcast %jit3A_112 : i32 to vector<32x2048xi32>
    %max3A_115 = arith.maxsi %max3A_114, %add3A_111 : vector<32x2048xi32>
    %min3A_116 = vector.broadcast %jit3A_113 : i32 to vector<32x2048xi32>
    %min3A_117 = arith.minsi %min3A_116, %max3A_115 : vector<32x2048xi32>
    %mul3A_118 = arith.constant 8 : i32
    %mul3A_119 = vector.broadcast %mul3A_118 : i32 to vector<32x2048xi32>
    %mul3A_120 = arith.muli %min3A_117, %mul3A_119 : vector<32x2048xi32>
    %add3A_121 = arith.addi %add3A_90, %mul3A_120 : vector<32x2048xi32>
    %shift_right_arithmetic3A_122 = arith.constant 4 : i32
    %shift_right_arithmetic3A_123 = vector.broadcast %shift_right_arithmetic3A_122 : i32 to vector<32x2048xi32>
    %shift_right_arithmetic3A_124 = arith.shrsi %iota3A, %shift_right_arithmetic3A_123 : vector<32x2048xi32>
    %and3A_125 = arith.constant 1 : i32
    %and3A_126 = vector.broadcast %and3A_125 : i32 to vector<32x2048xi32>
    %and3A_127 = arith.andi %shift_right_arithmetic3A_124, %and3A_126 : vector<32x2048xi32>
    %slice3A_128 = vector.extract_strided_slice %sub3A {offsets = [4, 0], sizes = [1, 2048], strides = [1, 1]} : vector<5x2048xf32> to vector<1x2048xf32>
    %broadcast_in_dim3A_129 = vector.shape_cast %slice3A_128 : vector<1x2048xf32> to vector<1x2048xf32>
    %broadcast_in_dim3A_130 = vector.broadcast %broadcast_in_dim3A_129 : vector<1x2048xf32> to vector<32x2048xf32>
    %slice3A_131 = vector.extract_strided_slice %convert_element_type3A {offsets = [4, 0], sizes = [1, 2048], strides = [1, 1]} : vector<5x2048xi32> to vector<1x2048xi32>
    %broadcast_in_dim3A_132 = vector.shape_cast %slice3A_131 : vector<1x2048xi32> to vector<1x2048xi32>
    %broadcast_in_dim3A_133 = vector.broadcast %broadcast_in_dim3A_132 : vector<1x2048xi32> to vector<32x2048xi32>
    %eq3A_134 = arith.constant 1 : i32
    %eq3A_135 = vector.broadcast %eq3A_134 : i32 to vector<32x2048xi32>
    %eq3A_136 = arith.cmpi eq, %and3A_127, %eq3A_135 : vector<32x2048xi32>
    %sub3A_137 = arith.constant 1.000000e+00 : f32
    %sub3A_138 = vector.broadcast %sub3A_137 : f32 to vector<32x2048xf32>
    %sub3A_139 = arith.subf %sub3A_138, %broadcast_in_dim3A_130 : vector<32x2048xf32>
    %select_n3A_140 = arith.select %eq3A_136, %broadcast_in_dim3A_130, %sub3A_139 : vector<32x2048xi1>, vector<32x2048xf32>
    %mul3A_141 = arith.mulf %mul3A_110, %select_n3A_140 : vector<32x2048xf32>
    %add3A_142 = arith.addi %broadcast_in_dim3A_133, %and3A_127 : vector<32x2048xi32>
    %jit3A_143 = arith.constant 0 : i32
    %jit3A_144 = arith.constant 7 : i32
    %max3A_145 = vector.broadcast %jit3A_143 : i32 to vector<32x2048xi32>
    %max3A_146 = arith.maxsi %max3A_145, %add3A_142 : vector<32x2048xi32>
    %min3A_147 = vector.broadcast %jit3A_144 : i32 to vector<32x2048xi32>
    %min3A_148 = arith.minsi %min3A_147, %max3A_146 : vector<32x2048xi32>
    %mul3A_149 = arith.constant 1 : i32
    %mul3A_150 = vector.broadcast %mul3A_149 : i32 to vector<32x2048xi32>
    %mul3A_151 = arith.muli %min3A_148, %mul3A_150 : vector<32x2048xi32>
    %add3A_152 = arith.addi %add3A_121, %mul3A_151 : vector<32x2048xi32>
    %swap3A = arith.constant 0 : index
    %swap3A_153 = arith.constant 0 : index
    %swap3A_154 = vector.load %arg2[%swap3A, %swap3A_153] : memref<32x2048xi32, #tpu.memory_space<vmem>>, vector<32x2048xi32>
    tpu.vector_store %arg2[%swap3A, %swap3A_153], %add3A_152 {strides = array<i32>} : memref<32x2048xi32, #tpu.memory_space<vmem>>, vector<32x2048xi32>,
    %swap3A_155 = arith.constant 0 : index
    %swap3A_156 = arith.constant 0 : index
    %swap3A_157 = vector.load %arg3[%swap3A_155, %swap3A_156] : memref<32x2048xf32, #tpu.memory_space<vmem>>, vector<32x2048xf32>
    tpu.vector_store %arg3[%swap3A_155, %swap3A_156], %mul3A_141 {strides = array<i32>} : memref<32x2048xf32, #tpu.memory_space<vmem>>, vector<32x2048xf32>,
    return
  }
  func.func @transform_0(%arg0: i32) -> (i32, i32) {
    %c0_i32 = arith.constant 0 : i32
    %c0_i32_0 = arith.constant 0 : i32
    return %c0_i32, %arg0 : i32, i32
  }
  func.func @transform_1(%arg0: i32) -> (i32, i32) {
    %c0_i32 = arith.constant 0 : i32
    %c0_i32_0 = arith.constant 0 : i32
    return %c0_i32, %arg0 : i32, i32
  }
  func.func @transform_2(%arg0: i32) -> (i32, i32) {
    %c0_i32 = arith.constant 0 : i32
    %c0_i32_0 = arith.constant 0 : i32
    return %c0_i32, %arg0 : i32, i32
  }
}

module attributes {stable_mosaic.version = 14 : i64} {
  func.func @_blur_body(%arg0: memref<32x32768xf32, #tpu.memory_space<vmem>>, %arg1: memref<16x32768xf32, #tpu.memory_space<vmem>>) attributes {dimension_semantics = [], scalar_prefetch = 0 : i64, scratch_operands = 0 : i64, tpu.core_type = #tpu.core_type<tc>} {
    %get3A = arith.constant 0 : index
    %get3A_0 = arith.constant 0 : index
    %get3A_1 = vector.load %arg0[%get3A, %get3A_0] : memref<32x32768xf32, #tpu.memory_space<vmem>>, vector<16x32768xf32>
    %get3A_2 = arith.constant 16 : index
    %get3A_3 = arith.constant 0 : index
    %get3A_4 = vector.load %arg0[%get3A_2, %get3A_3] : memref<32x32768xf32, #tpu.memory_space<vmem>>, vector<16x32768xf32>
    %add3A = arith.addf %get3A_1, %get3A_4 : vector<16x32768xf32>
    %iota3A = tpu.iota {dimensions = array<i32: 1>} : vector<16x32768xi32>
    %jit3A = arith.constant 4096 : i32
    %div3A = vector.broadcast %jit3A : i32 to vector<16x32768xi32>
    %div3A_5 = arith.divsi %iota3A, %div3A : vector<16x32768xi32>
    %sign3A = arith.constant 0 : i32
    %sign3A_6 = vector.broadcast %sign3A : i32 to vector<16x32768xi32>
    %sign3A_7 = arith.cmpi sgt, %iota3A, %sign3A_6 : vector<16x32768xi32>
    %sign3A_8 = arith.extui %sign3A_7 : vector<16x32768xi1> to vector<16x32768xi32>
    %sign3A_9 = arith.constant 0 : i32
    %sign3A_10 = vector.broadcast %sign3A_9 : i32 to vector<16x32768xi32>
    %sign3A_11 = arith.cmpi slt, %iota3A, %sign3A_10 : vector<16x32768xi32>
    %sign3A_12 = arith.extui %sign3A_11 : vector<16x32768xi1> to vector<16x32768xi32>
    %sign3A_13 = arith.subi %sign3A_8, %sign3A_12 : vector<16x32768xi32>
    %sign3A_14 = arith.constant 0 : i32
    %sign3A_15 = arith.cmpi sgt, %jit3A, %sign3A_14 : i32
    %sign3A_16 = arith.extui %sign3A_15 : i1 to i32
    %sign3A_17 = arith.constant 0 : i32
    %sign3A_18 = arith.cmpi slt, %jit3A, %sign3A_17 : i32
    %sign3A_19 = arith.extui %sign3A_18 : i1 to i32
    %sign3A_20 = arith.subi %sign3A_16, %sign3A_19 : i32
    %ne3A = vector.broadcast %sign3A_20 : i32 to vector<16x32768xi32>
    %ne3A_21 = arith.cmpi ne, %sign3A_13, %ne3A : vector<16x32768xi32>
    %rem3A = vector.broadcast %jit3A : i32 to vector<16x32768xi32>
    %rem3A_22 = arith.remsi %iota3A, %rem3A : vector<16x32768xi32>
    %ne3A_23 = arith.constant 0 : i32
    %ne3A_24 = vector.broadcast %ne3A_23 : i32 to vector<16x32768xi32>
    %ne3A_25 = arith.cmpi ne, %rem3A_22, %ne3A_24 : vector<16x32768xi32>
    %and3A = arith.andi %ne3A_21, %ne3A_25 : vector<16x32768xi1>
    %sub3A = arith.constant 1 : i32
    %sub3A_26 = vector.broadcast %sub3A : i32 to vector<16x32768xi32>
    %sub3A_27 = arith.subi %div3A_5, %sub3A_26 : vector<16x32768xi32>
    %select_n3A = arith.select %and3A, %sub3A_27, %div3A_5 : vector<16x32768xi1>, vector<16x32768xi32>
    %jit3A_28 = arith.constant 8 : i32
    %eq3A = arith.constant 0 : i32
    %eq3A_29 = arith.cmpi eq, %jit3A_28, %eq3A : i32
    %jit3A_30 = arith.constant 1 : i32
    %select_n3A_31 = arith.select %eq3A_29, %jit3A_30, %jit3A_28 : i32
    %rem3A_32 = vector.broadcast %select_n3A_31 : i32 to vector<16x32768xi32>
    %rem3A_33 = arith.remsi %select_n3A, %rem3A_32 : vector<16x32768xi32>
    %ne3A_34 = arith.constant 0 : i32
    %ne3A_35 = vector.broadcast %ne3A_34 : i32 to vector<16x32768xi32>
    %ne3A_36 = arith.cmpi ne, %rem3A_33, %ne3A_35 : vector<16x32768xi32>
    %lt3A = arith.constant 0 : i32
    %lt3A_37 = vector.broadcast %lt3A : i32 to vector<16x32768xi32>
    %lt3A_38 = arith.cmpi slt, %rem3A_33, %lt3A_37 : vector<16x32768xi32>
    %lt3A_39 = arith.constant 0 : i32
    %lt3A_40 = arith.cmpi slt, %select_n3A_31, %lt3A_39 : i32
    %ne3A_41 = vector.broadcast %lt3A_40 : i1 to vector<16x32768xi1>
    %ne3A_42 = vector.broadcast %ne3A_41 : vector<16x32768xi1> to vector<16x32768xi1>
    %ne3A_43 = arith.xori %lt3A_38, %ne3A_42 : vector<16x32768xi1>
    %and3A_44 = arith.andi %ne3A_43, %ne3A_36 : vector<16x32768xi1>
    %add3A_45 = vector.broadcast %select_n3A_31 : i32 to vector<16x32768xi32>
    %add3A_46 = arith.addi %rem3A_33, %add3A_45 : vector<16x32768xi32>
    %select_n3A_47 = arith.select %and3A_44, %add3A_46, %rem3A_33 : vector<16x32768xi1>, vector<16x32768xi32>
    %broadcast_in_dim3A = arith.constant 0.000000e+00 : f32
    %broadcast_in_dim3A_48 = vector.broadcast %broadcast_in_dim3A : f32 to vector<16x4096xf32>
    %slice3A = vector.extract_strided_slice %add3A {offsets = [0, 0], sizes = [16, 28672], strides = [1, 1]} : vector<16x32768xf32> to vector<16x28672xf32>
    %concatenate3A = tpu.concatenate %broadcast_in_dim3A_48, %slice3A in 1 : vector<16x4096xf32>, vector<16x28672xf32> -> vector<16x32768xf32>
    %slice3A_49 = vector.extract_strided_slice %add3A {offsets = [0, 4096], sizes = [16, 28672], strides = [1, 1]} : vector<16x32768xf32> to vector<16x28672xf32>
    %concatenate3A_50 = tpu.concatenate %slice3A_49, %broadcast_in_dim3A_48 in 1 : vector<16x28672xf32>, vector<16x4096xf32> -> vector<16x32768xf32>
    %mul3A = arith.constant 5.000000e-01 : f32
    %mul3A_51 = vector.broadcast %mul3A : f32 to vector<16x32768xf32>
    %mul3A_52 = arith.mulf %mul3A_51, %add3A : vector<16x32768xf32>
    %gt3A = arith.constant 0 : i32
    %gt3A_53 = vector.broadcast %gt3A : i32 to vector<16x32768xi32>
    %gt3A_54 = arith.cmpi sgt, %select_n3A_47, %gt3A_53 : vector<16x32768xi32>
    %jit3A_55 = arith.constant 0.000000e+00 : f32
    %broadcast_in_dim3A_56 = vector.broadcast %jit3A_55 : f32 to vector<16x32768xf32>
    %select_n3A_57 = arith.select %gt3A_54, %concatenate3A, %broadcast_in_dim3A_56 : vector<16x32768xi1>, vector<16x32768xf32>
    %lt3A_58 = arith.constant 7 : i32
    %lt3A_59 = vector.broadcast %lt3A_58 : i32 to vector<16x32768xi32>
    %lt3A_60 = arith.cmpi slt, %select_n3A_47, %lt3A_59 : vector<16x32768xi32>
    %jit3A_61 = arith.constant 0.000000e+00 : f32
    %broadcast_in_dim3A_62 = vector.broadcast %jit3A_61 : f32 to vector<16x32768xf32>
    %select_n3A_63 = arith.select %lt3A_60, %concatenate3A_50, %broadcast_in_dim3A_62 : vector<16x32768xi1>, vector<16x32768xf32>
    %add3A_64 = arith.addf %select_n3A_57, %select_n3A_63 : vector<16x32768xf32>
    %mul3A_65 = arith.constant 2.500000e-01 : f32
    %mul3A_66 = vector.broadcast %mul3A_65 : f32 to vector<16x32768xf32>
    %mul3A_67 = arith.mulf %mul3A_66, %add3A_64 : vector<16x32768xf32>
    %add3A_68 = arith.addf %mul3A_52, %mul3A_67 : vector<16x32768xf32>
    %jit3A_69 = arith.constant 512 : i32
    %div3A_70 = vector.broadcast %jit3A_69 : i32 to vector<16x32768xi32>
    %div3A_71 = arith.divsi %iota3A, %div3A_70 : vector<16x32768xi32>
    %sign3A_72 = arith.constant 0 : i32
    %sign3A_73 = vector.broadcast %sign3A_72 : i32 to vector<16x32768xi32>
    %sign3A_74 = arith.cmpi sgt, %iota3A, %sign3A_73 : vector<16x32768xi32>
    %sign3A_75 = arith.extui %sign3A_74 : vector<16x32768xi1> to vector<16x32768xi32>
    %sign3A_76 = arith.constant 0 : i32
    %sign3A_77 = vector.broadcast %sign3A_76 : i32 to vector<16x32768xi32>
    %sign3A_78 = arith.cmpi slt, %iota3A, %sign3A_77 : vector<16x32768xi32>
    %sign3A_79 = arith.extui %sign3A_78 : vector<16x32768xi1> to vector<16x32768xi32>
    %sign3A_80 = arith.subi %sign3A_75, %sign3A_79 : vector<16x32768xi32>
    %sign3A_81 = arith.constant 0 : i32
    %sign3A_82 = arith.cmpi sgt, %jit3A_69, %sign3A_81 : i32
    %sign3A_83 = arith.extui %sign3A_82 : i1 to i32
    %sign3A_84 = arith.constant 0 : i32
    %sign3A_85 = arith.cmpi slt, %jit3A_69, %sign3A_84 : i32
    %sign3A_86 = arith.extui %sign3A_85 : i1 to i32
    %sign3A_87 = arith.subi %sign3A_83, %sign3A_86 : i32
    %ne3A_88 = vector.broadcast %sign3A_87 : i32 to vector<16x32768xi32>
    %ne3A_89 = arith.cmpi ne, %sign3A_80, %ne3A_88 : vector<16x32768xi32>
    %rem3A_90 = vector.broadcast %jit3A_69 : i32 to vector<16x32768xi32>
    %rem3A_91 = arith.remsi %iota3A, %rem3A_90 : vector<16x32768xi32>
    %ne3A_92 = arith.constant 0 : i32
    %ne3A_93 = vector.broadcast %ne3A_92 : i32 to vector<16x32768xi32>
    %ne3A_94 = arith.cmpi ne, %rem3A_91, %ne3A_93 : vector<16x32768xi32>
    %and3A_95 = arith.andi %ne3A_89, %ne3A_94 : vector<16x32768xi1>
    %sub3A_96 = arith.constant 1 : i32
    %sub3A_97 = vector.broadcast %sub3A_96 : i32 to vector<16x32768xi32>
    %sub3A_98 = arith.subi %div3A_71, %sub3A_97 : vector<16x32768xi32>
    %select_n3A_99 = arith.select %and3A_95, %sub3A_98, %div3A_71 : vector<16x32768xi1>, vector<16x32768xi32>
    %jit3A_100 = arith.constant 8 : i32
    %eq3A_101 = arith.constant 0 : i32
    %eq3A_102 = arith.cmpi eq, %jit3A_100, %eq3A_101 : i32
    %jit3A_103 = arith.constant 1 : i32
    %select_n3A_104 = arith.select %eq3A_102, %jit3A_103, %jit3A_100 : i32
    %rem3A_105 = vector.broadcast %select_n3A_104 : i32 to vector<16x32768xi32>
    %rem3A_106 = arith.remsi %select_n3A_99, %rem3A_105 : vector<16x32768xi32>
    %ne3A_107 = arith.constant 0 : i32
    %ne3A_108 = vector.broadcast %ne3A_107 : i32 to vector<16x32768xi32>
    %ne3A_109 = arith.cmpi ne, %rem3A_106, %ne3A_108 : vector<16x32768xi32>
    %lt3A_110 = arith.constant 0 : i32
    %lt3A_111 = vector.broadcast %lt3A_110 : i32 to vector<16x32768xi32>
    %lt3A_112 = arith.cmpi slt, %rem3A_106, %lt3A_111 : vector<16x32768xi32>
    %lt3A_113 = arith.constant 0 : i32
    %lt3A_114 = arith.cmpi slt, %select_n3A_104, %lt3A_113 : i32
    %ne3A_115 = vector.broadcast %lt3A_114 : i1 to vector<16x32768xi1>
    %ne3A_116 = vector.broadcast %ne3A_115 : vector<16x32768xi1> to vector<16x32768xi1>
    %ne3A_117 = arith.xori %lt3A_112, %ne3A_116 : vector<16x32768xi1>
    %and3A_118 = arith.andi %ne3A_117, %ne3A_109 : vector<16x32768xi1>
    %add3A_119 = vector.broadcast %select_n3A_104 : i32 to vector<16x32768xi32>
    %add3A_120 = arith.addi %rem3A_106, %add3A_119 : vector<16x32768xi32>
    %select_n3A_121 = arith.select %and3A_118, %add3A_120, %rem3A_106 : vector<16x32768xi1>, vector<16x32768xi32>
    %broadcast_in_dim3A_122 = arith.constant 0.000000e+00 : f32
    %broadcast_in_dim3A_123 = vector.broadcast %broadcast_in_dim3A_122 : f32 to vector<16x512xf32>
    %slice3A_124 = vector.extract_strided_slice %add3A_68 {offsets = [0, 0], sizes = [16, 32256], strides = [1, 1]} : vector<16x32768xf32> to vector<16x32256xf32>
    %concatenate3A_125 = tpu.concatenate %broadcast_in_dim3A_123, %slice3A_124 in 1 : vector<16x512xf32>, vector<16x32256xf32> -> vector<16x32768xf32>
    %slice3A_126 = vector.extract_strided_slice %add3A_68 {offsets = [0, 512], sizes = [16, 32256], strides = [1, 1]} : vector<16x32768xf32> to vector<16x32256xf32>
    %concatenate3A_127 = tpu.concatenate %slice3A_126, %broadcast_in_dim3A_123 in 1 : vector<16x32256xf32>, vector<16x512xf32> -> vector<16x32768xf32>
    %mul3A_128 = arith.constant 5.000000e-01 : f32
    %mul3A_129 = vector.broadcast %mul3A_128 : f32 to vector<16x32768xf32>
    %mul3A_130 = arith.mulf %mul3A_129, %add3A_68 : vector<16x32768xf32>
    %gt3A_131 = arith.constant 0 : i32
    %gt3A_132 = vector.broadcast %gt3A_131 : i32 to vector<16x32768xi32>
    %gt3A_133 = arith.cmpi sgt, %select_n3A_121, %gt3A_132 : vector<16x32768xi32>
    %jit3A_134 = arith.constant 0.000000e+00 : f32
    %broadcast_in_dim3A_135 = vector.broadcast %jit3A_134 : f32 to vector<16x32768xf32>
    %select_n3A_136 = arith.select %gt3A_133, %concatenate3A_125, %broadcast_in_dim3A_135 : vector<16x32768xi1>, vector<16x32768xf32>
    %lt3A_137 = arith.constant 7 : i32
    %lt3A_138 = vector.broadcast %lt3A_137 : i32 to vector<16x32768xi32>
    %lt3A_139 = arith.cmpi slt, %select_n3A_121, %lt3A_138 : vector<16x32768xi32>
    %jit3A_140 = arith.constant 0.000000e+00 : f32
    %broadcast_in_dim3A_141 = vector.broadcast %jit3A_140 : f32 to vector<16x32768xf32>
    %select_n3A_142 = arith.select %lt3A_139, %concatenate3A_127, %broadcast_in_dim3A_141 : vector<16x32768xi1>, vector<16x32768xf32>
    %add3A_143 = arith.addf %select_n3A_136, %select_n3A_142 : vector<16x32768xf32>
    %mul3A_144 = arith.constant 2.500000e-01 : f32
    %mul3A_145 = vector.broadcast %mul3A_144 : f32 to vector<16x32768xf32>
    %mul3A_146 = arith.mulf %mul3A_145, %add3A_143 : vector<16x32768xf32>
    %add3A_147 = arith.addf %mul3A_130, %mul3A_146 : vector<16x32768xf32>
    %jit3A_148 = arith.constant 64 : i32
    %div3A_149 = vector.broadcast %jit3A_148 : i32 to vector<16x32768xi32>
    %div3A_150 = arith.divsi %iota3A, %div3A_149 : vector<16x32768xi32>
    %sign3A_151 = arith.constant 0 : i32
    %sign3A_152 = vector.broadcast %sign3A_151 : i32 to vector<16x32768xi32>
    %sign3A_153 = arith.cmpi sgt, %iota3A, %sign3A_152 : vector<16x32768xi32>
    %sign3A_154 = arith.extui %sign3A_153 : vector<16x32768xi1> to vector<16x32768xi32>
    %sign3A_155 = arith.constant 0 : i32
    %sign3A_156 = vector.broadcast %sign3A_155 : i32 to vector<16x32768xi32>
    %sign3A_157 = arith.cmpi slt, %iota3A, %sign3A_156 : vector<16x32768xi32>
    %sign3A_158 = arith.extui %sign3A_157 : vector<16x32768xi1> to vector<16x32768xi32>
    %sign3A_159 = arith.subi %sign3A_154, %sign3A_158 : vector<16x32768xi32>
    %sign3A_160 = arith.constant 0 : i32
    %sign3A_161 = arith.cmpi sgt, %jit3A_148, %sign3A_160 : i32
    %sign3A_162 = arith.extui %sign3A_161 : i1 to i32
    %sign3A_163 = arith.constant 0 : i32
    %sign3A_164 = arith.cmpi slt, %jit3A_148, %sign3A_163 : i32
    %sign3A_165 = arith.extui %sign3A_164 : i1 to i32
    %sign3A_166 = arith.subi %sign3A_162, %sign3A_165 : i32
    %ne3A_167 = vector.broadcast %sign3A_166 : i32 to vector<16x32768xi32>
    %ne3A_168 = arith.cmpi ne, %sign3A_159, %ne3A_167 : vector<16x32768xi32>
    %rem3A_169 = vector.broadcast %jit3A_148 : i32 to vector<16x32768xi32>
    %rem3A_170 = arith.remsi %iota3A, %rem3A_169 : vector<16x32768xi32>
    %ne3A_171 = arith.constant 0 : i32
    %ne3A_172 = vector.broadcast %ne3A_171 : i32 to vector<16x32768xi32>
    %ne3A_173 = arith.cmpi ne, %rem3A_170, %ne3A_172 : vector<16x32768xi32>
    %and3A_174 = arith.andi %ne3A_168, %ne3A_173 : vector<16x32768xi1>
    %sub3A_175 = arith.constant 1 : i32
    %sub3A_176 = vector.broadcast %sub3A_175 : i32 to vector<16x32768xi32>
    %sub3A_177 = arith.subi %div3A_150, %sub3A_176 : vector<16x32768xi32>
    %select_n3A_178 = arith.select %and3A_174, %sub3A_177, %div3A_150 : vector<16x32768xi1>, vector<16x32768xi32>
    %jit3A_179 = arith.constant 8 : i32
    %eq3A_180 = arith.constant 0 : i32
    %eq3A_181 = arith.cmpi eq, %jit3A_179, %eq3A_180 : i32
    %jit3A_182 = arith.constant 1 : i32
    %select_n3A_183 = arith.select %eq3A_181, %jit3A_182, %jit3A_179 : i32
    %rem3A_184 = vector.broadcast %select_n3A_183 : i32 to vector<16x32768xi32>
    %rem3A_185 = arith.remsi %select_n3A_178, %rem3A_184 : vector<16x32768xi32>
    %ne3A_186 = arith.constant 0 : i32
    %ne3A_187 = vector.broadcast %ne3A_186 : i32 to vector<16x32768xi32>
    %ne3A_188 = arith.cmpi ne, %rem3A_185, %ne3A_187 : vector<16x32768xi32>
    %lt3A_189 = arith.constant 0 : i32
    %lt3A_190 = vector.broadcast %lt3A_189 : i32 to vector<16x32768xi32>
    %lt3A_191 = arith.cmpi slt, %rem3A_185, %lt3A_190 : vector<16x32768xi32>
    %lt3A_192 = arith.constant 0 : i32
    %lt3A_193 = arith.cmpi slt, %select_n3A_183, %lt3A_192 : i32
    %ne3A_194 = vector.broadcast %lt3A_193 : i1 to vector<16x32768xi1>
    %ne3A_195 = vector.broadcast %ne3A_194 : vector<16x32768xi1> to vector<16x32768xi1>
    %ne3A_196 = arith.xori %lt3A_191, %ne3A_195 : vector<16x32768xi1>
    %and3A_197 = arith.andi %ne3A_196, %ne3A_188 : vector<16x32768xi1>
    %add3A_198 = vector.broadcast %select_n3A_183 : i32 to vector<16x32768xi32>
    %add3A_199 = arith.addi %rem3A_185, %add3A_198 : vector<16x32768xi32>
    %select_n3A_200 = arith.select %and3A_197, %add3A_199, %rem3A_185 : vector<16x32768xi1>, vector<16x32768xi32>
    %broadcast_in_dim3A_201 = arith.constant 0.000000e+00 : f32
    %broadcast_in_dim3A_202 = vector.broadcast %broadcast_in_dim3A_201 : f32 to vector<16x64xf32>
    %slice3A_203 = vector.extract_strided_slice %add3A_147 {offsets = [0, 0], sizes = [16, 32704], strides = [1, 1]} : vector<16x32768xf32> to vector<16x32704xf32>
    %concatenate3A_204 = tpu.concatenate %broadcast_in_dim3A_202, %slice3A_203 in 1 : vector<16x64xf32>, vector<16x32704xf32> -> vector<16x32768xf32>
    %slice3A_205 = vector.extract_strided_slice %add3A_147 {offsets = [0, 64], sizes = [16, 32704], strides = [1, 1]} : vector<16x32768xf32> to vector<16x32704xf32>
    %concatenate3A_206 = tpu.concatenate %slice3A_205, %broadcast_in_dim3A_202 in 1 : vector<16x32704xf32>, vector<16x64xf32> -> vector<16x32768xf32>
    %mul3A_207 = arith.constant 5.000000e-01 : f32
    %mul3A_208 = vector.broadcast %mul3A_207 : f32 to vector<16x32768xf32>
    %mul3A_209 = arith.mulf %mul3A_208, %add3A_147 : vector<16x32768xf32>
    %gt3A_210 = arith.constant 0 : i32
    %gt3A_211 = vector.broadcast %gt3A_210 : i32 to vector<16x32768xi32>
    %gt3A_212 = arith.cmpi sgt, %select_n3A_200, %gt3A_211 : vector<16x32768xi32>
    %jit3A_213 = arith.constant 0.000000e+00 : f32
    %broadcast_in_dim3A_214 = vector.broadcast %jit3A_213 : f32 to vector<16x32768xf32>
    %select_n3A_215 = arith.select %gt3A_212, %concatenate3A_204, %broadcast_in_dim3A_214 : vector<16x32768xi1>, vector<16x32768xf32>
    %lt3A_216 = arith.constant 7 : i32
    %lt3A_217 = vector.broadcast %lt3A_216 : i32 to vector<16x32768xi32>
    %lt3A_218 = arith.cmpi slt, %select_n3A_200, %lt3A_217 : vector<16x32768xi32>
    %jit3A_219 = arith.constant 0.000000e+00 : f32
    %broadcast_in_dim3A_220 = vector.broadcast %jit3A_219 : f32 to vector<16x32768xf32>
    %select_n3A_221 = arith.select %lt3A_218, %concatenate3A_206, %broadcast_in_dim3A_220 : vector<16x32768xi1>, vector<16x32768xf32>
    %add3A_222 = arith.addf %select_n3A_215, %select_n3A_221 : vector<16x32768xf32>
    %mul3A_223 = arith.constant 2.500000e-01 : f32
    %mul3A_224 = vector.broadcast %mul3A_223 : f32 to vector<16x32768xf32>
    %mul3A_225 = arith.mulf %mul3A_224, %add3A_222 : vector<16x32768xf32>
    %add3A_226 = arith.addf %mul3A_209, %mul3A_225 : vector<16x32768xf32>
    %jit3A_227 = arith.constant 8 : i32
    %div3A_228 = vector.broadcast %jit3A_227 : i32 to vector<16x32768xi32>
    %div3A_229 = arith.divsi %iota3A, %div3A_228 : vector<16x32768xi32>
    %sign3A_230 = arith.constant 0 : i32
    %sign3A_231 = vector.broadcast %sign3A_230 : i32 to vector<16x32768xi32>
    %sign3A_232 = arith.cmpi sgt, %iota3A, %sign3A_231 : vector<16x32768xi32>
    %sign3A_233 = arith.extui %sign3A_232 : vector<16x32768xi1> to vector<16x32768xi32>
    %sign3A_234 = arith.constant 0 : i32
    %sign3A_235 = vector.broadcast %sign3A_234 : i32 to vector<16x32768xi32>
    %sign3A_236 = arith.cmpi slt, %iota3A, %sign3A_235 : vector<16x32768xi32>
    %sign3A_237 = arith.extui %sign3A_236 : vector<16x32768xi1> to vector<16x32768xi32>
    %sign3A_238 = arith.subi %sign3A_233, %sign3A_237 : vector<16x32768xi32>
    %sign3A_239 = arith.constant 0 : i32
    %sign3A_240 = arith.cmpi sgt, %jit3A_227, %sign3A_239 : i32
    %sign3A_241 = arith.extui %sign3A_240 : i1 to i32
    %sign3A_242 = arith.constant 0 : i32
    %sign3A_243 = arith.cmpi slt, %jit3A_227, %sign3A_242 : i32
    %sign3A_244 = arith.extui %sign3A_243 : i1 to i32
    %sign3A_245 = arith.subi %sign3A_241, %sign3A_244 : i32
    %ne3A_246 = vector.broadcast %sign3A_245 : i32 to vector<16x32768xi32>
    %ne3A_247 = arith.cmpi ne, %sign3A_238, %ne3A_246 : vector<16x32768xi32>
    %rem3A_248 = vector.broadcast %jit3A_227 : i32 to vector<16x32768xi32>
    %rem3A_249 = arith.remsi %iota3A, %rem3A_248 : vector<16x32768xi32>
    %ne3A_250 = arith.constant 0 : i32
    %ne3A_251 = vector.broadcast %ne3A_250 : i32 to vector<16x32768xi32>
    %ne3A_252 = arith.cmpi ne, %rem3A_249, %ne3A_251 : vector<16x32768xi32>
    %and3A_253 = arith.andi %ne3A_247, %ne3A_252 : vector<16x32768xi1>
    %sub3A_254 = arith.constant 1 : i32
    %sub3A_255 = vector.broadcast %sub3A_254 : i32 to vector<16x32768xi32>
    %sub3A_256 = arith.subi %div3A_229, %sub3A_255 : vector<16x32768xi32>
    %select_n3A_257 = arith.select %and3A_253, %sub3A_256, %div3A_229 : vector<16x32768xi1>, vector<16x32768xi32>
    %jit3A_258 = arith.constant 8 : i32
    %eq3A_259 = arith.constant 0 : i32
    %eq3A_260 = arith.cmpi eq, %jit3A_258, %eq3A_259 : i32
    %jit3A_261 = arith.constant 1 : i32
    %select_n3A_262 = arith.select %eq3A_260, %jit3A_261, %jit3A_258 : i32
    %rem3A_263 = vector.broadcast %select_n3A_262 : i32 to vector<16x32768xi32>
    %rem3A_264 = arith.remsi %select_n3A_257, %rem3A_263 : vector<16x32768xi32>
    %ne3A_265 = arith.constant 0 : i32
    %ne3A_266 = vector.broadcast %ne3A_265 : i32 to vector<16x32768xi32>
    %ne3A_267 = arith.cmpi ne, %rem3A_264, %ne3A_266 : vector<16x32768xi32>
    %lt3A_268 = arith.constant 0 : i32
    %lt3A_269 = vector.broadcast %lt3A_268 : i32 to vector<16x32768xi32>
    %lt3A_270 = arith.cmpi slt, %rem3A_264, %lt3A_269 : vector<16x32768xi32>
    %lt3A_271 = arith.constant 0 : i32
    %lt3A_272 = arith.cmpi slt, %select_n3A_262, %lt3A_271 : i32
    %ne3A_273 = vector.broadcast %lt3A_272 : i1 to vector<16x32768xi1>
    %ne3A_274 = vector.broadcast %ne3A_273 : vector<16x32768xi1> to vector<16x32768xi1>
    %ne3A_275 = arith.xori %lt3A_270, %ne3A_274 : vector<16x32768xi1>
    %and3A_276 = arith.andi %ne3A_275, %ne3A_267 : vector<16x32768xi1>
    %add3A_277 = vector.broadcast %select_n3A_262 : i32 to vector<16x32768xi32>
    %add3A_278 = arith.addi %rem3A_264, %add3A_277 : vector<16x32768xi32>
    %select_n3A_279 = arith.select %and3A_276, %add3A_278, %rem3A_264 : vector<16x32768xi1>, vector<16x32768xi32>
    %broadcast_in_dim3A_280 = arith.constant 0.000000e+00 : f32
    %broadcast_in_dim3A_281 = vector.broadcast %broadcast_in_dim3A_280 : f32 to vector<16x8xf32>
    %slice3A_282 = vector.extract_strided_slice %add3A_226 {offsets = [0, 0], sizes = [16, 32760], strides = [1, 1]} : vector<16x32768xf32> to vector<16x32760xf32>
    %concatenate3A_283 = tpu.concatenate %broadcast_in_dim3A_281, %slice3A_282 in 1 : vector<16x8xf32>, vector<16x32760xf32> -> vector<16x32768xf32>
    %slice3A_284 = vector.extract_strided_slice %add3A_226 {offsets = [0, 8], sizes = [16, 32760], strides = [1, 1]} : vector<16x32768xf32> to vector<16x32760xf32>
    %concatenate3A_285 = tpu.concatenate %slice3A_284, %broadcast_in_dim3A_281 in 1 : vector<16x32760xf32>, vector<16x8xf32> -> vector<16x32768xf32>
    %mul3A_286 = arith.constant 5.000000e-01 : f32
    %mul3A_287 = vector.broadcast %mul3A_286 : f32 to vector<16x32768xf32>
    %mul3A_288 = arith.mulf %mul3A_287, %add3A_226 : vector<16x32768xf32>
    %gt3A_289 = arith.constant 0 : i32
    %gt3A_290 = vector.broadcast %gt3A_289 : i32 to vector<16x32768xi32>
    %gt3A_291 = arith.cmpi sgt, %select_n3A_279, %gt3A_290 : vector<16x32768xi32>
    %jit3A_292 = arith.constant 0.000000e+00 : f32
    %broadcast_in_dim3A_293 = vector.broadcast %jit3A_292 : f32 to vector<16x32768xf32>
    %select_n3A_294 = arith.select %gt3A_291, %concatenate3A_283, %broadcast_in_dim3A_293 : vector<16x32768xi1>, vector<16x32768xf32>
    %lt3A_295 = arith.constant 7 : i32
    %lt3A_296 = vector.broadcast %lt3A_295 : i32 to vector<16x32768xi32>
    %lt3A_297 = arith.cmpi slt, %select_n3A_279, %lt3A_296 : vector<16x32768xi32>
    %jit3A_298 = arith.constant 0.000000e+00 : f32
    %broadcast_in_dim3A_299 = vector.broadcast %jit3A_298 : f32 to vector<16x32768xf32>
    %select_n3A_300 = arith.select %lt3A_297, %concatenate3A_285, %broadcast_in_dim3A_299 : vector<16x32768xi1>, vector<16x32768xf32>
    %add3A_301 = arith.addf %select_n3A_294, %select_n3A_300 : vector<16x32768xf32>
    %mul3A_302 = arith.constant 2.500000e-01 : f32
    %mul3A_303 = vector.broadcast %mul3A_302 : f32 to vector<16x32768xf32>
    %mul3A_304 = arith.mulf %mul3A_303, %add3A_301 : vector<16x32768xf32>
    %add3A_305 = arith.addf %mul3A_288, %mul3A_304 : vector<16x32768xf32>
    %jit3A_306 = arith.constant 1 : i32
    %div3A_307 = vector.broadcast %jit3A_306 : i32 to vector<16x32768xi32>
    %div3A_308 = arith.divsi %iota3A, %div3A_307 : vector<16x32768xi32>
    %sign3A_309 = arith.constant 0 : i32
    %sign3A_310 = vector.broadcast %sign3A_309 : i32 to vector<16x32768xi32>
    %sign3A_311 = arith.cmpi sgt, %iota3A, %sign3A_310 : vector<16x32768xi32>
    %sign3A_312 = arith.extui %sign3A_311 : vector<16x32768xi1> to vector<16x32768xi32>
    %sign3A_313 = arith.constant 0 : i32
    %sign3A_314 = vector.broadcast %sign3A_313 : i32 to vector<16x32768xi32>
    %sign3A_315 = arith.cmpi slt, %iota3A, %sign3A_314 : vector<16x32768xi32>
    %sign3A_316 = arith.extui %sign3A_315 : vector<16x32768xi1> to vector<16x32768xi32>
    %sign3A_317 = arith.subi %sign3A_312, %sign3A_316 : vector<16x32768xi32>
    %sign3A_318 = arith.constant 0 : i32
    %sign3A_319 = arith.cmpi sgt, %jit3A_306, %sign3A_318 : i32
    %sign3A_320 = arith.extui %sign3A_319 : i1 to i32
    %sign3A_321 = arith.constant 0 : i32
    %sign3A_322 = arith.cmpi slt, %jit3A_306, %sign3A_321 : i32
    %sign3A_323 = arith.extui %sign3A_322 : i1 to i32
    %sign3A_324 = arith.subi %sign3A_320, %sign3A_323 : i32
    %ne3A_325 = vector.broadcast %sign3A_324 : i32 to vector<16x32768xi32>
    %ne3A_326 = arith.cmpi ne, %sign3A_317, %ne3A_325 : vector<16x32768xi32>
    %rem3A_327 = vector.broadcast %jit3A_306 : i32 to vector<16x32768xi32>
    %rem3A_328 = arith.remsi %iota3A, %rem3A_327 : vector<16x32768xi32>
    %ne3A_329 = arith.constant 0 : i32
    %ne3A_330 = vector.broadcast %ne3A_329 : i32 to vector<16x32768xi32>
    %ne3A_331 = arith.cmpi ne, %rem3A_328, %ne3A_330 : vector<16x32768xi32>
    %and3A_332 = arith.andi %ne3A_326, %ne3A_331 : vector<16x32768xi1>
    %sub3A_333 = arith.constant 1 : i32
    %sub3A_334 = vector.broadcast %sub3A_333 : i32 to vector<16x32768xi32>
    %sub3A_335 = arith.subi %div3A_308, %sub3A_334 : vector<16x32768xi32>
    %select_n3A_336 = arith.select %and3A_332, %sub3A_335, %div3A_308 : vector<16x32768xi1>, vector<16x32768xi32>
    %jit3A_337 = arith.constant 8 : i32
    %eq3A_338 = arith.constant 0 : i32
    %eq3A_339 = arith.cmpi eq, %jit3A_337, %eq3A_338 : i32
    %jit3A_340 = arith.constant 1 : i32
    %select_n3A_341 = arith.select %eq3A_339, %jit3A_340, %jit3A_337 : i32
    %rem3A_342 = vector.broadcast %select_n3A_341 : i32 to vector<16x32768xi32>
    %rem3A_343 = arith.remsi %select_n3A_336, %rem3A_342 : vector<16x32768xi32>
    %ne3A_344 = arith.constant 0 : i32
    %ne3A_345 = vector.broadcast %ne3A_344 : i32 to vector<16x32768xi32>
    %ne3A_346 = arith.cmpi ne, %rem3A_343, %ne3A_345 : vector<16x32768xi32>
    %lt3A_347 = arith.constant 0 : i32
    %lt3A_348 = vector.broadcast %lt3A_347 : i32 to vector<16x32768xi32>
    %lt3A_349 = arith.cmpi slt, %rem3A_343, %lt3A_348 : vector<16x32768xi32>
    %lt3A_350 = arith.constant 0 : i32
    %lt3A_351 = arith.cmpi slt, %select_n3A_341, %lt3A_350 : i32
    %ne3A_352 = vector.broadcast %lt3A_351 : i1 to vector<16x32768xi1>
    %ne3A_353 = vector.broadcast %ne3A_352 : vector<16x32768xi1> to vector<16x32768xi1>
    %ne3A_354 = arith.xori %lt3A_349, %ne3A_353 : vector<16x32768xi1>
    %and3A_355 = arith.andi %ne3A_354, %ne3A_346 : vector<16x32768xi1>
    %add3A_356 = vector.broadcast %select_n3A_341 : i32 to vector<16x32768xi32>
    %add3A_357 = arith.addi %rem3A_343, %add3A_356 : vector<16x32768xi32>
    %select_n3A_358 = arith.select %and3A_355, %add3A_357, %rem3A_343 : vector<16x32768xi1>, vector<16x32768xi32>
    %broadcast_in_dim3A_359 = arith.constant 0.000000e+00 : f32
    %broadcast_in_dim3A_360 = vector.broadcast %broadcast_in_dim3A_359 : f32 to vector<16x1xf32>
    %slice3A_361 = vector.extract_strided_slice %add3A_305 {offsets = [0, 0], sizes = [16, 32767], strides = [1, 1]} : vector<16x32768xf32> to vector<16x32767xf32>
    %concatenate3A_362 = tpu.concatenate %broadcast_in_dim3A_360, %slice3A_361 in 1 : vector<16x1xf32>, vector<16x32767xf32> -> vector<16x32768xf32>
    %slice3A_363 = vector.extract_strided_slice %add3A_305 {offsets = [0, 1], sizes = [16, 32767], strides = [1, 1]} : vector<16x32768xf32> to vector<16x32767xf32>
    %concatenate3A_364 = tpu.concatenate %slice3A_363, %broadcast_in_dim3A_360 in 1 : vector<16x32767xf32>, vector<16x1xf32> -> vector<16x32768xf32>
    %mul3A_365 = arith.constant 5.000000e-01 : f32
    %mul3A_366 = vector.broadcast %mul3A_365 : f32 to vector<16x32768xf32>
    %mul3A_367 = arith.mulf %mul3A_366, %add3A_305 : vector<16x32768xf32>
    %gt3A_368 = arith.constant 0 : i32
    %gt3A_369 = vector.broadcast %gt3A_368 : i32 to vector<16x32768xi32>
    %gt3A_370 = arith.cmpi sgt, %select_n3A_358, %gt3A_369 : vector<16x32768xi32>
    %jit3A_371 = arith.constant 0.000000e+00 : f32
    %broadcast_in_dim3A_372 = vector.broadcast %jit3A_371 : f32 to vector<16x32768xf32>
    %select_n3A_373 = arith.select %gt3A_370, %concatenate3A_362, %broadcast_in_dim3A_372 : vector<16x32768xi1>, vector<16x32768xf32>
    %lt3A_374 = arith.constant 7 : i32
    %lt3A_375 = vector.broadcast %lt3A_374 : i32 to vector<16x32768xi32>
    %lt3A_376 = arith.cmpi slt, %select_n3A_358, %lt3A_375 : vector<16x32768xi32>
    %jit3A_377 = arith.constant 0.000000e+00 : f32
    %broadcast_in_dim3A_378 = vector.broadcast %jit3A_377 : f32 to vector<16x32768xf32>
    %select_n3A_379 = arith.select %lt3A_376, %concatenate3A_364, %broadcast_in_dim3A_378 : vector<16x32768xi1>, vector<16x32768xf32>
    %add3A_380 = arith.addf %select_n3A_373, %select_n3A_379 : vector<16x32768xf32>
    %mul3A_381 = arith.constant 2.500000e-01 : f32
    %mul3A_382 = vector.broadcast %mul3A_381 : f32 to vector<16x32768xf32>
    %mul3A_383 = arith.mulf %mul3A_382, %add3A_380 : vector<16x32768xf32>
    %add3A_384 = arith.addf %mul3A_367, %mul3A_383 : vector<16x32768xf32>
    %swap3A = arith.constant 0 : index
    %swap3A_385 = arith.constant 0 : index
    %swap3A_386 = vector.load %arg1[%swap3A, %swap3A_385] : memref<16x32768xf32, #tpu.memory_space<vmem>>, vector<16x32768xf32>
    tpu.vector_store %arg1[%swap3A, %swap3A_385], %add3A_384 {strides = array<i32>} : memref<16x32768xf32, #tpu.memory_space<vmem>>, vector<16x32768xf32>,
    return
  }
}

</mosaic_0001>

<sc_bundles>
// kernel: kernel.6.cloned.1.call-start
scs
__scs_entry_jumppad:
0x0: {  	(pc) =	sbr.rel $0x88, $3  }
0x1: {  	(tag) =	ssettag $0x0;
	lr =	simm.s32 $0x1  }
0x2: {  	[smem:$0x3F9F] =	sst lr;
	_ =	strace $0xD0000000  }
0x3: {  	_ = 	snop  }
0x4: {  	_ = 	snop  }
0x5: {  	_ = 	snop  }
0x6: {  	_ = 	snop  }
0x7: {  	_ = 	snop  }
__scs_overlays_trampoline_lowered:
0x8: {  	[smem:$0x3FAE] =	sst s0  }
0x9: {  	[smem:$0x3FAF] =	sst s1  }
0xa: {  	[smem:$0x3FB0] =	sst s2  }
0xb: {  	[smem:$0x3FB1] =	sst s3  }
0xc: {  	[smem:$0x3FB2] =	sst s4  }
0xd: {  	[smem:$0x3FB3] =	sst s5  }
0xe: {  	[smem:$0x3FB4] =	sst s6  }
0xf: {  	[smem:$0x3FB5] =	sst s7  }
0x10: {  	[smem:$0x3FB6] =	sst s8  }
0x11: {  	[smem:$0x3FB7] =	sst s9;
	s0 =	simm.s32 @!p0 $0x0  }
0x12: {  	s1 =	sld [smem:$0x3F9D];
	s0 =	simm.s32 @p0 $0x1  }
0x13: {  	[smem:$0x3FB8] =	sst s0;
	s0 =	simm.s32 @!p1 $0x0  }
0x14: {  	s2 =	sld [smem:$0x3F9C];
	s0 =	simm.s32 @p1 $0x1  }
0x15: {  	[smem:$0x3FB9] =	sst s0;
	s0 =	simm.s32 @!p2 $0x0  }
0x16: {  	s3 =	sld [smem:$0x3FDB];
	s0 =	simm.s32 @p2 $0x1  }
0x17: {  	s4 =	simm.s32 $0x1BF5;
	[smem:$0x3FBB] =	sst s0  }
0x18: {  	s0 =	sld [smem:$0x3F9E];
	_ =	swait.ge [sflag:s4], $0x0  }
0x19: {  	s7 =	sld [smem:$0x3F9F]  }
0x1a: {  	s8 =	sadd.s32 $0xFFFFE003, lr  }
0x1b: {  	s9 =	sadd.s32 $0xFFFFFEF7, lr;
	s5 =	simm.s32 $0xFFFFFFFF;
	p2 =	slt.u32 s8, $0xFFFFF086  }
0x1c: {  	p1 =	slt.u32 s9, $0xF7A;
	s5 =	simm.s32 @!p2 $0x0  }
0x1d: {  	s5 =	simm.s32 @p1 $0x1;
	p0 =	seq.s32 s7, s2  }
0x1e: {  	s7 =	smul.u32 @!p0 $0xF7A, s2;
	p2 =	seq.s32 @!p0 s5, $0x0  }
0x1f: {  	s9 =	smul.u32 $0xF7A, s1;
	s8 =	simm.s32 @!p0 $0x1BF5;
	p2 =	por !p2, p0  }
0x20: {  	[sflag:s8] =	ssyncset.s32 @!p0 $0xFFFFF086;
	s6 =	sadd.s32 @!p0 s3, s7;
	s7 =	simm.s32 @!p0 $0x108  }
0x21: {  	s3 =	sadd.s32 s3, s9;
	s6 =	sadd.s32 @!p0 $0x88, s6;
	s7 =	simm.s32 @p2 $0x1082  }
0x22: {  	[simem:s7], [sflag:s8] =	dma.local @!p0 [hbm:s6], $0xF7A  }
0x23: {  	s9 =	sor.u32 $0xD0000000, s2;
	s6 =	simm.s32 $0x108;
	_ =	swait.ge @!p0 [sflag:s8], $0x0  }
0x24: {  	s3 =	sadd.s32 $0x88, s3;
	s6 =	simm.s32 @!p1 $0x1082;
	[sflag:s4] =	ssyncset.s32 $0xFFFFF086  }
0x25: {  	[simem:s6], [sflag:s4] =	dma.local [hbm:s3], $0xF7A  }
0x26: {  	[smem:$0x3F9F] =	sst s1;
	(tag) =	ssettag s2;
	_ =	strace s9  }
0x27: {  	s1 =	sld [smem:$0x3FAF]  }
0x28: {  	s2 =	sld [smem:$0x3FB0]  }
0x29: {  	s4 =	sld [smem:$0x3FB2]  }
0x2a: {  	p0 =	seq.s32 s5, $0x0;
	s5 =	sld [smem:$0x3FB3]  }
0x2b: {  	s6 =	sld [smem:$0x3FB4]  }
0x2c: {  	s7 =	sld [smem:$0x3FB5]  }
0x2d: {  	s3 =	simm.s32 $0x108;
	s8 =	sld [smem:$0x3FB6]  }
0x2e: {  	s3 =	simm.s32 @!p0 $0x1082;
	s9 =	sld [smem:$0x3FB7]  }
0x2f: {  	lr =	sadd.s32 s0, s3;
	s0 =	sld [smem:$0x3FAE]  }
0x30: {  	s3 =	sld [smem:$0x3FB1]  }
0x31: {  	[smem:$0x3FBA] =	sst s10  }
0x32: {  	s10 =	sld [smem:$0x3FB8];
	_ =	sdelay $0x3  }
0x33: {  	p0 =	seq.s32 s10, $0x1;
	s10 =	sld [smem:$0x3FBA];
	_ =	sdelay $0x3  }
0x34: {  	[smem:$0x3FBA] =	sst s10  }
0x35: {  	s10 =	sld [smem:$0x3FB9];
	_ =	sdelay $0x3  }
0x36: {  	p1 =	seq.s32 s10, $0x1;
	s10 =	sld [smem:$0x3FBA];
	_ =	sdelay $0x3  }
0x37: {  	[smem:$0x3FBA] =	sst s10  }
0x38: {  	s10 =	sld [smem:$0x3FBB]  }
0x39: {  	_ = 	snop;
	(pc) =	sbr.ind lr, $3  }
0x3a: {  	_ = 	snop  }
0x3b: {  	_ = 	snop  }
0x3c: {  	p2 =	seq.s32 s10, $0x1;
	s10 =	sld [smem:$0x3FBA]  }
0x3d: {  	_ =	shalt  }
0x3e: {  	_ =	shalt  }
0x3f: {  	_ =	shalt  }
0x40: {  	_ =	shalt  }
0x41: {  	_ =	shalt  }
0x42: {  	_ =	shalt  }
0x43: {  	_ =	shalt  }
0x44: {  	_ =	shalt  }
0x45: {  	_ =	shalt  }
0x46: {  	_ =	shalt  }
0x47: {  	_ =	shalt  }
0x48: {  	_ =	shalt  }
0x49: {  	_ =	shalt  }
0x4a: {  	_ =	shalt  }
0x4b: {  	_ =	shalt  }
0x4c: {  	_ =	shalt  }
0x4d: {  	_ =	shalt  }
0x4e: {  	_ =	shalt  }
0x4f: {  	_ =	shalt  }
0x50: {  	_ =	shalt  }
0x51: {  	_ =	shalt  }
0x52: {  	_ =	shalt  }
0x53: {  	_ =	shalt  }
0x54: {  	_ =	shalt  }
0x55: {  	_ =	shalt  }
0x56: {  	_ =	shalt  }
0x57: {  	_ =	shalt  }
0x58: {  	_ =	shalt  }
0x59: {  	_ =	shalt  }
0x5a: {  	_ =	shalt  }
0x5b: {  	_ =	shalt  }
0x5c: {  	_ =	shalt  }
0x5d: {  	_ =	shalt  }
0x5e: {  	_ =	shalt  }
0x5f: {  	_ =	shalt  }
0x60: {  	_ =	shalt  }
0x61: {  	_ =	shalt  }
0x62: {  	_ =	shalt  }
0x63: {  	_ =	shalt  }
0x64: {  	_ =	shalt  }
0x65: {  	_ =	shalt  }
0x66: {  	_ =	shalt  }
0x67: {  	_ =	shalt  }
0x68: {  	_ =	shalt  }
0x69: {  	_ =	shalt  }
0x6a: {  	_ =	shalt  }
0x6b: {  	_ =	shalt  }
0x6c: {  	_ =	shalt  }
0x6d: {  	_ =	shalt  }
0x6e: {  	_ =	shalt  }
0x6f: {  	_ =	shalt  }
0x70: {  	_ =	shalt  }
0x71: {  	_ =	shalt  }
0x72: {  	_ =	shalt  }
0x73: {  	_ =	shalt  }
0x74: {  	_ =	shalt  }
0x75: {  	_ =	shalt  }
0x76: {  	_ =	shalt  }
0x77: {  	_ =	shalt  }
0x78: {  	_ =	shalt  }
0x79: {  	_ =	shalt  }
0x7a: {  	_ =	shalt  }
0x7b: {  	_ =	shalt  }
0x7c: {  	_ =	shalt  }
0x7d: {  	_ =	shalt  }
0x7e: {  	_ =	shalt  }
0x7f: {  	_ =	shalt  }
0x80: {  	_ =	shalt  }
0x81: {  	_ =	shalt  }
0x82: {  	_ =	shalt  }
0x83: {  	_ =	shalt  }
0x84: {  	_ =	shalt  }
0x85: {  	_ =	shalt  }
0x86: {  	_ =	shalt  }
0x87: {  	_ =	shalt  }
.Lfunc_end0:
.L_simem_size_0:
called_computation_lowered:
.L_overlay_start_0:
0x88: {  	s2 =	sld [smem:$0x3FD9]  }
0x89: {  	s3 =	sld [smem:$0x3FFE];
	_ =	sdelay $0x1  }
0x8a: {  	s1 =	srdreg.scid  }
0x8b: {  	s0 =	sand.u32 $0x1, s1  }
0x8c: {  	s17 =	sshll.u32 s0, $0xA;
	s2 =	sadd.s32 s3, s2  }
0x8d: {  	s2 =	sadd.s32 s2, s17  }
0x8e: {  	[smem:$0x3FC6] =	sst s2  }
0x8f: {  	_ = 	snop  }
0x90: {  	s2 =	sld [smem:$0x3FD0];
	(tm) =	ssettm $0x1  }
0x91: {  	s18 =	sld [smem:$0x3FFB];
	_ =	sdelay $0x3  }
0x92: {  	_ =	strace s18  }
0x93: {  	s3 =	sld [smem:$0x3FFC];
	_ =	sdelay $0x3  }
0x94: {  	_ =	strace s3  }
0x95: {  	s3 =	sld [smem:$0x3FFD];
	_ =	sdelay $0x3  }
0x96: {  	_ =	strace s3  }
0x97: {  	_ =	strace $0x8FFFFFFF  }
0x98: {  	s19 =	sld [smem:$0x3FDB];
	_ =	sdelay $0x1  }
0x99: {  	s4 =	simm.s32 $_scs_section_size  }
0x9a: {  	s5 =	simm.s32 $_size__tile_overlayer_lowered;
	s6 =	simm.s32 $_tile_overlayer_lowered  }
0x9b: {  	s22 =	simm.s32 $0x1BFF;
	s21 =	sshll.u32 s6, $0x1;
	s3 =	sadd.s32 s4, s19  }
0x9c: {  	s7 =	simm.s32 $0x0;
	s20 =	sshll.u32 s5, $0x1;
	s5 =	sadd.s32 s21, s3  }
0x9d: {  	[timem:s7], [sflag:s22] =	dma.local [hbm:s5], s20  }
0x9e: {  	_ =	swait.ge [sflag:s22], s20  }
0x9f: {  	s4 =	ssub.s32 $0x0, s20;
	[sflag:s22] =	ssyncset.done $0x0  }
0xa0: {  	[sflag:s22] =	ssyncadd.s32 s4;
	_ =	sdelay $0x1  }
0xa1: {  	s23 =	simm.s32 $0x1B8B  }
0xa2: {  	_ =	swait.ge [sflag:s23], $0x1  }
0xa3: {  	[sflag:s23] =	ssyncset.done $0x0  }
0xa4: {  	s25 =	simm.s32 $0x1B8E;
	s24 =	sld [smem:$0x3FFE];
	[sflag:s23] =	ssyncadd.s32 $0xFFFFFFFF  }
0xa5: {  	s26 =	simm.s32 $execute0_lowered;
	[smem:$0x3FD2] =	sst s25  }
0xa6: {  	s5 =	sshll.u32 s26, $0x1;
	_ =	strace $0x80000046;
	[dreg:$0x1] =	wrdreg $0xFFFFFFFF  }
0xa7: {  	s28 =	simm.s32 $_size_execute0_lowered;
	s3 =	sadd.s32 s3, s5;
	[dreg:$0x0] =	wrdreg $0x0  }
0xa8: {  	s5 =	sshll.u32 s28, $0x1;
	[dreg:$0x2] =	wrdreg s3  }
0xa9: {  	[dreg:$0x3] =	wrdreg s5  }
0xaa: {  	[dreg:$0x4] =	wrdreg $0xC0  }
0xab: {  	_ =	task [dreg:s7], $0x5FFFF  }
0xac: {  	[dreg:$0x1] =	wrdreg $0xFFFFFFFF  }
0xad: {  	[dreg:$0x0] =	wrdreg $0x60  }
0xae: {  	[dreg:$0x2] =	wrdreg s2  }
0xaf: {  	[dreg:$0x3] =	wrdreg s24  }
0xb0: {  	[dreg:$0x4] =	wrdreg $0x11C000  }
0xb1: {  	[dreg:$0x5] =	wrdreg $0x9  }
0xb2: {  	_ =	task.clear_ibuf [dreg:s7], $0x6FFFF;
	_ =	strace $0x90000046  }
0xb3: {  	s29 =	simm.s32 $0x9;
	_ =	strace $0x80000048  }
0xb4: {  	_ =	swait.ge [sflag:s29], $0x1  }
0xb5: {  	[sflag:s29] =	ssyncadd.s32 $0xFFFFFFFF  }
0xb6: {  	_ =	strace $0x90000048  }
0xb7: {  	_ =	sfence  }
0xb8: {  	s30 =	sld [smem:$0x0];
	_ =	sdelay $0x2  }
0xb9: {  	s31 =	sshll.u32 s1, $0xD;
	s1 =	sshrl.u32 s1, $0x2  }
0xba: {  	s3 =	sand.u32 $0x4000, s31;
	s1 =	sadd.s32 s1, s30  }
0xbb: {  	s0 =	sor.u32 s3, s0;
	s1 =	sshll.u32 s1, $0x11  }
0xbc: {  	s0 =	sor.u32 s1, s0  }
0xbd: {  	s0 =	sadd.s32 $0x8F2B, s0  }
0xbe: {  	[sflag:s0] =	ssyncadd.remote.s32 $0x1  }
0xbf: {  	_ =	sfence.sel $0xFFFF  }
0xc0: {  	[dreg:$0x0] =	wrdreg $0xFFFFFFFF;
	(pc) =	sbr.abs _section_cstart, $3  }
0xc1: {  	[dreg:$0x1] =	wrdreg $0xFFFFFFFF  }
0xc2: {  	_ =	task.clear_ibuf [dreg:s7], $0x2FFFF;
	_ =	strace $0x9FFFFFFF  }
0xc3: {  	(tm) =	ssettm $0x7FFFFFFF  }
tec
execute0_lowered:
.L_overlay_start_1:
0x0: {  	(tag) =	ssettag $0x1  }
0x1: {  	s1 =	rddreg [dreg:$0x0]  }
0x2: {  	s0 =	rddreg [dreg:$0x1]  }
0x3: {  	s2 =	rddreg [dreg:$0x2];
	s20 =	simm.s32 $0x0  }
0x4: {  	s3 =	srdreg.scid;
	s12 =	stileid.u32;
	s14 =	simm.s32 $0x3  }
0x5: {  	s15 =	simm.s32 $0x1800;
	s16 =	simm.s32 $0x1000;
	s17 =	simm.s32 $0x80  }
0x6: {  	s28 =	simm.s32 $0x800;
	s29 =	simm.s32 $0x1;
	s30 =	simm.s32 $0xD00  }
0x7: {  	s31 =	simm.s32 $0xEC00;
	s13 =	simm.s32 $0xF00;
	s18 =	simm.s32 $0xF80  }
0x8: {  	s19 =	simm.s32 $0x11400;
	[smem:$0x7FF] =	sst s20;
	s5 =	sadd.s32 $0x140E00, s0  }
0x9: {  	s3 =	sand.u32 $0x1, s3;
	s6 =	sadd.s32 $0x100E00, s0;
	s4 =	sshll.u32 s12, $0xF  }
0xa: {  	s7 =	sshll.u32 s12, $0xC;
	s25 =	sshll.u32 s12, $0x6;
	s12 =	simm.s32 $0xE80  }
0xb: {  	_ =	strace $0x80000047;
	s8 =	sshll.u32 s3, $0x13;
	s9 =	ssub.s32 $0x2, s3  }
0xc: {  	s10 =	sadd.s32 s7, s0;
	s21 =	sor.u32 $0x1C03, s25;
	s8 =	sor.u32 s4, s8  }
0xd: {  	s11 =	sshrl.u32 s9, $0x1;
	s4 =	sadd.s32 s4, s2;
	s10 =	sadd.s32 $0xE00, s10  }
0xe: {  	v0 =	vimm.s32 $0x0;
	[dreg:$0x6] =	wrdreg s21;
	s8 =	sshrl.u32 s8, $0x3;
	s24 =	ssub.s32 s9, s11  }
0xf: {  	v1 =	vimm.s32 $0x1;
	v2 =	vimm.s32 $0x2;
	v3 =	vimm.s32 $0x3;
	[dreg:$0x5] =	wrdreg s10;
	s10 =	sshll.u32 s3, $0xB;
	s23 =	sshrl.u32 s4, $0x3  }
0x10: {  	v4 =	vimm.s32 $0x4;
	v5 =	vimm.s32 $0x5;
	v6 =	vimm.s32 $0x6;
	s4 =	simm.s32 $0xF400;
	s11 =	simm.s32 $0xFC00;
	s9 =	simm.s32 $0x10400  }
0x11: {  	v7 =	vimm.s32 $0x7;
	v8 =	vimm.s32 $0x8;
	v9 =	vimm.s32 $0x9;
	s0 =	sadd.s32 s8, s0;
	s26 =	smax.u32 s24, $0x1;
	[dreg:$0x9] =	wrdreg s23  }
0x12: {  	v10 =	vimm.s32 $0xA;
	v11 =	vimm.s32 $0xB;
	v12 =	vimm.s32 $0xC;
	s3 =	simm.s32 $0x10C00;
	s0 =	sadd.s32 $0x10E00, s0;
	[dreg:$0x8] =	wrdreg s26  }
0x13: {  	v13 =	vimm.s32 $0xD;
	v14 =	vimm.s32 $0xE;
	v15 =	vimm.s32 $0xF;
	s8 =	simm.s32 $0xE00;
	[dreg:$0x7] =	wrdreg s0;
	s0 =	simm.s32 $0xD80  }
.LBB2_1:
0x14: {  	[dreg:$0x4] =	wrdreg s20  }
0x15: {  	s26 =	rddreg [dreg:$0x5]  }
0x16: {  	[spmem:s23], [sflag:s21] =	dma.local [hbm:s26], $0x1000  }
0x17: {  	_ =	swait.ge [sflag:s14], $0x1000  }
0x18: {  	[sflag:s14] =	ssyncset.done $0x0  }
0x19: {  	[sflag:s14] =	ssyncadd.s32 $0xFFFFF000  }
0x1a: {  	s20 =	simm.s32 $0x0;
	[bflag:$0x0] =	sbarrier.arrive $0xFFFF  }
.LBB2_2:
0x1b: {  	s21 =	sshll.u32 s20, $0x7  }
0x1c: {  	s21 =	sor.u32 s21, s10  }
0x1d: {  	s21 =	sor.u32 s7, s21  }
0x1e: {  	s22 =	sshll.u32 s21, $0x2  }
0x1f: {  	s24 =	simm.s32 $0x0;
	s23 =	sadd.s32 s5, s22  }
0x20: {  	[tilespmem:s24], [sflag:$0x3] =	stream.linear.gather [hbm4b:s23+s24], $0x800, $0x38;
	[tilespmem:$0x19C00] =	vst v63  }
0x21: {  	_ =	swait.ge [sflag:s14], $0x800  }
0x22: {  	s26 =	sshll.u32 s21, $0x1;
	[sflag:s14] =	ssyncset.done $0x0  }
0x23: {  	s23 =	sadd.s32 s1, s26;
	[sflag:s14] =	ssyncadd.s32 $0xFFFFF800  }
0x24: {  	[tilespmem:s15], [sflag:$0x3] =	stream.linear.gather [hbm4b:s23+s24], $0x400, $0x38;
	[tilespmem:$0x19C00] =	vst v63  }
0x25: {  	_ =	swait.ge [sflag:s14], $0x400  }
0x26: {  	[sflag:s14] =	ssyncset.done $0x0  }
0x27: {  	s22 =	sadd.s32 s6, s22;
	[sflag:s14] =	ssyncadd.s32 $0xFFFFFC00  }
0x28: {  	[tilespmem:s16], [sflag:$0x3] =	stream.linear.gather [hbm4b:s22+s24], $0x800, $0x38;
	[tilespmem:$0x19C00] =	vst v63  }
0x29: {  	_ =	swait.ge [sflag:s14], $0x800  }
0x2a: {  	[sflag:s14] =	ssyncset.done $0x0  }
0x2b: {  	s25 =	simm.s32 $0x1010;
	[sflag:s14] =	ssyncadd.s32 $0xFFFFF800  }
0x2c: {  	v16 =	vld [tilespmem:s25+$0x0]  }
0x2d: {  	s26 =	simm.s32 $0x0  }
0x2e: {  	v17 =	vld [tilespmem:s26+$0x1800];
	_ =	sdelay $0x2  }
0x2f: {  	v22 =	vld [tilespmem:s25+$0xFFFFFFF0];
	v18 =	vperm.xlane v16, v15  }
0x30: {  	v19 =	vperm.xlane v16, v1  }
0x31: {  	v20 =	vperm.xlane v16, v0;
	v18 =	vmul.f32 v18, v17  }
0x32: {  	s22 =	simm.s32 $0x1D00;
	v23 =	vperm.xlane v16, v13;
	v19 =	vmul.f32 v19, v17  }
0x33: {  	v44 =	vperm.xlane v16, v10;
	v20 =	vmul.f32 v20, v17;
	[tilespmem:s22+$0xF0] =	vst v18  }
0x34: {  	v46 =	vperm.xlane v22, v15;
	v43 =	vmul.f32 v23, v17;
	[tilespmem:s22+$0x10] =	vst v19  }
0x35: {  	v47 =	vperm.xlane v22, v14;
	v45 =	vmul.f32 v44, v17;
	[tilespmem:s22+$0x0] =	vst v20  }
0x36: {  	v56 =	vperm.xlane v22, v2;
	v23 =	vmul.f32 v46, v17;
	[tilespmem:s22+$0xD0] =	vst v43  }
0x37: {  	v59 =	vperm.xlane v16, v8;
	v48 =	vmul.f32 v47, v17;
	[tilespmem:s22+$0xA0] =	vst v45  }
0x38: {  	v21 =	vperm.xlane v16, v14;
	v58 =	vmul.f32 v56, v17;
	[tilespmem:s22+$0xFFFFFFF0] =	vst v23  }
0x39: {  	v42 =	vperm.xlane v16, v12;
	v61 =	vmul.f32 v59, v17;
	[tilespmem:s22+$0xFFFFFFE0] =	vst v48  }
0x3a: {  	v18 =	vmul.f32 v21, v17;
	v19 =	vperm.xlane v16, v11;
	[tilespmem:s22+$0xFFFFFF20] =	vst v58  }
0x3b: {  	v52 =	vperm.xlane v22, v8;
	v21 =	vmul.f32 v42, v17;
	[tilespmem:s22+$0x80] =	vst v61  }
0x3c: {  	[tilespmem:s22+$0xE0] =	vst v18;
	v18 =	vmul.f32 v19, v17;
	v19 =	vperm.xlane v22, v7  }
0x3d: {  	v53 =	vperm.xlane v22, v6;
	v23 =	vmul.f32 v52, v17;
	[tilespmem:s22+$0xC0] =	vst v21  }
0x3e: {  	v49 =	vperm.xlane v22, v11;
	[tilespmem:s22+$0xB0] =	vst v18;
	v18 =	vmul.f32 v19, v17  }
0x3f: {  	v20 =	vmul.f32 v53, v17;
	[tilespmem:s22+$0xFFFFFF80] =	vst v23;
	v19 =	vperm.xlane v22, v13  }
0x40: {  	v21 =	vmul.f32 v49, v17;
	[tilespmem:s22+$0xFFFFFF70] =	vst v18;
	v18 =	vperm.xlane v22, v12  }
0x41: {  	v50 =	vperm.xlane v22, v10;
	[tilespmem:s22+$0xFFFFFF60] =	vst v20;
	v19 =	vmul.f32 v19, v17  }
0x42: {  	v51 =	vperm.xlane v22, v9;
	[tilespmem:s22+$0xFFFFFFB0] =	vst v21;
	v18 =	vmul.f32 v18, v17  }
0x43: {  	v57 =	vperm.xlane v22, v1;
	[tilespmem:s22+$0xFFFFFFD0] =	vst v19;
	v19 =	vmul.f32 v50, v17  }
0x44: {  	v54 =	vperm.xlane v22, v5;
	[tilespmem:s22+$0xFFFFFFC0] =	vst v18;
	v18 =	vmul.f32 v51, v17  }
0x45: {  	v20 =	vmul.f32 v57, v17;
	[tilespmem:s22+$0xFFFFFFA0] =	vst v19;
	v19 =	vperm.xlane v22, v4  }
0x46: {  	v55 =	vperm.xlane v22, v3;
	[tilespmem:s22+$0xFFFFFF90] =	vst v18;
	v18 =	vmul.f32 v54, v17  }
0x47: {  	v63 =	vperm.xlane v16, v3;
	[tilespmem:s22+$0xFFFFFF10] =	vst v20;
	v19 =	vmul.f32 v19, v17  }
0x48: {  	v21 =	vmul.f32 v55, v17;
	[tilespmem:s22+$0xFFFFFF50] =	vst v18;
	v18 =	vperm.xlane v22, v0  }
0x49: {  	v20 =	vmul.f32 v63, v17;
	[tilespmem:s22+$0xFFFFFF40] =	vst v19;
	v19 =	vperm.xlane v16, v9  }
0x4a: {  	v62 =	vperm.xlane v16, v6;
	[tilespmem:s22+$0xFFFFFF30] =	vst v21;
	v18 =	vmul.f32 v18, v17  }
0x4b: {  	v60 =	vperm.xlane v16, v7;
	[tilespmem:s22+$0x30] =	vst v20;
	v19 =	vmul.f32 v19, v17  }
0x4c: {  	v21 =	vmul.f32 v62, v17;
	[tilespmem:s22+$0xFFFFFF00] =	vst v18;
	v18 =	vperm.xlane v16, v5  }
0x4d: {  	v22 =	vmul.f32 v60, v17;
	[tilespmem:s22+$0x90] =	vst v19;
	v19 =	vperm.xlane v16, v4  }
0x4e: {  	[tilespmem:s22+$0x60] =	vst v21;
	v16 =	vperm.xlane v16, v2;
	v18 =	vmul.f32 v18, v17  }
0x4f: {  	[tilespmem:s22+$0x70] =	vst v22;
	v19 =	vmul.f32 v19, v17  }
0x50: {  	v16 =	vmul.f32 v16, v17;
	[tilespmem:s22+$0x50] =	vst v18  }
0x51: {  	[tilespmem:s22+$0x40] =	vst v19  }
0x52: {  	s23 =	simm.s32 $0x1030;
	[tilespmem:s22+$0x20] =	vst v16  }
0x53: {  	s24 =	simm.s32 $0x40;
	s25 =	simm.s32 $0x80;
	v16 =	vld [tilespmem:s23+$0x0]  }
.LBB2_3:
0x54: {  	p0 =	sne.s32 s25, $0xFC0;
	s26 =	sshra.s32 s24, $0x2;
	s24 =	smov.u32 s25  }
0x55: {  	v17 =	vld [tilespmem:s26+$0x1800];
	_ =	sdelay $0x2  }
0x56: {  	v18 =	vperm.xlane v16, v1;
	v19 =	vperm.xlane v16, v15  }
0x57: {  	v20 =	vperm.xlane v16, v0;
	v21 =	vperm.xlane v16, v14  }
0x58: {  	v18 =	vmul.f32 v18, v17;
	v19 =	vmul.f32 v19, v17  }
0x59: {  	s22 =	sadd.s32 $0x200, s22;
	v20 =	vmul.f32 v20, v17;
	v21 =	vmul.f32 v21, v17  }
0x5a: {  	v23 =	vperm.xlane v16, v12;
	v24 =	vperm.xlane v16, v13;
	v22 =	vld [tilespmem:s23+$0xFFFFFFF0];
	[tilespmem:s22+$0xF0] =	vst v19  }
0x5b: {  	v19 =	vperm.xlane v16, v11;
	[tilespmem:s22+$0x10] =	vst v18;
	v18 =	vperm.xlane v16, v10  }
0x5c: {  	[tilespmem:s22+$0x0] =	vst v20;
	v20 =	vmul.f32 v23, v17;
	v23 =	vmul.f32 v24, v17  }
0x5d: {  	v19 =	vmul.f32 v19, v17;
	v18 =	vmul.f32 v18, v17;
	[tilespmem:s22+$0xE0] =	vst v21  }
0x5e: {  	v24 =	vperm.xlane v16, v9;
	v21 =	vperm.xlane v16, v8;
	[tilespmem:s22+$0xD0] =	vst v23  }
0x5f: {  	v23 =	vperm.xlane v22, v7;
	v25 =	vperm.xlane v22, v15;
	[tilespmem:s22+$0xC0] =	vst v20  }
0x60: {  	v20 =	vperm.xlane v22, v13;
	v26 =	vperm.xlane v22, v14;
	[tilespmem:s22+$0xB0] =	vst v19  }
0x61: {  	v19 =	vmul.f32 v23, v17;
	v23 =	vmul.f32 v25, v17;
	[tilespmem:s22+$0xA0] =	vst v18  }
0x62: {  	v18 =	vmul.f32 v20, v17;
	v20 =	vmul.f32 v26, v17  }
0x63: {  	v25 =	vperm.xlane v22, v12;
	[tilespmem:s22+$0xFFFFFF70] =	vst v19;
	v19 =	vperm.xlane v22, v11  }
0x64: {  	v27 =	vperm.xlane v22, v10;
	v26 =	vperm.xlane v22, v9;
	[tilespmem:s22+$0xFFFFFFF0] =	vst v23  }
0x65: {  	v23 =	vmul.f32 v25, v17;
	v19 =	vmul.f32 v19, v17;
	[tilespmem:s22+$0xFFFFFFE0] =	vst v20  }
0x66: {  	v25 =	vmul.f32 v27, v17;
	v20 =	vmul.f32 v26, v17;
	[tilespmem:s22+$0xFFFFFFD0] =	vst v18  }
0x67: {  	v26 =	vperm.xlane v22, v8;
	v18 =	vperm.xlane v22, v6;
	[tilespmem:s22+$0xFFFFFFC0] =	vst v23  }
0x68: {  	v27 =	vperm.xlane v22, v5;
	v23 =	vperm.xlane v22, v4;
	[tilespmem:s22+$0xFFFFFFB0] =	vst v19  }
0x69: {  	v18 =	vmul.f32 v18, v17;
	v19 =	vmul.f32 v26, v17;
	[tilespmem:s22+$0xFFFFFFA0] =	vst v25  }
0x6a: {  	v23 =	vmul.f32 v23, v17;
	v25 =	vmul.f32 v27, v17;
	[tilespmem:s22+$0xFFFFFF90] =	vst v20  }
0x6b: {  	v26 =	vperm.xlane v22, v3;
	v20 =	vperm.xlane v22, v2;
	[tilespmem:s22+$0xFFFFFF80] =	vst v19  }
0x6c: {  	v19 =	vperm.xlane v22, v0;
	v22 =	vperm.xlane v22, v1;
	[tilespmem:s22+$0xFFFFFF60] =	vst v18  }
0x6d: {  	v18 =	vmul.f32 v20, v17;
	v20 =	vmul.f32 v26, v17;
	[tilespmem:s22+$0xFFFFFF50] =	vst v25  }
0x6e: {  	v19 =	vmul.f32 v19, v17;
	v22 =	vmul.f32 v22, v17;
	[tilespmem:s22+$0xFFFFFF40] =	vst v23  }
0x6f: {  	[tilespmem:s22+$0xFFFFFF30] =	vst v20;
	v20 =	vmul.f32 v21, v17;
	v21 =	vmul.f32 v24, v17  }
0x70: {  	v23 =	vperm.xlane v16, v7;
	[tilespmem:s22+$0xFFFFFF20] =	vst v18;
	v18 =	vperm.xlane v16, v6  }
0x71: {  	v24 =	vperm.xlane v16, v5;
	[tilespmem:s22+$0xFFFFFF10] =	vst v22;
	v22 =	vperm.xlane v16, v4  }
0x72: {  	[tilespmem:s22+$0xFFFFFF00] =	vst v19;
	v18 =	vmul.f32 v18, v17;
	v19 =	vmul.f32 v23, v17  }
0x73: {  	v23 =	vmul.f32 v24, v17;
	v22 =	vmul.f32 v22, v17;
	[tilespmem:s22+$0x90] =	vst v21  }
0x74: {  	v21 =	vperm.xlane v16, v2;
	v16 =	vperm.xlane v16, v3;
	[tilespmem:s22+$0x80] =	vst v20  }
0x75: {  	[tilespmem:s22+$0x70] =	vst v19  }
0x76: {  	v19 =	vmul.f32 v21, v17;
	v16 =	vmul.f32 v16, v17;
	[tilespmem:s22+$0x60] =	vst v18  }
.Ltmp0:
0x77: {  	[tilespmem:s22+$0x50] =	vst v23;
	(pc) =	sbr.rel @p0 .LBB2_3-.Ltmp0, $4  }
0x78: {  	[tilespmem:s22+$0x40] =	vst v22  }
0x79: {  	[tilespmem:s22+$0x30] =	vst v16  }
0x7a: {  	s23 =	sadd.s32 $0x20, s23;
	[tilespmem:s22+$0x20] =	vst v19  }
0x7b: {  	s25 =	sadd.s32 $0x40, s25;
	v16 =	vld [tilespmem:s23+$0x0]  }
0x7c: {  	s24 =	sshra.s32 s24, $0x2  }
0x7d: {  	v17 =	vld [tilespmem:s24+$0x1800];
	_ =	sdelay $0x2  }
0x7e: {  	v18 =	vperm.xlane v16, v15  }
0x7f: {  	v22 =	vld [tilespmem:s23+$0xFFFFFFF0];
	v19 =	vperm.xlane v16, v1  }
0x80: {  	v20 =	vperm.xlane v16, v0;
	v18 =	vmul.f32 v18, v17  }
0x81: {  	s22 =	sadd.s32 $0x200, s22;
	v23 =	vperm.xlane v16, v13;
	v19 =	vmul.f32 v19, v17  }
0x82: {  	v58 =	vperm.xlane v16, v10;
	v20 =	vmul.f32 v20, v17;
	[tilespmem:s22+$0xF0] =	vst v18  }
0x83: {  	v33 =	vperm.xlane v16, v8;
	v57 =	vmul.f32 v23, v17;
	[tilespmem:s22+$0x10] =	vst v19  }
0x84: {  	v60 =	vperm.xlane v22, v15;
	v59 =	vmul.f32 v58, v17;
	[tilespmem:s22+$0x0] =	vst v20  }
0x85: {  	v61 =	vperm.xlane v22, v14;
	v35 =	vmul.f32 v33, v17;
	[tilespmem:s22+$0xD0] =	vst v57  }
0x86: {  	v30 =	vperm.xlane v22, v2;
	v23 =	vmul.f32 v60, v17;
	[tilespmem:s22+$0xA0] =	vst v59  }
0x87: {  	v21 =	vperm.xlane v16, v14;
	v62 =	vmul.f32 v61, v17;
	[tilespmem:s22+$0x80] =	vst v35  }
0x88: {  	v56 =	vperm.xlane v16, v12;
	v32 =	vmul.f32 v30, v17;
	[tilespmem:s22+$0xFFFFFFF0] =	vst v23  }
0x89: {  	v18 =	vmul.f32 v21, v17;
	v19 =	vperm.xlane v16, v11;
	[tilespmem:s22+$0xFFFFFFE0] =	vst v62  }
0x8a: {  	v27 =	vperm.xlane v22, v6;
	v21 =	vmul.f32 v56, v17;
	[tilespmem:s22+$0xFFFFFF20] =	vst v32  }
0x8b: {  	[tilespmem:s22+$0xE0] =	vst v18;
	v18 =	vmul.f32 v19, v17;
	v19 =	vperm.xlane v22, v7  }
0x8c: {  	v26 =	vperm.xlane v22, v8;
	v20 =	vmul.f32 v27, v17;
	[tilespmem:s22+$0xC0] =	vst v21  }
0x8d: {  	v63 =	vperm.xlane v22, v11;
	[tilespmem:s22+$0xB0] =	vst v18;
	v18 =	vmul.f32 v19, v17  }
0x8e: {  	v23 =	vmul.f32 v26, v17;
	[tilespmem:s22+$0xFFFFFF60] =	vst v20;
	v19 =	vperm.xlane v22, v13  }
0x8f: {  	v21 =	vmul.f32 v63, v17;
	[tilespmem:s22+$0xFFFFFF70] =	vst v18;
	v18 =	vperm.xlane v22, v12  }
0x90: {  	v24 =	vperm.xlane v22, v10;
	[tilespmem:s22+$0xFFFFFF80] =	vst v23;
	v19 =	vmul.f32 v19, v17  }
0x91: {  	v25 =	vperm.xlane v22, v9;
	[tilespmem:s22+$0xFFFFFFB0] =	vst v21;
	v18 =	vmul.f32 v18, v17  }
0x92: {  	v31 =	vperm.xlane v22, v1;
	[tilespmem:s22+$0xFFFFFFD0] =	vst v19;
	v19 =	vmul.f32 v24, v17  }
0x93: {  	v28 =	vperm.xlane v22, v5;
	[tilespmem:s22+$0xFFFFFFC0] =	vst v18;
	v18 =	vmul.f32 v25, v17  }
0x94: {  	v20 =	vmul.f32 v31, v17;
	[tilespmem:s22+$0xFFFFFFA0] =	vst v19;
	v19 =	vperm.xlane v22, v4  }
0x95: {  	v29 =	vperm.xlane v22, v3;
	[tilespmem:s22+$0xFFFFFF90] =	vst v18;
	v18 =	vmul.f32 v28, v17  }
0x96: {  	v37 =	vperm.xlane v16, v3;
	[tilespmem:s22+$0xFFFFFF10] =	vst v20;
	v19 =	vmul.f32 v19, v17  }
0x97: {  	v21 =	vmul.f32 v29, v17;
	[tilespmem:s22+$0xFFFFFF50] =	vst v18;
	v18 =	vperm.xlane v22, v0  }
0x98: {  	v20 =	vmul.f32 v37, v17;
	[tilespmem:s22+$0xFFFFFF40] =	vst v19;
	v19 =	vperm.xlane v16, v9  }
0x99: {  	v36 =	vperm.xlane v16, v6;
	[tilespmem:s22+$0xFFFFFF30] =	vst v21;
	v18 =	vmul.f32 v18, v17  }
0x9a: {  	v34 =	vperm.xlane v16, v7;
	[tilespmem:s22+$0x30] =	vst v20;
	v19 =	vmul.f32 v19, v17  }
0x9b: {  	v21 =	vmul.f32 v36, v17;
	[tilespmem:s22+$0xFFFFFF00] =	vst v18;
	v18 =	vperm.xlane v16, v5  }
0x9c: {  	v22 =	vmul.f32 v34, v17;
	[tilespmem:s22+$0x90] =	vst v19;
	v19 =	vperm.xlane v16, v4  }
0x9d: {  	[tilespmem:s22+$0x60] =	vst v21;
	v16 =	vperm.xlane v16, v2;
	v18 =	vmul.f32 v18, v17  }
0x9e: {  	[tilespmem:s22+$0x70] =	vst v22;
	v19 =	vmul.f32 v19, v17  }
0x9f: {  	v16 =	vmul.f32 v16, v17;
	[tilespmem:s22+$0x50] =	vst v18  }
0xa0: {  	p0 =	seq.s32 s20, $0x0;
	[tilespmem:s22+$0x40] =	vst v19  }
0xa1: {  	[tilespmem:s22+$0x20] =	vst v16;
	s22 =	simm.s32 @!p0 $0x2  }
0xa2: {  	_ =	swait.ge @!p0 [sflag:s22], $0x8000  }
0xa3: {  	[sflag:s22] =	ssyncset.done @!p0 $0x0  }
0xa4: {  	s26 =	simm.s32 $0x1C00;
	[sflag:s22] =	ssyncadd.s32 @!p0 $0xFFFF8000;
	s22 =	simm.s32 $0x0  }
0xa5: {  	[spmem:s2] =	stream.indirect.scatter.add.f32 [tilespmem:s26], [sflag:$0x1], $0x10, s22, s17, $0xb8;
	[tilespmem:$0x19C00] =	vst v63  }
0xa6: {  	s24 =	simm.s32 $0x2400  }
0xa7: {  	[spmem:s2] =	stream.indirect.scatter.add.f32 [tilespmem:s24], [sflag:$0x1], $0x10, s17, s17, $0xb8;
	[tilespmem:$0x19C00] =	vst v63  }
0xa8: {  	s25 =	simm.s32 $0x100;
	s26 =	simm.s32 $0x2C00  }
0xa9: {  	[spmem:s2] =	stream.indirect.scatter.add.f32 [tilespmem:s26], [sflag:$0x1], $0x10, s25, s17, $0xb8;
	[tilespmem:$0x19C00] =	vst v63  }
0xaa: {  	s25 =	simm.s32 $0x180;
	s26 =	simm.s32 $0x3400  }
0xab: {  	[spmem:s2] =	stream.indirect.scatter.add.f32 [tilespmem:s26], [sflag:$0x1], $0x10, s25, s17, $0xb8;
	[tilespmem:$0x19C00] =	vst v63  }
0xac: {  	s25 =	simm.s32 $0x200;
	s26 =	simm.s32 $0x3C00  }
0xad: {  	[spmem:s2] =	stream.indirect.scatter.add.f32 [tilespmem:s26], [sflag:$0x1], $0x10, s25, s17, $0xb8;
	[tilespmem:$0x19C00] =	vst v63  }
0xae: {  	s25 =	simm.s32 $0x280;
	s26 =	simm.s32 $0x4400  }
0xaf: {  	[spmem:s2] =	stream.indirect.scatter.add.f32 [tilespmem:s26], [sflag:$0x1], $0x10, s25, s17, $0xb8;
	[tilespmem:$0x19C00] =	vst v63  }
0xb0: {  	s25 =	simm.s32 $0x300;
	s26 =	simm.s32 $0x4C00  }
0xb1: {  	[spmem:s2] =	stream.indirect.scatter.add.f32 [tilespmem:s26], [sflag:$0x1], $0x10, s25, s17, $0xb8;
	[tilespmem:$0x19C00] =	vst v63  }
0xb2: {  	s25 =	simm.s32 $0x380;
	s26 =	simm.s32 $0x5400  }
0xb3: {  	[spmem:s2] =	stream.indirect.scatter.add.f32 [tilespmem:s26], [sflag:$0x1], $0x10, s25, s17, $0xb8;
	[tilespmem:$0x19C00] =	vst v63  }
0xb4: {  	s25 =	simm.s32 $0x400;
	s26 =	simm.s32 $0x5C00  }
0xb5: {  	[spmem:s2] =	stream.indirect.scatter.add.f32 [tilespmem:s26], [sflag:$0x1], $0x10, s25, s17, $0xb8;
	[tilespmem:$0x19C00] =	vst v63  }
0xb6: {  	s25 =	simm.s32 $0x480;
	s26 =	simm.s32 $0x6400  }
0xb7: {  	[spmem:s2] =	stream.indirect.scatter.add.f32 [tilespmem:s26], [sflag:$0x1], $0x10, s25, s17, $0xb8;
	[tilespmem:$0x19C00] =	vst v63  }
0xb8: {  	s25 =	simm.s32 $0x500;
	s26 =	simm.s32 $0x6C00  }
0xb9: {  	[spmem:s2] =	stream.indirect.scatter.add.f32 [tilespmem:s26], [sflag:$0x1], $0x10, s25, s17, $0xb8;
	[tilespmem:$0x19C00] =	vst v63  }
0xba: {  	s25 =	simm.s32 $0x580;
	s26 =	simm.s32 $0x7400  }
0xbb: {  	[spmem:s2] =	stream.indirect.scatter.add.f32 [tilespmem:s26], [sflag:$0x1], $0x10, s25, s17, $0xb8;
	[tilespmem:$0x19C00] =	vst v63  }
0xbc: {  	s25 =	simm.s32 $0x600;
	s26 =	simm.s32 $0x7C00  }
0xbd: {  	[spmem:s2] =	stream.indirect.scatter.add.f32 [tilespmem:s26], [sflag:$0x1], $0x10, s25, s17, $0xb8;
	[tilespmem:$0x19C00] =	vst v63  }
0xbe: {  	s25 =	simm.s32 $0x680;
	s26 =	simm.s32 $0x8400  }
0xbf: {  	[spmem:s2] =	stream.indirect.scatter.add.f32 [tilespmem:s26], [sflag:$0x1], $0x10, s25, s17, $0xb8;
	[tilespmem:$0x19C00] =	vst v63  }
0xc0: {  	s25 =	simm.s32 $0x700;
	s26 =	simm.s32 $0x8C00  }
0xc1: {  	[spmem:s2] =	stream.indirect.scatter.add.f32 [tilespmem:s26], [sflag:$0x1], $0x10, s25, s17, $0xb8;
	[tilespmem:$0x19C00] =	vst v63  }
0xc2: {  	s21 =	sor.u32 $0x40, s21;
	s25 =	simm.s32 $0x780;
	s26 =	simm.s32 $0x9400  }
0xc3: {  	[spmem:s2] =	stream.indirect.scatter.add.f32 [tilespmem:s26], [sflag:$0x1], $0x10, s25, s17, $0xb8;
	[tilespmem:$0x19C00] =	vst v63  }
0xc4: {  	s25 =	sshll.u32 s21, $0x2  }
0xc5: {  	s26 =	sadd.s32 s5, s25  }
0xc6: {  	[tilespmem:s28], [sflag:$0x3] =	stream.linear.gather [hbm4b:s26+s22], $0x800, $0x38;
	[tilespmem:$0x19C00] =	vst v63  }
0xc7: {  	_ =	swait.ge [sflag:s14], $0x800  }
0xc8: {  	s21 =	sshll.u32 s21, $0x1;
	[sflag:s14] =	ssyncset.done $0x0  }
0xc9: {  	s21 =	sadd.s32 s1, s21;
	[sflag:s14] =	ssyncadd.s32 $0xFFFFF800  }
0xca: {  	[tilespmem:s15], [sflag:$0x3] =	stream.linear.gather [hbm4b:s21+s22], $0x400, $0x38;
	[tilespmem:$0x19C00] =	vst v63  }
0xcb: {  	_ =	swait.ge [sflag:s14], $0x400  }
0xcc: {  	[sflag:s14] =	ssyncset.done $0x0  }
0xcd: {  	s24 =	sadd.s32 s6, s25;
	[sflag:s14] =	ssyncadd.s32 $0xFFFFFC00  }
0xce: {  	[tilespmem:s16], [sflag:$0x3] =	stream.linear.gather [hbm4b:s24+s22], $0x800, $0x38;
	[tilespmem:$0x19C00] =	vst v63  }
0xcf: {  	_ =	swait.ge [sflag:s14], $0x800  }
0xd0: {  	[sflag:s14] =	ssyncset.done $0x0  }
0xd1: {  	s25 =	simm.s32 $0x1010;
	[sflag:s14] =	ssyncadd.s32 $0xFFFFF800  }
0xd2: {  	v16 =	vld [tilespmem:s25+$0x0]  }
0xd3: {  	s26 =	simm.s32 $0x0  }
0xd4: {  	v17 =	vld [tilespmem:s26+$0x1800];
	_ =	sdelay $0x2  }
0xd5: {  	v18 =	vperm.xlane v16, v15  }
0xd6: {  	v40 =	vld [tilespmem:s25+$0xFFFFFFF0];
	v19 =	vperm.xlane v16, v1  }
0xd7: {  	v38 =	vperm.xlane v16, v0;
	v18 =	vmul.f32 v18, v17  }
0xd8: {  	s21 =	simm.s32 $0x9D00;
	v41 =	vperm.xlane v16, v13;
	v19 =	vmul.f32 v19, v17  }
0xd9: {  	v42 =	vperm.xlane v16, v12;
	v20 =	vmul.f32 v38, v17;
	[tilespmem:s21+$0xF0] =	vst v18  }
0xda: {  	v44 =	vperm.xlane v16, v10;
	v43 =	vmul.f32 v41, v17;
	[tilespmem:s21+$0x10] =	vst v19  }
0xdb: {  	v46 =	vperm.xlane v40, v15;
	v21 =	vmul.f32 v42, v17;
	[tilespmem:s21+$0x0] =	vst v20  }
0xdc: {  	v47 =	vperm.xlane v40, v14;
	v45 =	vmul.f32 v44, v17;
	[tilespmem:s21+$0xD0] =	vst v43  }
0xdd: {  	v56 =	vperm.xlane v40, v2;
	v23 =	vmul.f32 v46, v17;
	[tilespmem:s21+$0xC0] =	vst v21  }
0xde: {  	v39 =	vperm.xlane v16, v14;
	v48 =	vmul.f32 v47, v17;
	[tilespmem:s21+$0xA0] =	vst v45  }
0xdf: {  	v59 =	vperm.xlane v16, v8;
	v58 =	vmul.f32 v56, v17;
	[tilespmem:s21+$0xFFFFFFF0] =	vst v23  }
0xe0: {  	v18 =	vmul.f32 v39, v17;
	v19 =	vperm.xlane v16, v11;
	[tilespmem:s21+$0xFFFFFFE0] =	vst v48  }
0xe1: {  	v60 =	vperm.xlane v16, v7;
	v61 =	vmul.f32 v59, v17;
	[tilespmem:s21+$0xFFFFFF20] =	vst v58  }
0xe2: {  	[tilespmem:s21+$0xE0] =	vst v18;
	v18 =	vmul.f32 v19, v17;
	v19 =	vperm.xlane v40, v7  }
0xe3: {  	v49 =	vperm.xlane v40, v11;
	v22 =	vmul.f32 v60, v17;
	[tilespmem:s21+$0x80] =	vst v61  }
0xe4: {  	v52 =	vperm.xlane v40, v8;
	[tilespmem:s21+$0xB0] =	vst v18;
	v18 =	vmul.f32 v19, v17  }
0xe5: {  	v21 =	vmul.f32 v49, v17;
	[tilespmem:s21+$0x70] =	vst v22;
	v19 =	vperm.xlane v40, v13  }
0xe6: {  	v23 =	vmul.f32 v52, v17;
	[tilespmem:s21+$0xFFFFFF70] =	vst v18;
	v18 =	vperm.xlane v40, v12  }
0xe7: {  	v50 =	vperm.xlane v40, v10;
	[tilespmem:s21+$0xFFFFFFB0] =	vst v21;
	v19 =	vmul.f32 v19, v17  }
0xe8: {  	v51 =	vperm.xlane v40, v9;
	[tilespmem:s21+$0xFFFFFF80] =	vst v23;
	v18 =	vmul.f32 v18, v17  }
0xe9: {  	v53 =	vperm.xlane v40, v6;
	[tilespmem:s21+$0xFFFFFFD0] =	vst v19;
	v19 =	vmul.f32 v50, v17  }
0xea: {  	v54 =	vperm.xlane v40, v5;
	[tilespmem:s21+$0xFFFFFFC0] =	vst v18;
	v18 =	vmul.f32 v51, v17  }
0xeb: {  	v20 =	vmul.f32 v53, v17;
	[tilespmem:s21+$0xFFFFFFA0] =	vst v19;
	v19 =	vperm.xlane v40, v4  }
0xec: {  	v55 =	vperm.xlane v40, v3;
	[tilespmem:s21+$0xFFFFFF90] =	vst v18;
	v18 =	vmul.f32 v54, v17  }
0xed: {  	v57 =	vperm.xlane v40, v1;
	[tilespmem:s21+$0xFFFFFF60] =	vst v20;
	v19 =	vmul.f32 v19, v17  }
0xee: {  	v21 =	vmul.f32 v55, v17;
	[tilespmem:s21+$0xFFFFFF50] =	vst v18;
	v18 =	vperm.xlane v40, v0  }
0xef: {  	v20 =	vmul.f32 v57, v17;
	[tilespmem:s21+$0xFFFFFF40] =	vst v19;
	v19 =	vperm.xlane v16, v9  }
0xf0: {  	v62 =	vperm.xlane v16, v6;
	[tilespmem:s21+$0xFFFFFF30] =	vst v21;
	v18 =	vmul.f32 v18, v17  }
0xf1: {  	v63 =	vperm.xlane v16, v3;
	[tilespmem:s21+$0xFFFFFF10] =	vst v20;
	v19 =	vmul.f32 v19, v17  }
0xf2: {  	v21 =	vmul.f32 v62, v17;
	[tilespmem:s21+$0xFFFFFF00] =	vst v18;
	v18 =	vperm.xlane v16, v5  }
0xf3: {  	v20 =	vmul.f32 v63, v17;
	[tilespmem:s21+$0x90] =	vst v19;
	v19 =	vperm.xlane v16, v4  }
0xf4: {  	[tilespmem:s21+$0x60] =	vst v21;
	v16 =	vperm.xlane v16, v2;
	v18 =	vmul.f32 v18, v17  }
0xf5: {  	[tilespmem:s21+$0x30] =	vst v20;
	v19 =	vmul.f32 v19, v17  }
0xf6: {  	v16 =	vmul.f32 v16, v17;
	[tilespmem:s21+$0x50] =	vst v18  }
0xf7: {  	[tilespmem:s21+$0x40] =	vst v19  }
0xf8: {  	s22 =	simm.s32 $0x1030;
	[tilespmem:s21+$0x20] =	vst v16  }
0xf9: {  	s23 =	simm.s32 $0x40;
	s24 =	simm.s32 $0x80;
	v16 =	vld [tilespmem:s22+$0x0]  }
.LBB2_5:
0xfa: {  	p0 =	sne.s32 s24, $0xFC0;
	s25 =	sshra.s32 s23, $0x2;
	s23 =	smov.u32 s24  }
0xfb: {  	v17 =	vld [tilespmem:s25+$0x1800];
	_ =	sdelay $0x2  }
0xfc: {  	v18 =	vperm.xlane v16, v1;
	v19 =	vperm.xlane v16, v15  }
0xfd: {  	v20 =	vperm.xlane v16, v0;
	v21 =	vperm.xlane v16, v14  }
0xfe: {  	v18 =	vmul.f32 v18, v17;
	v19 =	vmul.f32 v19, v17  }
0xff: {  	s21 =	sadd.s32 $0x200, s21;
	v20 =	vmul.f32 v20, v17;
	v21 =	vmul.f32 v21, v17  }
0x100: {  	v23 =	vperm.xlane v16, v12;
	v24 =	vperm.xlane v16, v13;
	v22 =	vld [tilespmem:s22+$0xFFFFFFF0];
	[tilespmem:s21+$0xF0] =	vst v19  }
0x101: {  	v19 =	vperm.xlane v16, v11;
	[tilespmem:s21+$0x10] =	vst v18;
	v18 =	vperm.xlane v16, v10  }
0x102: {  	[tilespmem:s21+$0x0] =	vst v20;
	v20 =	vmul.f32 v23, v17;
	v23 =	vmul.f32 v24, v17  }
0x103: {  	v19 =	vmul.f32 v19, v17;
	v18 =	vmul.f32 v18, v17;
	[tilespmem:s21+$0xE0] =	vst v21  }
0x104: {  	v24 =	vperm.xlane v16, v9;
	v21 =	vperm.xlane v16, v8;
	[tilespmem:s21+$0xD0] =	vst v23  }
0x105: {  	v23 =	vperm.xlane v22, v7;
	v25 =	vperm.xlane v22, v15;
	[tilespmem:s21+$0xC0] =	vst v20  }
0x106: {  	v20 =	vperm.xlane v22, v13;
	v26 =	vperm.xlane v22, v14;
	[tilespmem:s21+$0xB0] =	vst v19  }
0x107: {  	v19 =	vmul.f32 v23, v17;
	v23 =	vmul.f32 v25, v17;
	[tilespmem:s21+$0xA0] =	vst v18  }
0x108: {  	v18 =	vmul.f32 v20, v17;
	v20 =	vmul.f32 v26, v17  }
0x109: {  	v25 =	vperm.xlane v22, v12;
	[tilespmem:s21+$0xFFFFFF70] =	vst v19;
	v19 =	vperm.xlane v22, v11  }
0x10a: {  	v27 =	vperm.xlane v22, v10;
	v26 =	vperm.xlane v22, v9;
	[tilespmem:s21+$0xFFFFFFF0] =	vst v23  }
0x10b: {  	v23 =	vmul.f32 v25, v17;
	v19 =	vmul.f32 v19, v17;
	[tilespmem:s21+$0xFFFFFFE0] =	vst v20  }
0x10c: {  	v25 =	vmul.f32 v27, v17;
	v20 =	vmul.f32 v26, v17;
	[tilespmem:s21+$0xFFFFFFD0] =	vst v18  }
0x10d: {  	v26 =	vperm.xlane v22, v8;
	v18 =	vperm.xlane v22, v6;
	[tilespmem:s21+$0xFFFFFFC0] =	vst v23  }
0x10e: {  	v27 =	vperm.xlane v22, v5;
	v23 =	vperm.xlane v22, v4;
	[tilespmem:s21+$0xFFFFFFB0] =	vst v19  }
0x10f: {  	v18 =	vmul.f32 v18, v17;
	v19 =	vmul.f32 v26, v17;
	[tilespmem:s21+$0xFFFFFFA0] =	vst v25  }
0x110: {  	v23 =	vmul.f32 v23, v17;
	v25 =	vmul.f32 v27, v17;
	[tilespmem:s21+$0xFFFFFF90] =	vst v20  }
0x111: {  	v26 =	vperm.xlane v22, v3;
	v20 =	vperm.xlane v22, v2;
	[tilespmem:s21+$0xFFFFFF80] =	vst v19  }
0x112: {  	v19 =	vperm.xlane v22, v0;
	v22 =	vperm.xlane v22, v1;
	[tilespmem:s21+$0xFFFFFF60] =	vst v18  }
0x113: {  	v18 =	vmul.f32 v20, v17;
	v20 =	vmul.f32 v26, v17;
	[tilespmem:s21+$0xFFFFFF50] =	vst v25  }
0x114: {  	v19 =	vmul.f32 v19, v17;
	v22 =	vmul.f32 v22, v17;
	[tilespmem:s21+$0xFFFFFF40] =	vst v23  }
0x115: {  	[tilespmem:s21+$0xFFFFFF30] =	vst v20;
	v20 =	vmul.f32 v21, v17;
	v21 =	vmul.f32 v24, v17  }
0x116: {  	v23 =	vperm.xlane v16, v7;
	[tilespmem:s21+$0xFFFFFF20] =	vst v18;
	v18 =	vperm.xlane v16, v6  }
0x117: {  	v24 =	vperm.xlane v16, v5;
	[tilespmem:s21+$0xFFFFFF10] =	vst v22;
	v22 =	vperm.xlane v16, v4  }
0x118: {  	[tilespmem:s21+$0xFFFFFF00] =	vst v19;
	v18 =	vmul.f32 v18, v17;
	v19 =	vmul.f32 v23, v17  }
0x119: {  	v23 =	vmul.f32 v24, v17;
	v22 =	vmul.f32 v22, v17;
	[tilespmem:s21+$0x90] =	vst v21  }
0x11a: {  	v21 =	vperm.xlane v16, v2;
	v16 =	vperm.xlane v16, v3;
	[tilespmem:s21+$0x80] =	vst v20  }
0x11b: {  	[tilespmem:s21+$0x70] =	vst v19  }
0x11c: {  	v19 =	vmul.f32 v21, v17;
	v16 =	vmul.f32 v16, v17;
	[tilespmem:s21+$0x60] =	vst v18  }
.Ltmp1:
0x11d: {  	[tilespmem:s21+$0x50] =	vst v23;
	(pc) =	sbr.rel @p0 .LBB2_5-.Ltmp1, $4  }
0x11e: {  	[tilespmem:s21+$0x40] =	vst v22  }
0x11f: {  	[tilespmem:s21+$0x30] =	vst v16  }
0x120: {  	s22 =	sadd.s32 $0x20, s22;
	[tilespmem:s21+$0x20] =	vst v19  }
0x121: {  	s24 =	sadd.s32 $0x40, s24;
	v16 =	vld [tilespmem:s22+$0x0]  }
0x122: {  	_ =	sdelay $0x3  }
0x123: {  	v18 =	vperm.xlane v16, v15;
	v19 =	vperm.xlane v16, v1  }
0x124: {  	v20 =	vperm.xlane v16, v0;
	v22 =	vperm.xlane v16, v14  }
0x125: {  	v23 =	vperm.xlane v16, v13;
	v28 =	vperm.xlane v16, v12  }
0x126: {  	v21 =	vld [tilespmem:s22+$0xFFFFFFF0];
	v29 =	vperm.xlane v16, v11;
	v31 =	vperm.xlane v16, v10  }
0x127: {  	v56 =	vperm.xlane v16, v9;
	v57 =	vperm.xlane v16, v8  }
0x128: {  	s23 =	sshra.s32 s23, $0x2;
	v58 =	vperm.xlane v16, v7;
	v60 =	vperm.xlane v16, v6  }
0x129: {  	v17 =	vld [tilespmem:s23+$0x1800];
	v61 =	vperm.xlane v16, v5;
	v62 =	vperm.xlane v16, v4  }
0x12a: {  	v63 =	vperm.xlane v16, v3;
	v16 =	vperm.xlane v16, v2  }
0x12b: {  	v33 =	vperm.xlane v21, v7;
	v35 =	vperm.xlane v21, v15  }
0x12c: {  	v36 =	vperm.xlane v21, v14;
	v38 =	vperm.xlane v21, v13  }
0x12d: {  	v40 =	vperm.xlane v21, v12;
	v41 =	vperm.xlane v21, v11  }
0x12e: {  	v42 =	vperm.xlane v21, v10;
	v18 =	vmul.f32 v18, v17  }
0x12f: {  	s21 =	sadd.s32 $0x200, s21;
	v43 =	vperm.xlane v21, v9;
	v19 =	vmul.f32 v19, v17  }
0x130: {  	v45 =	vperm.xlane v21, v8;
	v20 =	vmul.f32 v20, v17;
	[tilespmem:s21+$0xF0] =	vst v18  }
0x131: {  	v47 =	vperm.xlane v21, v6;
	v27 =	vmul.f32 v22, v17;
	[tilespmem:s21+$0x10] =	vst v19  }
0x132: {  	v48 =	vperm.xlane v21, v5;
	v30 =	vmul.f32 v23, v17;
	[tilespmem:s21+$0x0] =	vst v20  }
0x133: {  	v49 =	vperm.xlane v21, v4;
	v22 =	vmul.f32 v28, v17;
	[tilespmem:s21+$0xE0] =	vst v27  }
0x134: {  	v51 =	vperm.xlane v21, v3;
	v32 =	vmul.f32 v29, v17;
	[tilespmem:s21+$0xD0] =	vst v30  }
0x135: {  	v52 =	vperm.xlane v21, v2;
	v34 =	vmul.f32 v31, v17;
	[tilespmem:s21+$0xC0] =	vst v22  }
0x136: {  	v53 =	vperm.xlane v21, v1;
	v59 =	vmul.f32 v57, v17;
	[tilespmem:s21+$0xB0] =	vst v32  }
0x137: {  	v54 =	vperm.xlane v21, v0;
	v21 =	vmul.f32 v58, v17;
	[tilespmem:s21+$0xA0] =	vst v34  }
0x138: {  	v16 =	vmul.f32 v16, v17;
	[tilespmem:s21+$0x80] =	vst v59  }
0x139: {  	v37 =	vmul.f32 v33, v17;
	[tilespmem:s21+$0x70] =	vst v21  }
0x13a: {  	v23 =	vmul.f32 v35, v17;
	[tilespmem:s21+$0x20] =	vst v16  }
0x13b: {  	v39 =	vmul.f32 v36, v17;
	[tilespmem:s21+$0xFFFFFF70] =	vst v37  }
0x13c: {  	v44 =	vmul.f32 v42, v17;
	[tilespmem:s21+$0xFFFFFFF0] =	vst v23  }
0x13d: {  	v46 =	vmul.f32 v43, v17;
	[tilespmem:s21+$0xFFFFFFE0] =	vst v39  }
0x13e: {  	v50 =	vmul.f32 v48, v17;
	[tilespmem:s21+$0xFFFFFFA0] =	vst v44  }
0x13f: {  	v55 =	vmul.f32 v52, v17;
	[tilespmem:s21+$0xFFFFFF90] =	vst v46  }
0x140: {  	v19 =	vmul.f32 v38, v17;
	[tilespmem:s21+$0xFFFFFF50] =	vst v50  }
0x141: {  	v18 =	vmul.f32 v40, v17;
	[tilespmem:s21+$0xFFFFFF20] =	vst v55  }
0x142: {  	v22 =	vmul.f32 v41, v17;
	[tilespmem:s21+$0xFFFFFFD0] =	vst v19  }
0x143: {  	v20 =	vmul.f32 v47, v17;
	[tilespmem:s21+$0xFFFFFFC0] =	vst v18  }
0x144: {  	v23 =	vmul.f32 v45, v17;
	[tilespmem:s21+$0xFFFFFFB0] =	vst v22  }
0x145: {  	v19 =	vmul.f32 v49, v17;
	[tilespmem:s21+$0xFFFFFF60] =	vst v20  }
0x146: {  	v22 =	vmul.f32 v51, v17;
	[tilespmem:s21+$0xFFFFFF80] =	vst v23  }
0x147: {  	v20 =	vmul.f32 v53, v17;
	[tilespmem:s21+$0xFFFFFF40] =	vst v19  }
0x148: {  	v18 =	vmul.f32 v54, v17;
	[tilespmem:s21+$0xFFFFFF30] =	vst v22  }
0x149: {  	v19 =	vmul.f32 v56, v17;
	[tilespmem:s21+$0xFFFFFF10] =	vst v20  }
0x14a: {  	[tilespmem:s21+$0xFFFFFF00] =	vst v18;
	v22 =	vmul.f32 v60, v17  }
0x14b: {  	v18 =	vmul.f32 v61, v17;
	[tilespmem:s21+$0x90] =	vst v19  }
0x14c: {  	v20 =	vmul.f32 v63, v17;
	[tilespmem:s21+$0x60] =	vst v22  }
0x14d: {  	v19 =	vmul.f32 v62, v17;
	[tilespmem:s21+$0x50] =	vst v18  }
0x14e: {  	[tilespmem:s21+$0x30] =	vst v20  }
0x14f: {  	[tilespmem:s21+$0x40] =	vst v19  }
0x150: {  	_ =	swait.ge [sflag:s29], $0x8000  }
0x151: {  	[sflag:s29] =	ssyncset.done $0x0  }
0x152: {  	s24 =	simm.s32 $0x9C00;
	[sflag:s29] =	ssyncadd.s32 $0xFFFF8000  }
0x153: {  	[spmem:s2] =	stream.indirect.scatter.add.f32 [tilespmem:s24], [sflag:$0x2], $0x10, s28, s17, $0xb8;
	[tilespmem:$0x19C00] =	vst v63  }
0x154: {  	s25 =	simm.s32 $0x880;
	s26 =	simm.s32 $0xA400  }
0x155: {  	[spmem:s2] =	stream.indirect.scatter.add.f32 [tilespmem:s26], [sflag:$0x2], $0x10, s25, s17, $0xb8;
	[tilespmem:$0x19C00] =	vst v63  }
0x156: {  	s23 =	simm.s32 $0x900;
	s24 =	simm.s32 $0xAC00  }
0x157: {  	[spmem:s2] =	stream.indirect.scatter.add.f32 [tilespmem:s24], [sflag:$0x2], $0x10, s23, s17, $0xb8;
	[tilespmem:$0x19C00] =	vst v63  }
0x158: {  	s25 =	simm.s32 $0x980;
	s26 =	simm.s32 $0xB400  }
0x159: {  	[spmem:s2] =	stream.indirect.scatter.add.f32 [tilespmem:s26], [sflag:$0x2], $0x10, s25, s17, $0xb8;
	[tilespmem:$0x19C00] =	vst v63  }
0x15a: {  	s23 =	simm.s32 $0xA00;
	s24 =	simm.s32 $0xBC00  }
0x15b: {  	[spmem:s2] =	stream.indirect.scatter.add.f32 [tilespmem:s24], [sflag:$0x2], $0x10, s23, s17, $0xb8;
	[tilespmem:$0x19C00] =	vst v63  }
0x15c: {  	s25 =	simm.s32 $0xA80;
	s26 =	simm.s32 $0xC400  }
0x15d: {  	[spmem:s2] =	stream.indirect.scatter.add.f32 [tilespmem:s26], [sflag:$0x2], $0x10, s25, s17, $0xb8;
	[tilespmem:$0x19C00] =	vst v63  }
0x15e: {  	s23 =	simm.s32 $0xB00;
	s24 =	simm.s32 $0xCC00  }
0x15f: {  	[spmem:s2] =	stream.indirect.scatter.add.f32 [tilespmem:s24], [sflag:$0x2], $0x10, s23, s17, $0xb8;
	[tilespmem:$0x19C00] =	vst v63  }
0x160: {  	s25 =	simm.s32 $0xB80;
	s26 =	simm.s32 $0xD400  }
0x161: {  	[spmem:s2] =	stream.indirect.scatter.add.f32 [tilespmem:s26], [sflag:$0x2], $0x10, s25, s17, $0xb8;
	[tilespmem:$0x19C00] =	vst v63  }
0x162: {  	s23 =	simm.s32 $0xC00;
	s24 =	simm.s32 $0xDC00  }
0x163: {  	[spmem:s2] =	stream.indirect.scatter.add.f32 [tilespmem:s24], [sflag:$0x2], $0x10, s23, s17, $0xb8;
	[tilespmem:$0x19C00] =	vst v63  }
0x164: {  	s25 =	simm.s32 $0xC80;
	s26 =	simm.s32 $0xE400  }
0x165: {  	[spmem:s2] =	stream.indirect.scatter.add.f32 [tilespmem:s26], [sflag:$0x2], $0x10, s25, s17, $0xb8;
	[tilespmem:$0x19C00] =	vst v63  }
0x166: {  	_ = 	snop  }
0x167: {  	[spmem:s2] =	stream.indirect.scatter.add.f32 [tilespmem:s31], [sflag:$0x2], $0x10, s30, s17, $0xb8;
	[tilespmem:$0x19C00] =	vst v63  }
0x168: {  	_ = 	snop  }
0x169: {  	[spmem:s2] =	stream.indirect.scatter.add.f32 [tilespmem:s4], [sflag:$0x2], $0x10, s0, s17, $0xb8;
	[tilespmem:$0x19C00] =	vst v63  }
0x16a: {  	s20 =	sadd.s32 $0x1, s20  }
0x16b: {  	[spmem:s2] =	stream.indirect.scatter.add.f32 [tilespmem:s11], [sflag:$0x2], $0x10, s8, s17, $0xb8;
	[tilespmem:$0x19C00] =	vst v63  }
0x16c: {  	p0 =	sne.s32 s20, $0x10  }
0x16d: {  	[spmem:s2] =	stream.indirect.scatter.add.f32 [tilespmem:s9], [sflag:$0x2], $0x10, s12, s17, $0xb8;
	[tilespmem:$0x19C00] =	vst v63  }
.Ltmp2:
0x16e: {  	_ = 	snop;
	(pc) =	sbr.rel @p0 .LBB2_2-.Ltmp2, $4  }
0x16f: {  	_ = 	snop  }
0x170: {  	[spmem:s2] =	stream.indirect.scatter.add.f32 [tilespmem:s3], [sflag:$0x2], $0x10, s13, s17, $0xb8;
	[tilespmem:$0x19C00] =	vst v63  }
0x171: {  	_ = 	snop  }
0x172: {  	[spmem:s2] =	stream.indirect.scatter.add.f32 [tilespmem:s19], [sflag:$0x2], $0x10, s18, s17, $0xb8;
	[tilespmem:$0x19C00] =	vst v63  }
0x173: {  	s20 =	simm.s32 $0x2  }
0x174: {  	_ =	swait.ge [sflag:s20], $0x8000  }
0x175: {  	[sflag:s20] =	ssyncset.done $0x0  }
0x176: {  	[sflag:s20] =	ssyncadd.s32 $0xFFFF8000  }
0x177: {  	[bflag:$0x0] =	sbarrier.arrive $0xFFFF  }
0x178: {  	s21 =	rddreg [dreg:$0x6]  }
0x179: {  	s25 =	rddreg [dreg:$0x7]  }
0x17a: {  	s23 =	rddreg [dreg:$0x9]  }
0x17b: {  	[hbm:s25], [sflag:s21] =	dma.local [spmem:s23], $0x1000  }
0x17c: {  	_ =	swait.ge [sflag:s14], $0x1000  }
0x17d: {  	s26 =	rddreg [dreg:$0x4]  }
0x17e: {  	s22 =	rddreg [dreg:$0x8];
	s20 =	sadd.s32 $0x1, s26  }
0x17f: {  	p0 =	sne.s32 s20, s22  }
.Ltmp3:
0x180: {  	_ = 	snop;
	(pc) =	sbr.rel @p0 .LBB2_1-.Ltmp3, $3  }
0x181: {  	_ =	sdelay $0x1  }
0x182: {  	[sflag:s14] =	ssyncset.done $0x0  }
0x183: {  	[sflag:s14] =	ssyncadd.s32 $0xFFFFF000  }
0x184: {  	_ =	sfence.sel $0x180000  }
0x185: {  	[bflag:$0x0] =	sbarrier.arrive $0xFFFF  }
0x186: {  	_ =	strace $0x90000047  }
0x187: {  	s0 =	stileid.u32;
	[bflag:$0x2] =	sbarrier.arrive $0xFFFF  }
0x188: {  	p0 =	sne.s32 s0, $0x0;
	s0 =	rddreg [dreg:$0x3]  }
0x189: {  	s0 =	sadd.s32 @!p0 $0x100000, s0  }
0x18a: {  	[sflag:s0] =	ssyncadd.tile.s32 @!p0 $0x1;
	_ =	shalt  }
.Lfunc_end2:
_tile_overlayer_lowered:
.L_overlay_start_2:
0x18b: {  	(tag) =	ssettag $0x2  }
0x18c: {  	s0 =	rddreg [dreg:$0x0];
	s2 =	stileid.u32  }
0x18d: {  	s1 =	rddreg [dreg:$0x1];
	p0 =	sne.s32 s2, $0x0  }
0x18e: {  	s3 =	rddreg [dreg:$0x2];
	[bflag:$0x3] =	sbarrier.arrive $0xFFFF;
	s2 =	simm.s32 @!p0 $0x1C03  }
0x18f: {  	[timem:s3], [sflag:s2] =	dma.local @!p0 [hbm:s0], s1  }
0x190: {  	s0 =	simm.s32 @!p0 $0x3  }
0x191: {  	_ =	swait.ge @!p0 [sflag:s0], s1  }
0x192: {  	s1 =	ssub.s32 @!p0 $0x0, s1;
	[sflag:s0] =	ssyncset.done @!p0 $0x0  }
0x193: {  	[sflag:s0] =	ssyncadd.s32 @!p0 s1  }
0x194: {  	[bflag:$0x3] =	sbarrier.arrive $0xFFFF  }
0x195: {  	_ =	shalt  }

// kernel: kernel.9.cloned.1.call-start
scs
__scs_entry_jumppad:
0x0: {  	(pc) =	sbr.rel $0x88, $3  }
0x1: {  	(tag) =	ssettag $0x0;
	lr =	simm.s32 $0x1  }
0x2: {  	[smem:$0x3F9F] =	sst lr;
	_ =	strace $0xD0000000  }
0x3: {  	_ = 	snop  }
0x4: {  	_ = 	snop  }
0x5: {  	_ = 	snop  }
0x6: {  	_ = 	snop  }
0x7: {  	_ = 	snop  }
__scs_overlays_trampoline_lowered:
0x8: {  	[smem:$0x3FAE] =	sst s0  }
0x9: {  	[smem:$0x3FAF] =	sst s1  }
0xa: {  	[smem:$0x3FB0] =	sst s2  }
0xb: {  	[smem:$0x3FB1] =	sst s3  }
0xc: {  	[smem:$0x3FB2] =	sst s4  }
0xd: {  	[smem:$0x3FB3] =	sst s5  }
0xe: {  	[smem:$0x3FB4] =	sst s6  }
0xf: {  	[smem:$0x3FB5] =	sst s7  }
0x10: {  	[smem:$0x3FB6] =	sst s8  }
0x11: {  	[smem:$0x3FB7] =	sst s9;
	s0 =	simm.s32 @!p0 $0x0  }
0x12: {  	s1 =	sld [smem:$0x3F9D];
	s0 =	simm.s32 @p0 $0x1  }
0x13: {  	[smem:$0x3FB8] =	sst s0;
	s0 =	simm.s32 @!p1 $0x0  }
0x14: {  	s2 =	sld [smem:$0x3F9C];
	s0 =	simm.s32 @p1 $0x1  }
0x15: {  	[smem:$0x3FB9] =	sst s0;
	s0 =	simm.s32 @!p2 $0x0  }
0x16: {  	s3 =	sld [smem:$0x3FDB];
	s0 =	simm.s32 @p2 $0x1  }
0x17: {  	s4 =	simm.s32 $0x1BF5;
	[smem:$0x3FBB] =	sst s0  }
0x18: {  	s0 =	sld [smem:$0x3F9E];
	_ =	swait.ge [sflag:s4], $0x0  }
0x19: {  	s7 =	sld [smem:$0x3F9F]  }
0x1a: {  	s8 =	sadd.s32 $0xFFFFE003, lr  }
0x1b: {  	s9 =	sadd.s32 $0xFFFFFEF7, lr;
	s5 =	simm.s32 $0xFFFFFFFF;
	p2 =	slt.u32 s8, $0xFFFFF086  }
0x1c: {  	p1 =	slt.u32 s9, $0xF7A;
	s5 =	simm.s32 @!p2 $0x0  }
0x1d: {  	s5 =	simm.s32 @p1 $0x1;
	p0 =	seq.s32 s7, s2  }
0x1e: {  	s7 =	smul.u32 @!p0 $0xF7A, s2;
	p2 =	seq.s32 @!p0 s5, $0x0  }
0x1f: {  	s9 =	smul.u32 $0xF7A, s1;
	s8 =	simm.s32 @!p0 $0x1BF5;
	p2 =	por !p2, p0  }
0x20: {  	[sflag:s8] =	ssyncset.s32 @!p0 $0xFFFFF086;
	s6 =	sadd.s32 @!p0 s3, s7;
	s7 =	simm.s32 @!p0 $0x108  }
0x21: {  	s3 =	sadd.s32 s3, s9;
	s6 =	sadd.s32 @!p0 $0x88, s6;
	s7 =	simm.s32 @p2 $0x1082  }
0x22: {  	[simem:s7], [sflag:s8] =	dma.local @!p0 [hbm:s6], $0xF7A  }
0x23: {  	s9 =	sor.u32 $0xD0000000, s2;
	s6 =	simm.s32 $0x108;
	_ =	swait.ge @!p0 [sflag:s8], $0x0  }
0x24: {  	s3 =	sadd.s32 $0x88, s3;
	s6 =	simm.s32 @!p1 $0x1082;
	[sflag:s4] =	ssyncset.s32 $0xFFFFF086  }
0x25: {  	[simem:s6], [sflag:s4] =	dma.local [hbm:s3], $0xF7A  }
0x26: {  	[smem:$0x3F9F] =	sst s1;
	(tag) =	ssettag s2;
	_ =	strace s9  }
0x27: {  	s1 =	sld [smem:$0x3FAF]  }
0x28: {  	s2 =	sld [smem:$0x3FB0]  }
0x29: {  	s4 =	sld [smem:$0x3FB2]  }
0x2a: {  	p0 =	seq.s32 s5, $0x0;
	s5 =	sld [smem:$0x3FB3]  }
0x2b: {  	s6 =	sld [smem:$0x3FB4]  }
0x2c: {  	s7 =	sld [smem:$0x3FB5]  }
0x2d: {  	s3 =	simm.s32 $0x108;
	s8 =	sld [smem:$0x3FB6]  }
0x2e: {  	s3 =	simm.s32 @!p0 $0x1082;
	s9 =	sld [smem:$0x3FB7]  }
0x2f: {  	lr =	sadd.s32 s0, s3;
	s0 =	sld [smem:$0x3FAE]  }
0x30: {  	s3 =	sld [smem:$0x3FB1]  }
0x31: {  	[smem:$0x3FBA] =	sst s10  }
0x32: {  	s10 =	sld [smem:$0x3FB8];
	_ =	sdelay $0x3  }
0x33: {  	p0 =	seq.s32 s10, $0x1;
	s10 =	sld [smem:$0x3FBA];
	_ =	sdelay $0x3  }
0x34: {  	[smem:$0x3FBA] =	sst s10  }
0x35: {  	s10 =	sld [smem:$0x3FB9];
	_ =	sdelay $0x3  }
0x36: {  	p1 =	seq.s32 s10, $0x1;
	s10 =	sld [smem:$0x3FBA];
	_ =	sdelay $0x3  }
0x37: {  	[smem:$0x3FBA] =	sst s10  }
0x38: {  	s10 =	sld [smem:$0x3FBB]  }
0x39: {  	_ = 	snop;
	(pc) =	sbr.ind lr, $3  }
0x3a: {  	_ = 	snop  }
0x3b: {  	_ = 	snop  }
0x3c: {  	p2 =	seq.s32 s10, $0x1;
	s10 =	sld [smem:$0x3FBA]  }
0x3d: {  	_ =	shalt  }
0x3e: {  	_ =	shalt  }
0x3f: {  	_ =	shalt  }
0x40: {  	_ =	shalt  }
0x41: {  	_ =	shalt  }
0x42: {  	_ =	shalt  }
0x43: {  	_ =	shalt  }
0x44: {  	_ =	shalt  }
0x45: {  	_ =	shalt  }
0x46: {  	_ =	shalt  }
0x47: {  	_ =	shalt  }
0x48: {  	_ =	shalt  }
0x49: {  	_ =	shalt  }
0x4a: {  	_ =	shalt  }
0x4b: {  	_ =	shalt  }
0x4c: {  	_ =	shalt  }
0x4d: {  	_ =	shalt  }
0x4e: {  	_ =	shalt  }
0x4f: {  	_ =	shalt  }
0x50: {  	_ =	shalt  }
0x51: {  	_ =	shalt  }
0x52: {  	_ =	shalt  }
0x53: {  	_ =	shalt  }
0x54: {  	_ =	shalt  }
0x55: {  	_ =	shalt  }
0x56: {  	_ =	shalt  }
0x57: {  	_ =	shalt  }
0x58: {  	_ =	shalt  }
0x59: {  	_ =	shalt  }
0x5a: {  	_ =	shalt  }
0x5b: {  	_ =	shalt  }
0x5c: {  	_ =	shalt  }
0x5d: {  	_ =	shalt  }
0x5e: {  	_ =	shalt  }
0x5f: {  	_ =	shalt  }
0x60: {  	_ =	shalt  }
0x61: {  	_ =	shalt  }
0x62: {  	_ =	shalt  }
0x63: {  	_ =	shalt  }
0x64: {  	_ =	shalt  }
0x65: {  	_ =	shalt  }
0x66: {  	_ =	shalt  }
0x67: {  	_ =	shalt  }
0x68: {  	_ =	shalt  }
0x69: {  	_ =	shalt  }
0x6a: {  	_ =	shalt  }
0x6b: {  	_ =	shalt  }
0x6c: {  	_ =	shalt  }
0x6d: {  	_ =	shalt  }
0x6e: {  	_ =	shalt  }
0x6f: {  	_ =	shalt  }
0x70: {  	_ =	shalt  }
0x71: {  	_ =	shalt  }
0x72: {  	_ =	shalt  }
0x73: {  	_ =	shalt  }
0x74: {  	_ =	shalt  }
0x75: {  	_ =	shalt  }
0x76: {  	_ =	shalt  }
0x77: {  	_ =	shalt  }
0x78: {  	_ =	shalt  }
0x79: {  	_ =	shalt  }
0x7a: {  	_ =	shalt  }
0x7b: {  	_ =	shalt  }
0x7c: {  	_ =	shalt  }
0x7d: {  	_ =	shalt  }
0x7e: {  	_ =	shalt  }
0x7f: {  	_ =	shalt  }
0x80: {  	_ =	shalt  }
0x81: {  	_ =	shalt  }
0x82: {  	_ =	shalt  }
0x83: {  	_ =	shalt  }
0x84: {  	_ =	shalt  }
0x85: {  	_ =	shalt  }
0x86: {  	_ =	shalt  }
0x87: {  	_ =	shalt  }
.Lfunc_end0:
.L_simem_size_0:
called_computation.1_lowered:
.L_overlay_start_0:
0x88: {  	s2 =	sld [smem:$0x3FD9]  }
0x89: {  	s3 =	sld [smem:$0x3FFE];
	_ =	sdelay $0x1  }
0x8a: {  	s1 =	srdreg.scid  }
0x8b: {  	s0 =	sand.u32 $0x1, s1  }
0x8c: {  	s17 =	sshll.u32 s0, $0xA;
	s2 =	sadd.s32 s3, s2  }
0x8d: {  	s2 =	sadd.s32 s2, s17  }
0x8e: {  	[smem:$0x3FC6] =	sst s2  }
0x8f: {  	_ = 	snop  }
0x90: {  	s2 =	sld [smem:$0x3FD0];
	(tm) =	ssettm $0x1  }
0x91: {  	s18 =	sld [smem:$0x3FFB];
	_ =	sdelay $0x3  }
0x92: {  	_ =	strace s18  }
0x93: {  	s3 =	sld [smem:$0x3FFC];
	_ =	sdelay $0x3  }
0x94: {  	_ =	strace s3  }
0x95: {  	s3 =	sld [smem:$0x3FFD];
	_ =	sdelay $0x3  }
0x96: {  	_ =	strace s3  }
0x97: {  	_ =	strace $0x8FFFFFFF  }
0x98: {  	s19 =	sld [smem:$0x3FDB];
	_ =	sdelay $0x1  }
0x99: {  	s4 =	simm.s32 $_scs_section_size  }
0x9a: {  	s5 =	simm.s32 $_size__tile_overlayer_lowered;
	s6 =	simm.s32 $_tile_overlayer_lowered  }
0x9b: {  	s22 =	simm.s32 $0x1BFF;
	s21 =	sshll.u32 s6, $0x1;
	s3 =	sadd.s32 s4, s19  }
0x9c: {  	s7 =	simm.s32 $0x0;
	s20 =	sshll.u32 s5, $0x1;
	s5 =	sadd.s32 s21, s3  }
0x9d: {  	[timem:s7], [sflag:s22] =	dma.local [hbm:s5], s20  }
0x9e: {  	_ =	swait.ge [sflag:s22], s20  }
0x9f: {  	s4 =	ssub.s32 $0x0, s20;
	[sflag:s22] =	ssyncset.done $0x0  }
0xa0: {  	[sflag:s22] =	ssyncadd.s32 s4;
	_ =	sdelay $0x1  }
0xa1: {  	s23 =	simm.s32 $0x1B8B  }
0xa2: {  	_ =	swait.ge [sflag:s23], $0x1  }
0xa3: {  	[sflag:s23] =	ssyncset.done $0x0  }
0xa4: {  	s25 =	simm.s32 $0x1B8E;
	s24 =	sld [smem:$0x3FFE];
	[sflag:s23] =	ssyncadd.s32 $0xFFFFFFFF  }
0xa5: {  	s26 =	simm.s32 $execute0_lowered;
	[smem:$0x3FD2] =	sst s25  }
0xa6: {  	s5 =	sshll.u32 s26, $0x1;
	_ =	strace $0x80000049;
	[dreg:$0x1] =	wrdreg $0xFFFFFFFF  }
0xa7: {  	s28 =	simm.s32 $_size_execute0_lowered;
	s3 =	sadd.s32 s3, s5;
	[dreg:$0x0] =	wrdreg $0x0  }
0xa8: {  	s5 =	sshll.u32 s28, $0x1;
	[dreg:$0x2] =	wrdreg s3  }
0xa9: {  	[dreg:$0x3] =	wrdreg s5  }
0xaa: {  	[dreg:$0x4] =	wrdreg $0xC0  }
0xab: {  	_ =	task [dreg:s7], $0x5FFFF  }
0xac: {  	[dreg:$0x1] =	wrdreg $0xFFFFFFFF  }
0xad: {  	[dreg:$0x0] =	wrdreg $0x60  }
0xae: {  	[dreg:$0x2] =	wrdreg s2  }
0xaf: {  	[dreg:$0x3] =	wrdreg s24  }
0xb0: {  	[dreg:$0x4] =	wrdreg $0x9  }
0xb1: {  	_ =	task.clear_ibuf [dreg:s7], $0x5FFFF;
	_ =	strace $0x90000049  }
0xb2: {  	s29 =	simm.s32 $0x9;
	_ =	strace $0x8000004B  }
0xb3: {  	_ =	swait.ge [sflag:s29], $0x1  }
0xb4: {  	[sflag:s29] =	ssyncadd.s32 $0xFFFFFFFF  }
0xb5: {  	_ =	strace $0x9000004B  }
0xb6: {  	_ =	sfence  }
0xb7: {  	s30 =	sld [smem:$0x0];
	_ =	sdelay $0x2  }
0xb8: {  	s31 =	sshll.u32 s1, $0xD;
	s1 =	sshrl.u32 s1, $0x2  }
0xb9: {  	s3 =	sand.u32 $0x4000, s31;
	s1 =	sadd.s32 s1, s30  }
0xba: {  	s0 =	sor.u32 s3, s0;
	s1 =	sshll.u32 s1, $0x11  }
0xbb: {  	s0 =	sor.u32 s1, s0  }
0xbc: {  	s0 =	sadd.s32 $0x8F2B, s0  }
0xbd: {  	[sflag:s0] =	ssyncadd.remote.s32 $0x1  }
0xbe: {  	_ =	sfence.sel $0xFFFF  }
0xbf: {  	[dreg:$0x0] =	wrdreg $0xFFFFFFFF;
	(pc) =	sbr.abs _section_cstart, $3  }
0xc0: {  	[dreg:$0x1] =	wrdreg $0xFFFFFFFF  }
0xc1: {  	_ =	task.clear_ibuf [dreg:s7], $0x2FFFF;
	_ =	strace $0x9FFFFFFF  }
0xc2: {  	(tm) =	ssettm $0x7FFFFFFF  }
0xc3: {  	_ =	shalt  }
tec
execute0_lowered:
.L_overlay_start_1:
0x0: {  	(tag) =	ssettag $0x1  }
0x1: {  	s1 =	rddreg [dreg:$0x0]  }
0x2: {  	s0 =	rddreg [dreg:$0x1];
	s2 =	simm.s32 $0x0;
	s3 =	srdreg.scid  }
0x3: {  	s6 =	stileid.u32;
	s12 =	simm.s32 $0x3;
	s13 =	simm.s32 $0x80  }
0x4: {  	s25 =	simm.s32 $0x800;
	s14 =	simm.s32 $0xF00;
	s15 =	simm.s32 $0x10C00  }
0x5: {  	s16 =	simm.s32 $0xF80;
	s17 =	simm.s32 $0x11400;
	s18 =	simm.s32 $0x1  }
0x6: {  	s19 =	simm.s32 $0x1800;
	s20 =	simm.s32 $0x1000;
	s21 =	simm.s32 $0x11C00  }
0x7: {  	s22 =	simm.s32 $0x2;
	[smem:$0x7FF] =	sst s2;
	s4 =	sadd.s32 $0x140E00, s0  }
0x8: {  	v0 =	vimm.s32 $0x0;
	s5 =	sadd.s32 $0x100E00, s0;
	s3 =	sand.u32 $0x1, s3;
	s7 =	sshll.u32 s6, $0x1  }
0x9: {  	v1 =	vimm.s32 $0x1;
	v2 =	vimm.s32 $0x2;
	v3 =	vimm.s32 $0x3;
	s6 =	sadd.s32 $0xE00, s0;
	s8 =	ssub.s32 $0x2, s3;
	s3 =	sor.u32 s3, s7  }
0xa: {  	v4 =	vimm.s32 $0x4;
	v5 =	vimm.s32 $0x5;
	v6 =	vimm.s32 $0x6;
	_ =	strace $0x8000004A;
	s30 =	sshrl.u32 s8, $0x1;
	s9 =	sshll.u32 s3, $0xD  }
0xb: {  	v7 =	vimm.s32 $0x7;
	v8 =	vimm.s32 $0x8;
	v9 =	vimm.s32 $0x9;
	s7 =	sadd.s32 $0x10E00, s0;
	s0 =	ssub.s32 s8, s30;
	s31 =	sadd.s32 s4, s9  }
0xc: {  	v10 =	vimm.s32 $0xA;
	v11 =	vimm.s32 $0xB;
	v12 =	vimm.s32 $0xC;
	s8 =	sshll.u32 s3, $0xB;
	[dreg:$0x3] =	wrdreg s31;
	s0 =	smax.u32 s0, $0x1  }
0xd: {  	v13 =	vimm.s32 $0xD;
	v14 =	vimm.s32 $0xE;
	v15 =	vimm.s32 $0xF;
	s3 =	simm.s32 $0x0;
	s10 =	sor.u32 $0x80, s8;
	[dreg:$0x4] =	wrdreg s0  }
.LBB2_1:
0xe: {  	[dreg:$0x5] =	wrdreg s3  }
0xf: {  	s0 =	rddreg [dreg:$0x3]  }
0x10: {  	[tilespmem:s2], [sflag:$0x3] =	stream.linear.gather [hbm4b:s0+s2], $0x800, $0x38;
	[tilespmem:$0x12000] =	vst v63  }
0x11: {  	_ =	swait.ge [sflag:s12], $0x800  }
0x12: {  	[sflag:s12] =	ssyncset.done $0x0  }
0x13: {  	s3 =	simm.s32 $0x1C00;
	[sflag:s12] =	ssyncadd.s32 $0xFFFFF800  }
0x14: {  	[tilespmem:s3], [sflag:$0x1] =	stream.indirect.gather [hbm4b:s6+s13], $0x10, s2, s13, $0xb8;
	[tilespmem:$0x12000] =	vst v63  }
0x15: {  	s9 =	simm.s32 $0x2400  }
0x16: {  	[tilespmem:s9], [sflag:$0x1] =	stream.indirect.gather [hbm4b:s6+s13], $0x10, s13, s13, $0xb8;
	[tilespmem:$0x12000] =	vst v63  }
0x17: {  	s11 =	simm.s32 $0x100;
	s23 =	simm.s32 $0x2C00  }
0x18: {  	[tilespmem:s23], [sflag:$0x1] =	stream.indirect.gather [hbm4b:s6+s13], $0x10, s11, s13, $0xb8;
	[tilespmem:$0x12000] =	vst v63  }
0x19: {  	s24 =	simm.s32 $0x180;
	s26 =	simm.s32 $0x3400  }
0x1a: {  	[tilespmem:s26], [sflag:$0x1] =	stream.indirect.gather [hbm4b:s6+s13], $0x10, s24, s13, $0xb8;
	[tilespmem:$0x12000] =	vst v63  }
0x1b: {  	s28 =	simm.s32 $0x200;
	s29 =	simm.s32 $0x3C00  }
0x1c: {  	[tilespmem:s29], [sflag:$0x1] =	stream.indirect.gather [hbm4b:s6+s13], $0x10, s28, s13, $0xb8;
	[tilespmem:$0x12000] =	vst v63  }
0x1d: {  	s30 =	simm.s32 $0x280;
	s31 =	simm.s32 $0x4400  }
0x1e: {  	[tilespmem:s31], [sflag:$0x1] =	stream.indirect.gather [hbm4b:s6+s13], $0x10, s30, s13, $0xb8;
	[tilespmem:$0x12000] =	vst v63  }
0x1f: {  	s3 =	simm.s32 $0x300;
	s9 =	simm.s32 $0x4C00  }
0x20: {  	[tilespmem:s9], [sflag:$0x1] =	stream.indirect.gather [hbm4b:s6+s13], $0x10, s3, s13, $0xb8;
	[tilespmem:$0x12000] =	vst v63  }
0x21: {  	s11 =	simm.s32 $0x380;
	s23 =	simm.s32 $0x5400  }
0x22: {  	[tilespmem:s23], [sflag:$0x1] =	stream.indirect.gather [hbm4b:s6+s13], $0x10, s11, s13, $0xb8;
	[tilespmem:$0x12000] =	vst v63  }
0x23: {  	s24 =	simm.s32 $0x400;
	s26 =	simm.s32 $0x5C00  }
0x24: {  	[tilespmem:s26], [sflag:$0x1] =	stream.indirect.gather [hbm4b:s6+s13], $0x10, s24, s13, $0xb8;
	[tilespmem:$0x12000] =	vst v63  }
0x25: {  	s28 =	simm.s32 $0x480;
	s29 =	simm.s32 $0x6400  }
0x26: {  	[tilespmem:s29], [sflag:$0x1] =	stream.indirect.gather [hbm4b:s6+s13], $0x10, s28, s13, $0xb8;
	[tilespmem:$0x12000] =	vst v63  }
0x27: {  	s30 =	simm.s32 $0x500;
	s31 =	simm.s32 $0x6C00  }
0x28: {  	[tilespmem:s31], [sflag:$0x1] =	stream.indirect.gather [hbm4b:s6+s13], $0x10, s30, s13, $0xb8;
	[tilespmem:$0x12000] =	vst v63  }
0x29: {  	s3 =	simm.s32 $0x580;
	s9 =	simm.s32 $0x7400  }
0x2a: {  	[tilespmem:s9], [sflag:$0x1] =	stream.indirect.gather [hbm4b:s6+s13], $0x10, s3, s13, $0xb8;
	[tilespmem:$0x12000] =	vst v63  }
0x2b: {  	s11 =	simm.s32 $0x600;
	s23 =	simm.s32 $0x7C00  }
0x2c: {  	[tilespmem:s23], [sflag:$0x1] =	stream.indirect.gather [hbm4b:s6+s13], $0x10, s11, s13, $0xb8;
	[tilespmem:$0x12000] =	vst v63  }
0x2d: {  	s24 =	simm.s32 $0x680;
	s26 =	simm.s32 $0x8400  }
0x2e: {  	[tilespmem:s26], [sflag:$0x1] =	stream.indirect.gather [hbm4b:s6+s13], $0x10, s24, s13, $0xb8;
	[tilespmem:$0x12000] =	vst v63  }
0x2f: {  	s28 =	simm.s32 $0x700;
	s29 =	simm.s32 $0x8C00  }
0x30: {  	[tilespmem:s29], [sflag:$0x1] =	stream.indirect.gather [hbm4b:s6+s13], $0x10, s28, s13, $0xb8;
	[tilespmem:$0x12000] =	vst v63  }
0x31: {  	s30 =	simm.s32 $0x780;
	s31 =	simm.s32 $0x9400;
	s23 =	simm.s32 $0x0  }
0x32: {  	[tilespmem:s31], [sflag:$0x1] =	stream.indirect.gather [hbm4b:s6+s13], $0x10, s30, s13, $0xb8;
	[tilespmem:$0x12000] =	vst v63  }
.LBB2_2:
0x33: {  	s11 =	sshll.u32 s23, $0x7  }
0x34: {  	s0 =	sor.u32 s8, s11  }
0x35: {  	s9 =	sor.u32 $0x40, s0  }
0x36: {  	s24 =	sshll.u32 s9, $0x2  }
0x37: {  	s28 =	simm.s32 $0x0;
	s26 =	sadd.s32 s4, s24  }
0x38: {  	[tilespmem:s25], [sflag:$0x3] =	stream.linear.gather [hbm4b:s26+s28], $0x800, $0x38;
	[tilespmem:$0x12000] =	vst v63  }
0x39: {  	_ =	swait.ge [sflag:s12], $0x800  }
0x3a: {  	[sflag:s12] =	ssyncset.done $0x0  }
0x3b: {  	s3 =	simm.s32 $0x9C00;
	[sflag:s12] =	ssyncadd.s32 $0xFFFFF800  }
0x3c: {  	[tilespmem:s3], [sflag:$0x2] =	stream.indirect.gather [hbm4b:s6+s13], $0x10, s25, s13, $0xb8;
	[tilespmem:$0x12000] =	vst v63  }
0x3d: {  	s26 =	simm.s32 $0xA400;
	s3 =	simm.s32 $0x880  }
0x3e: {  	[tilespmem:s26], [sflag:$0x2] =	stream.indirect.gather [hbm4b:s6+s13], $0x10, s3, s13, $0xb8;
	[tilespmem:$0x12000] =	vst v63  }
0x3f: {  	s3 =	simm.s32 $0x900;
	s26 =	simm.s32 $0xAC00  }
0x40: {  	[tilespmem:s26], [sflag:$0x2] =	stream.indirect.gather [hbm4b:s6+s13], $0x10, s3, s13, $0xb8;
	[tilespmem:$0x12000] =	vst v63  }
0x41: {  	s3 =	simm.s32 $0x980;
	s26 =	simm.s32 $0xB400  }
0x42: {  	[tilespmem:s26], [sflag:$0x2] =	stream.indirect.gather [hbm4b:s6+s13], $0x10, s3, s13, $0xb8;
	[tilespmem:$0x12000] =	vst v63  }
0x43: {  	s3 =	simm.s32 $0xA00;
	s26 =	simm.s32 $0xBC00  }
0x44: {  	[tilespmem:s26], [sflag:$0x2] =	stream.indirect.gather [hbm4b:s6+s13], $0x10, s3, s13, $0xb8;
	[tilespmem:$0x12000] =	vst v63  }
0x45: {  	s3 =	simm.s32 $0xA80;
	s26 =	simm.s32 $0xC400  }
0x46: {  	[tilespmem:s26], [sflag:$0x2] =	stream.indirect.gather [hbm4b:s6+s13], $0x10, s3, s13, $0xb8;
	[tilespmem:$0x12000] =	vst v63  }
0x47: {  	s3 =	simm.s32 $0xB00;
	s26 =	simm.s32 $0xCC00  }
0x48: {  	[tilespmem:s26], [sflag:$0x2] =	stream.indirect.gather [hbm4b:s6+s13], $0x10, s3, s13, $0xb8;
	[tilespmem:$0x12000] =	vst v63  }
0x49: {  	s3 =	simm.s32 $0xB80;
	s26 =	simm.s32 $0xD400  }
0x4a: {  	[tilespmem:s26], [sflag:$0x2] =	stream.indirect.gather [hbm4b:s6+s13], $0x10, s3, s13, $0xb8;
	[tilespmem:$0x12000] =	vst v63  }
0x4b: {  	s3 =	simm.s32 $0xC00;
	s26 =	simm.s32 $0xDC00  }
0x4c: {  	[tilespmem:s26], [sflag:$0x2] =	stream.indirect.gather [hbm4b:s6+s13], $0x10, s3, s13, $0xb8;
	[tilespmem:$0x12000] =	vst v63  }
0x4d: {  	s3 =	simm.s32 $0xC80;
	s26 =	simm.s32 $0xE400  }
0x4e: {  	[tilespmem:s26], [sflag:$0x2] =	stream.indirect.gather [hbm4b:s6+s13], $0x10, s3, s13, $0xb8;
	[tilespmem:$0x12000] =	vst v63  }
0x4f: {  	s3 =	simm.s32 $0xD00;
	s26 =	simm.s32 $0xEC00  }
0x50: {  	[tilespmem:s26], [sflag:$0x2] =	stream.indirect.gather [hbm4b:s6+s13], $0x10, s3, s13, $0xb8;
	[tilespmem:$0x12000] =	vst v63  }
0x51: {  	s3 =	simm.s32 $0xD80;
	s26 =	simm.s32 $0xF400  }
0x52: {  	[tilespmem:s26], [sflag:$0x2] =	stream.indirect.gather [hbm4b:s6+s13], $0x10, s3, s13, $0xb8;
	[tilespmem:$0x12000] =	vst v63  }
0x53: {  	s3 =	simm.s32 $0xE00;
	s26 =	simm.s32 $0xFC00  }
0x54: {  	[tilespmem:s26], [sflag:$0x2] =	stream.indirect.gather [hbm4b:s6+s13], $0x10, s3, s13, $0xb8;
	[tilespmem:$0x12000] =	vst v63  }
0x55: {  	s3 =	simm.s32 $0xE80;
	s26 =	simm.s32 $0x10400  }
0x56: {  	[tilespmem:s26], [sflag:$0x2] =	stream.indirect.gather [hbm4b:s6+s13], $0x10, s3, s13, $0xb8;
	[tilespmem:$0x12000] =	vst v63  }
0x57: {  	_ = 	snop  }
0x58: {  	[tilespmem:s15], [sflag:$0x2] =	stream.indirect.gather [hbm4b:s6+s13], $0x10, s14, s13, $0xb8;
	[tilespmem:$0x12000] =	vst v63  }
0x59: {  	_ = 	snop  }
0x5a: {  	[tilespmem:s17], [sflag:$0x2] =	stream.indirect.gather [hbm4b:s6+s13], $0x10, s16, s13, $0xb8;
	[tilespmem:$0x12000] =	vst v63  }
0x5b: {  	_ =	swait.ge [sflag:s18], $0x8000  }
0x5c: {  	s26 =	sshll.u32 s0, $0x1;
	[sflag:s18] =	ssyncset.done $0x0  }
0x5d: {  	s29 =	sadd.s32 s1, s26;
	[sflag:s18] =	ssyncadd.s32 $0xFFFF8000  }
0x5e: {  	[tilespmem:s19], [sflag:$0x3] =	stream.linear.gather [hbm4b:s29+s28], $0x400, $0x38;
	[tilespmem:$0x12000] =	vst v63  }
0x5f: {  	_ =	swait.ge [sflag:s12], $0x400  }
0x60: {  	s0 =	sshll.u32 s0, $0x2;
	[sflag:s12] =	ssyncset.done $0x0  }
0x61: {  	s0 =	sadd.s32 s5, s0;
	[sflag:s12] =	ssyncadd.s32 $0xFFFFFC00  }
0x62: {  	[tilespmem:s20], [sflag:$0x3] =	stream.linear.gather [hbm4b:s0+s28], $0x800, $0x38;
	[tilespmem:$0x12000] =	vst v63  }
0x63: {  	_ =	swait.ge [sflag:s12], $0x800  }
0x64: {  	[sflag:s12] =	ssyncset.done $0x0  }
0x65: {  	s30 =	simm.s32 $0x1010;
	[sflag:s12] =	ssyncadd.s32 $0xFFFFF800  }
0x66: {  	s29 =	simm.s32 $0x1D00;
	v21 =	vld [tilespmem:s30+$0xFFFFFFF0]  }
0x67: {  	v16 =	vld [tilespmem:s29+$0xFFFFFFF0]  }
0x68: {  	v17 =	vld [tilespmem:s29+$0xFFFFFFD0]  }
0x69: {  	s28 =	simm.s32 $0x0;
	v19 =	vld [tilespmem:s29+$0xFFFFFFE0]  }
0x6a: {  	v20 =	vld [tilespmem:s28+$0x1800]  }
0x6b: {  	v22 =	vld [tilespmem:s29+$0xFFFFFF20];
	v24 =	vperm.xlane v21, v0  }
0x6c: {  	v23 =	vld [tilespmem:s29+$0xFFFFFF90];
	v25 =	vperm.xlane v21, v10;
	v18 =	vperm.xlane v21, v13  }
0x6d: {  	v26 =	vld [tilespmem:s29+$0xFFFFFFA0];
	v27 =	vperm.xlane v21, v15;
	v28 =	vperm.xlane v21, v2  }
0x6e: {  	v29 =	vld [tilespmem:s29+$0xFFFFFF30];
	v30 =	vperm.xlane v21, v14;
	v32 =	vperm.xlane v21, v1  }
0x6f: {  	v31 =	vld [tilespmem:s29+$0xFFFFFF10];
	v35 =	vperm.xlane v21, v5;
	v37 =	vperm.xlane v21, v9  }
0x70: {  	v33 =	vld [tilespmem:s29+$0xFFFFFFB0];
	v38 =	vperm.xlane v21, v6;
	v39 =	vperm.xlane v21, v4  }
0x71: {  	v34 =	vld [tilespmem:s29+$0xFFFFFF80];
	v40 =	vperm.xlane v21, v8;
	v18 =	vmul.f32 v17, v18  }
0x72: {  	v36 =	vld [tilespmem:s29+$0xFFFFFF60];
	v27 =	vmul.f32 v16, v27;
	v28 =	vmul.f32 v22, v28  }
0x73: {  	v22 =	vld [tilespmem:s29+$0xFFFFFF70];
	v17 =	vmul.f32 v19, v30;
	v16 =	vperm.xlane v21, v3  }
0x74: {  	v57 =	vld [tilespmem:s29+$0xFFFFFF40];
	v30 =	vperm.xlane v21, v12;
	v25 =	vmul.f32 v26, v25  }
0x75: {  	v19 =	vld [tilespmem:s29+$0xFFFFFF50];
	v26 =	vperm.xlane v21, v7;
	v31 =	vmul.f32 v31, v32  }
0x76: {  	v37 =	vmul.f32 v23, v37;
	v29 =	vmul.f32 v29, v16;
	v16 =	vld [tilespmem:s30+$0x0]  }
0x77: {  	v55 =	vld [tilespmem:s29+$0xFFFFFF00];
	v36 =	vmul.f32 v36, v38;
	v34 =	vmul.f32 v34, v40  }
0x78: {  	v56 =	vld [tilespmem:s29+$0xFFFFFFC0];
	v54 =	vsub.f32 $0.0e+00, v20;
	v22 =	vmul.f32 v22, v26;
	v26 =	vperm.xlane v21, v11  }
0x79: {  	v42 =	vld [tilespmem:s29+$0x50];
	v60 =	vmul.f32 v57, v39;
	v31 =	vadd.f32 $0.0e+00, v31;
	v29 =	vadd.f32 $0.0e+00, v29  }
0x7a: {  	v43 =	vld [tilespmem:s29+$0x30];
	v28 =	vadd.f32 $0.0e+00, v28;
	v35 =	vmul.f32 v19, v35;
	v26 =	vmul.f32 v33, v26  }
0x7b: {  	v45 =	vld [tilespmem:s29+$0x40];
	v29 =	vadd.f32 v22, v29;
	v22 =	vperm.xlane v16, v10;
	v41 =	vperm.xlane v16, v5  }
0x7c: {  	v59 =	vld [tilespmem:s29+$0x70];
	v31 =	vadd.f32 v35, v31;
	v21 =	vperm.xlane v16, v12;
	v44 =	vperm.xlane v16, v6  }
0x7d: {  	v46 =	vld [tilespmem:s29+$0x60];
	v28 =	vadd.f32 v36, v28;
	v23 =	vperm.xlane v16, v9;
	v58 =	vperm.xlane v16, v4  }
0x7e: {  	v20 =	vld [tilespmem:s29+$0x80];
	v29 =	vadd.f32 v26, v29;
	v26 =	vadd.f32 v37, v31;
	v31 =	vmul.f32 v55, v24  }
0x7f: {  	v36 =	vld [tilespmem:s29+$0x0];
	v28 =	vadd.f32 v25, v28;
	v61 =	vperm.xlane v16, v3;
	v62 =	vperm.xlane v16, v7  }
0x80: {  	v19 =	vld [tilespmem:s29+$0xA0];
	v32 =	vperm.xlane v16, v1;
	v24 =	vmul.f32 v56, v30;
	v31 =	vadd.f32 v31, v54  }
0x81: {  	v35 =	vld [tilespmem:s29+$0xB0];
	v30 =	vperm.xlane v16, v11;
	v63 =	vmul.f32 v43, v61;
	v29 =	vadd.f32 v27, v29  }
0x82: {  	v33 =	vld [tilespmem:s29+$0x10];
	v25 =	vmul.f32 v42, v41;
	v41 =	vperm.xlane v16, v0;
	v31 =	vadd.f32 v60, v31  }
0x83: {  	v37 =	vld [tilespmem:s29+$0x20];
	v39 =	vmul.f32 v59, v62;
	v27 =	vmul.f32 v45, v58;
	v40 =	vadd.f32 v63, v29  }
0x84: {  	s31 =	simm.s32 $0x40;
	s0 =	simm.s32 $0x1D00;
	v38 =	vld [tilespmem:s29+$0x90];
	v29 =	vmul.f32 v46, v44;
	v34 =	vadd.f32 v34, v31;
	v31 =	vperm.xlane v16, v15  }
.LBB2_3:
0x85: {  	p0 =	sne.s32 s31, $0xFC0;
	v18 =	vadd.f32 v18, v26;
	v26 =	vmul.f32 v36, v41;
	v36 =	vperm.xlane v16, v8;
	v41 =	vld [tilespmem:s29+$0xF0];
	s30 =	sadd.s32 $0x20, s30;
	s0 =	sadd.s32 $0x200, s0  }
0x86: {  	v42 =	vperm.xlane v16, v2;
	s3 =	smov.u32 s31;
	s31 =	sadd.s32 $0x40, s31;
	v39 =	vadd.f32 v39, v40;
	v30 =	vmul.f32 v35, v30;
	v35 =	vld [tilespmem:s29+$0xC0]  }
0x87: {  	v17 =	vadd.f32 v17, v28;
	v28 =	vmul.f32 v33, v32;
	v20 =	vmul.f32 v20, v36  }
0x88: {  	v24 =	vadd.f32 v24, v34;
	v19 =	vmul.f32 v19, v22;
	v32 =	vmul.f32 v37, v42;
	v22 =	vld [tilespmem:s29+$0xD0]  }
0x89: {  	v18 =	vadd.f32 v28, v18;
	v23 =	vmul.f32 v38, v23;
	v28 =	vperm.xlane v16, v13;
	v33 =	vld [tilespmem:s29+$0xE0];
	s29 =	smov.u32 s0  }
0x8a: {  	v24 =	vadd.f32 v26, v24;
	v17 =	vadd.f32 v32, v17;
	v26 =	vmul.f32 v41, v31  }
0x8b: {  	v18 =	vadd.f32 v25, v18;
	v21 =	vmul.f32 v35, v21  }
0x8c: {  	v24 =	vadd.f32 v27, v24;
	v16 =	vperm.xlane v16, v14;
	v17 =	vadd.f32 v29, v17  }
0x8d: {  	v18 =	vadd.f32 v23, v18;
	v23 =	vadd.f32 v30, v39;
	v22 =	vmul.f32 v22, v28  }
0x8e: {  	v20 =	vadd.f32 v20, v24;
	v17 =	vadd.f32 v19, v17;
	v16 =	vmul.f32 v33, v16  }
0x8f: {  	v18 =	vadd.f32 v22, v18;
	v19 =	vadd.f32 v26, v23  }
0x90: {  	v20 =	vadd.f32 v21, v20;
	v16 =	vadd.f32 v16, v17;
	_ =	sdelay $0x1  }
0x91: {  	v17 =	vadd.f32 v18, v20;
	v16 =	vadd.f32 v19, v16;
	_ =	sdelay $0x1  }
0x92: {  	v16 =	vadd.f32 v16, v17;
	_ =	sdelay $0x1  }
0x93: {  	[tilespmem:s28+$0x11C00] =	vst v16  }
0x94: {  	v16 =	vld [tilespmem:s0+$0xFFFFFFF0]  }
0x95: {  	v21 =	vld [tilespmem:s30+$0xFFFFFFF0]  }
0x96: {  	v17 =	vld [tilespmem:s0+$0xFFFFFFD0]  }
0x97: {  	s28 =	sshra.s32 s3, $0x2;
	v19 =	vld [tilespmem:s0+$0xFFFFFFE0]  }
0x98: {  	v18 =	vld [tilespmem:s28+$0x1800]  }
0x99: {  	v20 =	vld [tilespmem:s0+$0xFFFFFF20]  }
0x9a: {  	v24 =	vperm.xlane v21, v0;
	v22 =	vld [tilespmem:s0+$0xFFFFFF90];
	v23 =	vperm.xlane v21, v10  }
0x9b: {  	v26 =	vperm.xlane v21, v13;
	v27 =	vperm.xlane v21, v15;
	v25 =	vld [tilespmem:s0+$0xFFFFFFA0]  }
0x9c: {  	v28 =	vperm.xlane v21, v2;
	v30 =	vperm.xlane v21, v14;
	v29 =	vld [tilespmem:s0+$0xFFFFFF30]  }
0x9d: {  	v27 =	vmul.f32 v16, v27;
	v31 =	vsub.f32 $0.0e+00, v18;
	v32 =	vld [tilespmem:s0+$0xFFFFFF10];
	v18 =	vmul.f32 v17, v26  }
0x9e: {  	v17 =	vmul.f32 v19, v30;
	v26 =	vmul.f32 v20, v28;
	v20 =	vld [tilespmem:s0+$0xFFFFFF70]  }
0x9f: {  	v16 =	vperm.xlane v21, v3;
	v30 =	vperm.xlane v21, v12;
	v19 =	vld [tilespmem:s0+$0xFFFFFF50]  }
0xa0: {  	v28 =	vperm.xlane v21, v1;
	v25 =	vmul.f32 v25, v23;
	v23 =	vld [tilespmem:s0+$0xFFFFFFB0]  }
0xa1: {  	v33 =	vperm.xlane v21, v7;
	v29 =	vmul.f32 v29, v16;
	v34 =	vld [tilespmem:s0+$0xFFFFFF80]  }
0xa2: {  	v28 =	vmul.f32 v32, v28;
	v32 =	vperm.xlane v21, v5;
	v35 =	vld [tilespmem:s0+$0xFFFFFF60]  }
0xa3: {  	v16 =	vld [tilespmem:s30+$0x0];
	v29 =	vadd.f32 $0.0e+00, v29;
	v20 =	vmul.f32 v20, v33;
	v33 =	vperm.xlane v21, v11  }
0xa4: {  	v36 =	vperm.xlane v21, v9;
	v28 =	vadd.f32 $0.0e+00, v28;
	v32 =	vmul.f32 v19, v32;
	v19 =	vld [tilespmem:s0+$0xA0]  }
0xa5: {  	v37 =	vperm.xlane v21, v6;
	v29 =	vadd.f32 v20, v29;
	v23 =	vmul.f32 v23, v33;
	v20 =	vld [tilespmem:s0+$0x80]  }
0xa6: {  	v38 =	vperm.xlane v21, v4;
	v22 =	vmul.f32 v22, v36;
	v33 =	vld [tilespmem:s0+$0xFFFFFF00];
	v28 =	vadd.f32 v32, v28  }
0xa7: {  	v32 =	vadd.f32 $0.0e+00, v26;
	v35 =	vmul.f32 v35, v37;
	v29 =	vadd.f32 v23, v29;
	v36 =	vld [tilespmem:s0+$0xFFFFFFC0]  }
0xa8: {  	v39 =	vperm.xlane v21, v8;
	v37 =	vld [tilespmem:s0+$0xFFFFFF40];
	v26 =	vadd.f32 v22, v28;
	v22 =	vperm.xlane v16, v10  }
0xa9: {  	v21 =	vperm.xlane v16, v12;
	v28 =	vadd.f32 v35, v32;
	v32 =	vperm.xlane v16, v5;
	v35 =	vld [tilespmem:s0+$0x50]  }
0xaa: {  	v42 =	vperm.xlane v16, v6;
	v23 =	vperm.xlane v16, v9;
	v40 =	vld [tilespmem:s0+$0x30]  }
0xab: {  	v41 =	vperm.xlane v16, v4;
	v33 =	vmul.f32 v33, v24;
	v28 =	vadd.f32 v25, v28;
	v43 =	vld [tilespmem:s0+$0x40]  }
0xac: {  	v34 =	vmul.f32 v34, v39;
	v24 =	vmul.f32 v36, v30;
	v39 =	vld [tilespmem:s0+$0x70]  }
0xad: {  	v25 =	vadd.f32 v33, v31;
	v31 =	vmul.f32 v37, v38;
	v33 =	vperm.xlane v16, v3;
	v38 =	vld [tilespmem:s0+$0x60]  }
.Ltmp0:
0xae: {  	v44 =	vperm.xlane v16, v7;
	v30 =	vperm.xlane v16, v11;
	v36 =	vld [tilespmem:s0+$0x0];
	(pc) =	sbr.rel @p0 .LBB2_3-.Ltmp0, $4  }
0xaf: {  	v31 =	vadd.f32 v31, v25;
	v40 =	vmul.f32 v40, v33;
	v25 =	vmul.f32 v35, v32;
	v35 =	vld [tilespmem:s0+$0xB0]  }
0xb0: {  	v29 =	vadd.f32 v27, v29;
	v32 =	vperm.xlane v16, v1;
	v33 =	vld [tilespmem:s0+$0x10];
	v27 =	vmul.f32 v43, v41  }
0xb1: {  	v41 =	vperm.xlane v16, v0;
	v34 =	vadd.f32 v34, v31;
	v37 =	vld [tilespmem:s0+$0x20];
	v39 =	vmul.f32 v39, v44  }
0xb2: {  	v40 =	vadd.f32 v40, v29;
	v31 =	vperm.xlane v16, v15;
	v29 =	vmul.f32 v38, v42;
	v38 =	vld [tilespmem:s0+$0x90]  }
0xb3: {  	v18 =	vadd.f32 v18, v26;
	v26 =	vmul.f32 v36, v41  }
0xb4: {  	v56 =	vld [tilespmem:s29+$0xF0];
	v57 =	vperm.xlane v16, v8;
	v42 =	vperm.xlane v16, v2;
	v17 =	vadd.f32 v17, v28  }
0xb5: {  	v58 =	vld [tilespmem:s29+$0xC0];
	v24 =	vadd.f32 v24, v34;
	v19 =	vmul.f32 v19, v22;
	v28 =	vmul.f32 v33, v32  }
0xb6: {  	v60 =	vld [tilespmem:s29+$0xD0];
	v39 =	vadd.f32 v39, v40;
	v30 =	vmul.f32 v35, v30;
	v59 =	vmul.f32 v37, v42  }
0xb7: {  	v24 =	vadd.f32 v26, v24;
	v18 =	vadd.f32 v28, v18;
	v22 =	vmul.f32 v38, v23;
	v23 =	vld [tilespmem:s29+$0xE0]  }
0xb8: {  	v20 =	vmul.f32 v20, v57;
	v28 =	vperm.xlane v16, v13;
	v17 =	vadd.f32 v59, v17  }
0xb9: {  	v24 =	vadd.f32 v27, v24;
	v16 =	vperm.xlane v16, v14;
	v18 =	vadd.f32 v25, v18  }
0xba: {  	v26 =	vmul.f32 v56, v31;
	v21 =	vmul.f32 v58, v21;
	v17 =	vadd.f32 v29, v17  }
0xbb: {  	v25 =	vmul.f32 v60, v28;
	v20 =	vadd.f32 v20, v24;
	v18 =	vadd.f32 v22, v18  }
0xbc: {  	v22 =	vadd.f32 v30, v39;
	v17 =	vadd.f32 v19, v17;
	v16 =	vmul.f32 v23, v16  }
0xbd: {  	v20 =	vadd.f32 v21, v20;
	v18 =	vadd.f32 v25, v18  }
0xbe: {  	v19 =	vadd.f32 v26, v22;
	v16 =	vadd.f32 v16, v17;
	_ =	sdelay $0x1  }
0xbf: {  	v17 =	vadd.f32 v18, v20;
	v16 =	vadd.f32 v19, v16;
	_ =	sdelay $0x1  }
0xc0: {  	v16 =	vadd.f32 v16, v17;
	_ =	sdelay $0x1  }
0xc1: {  	s0 =	sadd.s32 s7, s26;
	p0 =	seq.s32 s23, $0xF;
	[tilespmem:s28+$0x11C00] =	vst v16  }
0xc2: {  	[hbm4b:s0+s2] =	stream.linear.scatter [tilespmem:s21], [sflag:$0x3], $0x400, $0x38;
	[tilespmem:$0x12000] =	vst v63  }
0xc3: {  	s0 =	sadd.s32 @!p0 s11, s10  }
0xc4: {  	_ =	swait.ge [sflag:s12], $0x400;
	s0 =	sshll.u32 @!p0 s0, $0x2  }
0xc5: {  	[sflag:s12] =	ssyncset.done $0x0;
	s0 =	sand.u32 @!p0 $0x1FFFFE00, s0  }
0xc6: {  	s3 =	simm.s32 @!p0 $0x0;
	[sflag:s12] =	ssyncadd.s32 $0xFFFFFC00;
	s0 =	sadd.s32 @!p0 s4, s0  }
0xc7: {  	[tilespmem:s3], [sflag:$0x3] =	stream.linear.gather @!p0 [hbm4b:s0+s3], $0x800, $0x38;
	[tilespmem:$0x12000] =	vst v63  }
0xc8: {  	s0 =	simm.s32 @!p0 $0x3  }
0xc9: {  	_ =	swait.ge @!p0 [sflag:s0], $0x800  }
0xca: {  	[sflag:s0] =	ssyncset.done @!p0 $0x0  }
0xcb: {  	s11 =	simm.s32 @!p0 $0x1C00;
	[sflag:s0] =	ssyncadd.s32 @!p0 $0xFFFFF800;
	s0 =	simm.s32 @!p0 $0x80  }
0xcc: {  	[tilespmem:s11], [sflag:$0x1] =	stream.indirect.gather @!p0 [hbm4b:s6+s0], $0x10, s3, s0, $0xb8;
	[tilespmem:$0x12000] =	vst v63  }
0xcd: {  	s3 =	simm.s32 @!p0 $0x2400  }
0xce: {  	[tilespmem:s3], [sflag:$0x1] =	stream.indirect.gather @!p0 [hbm4b:s6+s0], $0x10, s0, s0, $0xb8;
	[tilespmem:$0x12000] =	vst v63  }
0xcf: {  	s11 =	simm.s32 @!p0 $0x2C00;
	s3 =	simm.s32 @!p0 $0x100  }
0xd0: {  	[tilespmem:s11], [sflag:$0x1] =	stream.indirect.gather @!p0 [hbm4b:s6+s0], $0x10, s3, s0, $0xb8;
	[tilespmem:$0x12000] =	vst v63  }
0xd1: {  	s3 =	simm.s32 @!p0 $0x180;
	s11 =	simm.s32 @!p0 $0x3400  }
0xd2: {  	[tilespmem:s11], [sflag:$0x1] =	stream.indirect.gather @!p0 [hbm4b:s6+s0], $0x10, s3, s0, $0xb8;
	[tilespmem:$0x12000] =	vst v63  }
0xd3: {  	s3 =	simm.s32 @!p0 $0x200;
	s11 =	simm.s32 @!p0 $0x3C00  }
0xd4: {  	[tilespmem:s11], [sflag:$0x1] =	stream.indirect.gather @!p0 [hbm4b:s6+s0], $0x10, s3, s0, $0xb8;
	[tilespmem:$0x12000] =	vst v63  }
0xd5: {  	s3 =	simm.s32 @!p0 $0x280;
	s11 =	simm.s32 @!p0 $0x4400  }
0xd6: {  	[tilespmem:s11], [sflag:$0x1] =	stream.indirect.gather @!p0 [hbm4b:s6+s0], $0x10, s3, s0, $0xb8;
	[tilespmem:$0x12000] =	vst v63  }
0xd7: {  	s3 =	simm.s32 @!p0 $0x300;
	s11 =	simm.s32 @!p0 $0x4C00  }
0xd8: {  	[tilespmem:s11], [sflag:$0x1] =	stream.indirect.gather @!p0 [hbm4b:s6+s0], $0x10, s3, s0, $0xb8;
	[tilespmem:$0x12000] =	vst v63  }
0xd9: {  	s3 =	simm.s32 @!p0 $0x380;
	s11 =	simm.s32 @!p0 $0x5400  }
0xda: {  	[tilespmem:s11], [sflag:$0x1] =	stream.indirect.gather @!p0 [hbm4b:s6+s0], $0x10, s3, s0, $0xb8;
	[tilespmem:$0x12000] =	vst v63  }
0xdb: {  	s3 =	simm.s32 @!p0 $0x400;
	s11 =	simm.s32 @!p0 $0x5C00  }
0xdc: {  	[tilespmem:s11], [sflag:$0x1] =	stream.indirect.gather @!p0 [hbm4b:s6+s0], $0x10, s3, s0, $0xb8;
	[tilespmem:$0x12000] =	vst v63  }
0xdd: {  	s3 =	simm.s32 @!p0 $0x480;
	s11 =	simm.s32 @!p0 $0x6400  }
0xde: {  	[tilespmem:s11], [sflag:$0x1] =	stream.indirect.gather @!p0 [hbm4b:s6+s0], $0x10, s3, s0, $0xb8;
	[tilespmem:$0x12000] =	vst v63  }
0xdf: {  	s3 =	simm.s32 @!p0 $0x500;
	s11 =	simm.s32 @!p0 $0x6C00  }
0xe0: {  	[tilespmem:s11], [sflag:$0x1] =	stream.indirect.gather @!p0 [hbm4b:s6+s0], $0x10, s3, s0, $0xb8;
	[tilespmem:$0x12000] =	vst v63  }
0xe1: {  	s3 =	simm.s32 @!p0 $0x580;
	s11 =	simm.s32 @!p0 $0x7400  }
0xe2: {  	[tilespmem:s11], [sflag:$0x1] =	stream.indirect.gather @!p0 [hbm4b:s6+s0], $0x10, s3, s0, $0xb8;
	[tilespmem:$0x12000] =	vst v63  }
0xe3: {  	s3 =	simm.s32 @!p0 $0x600;
	s11 =	simm.s32 @!p0 $0x7C00  }
0xe4: {  	[tilespmem:s11], [sflag:$0x1] =	stream.indirect.gather @!p0 [hbm4b:s6+s0], $0x10, s3, s0, $0xb8;
	[tilespmem:$0x12000] =	vst v63  }
0xe5: {  	s3 =	simm.s32 @!p0 $0x680;
	s11 =	simm.s32 @!p0 $0x8400  }
0xe6: {  	[tilespmem:s11], [sflag:$0x1] =	stream.indirect.gather @!p0 [hbm4b:s6+s0], $0x10, s3, s0, $0xb8;
	[tilespmem:$0x12000] =	vst v63  }
0xe7: {  	s3 =	simm.s32 @!p0 $0x700;
	s11 =	simm.s32 @!p0 $0x8C00  }
0xe8: {  	[tilespmem:s11], [sflag:$0x1] =	stream.indirect.gather @!p0 [hbm4b:s6+s0], $0x10, s3, s0, $0xb8;
	[tilespmem:$0x12000] =	vst v63  }
0xe9: {  	s3 =	simm.s32 @!p0 $0x780;
	s11 =	simm.s32 @!p0 $0x9400  }
0xea: {  	[tilespmem:s11], [sflag:$0x1] =	stream.indirect.gather @!p0 [hbm4b:s6+s0], $0x10, s3, s0, $0xb8;
	[tilespmem:$0x12000] =	vst v63  }
0xeb: {  	s29 =	sshll.u32 s9, $0x1;
	_ =	swait.ge [sflag:s22], $0x8000  }
0xec: {  	s9 =	sand.u32 $0x1FFFFF80, s29;
	[sflag:s22] =	ssyncset.done $0x0  }
0xed: {  	s30 =	simm.s32 $0x0;
	s0 =	sadd.s32 s1, s9;
	[sflag:s22] =	ssyncadd.s32 $0xFFFF8000  }
0xee: {  	[tilespmem:s19], [sflag:$0x3] =	stream.linear.gather [hbm4b:s0+s30], $0x400, $0x38;
	[tilespmem:$0x12000] =	vst v63  }
0xef: {  	_ =	swait.ge [sflag:s12], $0x400  }
0xf0: {  	[sflag:s12] =	ssyncset.done $0x0  }
0xf1: {  	s31 =	sadd.s32 s5, s24;
	[sflag:s12] =	ssyncadd.s32 $0xFFFFFC00  }
0xf2: {  	[tilespmem:s20], [sflag:$0x3] =	stream.linear.gather [hbm4b:s31+s30], $0x800, $0x38;
	[tilespmem:$0x12000] =	vst v63  }
0xf3: {  	_ =	swait.ge [sflag:s12], $0x800  }
0xf4: {  	[sflag:s12] =	ssyncset.done $0x0  }
0xf5: {  	s26 =	simm.s32 $0x1010;
	[sflag:s12] =	ssyncadd.s32 $0xFFFFF800  }
0xf6: {  	s24 =	simm.s32 $0x9D00;
	v21 =	vld [tilespmem:s26+$0xFFFFFFF0]  }
0xf7: {  	v16 =	vld [tilespmem:s24+$0xFFFFFFF0]  }
0xf8: {  	v17 =	vld [tilespmem:s24+$0xFFFFFFD0]  }
0xf9: {  	s11 =	simm.s32 $0x0;
	v19 =	vld [tilespmem:s24+$0xFFFFFFE0]  }
0xfa: {  	v20 =	vld [tilespmem:s11+$0x1800]  }
0xfb: {  	v22 =	vld [tilespmem:s24+$0xFFFFFF20];
	v24 =	vperm.xlane v21, v0  }
0xfc: {  	v23 =	vld [tilespmem:s24+$0xFFFFFF90];
	v25 =	vperm.xlane v21, v10;
	v18 =	vperm.xlane v21, v13  }
0xfd: {  	v26 =	vld [tilespmem:s24+$0xFFFFFFA0];
	v27 =	vperm.xlane v21, v15;
	v28 =	vperm.xlane v21, v2  }
0xfe: {  	v29 =	vld [tilespmem:s24+$0xFFFFFF30];
	v30 =	vperm.xlane v21, v14;
	v61 =	vperm.xlane v21, v1  }
0xff: {  	v31 =	vld [tilespmem:s24+$0xFFFFFF10];
	v46 =	vperm.xlane v21, v5;
	v49 =	vperm.xlane v21, v9  }
0x100: {  	v62 =	vld [tilespmem:s24+$0xFFFFFFB0];
	v50 =	vperm.xlane v21, v6;
	v52 =	vperm.xlane v21, v4  }
0x101: {  	v63 =	vld [tilespmem:s24+$0xFFFFFF80];
	v55 =	vperm.xlane v21, v8;
	v18 =	vmul.f32 v17, v18  }
0x102: {  	v47 =	vld [tilespmem:s24+$0xFFFFFF60];
	v27 =	vmul.f32 v16, v27;
	v28 =	vmul.f32 v22, v28  }
0x103: {  	v22 =	vld [tilespmem:s24+$0xFFFFFF70];
	v17 =	vmul.f32 v19, v30;
	v16 =	vperm.xlane v21, v3  }
0x104: {  	v54 =	vld [tilespmem:s24+$0xFFFFFF40];
	v30 =	vperm.xlane v21, v12;
	v25 =	vmul.f32 v26, v25  }
0x105: {  	v19 =	vld [tilespmem:s24+$0xFFFFFF50];
	v26 =	vperm.xlane v21, v7;
	v31 =	vmul.f32 v31, v61  }
0x106: {  	v37 =	vmul.f32 v23, v49;
	v29 =	vmul.f32 v29, v16;
	v16 =	vld [tilespmem:s26+$0x0]  }
0x107: {  	v51 =	vld [tilespmem:s24+$0xFFFFFF00];
	v36 =	vmul.f32 v47, v50;
	v34 =	vmul.f32 v63, v55  }
0x108: {  	v53 =	vld [tilespmem:s24+$0xFFFFFFC0];
	v48 =	vsub.f32 $0.0e+00, v20;
	v22 =	vmul.f32 v22, v26;
	v26 =	vperm.xlane v21, v11  }
0x109: {  	v57 =	vld [tilespmem:s24+$0x50];
	v60 =	vmul.f32 v54, v52;
	v31 =	vadd.f32 $0.0e+00, v31;
	v29 =	vadd.f32 $0.0e+00, v29  }
0x10a: {  	v43 =	vld [tilespmem:s24+$0x30];
	v28 =	vadd.f32 $0.0e+00, v28;
	v35 =	vmul.f32 v19, v46;
	v26 =	vmul.f32 v62, v26  }
0x10b: {  	v45 =	vld [tilespmem:s24+$0x40];
	v29 =	vadd.f32 v22, v29;
	v22 =	vperm.xlane v16, v10;
	v56 =	vperm.xlane v16, v5  }
0x10c: {  	v59 =	vld [tilespmem:s24+$0x70];
	v31 =	vadd.f32 v35, v31;
	v21 =	vperm.xlane v16, v12;
	v44 =	vperm.xlane v16, v6  }
0x10d: {  	v33 =	vld [tilespmem:s24+$0x10];
	v28 =	vadd.f32 v36, v28;
	v23 =	vperm.xlane v16, v9;
	v58 =	vperm.xlane v16, v4  }
0x10e: {  	v20 =	vld [tilespmem:s24+$0x80];
	v29 =	vadd.f32 v26, v29;
	v26 =	vadd.f32 v37, v31;
	v31 =	vmul.f32 v51, v24  }
0x10f: {  	v46 =	vld [tilespmem:s24+$0x60];
	v28 =	vadd.f32 v25, v28;
	v61 =	vperm.xlane v16, v3;
	v62 =	vperm.xlane v16, v7  }
0x110: {  	v36 =	vld [tilespmem:s24+$0x0];
	v32 =	vperm.xlane v16, v1;
	v41 =	vperm.xlane v16, v0;
	v31 =	vadd.f32 v31, v48  }
0x111: {  	v35 =	vld [tilespmem:s24+$0xB0];
	v24 =	vmul.f32 v53, v30;
	v63 =	vmul.f32 v43, v61;
	v29 =	vadd.f32 v27, v29  }
0x112: {  	v19 =	vld [tilespmem:s24+$0xA0];
	v30 =	vperm.xlane v16, v11;
	v25 =	vmul.f32 v57, v56;
	v31 =	vadd.f32 v60, v31  }
0x113: {  	v37 =	vld [tilespmem:s24+$0x20];
	v39 =	vmul.f32 v59, v62;
	v27 =	vmul.f32 v45, v58;
	v40 =	vadd.f32 v63, v29  }
0x114: {  	s28 =	simm.s32 $0x40;
	s0 =	simm.s32 $0x9D00;
	v38 =	vld [tilespmem:s24+$0x90];
	v29 =	vmul.f32 v46, v44;
	v34 =	vadd.f32 v34, v31;
	v31 =	vperm.xlane v16, v15  }
.LBB2_5:
0x115: {  	p0 =	sne.s32 s28, $0xFC0;
	v18 =	vadd.f32 v18, v26;
	v26 =	vmul.f32 v36, v41;
	v36 =	vperm.xlane v16, v8;
	v41 =	vld [tilespmem:s24+$0xF0];
	s26 =	sadd.s32 $0x20, s26;
	s0 =	sadd.s32 $0x200, s0  }
0x116: {  	v42 =	vperm.xlane v16, v2;
	s3 =	smov.u32 s28;
	s28 =	sadd.s32 $0x40, s28;
	v39 =	vadd.f32 v39, v40;
	v30 =	vmul.f32 v35, v30;
	v35 =	vld [tilespmem:s24+$0xC0]  }
0x117: {  	v17 =	vadd.f32 v17, v28;
	v28 =	vmul.f32 v33, v32;
	v20 =	vmul.f32 v20, v36  }
0x118: {  	v24 =	vadd.f32 v24, v34;
	v19 =	vmul.f32 v19, v22;
	v32 =	vmul.f32 v37, v42;
	v22 =	vld [tilespmem:s24+$0xD0]  }
0x119: {  	v18 =	vadd.f32 v28, v18;
	v23 =	vmul.f32 v38, v23;
	v28 =	vperm.xlane v16, v13;
	v33 =	vld [tilespmem:s24+$0xE0];
	s24 =	smov.u32 s0  }
0x11a: {  	v24 =	vadd.f32 v26, v24;
	v17 =	vadd.f32 v32, v17;
	v26 =	vmul.f32 v41, v31  }
0x11b: {  	v18 =	vadd.f32 v25, v18;
	v21 =	vmul.f32 v35, v21  }
0x11c: {  	v24 =	vadd.f32 v27, v24;
	v16 =	vperm.xlane v16, v14;
	v17 =	vadd.f32 v29, v17  }
0x11d: {  	v18 =	vadd.f32 v23, v18;
	v23 =	vadd.f32 v30, v39;
	v22 =	vmul.f32 v22, v28  }
0x11e: {  	v20 =	vadd.f32 v20, v24;
	v17 =	vadd.f32 v19, v17;
	v16 =	vmul.f32 v33, v16  }
0x11f: {  	v18 =	vadd.f32 v22, v18;
	v19 =	vadd.f32 v26, v23  }
0x120: {  	v20 =	vadd.f32 v21, v20;
	v16 =	vadd.f32 v16, v17;
	_ =	sdelay $0x1  }
0x121: {  	v17 =	vadd.f32 v18, v20;
	v16 =	vadd.f32 v19, v16;
	_ =	sdelay $0x1  }
0x122: {  	v16 =	vadd.f32 v16, v17;
	_ =	sdelay $0x1  }
0x123: {  	[tilespmem:s11+$0x11C00] =	vst v16  }
0x124: {  	v16 =	vld [tilespmem:s0+$0xFFFFFFF0]  }
0x125: {  	v21 =	vld [tilespmem:s26+$0xFFFFFFF0]  }
0x126: {  	v17 =	vld [tilespmem:s0+$0xFFFFFFD0]  }
0x127: {  	s11 =	sshra.s32 s3, $0x2;
	v19 =	vld [tilespmem:s0+$0xFFFFFFE0]  }
0x128: {  	v18 =	vld [tilespmem:s11+$0x1800]  }
0x129: {  	v20 =	vld [tilespmem:s0+$0xFFFFFF20]  }
0x12a: {  	v24 =	vperm.xlane v21, v0;
	v22 =	vld [tilespmem:s0+$0xFFFFFF90];
	v23 =	vperm.xlane v21, v10  }
0x12b: {  	v26 =	vperm.xlane v21, v13;
	v27 =	vperm.xlane v21, v15;
	v25 =	vld [tilespmem:s0+$0xFFFFFFA0]  }
0x12c: {  	v28 =	vperm.xlane v21, v2;
	v30 =	vperm.xlane v21, v14;
	v29 =	vld [tilespmem:s0+$0xFFFFFF30]  }
0x12d: {  	v27 =	vmul.f32 v16, v27;
	v31 =	vsub.f32 $0.0e+00, v18;
	v32 =	vld [tilespmem:s0+$0xFFFFFF10];
	v18 =	vmul.f32 v17, v26  }
0x12e: {  	v17 =	vmul.f32 v19, v30;
	v26 =	vmul.f32 v20, v28;
	v20 =	vld [tilespmem:s0+$0xFFFFFF70]  }
0x12f: {  	v16 =	vperm.xlane v21, v3;
	v30 =	vperm.xlane v21, v12;
	v19 =	vld [tilespmem:s0+$0xFFFFFF50]  }
0x130: {  	v28 =	vperm.xlane v21, v1;
	v25 =	vmul.f32 v25, v23;
	v23 =	vld [tilespmem:s0+$0xFFFFFFB0]  }
0x131: {  	v33 =	vperm.xlane v21, v7;
	v29 =	vmul.f32 v29, v16;
	v34 =	vld [tilespmem:s0+$0xFFFFFF80]  }
0x132: {  	v28 =	vmul.f32 v32, v28;
	v32 =	vperm.xlane v21, v5;
	v35 =	vld [tilespmem:s0+$0xFFFFFF60]  }
0x133: {  	v16 =	vld [tilespmem:s26+$0x0];
	v29 =	vadd.f32 $0.0e+00, v29;
	v20 =	vmul.f32 v20, v33;
	v33 =	vperm.xlane v21, v11  }
0x134: {  	v36 =	vperm.xlane v21, v9;
	v28 =	vadd.f32 $0.0e+00, v28;
	v32 =	vmul.f32 v19, v32;
	v19 =	vld [tilespmem:s0+$0xA0]  }
0x135: {  	v37 =	vperm.xlane v21, v6;
	v29 =	vadd.f32 v20, v29;
	v23 =	vmul.f32 v23, v33;
	v20 =	vld [tilespmem:s0+$0x80]  }
0x136: {  	v38 =	vperm.xlane v21, v4;
	v22 =	vmul.f32 v22, v36;
	v33 =	vld [tilespmem:s0+$0xFFFFFF00];
	v28 =	vadd.f32 v32, v28  }
0x137: {  	v32 =	vadd.f32 $0.0e+00, v26;
	v35 =	vmul.f32 v35, v37;
	v29 =	vadd.f32 v23, v29;
	v36 =	vld [tilespmem:s0+$0xFFFFFFC0]  }
0x138: {  	v39 =	vperm.xlane v21, v8;
	v37 =	vld [tilespmem:s0+$0xFFFFFF40];
	v26 =	vadd.f32 v22, v28;
	v22 =	vperm.xlane v16, v10  }
0x139: {  	v21 =	vperm.xlane v16, v12;
	v28 =	vadd.f32 v35, v32;
	v32 =	vperm.xlane v16, v5;
	v35 =	vld [tilespmem:s0+$0x50]  }
0x13a: {  	v42 =	vperm.xlane v16, v6;
	v23 =	vperm.xlane v16, v9;
	v40 =	vld [tilespmem:s0+$0x30]  }
0x13b: {  	v41 =	vperm.xlane v16, v4;
	v33 =	vmul.f32 v33, v24;
	v28 =	vadd.f32 v25, v28;
	v43 =	vld [tilespmem:s0+$0x40]  }
0x13c: {  	v34 =	vmul.f32 v34, v39;
	v24 =	vmul.f32 v36, v30;
	v39 =	vld [tilespmem:s0+$0x70]  }
0x13d: {  	v25 =	vadd.f32 v33, v31;
	v31 =	vmul.f32 v37, v38;
	v33 =	vperm.xlane v16, v3;
	v38 =	vld [tilespmem:s0+$0x60]  }
.Ltmp1:
0x13e: {  	v44 =	vperm.xlane v16, v7;
	v30 =	vperm.xlane v16, v11;
	v36 =	vld [tilespmem:s0+$0x0];
	(pc) =	sbr.rel @p0 .LBB2_5-.Ltmp1, $4  }
0x13f: {  	v31 =	vadd.f32 v31, v25;
	v40 =	vmul.f32 v40, v33;
	v25 =	vmul.f32 v35, v32;
	v35 =	vld [tilespmem:s0+$0xB0]  }
0x140: {  	v29 =	vadd.f32 v27, v29;
	v32 =	vperm.xlane v16, v1;
	v33 =	vld [tilespmem:s0+$0x10];
	v27 =	vmul.f32 v43, v41  }
0x141: {  	v41 =	vperm.xlane v16, v0;
	v34 =	vadd.f32 v34, v31;
	v37 =	vld [tilespmem:s0+$0x20];
	v39 =	vmul.f32 v39, v44  }
0x142: {  	v40 =	vadd.f32 v40, v29;
	v31 =	vperm.xlane v16, v15;
	v29 =	vmul.f32 v38, v42;
	v38 =	vld [tilespmem:s0+$0x90]  }
0x143: {  	v50 =	vmul.f32 v36, v41;
	v52 =	vperm.xlane v16, v8  }
0x144: {  	v18 =	vadd.f32 v18, v26;
	v51 =	vld [tilespmem:s24+$0xF0];
	v42 =	vperm.xlane v16, v2;
	v19 =	vmul.f32 v19, v22  }
0x145: {  	v53 =	vld [tilespmem:s24+$0xC0];
	v24 =	vadd.f32 v24, v34;
	v59 =	vperm.xlane v16, v13;
	v16 =	vperm.xlane v16, v14  }
0x146: {  	v17 =	vadd.f32 v17, v28;
	v56 =	vld [tilespmem:s24+$0xD0];
	v54 =	vmul.f32 v33, v32;
	v55 =	vmul.f32 v37, v42  }
0x147: {  	v58 =	vld [tilespmem:s24+$0xE0];
	v39 =	vadd.f32 v39, v40;
	v30 =	vmul.f32 v35, v30;
	v24 =	vadd.f32 v50, v24  }
0x148: {  	v20 =	vmul.f32 v20, v52;
	v18 =	vadd.f32 v54, v18;
	v17 =	vadd.f32 v55, v17  }
0x149: {  	v61 =	vadd.f32 v30, v39;
	v57 =	vmul.f32 v38, v23;
	v24 =	vadd.f32 v27, v24  }
0x14a: {  	v60 =	vmul.f32 v51, v31;
	v18 =	vadd.f32 v25, v18;
	v17 =	vadd.f32 v29, v17  }
0x14b: {  	v21 =	vmul.f32 v53, v21;
	v62 =	vmul.f32 v56, v59;
	v20 =	vadd.f32 v20, v24  }
0x14c: {  	v16 =	vmul.f32 v58, v16;
	v18 =	vadd.f32 v57, v18;
	v17 =	vadd.f32 v19, v17  }
0x14d: {  	v63 =	vadd.f32 v60, v61;
	v20 =	vadd.f32 v21, v20  }
0x14e: {  	v18 =	vadd.f32 v62, v18;
	v16 =	vadd.f32 v16, v17;
	_ =	sdelay $0x1  }
0x14f: {  	v17 =	vadd.f32 v18, v20;
	v16 =	vadd.f32 v63, v16;
	_ =	sdelay $0x1  }
0x150: {  	s23 =	sadd.s32 $0x1, s23;
	v16 =	vadd.f32 v16, v17  }
0x151: {  	p0 =	sne.s32 s23, $0x10  }
.Ltmp2:
0x152: {  	s0 =	sadd.s32 s7, s9;
	[tilespmem:s11+$0x11C00] =	vst v16;
	(pc) =	sbr.rel @p0 .LBB2_2-.Ltmp2, $4  }
0x153: {  	[hbm4b:s0+s2] =	stream.linear.scatter [tilespmem:s21], [sflag:$0x3], $0x400, $0x38;
	[tilespmem:$0x12000] =	vst v63  }
0x154: {  	_ =	swait.ge [sflag:s12], $0x400  }
0x155: {  	[sflag:s12] =	ssyncset.done $0x0  }
0x156: {  	[sflag:s12] =	ssyncadd.s32 $0xFFFFFC00  }
0x157: {  	s3 =	rddreg [dreg:$0x5]  }
0x158: {  	s0 =	rddreg [dreg:$0x4];
	s3 =	sadd.s32 $0x1, s3  }
0x159: {  	p0 =	sne.s32 s3, s0  }
.Ltmp3:
0x15a: {  	_ = 	snop;
	(pc) =	sbr.rel @p0 .LBB2_1-.Ltmp3, $1  }
0x15b: {  	_ =	sdelay $0x3  }
0x15c: {  	_ =	sfence.sel $0x180000  }
0x15d: {  	[bflag:$0x0] =	sbarrier.arrive $0xFFFF  }
0x15e: {  	_ =	strace $0x9000004A  }
0x15f: {  	s0 =	stileid.u32;
	[bflag:$0x2] =	sbarrier.arrive $0xFFFF  }
0x160: {  	p0 =	sne.s32 s0, $0x0;
	s0 =	rddreg [dreg:$0x2]  }
0x161: {  	s0 =	sadd.s32 @!p0 $0x100000, s0  }
0x162: {  	[sflag:s0] =	ssyncadd.tile.s32 @!p0 $0x1;
	_ =	shalt  }
.Lfunc_end2:
_tile_overlayer_lowered:
.L_overlay_start_2:
0x163: {  	(tag) =	ssettag $0x2  }
0x164: {  	s0 =	rddreg [dreg:$0x0];
	s2 =	stileid.u32  }
0x165: {  	s1 =	rddreg [dreg:$0x1];
	p0 =	sne.s32 s2, $0x0  }
0x166: {  	s3 =	rddreg [dreg:$0x2];
	[bflag:$0x3] =	sbarrier.arrive $0xFFFF;
	s2 =	simm.s32 @!p0 $0x1C03  }
0x167: {  	[timem:s3], [sflag:s2] =	dma.local @!p0 [hbm:s0], s1  }
0x168: {  	s0 =	simm.s32 @!p0 $0x3  }
0x169: {  	_ =	swait.ge @!p0 [sflag:s0], s1  }
0x16a: {  	s1 =	ssub.s32 @!p0 $0x0, s1;
	[sflag:s0] =	ssyncset.done @!p0 $0x0  }
0x16b: {  	[sflag:s0] =	ssyncadd.s32 @!p0 s1  }
0x16c: {  	[bflag:$0x3] =	sbarrier.arrive $0xFFFF  }
0x16d: {  	_ =	shalt  }

</sc_bundles>
